<compile_context>
chip_gen: v7x
topology: tpu7x:2x2x1
jax: 0.10.2.dev20260603
libtpu: 0.0.44.dev20260713+nightly
codegen_flags: <defaults>
</compile_context>

<pallas_src>
import functools

import jax
import jax.numpy as jnp
from jax import lax
from jax.experimental import pallas as pl
from jax.experimental.pallas import tpu as pltpu
from jax.experimental.pallas import tpu_sc as plsc

NUM_TYPES = 1000
SEQ_LEN = 3276800
NC = 2
NS = 16
NW = NC * NS
CHUNK = SEQ_LEN // NW
BLK = 10240
NBLK = CHUNK // BLK
ZSLOT = NUM_TYPES * NUM_TYPES

_DNUMS = lax.GatherDimensionNumbers(
    offset_dims=(), collapsed_slice_dims=(0,), start_index_map=(0,))


def _perm(v, idx):
    return lax.gather(v, idx[:, None], _DNUMS, (1,),
                      mode=lax.GatherScatterMode.PROMISE_IN_BOUNDS)


def _body(seq_h, w_h, pad_h, out_h,
          w_sh, buf0, buf1, idx0, idx1, val0, val1, padv,
          seq_sem, gat_sem, w_sem):
    c = lax.axis_index("c")
    s = lax.axis_index("s")
    wid = s * NC + c
    base = wid * CHUNK
    bufs, idxs, vals = (buf0, buf1), (idx0, idx1), (val0, val1)
    islast = wid == NW - 1

    @pl.when(s == 0)
    def _():
        pltpu.make_async_copy(w_h, w_sh, w_sem).start()

    pltpu.sync_copy(pad_h, padv)
    pad = padv[...]

    def issue_seq(j):
        b = bufs[j % 2]
        o = base + j * BLK
        if j < NBLK - 1:
            pltpu.make_async_copy(seq_h.at[pl.ds(o, BLK + 16)], b,
                                  seq_sem).start()
        else:
            @pl.when(islast)
            def _():
                pltpu.make_async_copy(seq_h.at[pl.ds(o, BLK)],
                                      b.at[pl.ds(0, BLK)], seq_sem).start()

            @pl.when(jnp.logical_not(islast))
            def _():
                pltpu.make_async_copy(seq_h.at[pl.ds(o, BLK + 16)], b,
                                      seq_sem).start()

    def wait_seq(j):
        b = bufs[j % 2]
        o = base + j * BLK
        if j < NBLK - 1:
            pltpu.make_async_copy(seq_h.at[pl.ds(o, BLK + 16)], b,
                                  seq_sem).wait()
        else:
            @pl.when(islast)
            def _():
                pltpu.make_async_copy(seq_h.at[pl.ds(o, BLK)],
                                      b.at[pl.ds(0, BLK)], seq_sem).wait()
                b[pl.ds(BLK, 16)] = pad

            @pl.when(jnp.logical_not(islast))
            def _():
                pltpu.make_async_copy(seq_h.at[pl.ds(o, BLK + 16)], b,
                                      seq_sem).wait()

    def gather(j):
        return pltpu.make_async_copy(w_sh.at[idxs[j % 2]], vals[j % 2],
                                     gat_sem)

    def merged(j, acc, accumulate):
        b, ij = bufs[j % 2], idxs[j % 2]
        vprev = vals[j % 2]

        lanes = lax.iota(jnp.int32, 16)
        rot = (lanes + 1) & 15
        zero16 = lanes * 0
        lane15 = lanes == 15

        @plsc.parallel_loop(0, BLK, step=128, unroll=2, carry=acc)
        def out(i, a3):
            a = [b[pl.ds(i + 16 * k, 16)] for k in range(9)]
            for k in range(8):
                nxt = jnp.where(lane15, _perm(a[k + 1], zero16),
                                _perm(a[k], rot))
                ij[pl.ds(i + 16 * k, 16)] = a[k] * NUM_TYPES + nxt
                if accumulate:
                    a3 = a3 + vprev[pl.ds(i + 16 * k, 16)]
            return a3

        return out

    def accum_tail2(acc):
        @plsc.parallel_loop(0, BLK, step=16, unroll=16, carry=acc)
        def acc(i, a3):
            return a3 + val0[pl.ds(i, 16)] + val1[pl.ds(i, 16)]

        return acc

    issue_seq(0)
    acc = jnp.zeros((16,), jnp.float32)
    for j in range(NBLK):
        wait_seq(j)
        if j + 1 < NBLK:
            issue_seq(j + 1)
        acc = merged(j, acc, accumulate=(j >= 2))
        if j == 0:
            @pl.when(s == 0)
            def _():
                pltpu.make_async_copy(w_h, w_sh, w_sem).wait()

            plsc.subcore_barrier()
        if j >= 1:
            gather(j - 1).wait()
        gather(j).start()
    gather(NBLK - 1).wait()
    acc = accum_tail2(acc)

    val0[pl.ds(0, 16)] = acc
    pltpu.sync_copy(val0.at[pl.ds(0, 16)], out_h.at[pl.ds(wid * 16, 16)])


@functools.partial(
    pl.kernel,
    out_type=jax.ShapeDtypeStruct((NW * 16,), jnp.float32),
    mesh=plsc.VectorSubcoreMesh(core_axis_name="c", subcore_axis_name="s"),
    scratch_types=[
        pltpu.VMEM_SHARED((ZSLOT,), jnp.float32),
        pltpu.VMEM((BLK + 16,), jnp.int32),
        pltpu.VMEM((BLK + 16,), jnp.int32),
        pltpu.VMEM((BLK,), jnp.int32),
        pltpu.VMEM((BLK,), jnp.int32),
        pltpu.VMEM((BLK,), jnp.float32),
        pltpu.VMEM((BLK,), jnp.float32),
        pltpu.VMEM((16,), jnp.int32),
        pltpu.SemaphoreType.DMA,
        pltpu.SemaphoreType.DMA,
        pltpu.SemaphoreType.DMA,
    ],
)
def _partials(seq_h, w_h, pad_h, out_h, *rest):
    _body(seq_h, w_h, pad_h, out_h, *rest)


def kernel(sequence, padding_idx, W):
    ar = jnp.arange(NUM_TYPES)
    dead = (ar[:, None] == padding_idx) | (ar[None, :] == padding_idx)
    wz = jnp.where(dead, jnp.float32(0), W).reshape(-1)
    padv = jnp.full((16,), padding_idx, dtype=jnp.int32)
    parts = _partials(sequence, wz, padv)
    return -jnp.sum(parts)

# --- scband reference (transcript-rebuilt; emitter-appended) ---
"""Pipeline reference for scband-transition-energy-model-30528627540175 (READ-ONLY COPY).

The authoritative reference and input builder live on the scoring server;
editing this copy changes nothing except your own understanding.
"""

import jax, jax.numpy as jnp
import numpy as np

NUM_TYPES = 1000
SEQ_LEN = 3276800

def setup_inputs(seed: int = 0) -> dict:
    key = jax.random.key(seed)
    k1, k2 = jax.random.split(key)
    sequence = jax.random.randint(k1, (SEQ_LEN,), 0, NUM_TYPES, dtype=jnp.int32)
    # xavier_uniform for W: bound = sqrt(6 / (fan_in + fan_out)) = sqrt(6 / (num_types + num_types))
    bound = float(np.sqrt(6.0 / (NUM_TYPES + NUM_TYPES)))
    W = jax.random.uniform(k2, (NUM_TYPES, NUM_TYPES), minval=-bound, maxval=bound, dtype=jnp.float32)
    return {"sequence": sequence, "padding_idx": 0, "W": W}

def reference(sequence, padding_idx, W):
    if sequence.shape[0] < 2:
        return jnp.asarray(0.0, dtype=jnp.float32)
    idx_current = sequence[:-1]
    idx_next = sequence[1:]
    mask = (idx_current != padding_idx) & (idx_next != padding_idx)
    # gather pairwise transition energies from W; masked entries contribute 0
    vals = W[idx_current, idx_next]
    score = jnp.sum(jnp.where(mask, vals, jnp.zeros_like(vals)))
    energy = -score
    return energy

if __name__ == "__main__":
    import jax
    _d = setup_inputs()
    print(jax.jit(kernel)(*tuple(_d.values())))

</pallas_src>

<mosaic_0001>
#map = affine_map<(d0, d1) -> (0)>
module attributes {stable_mosaic.version = 14 : i64} {
  func.func @_partials(%arg0: i32, %arg1: i32, %arg2: memref<3276800xi32, #tpu.memory_space<hbm>>, %arg3: memref<1000000xf32, #tpu.memory_space<hbm>>, %arg4: memref<16xi32, #tpu.memory_space<hbm>>, %arg5: memref<512xf32, #tpu.memory_space<hbm>>, %arg6: memref<1000000xf32, #tpu.memory_space<vmem_shared>>, %arg7: memref<10256xi32, #tpu.memory_space<vmem>>, %arg8: memref<10256xi32, #tpu.memory_space<vmem>>, %arg9: memref<10240xi32, #tpu.memory_space<vmem>>, %arg10: memref<10240xi32, #tpu.memory_space<vmem>>, %arg11: memref<10240xf32, #tpu.memory_space<vmem>>, %arg12: memref<10240xf32, #tpu.memory_space<vmem>>, %arg13: memref<16xi32, #tpu.memory_space<vmem>>, %arg14: memref<!tpu.dma_semaphore, #tpu.memory_space<semaphore_mem>>, %arg15: memref<!tpu.dma_semaphore, #tpu.memory_space<semaphore_mem>>, %arg16: memref<!tpu.dma_semaphore, #tpu.memory_space<semaphore_mem>>) attributes {dimension_semantics = [#tpu.dimension_semantics<core_parallel>, #tpu.dimension_semantics<subcore_parallel>], iteration_bounds = array<i64: 2, 16>, scalar_prefetch = 0 : i64, scratch_operands = 11 : i64, tpu.core_type = #tpu.core_type<sc_vector_subcore>, window_params = [{transform_indices = #map}, {transform_indices = #map}, {transform_indices = #map}, {transform_indices = #map}]} {
    %mul3A = arith.constant 2 : i32
    %mul3A_0 = arith.muli %arg1, %mul3A : i32
    %add3A = arith.addi %mul3A_0, %arg0 : i32
    %mul3A_1 = arith.constant 102400 : i32
    %mul3A_2 = arith.muli %add3A, %mul3A_1 : i32
    %eq3A = arith.constant 31 : i32
    %eq3A_3 = arith.cmpi eq, %add3A, %eq3A : i32
    %eq3A_4 = arith.constant 0 : i32
    %eq3A_5 = arith.cmpi eq, %arg1, %eq3A_4 : i32
    %convert_element_type3A = arith.extui %eq3A_5 : i1 to i32
    %cond3A = arith.constant 0 : i32
    %cond3A_6 = arith.cmpi ne, %convert_element_type3A, %cond3A : i32
    scf.if %cond3A_6 {
      tpu.enqueue_dma source(%arg3 : memref<1000000xf32, #tpu.memory_space<hbm>>) target(%arg6 : memref<1000000xf32, #tpu.memory_space<vmem_shared>>) target_semaphore(%arg16 : memref<!tpu.dma_semaphore, #tpu.memory_space<semaphore_mem>>)
    } else {
    }
    "tpu.region"() ({
      %run_scoped3A = tpu.sem_alloc : memref<!tpu.dma_semaphore, #tpu.memory_space<semaphore_mem>>
      tpu.enqueue_dma source(%arg4 : memref<16xi32, #tpu.memory_space<hbm>>) target(%arg13 : memref<16xi32, #tpu.memory_space<vmem>>) target_semaphore(%run_scoped3A : memref<!tpu.dma_semaphore, #tpu.memory_space<semaphore_mem>>)
      tpu.wait_dma2 semaphore(%run_scoped3A : memref<!tpu.dma_semaphore, #tpu.memory_space<semaphore_mem>>) src(%arg4 : memref<16xi32, #tpu.memory_space<hbm>>) dst(%arg13 : memref<16xi32, #tpu.memory_space<vmem>>)
      tpu.yield
    }) : () -> ()
    %get3A = arith.constant 0 : index
    %get3A_7 = tpu.vector_load %arg13[%get3A] {strides = array<i32>} : memref<16xi32, #tpu.memory_space<vmem>>, vector<16xi32>,
    %get3A_8 = vector.shape_cast %get3A_7 : vector<16xi32> to vector<16xi32>
    %add3A_9 = arith.constant 0 : i32
    %add3A_10 = arith.addi %mul3A_2, %add3A_9 : i32
    %dma_start3A = tpu.memref_slice %arg2[%add3A_10] : memref<3276800xi32, #tpu.memory_space<hbm>> -> memref<10256xi32, #tpu.memory_space<hbm>>
    %dma_start3A_11 = tpu.memref_slice %arg2[%add3A_10] : memref<3276800xi32, #tpu.memory_space<hbm>> -> memref<10256xi32, #tpu.memory_space<hbm>>
    tpu.enqueue_dma source(%dma_start3A_11 : memref<10256xi32, #tpu.memory_space<hbm>>) target(%arg7 : memref<10256xi32, #tpu.memory_space<vmem>>) target_semaphore(%arg14 : memref<!tpu.dma_semaphore, #tpu.memory_space<semaphore_mem>>)
    %broadcast_in_dim3A = arith.constant 0.000000e+00 : f32
    %broadcast_in_dim3A_12 = vector.broadcast %broadcast_in_dim3A : f32 to vector<16xf32>
    %add3A_13 = arith.constant 0 : i32
    %add3A_14 = arith.addi %mul3A_2, %add3A_13 : i32
    %dma_wait3A = tpu.memref_slice %arg2[%add3A_14] : memref<3276800xi32, #tpu.memory_space<hbm>> -> memref<10256xi32, #tpu.memory_space<hbm>>
    %dma_wait3A_15 = tpu.memref_slice %arg2[%add3A_14] : memref<3276800xi32, #tpu.memory_space<hbm>> -> memref<10256xi32, #tpu.memory_space<hbm>>
    tpu.wait_dma2 semaphore(%arg14 : memref<!tpu.dma_semaphore, #tpu.memory_space<semaphore_mem>>) src(%dma_wait3A_15 : memref<10256xi32, #tpu.memory_space<hbm>>) dst(%arg7 : memref<10256xi32, #tpu.memory_space<vmem>>)
    %add3A_16 = arith.constant 10240 : i32
    %add3A_17 = arith.addi %mul3A_2, %add3A_16 : i32
    %dma_start3A_18 = tpu.memref_slice %arg2[%add3A_17] : memref<3276800xi32, #tpu.memory_space<hbm>> -> memref<10256xi32, #tpu.memory_space<hbm>>
    %dma_start3A_19 = tpu.memref_slice %arg2[%add3A_17] : memref<3276800xi32, #tpu.memory_space<hbm>> -> memref<10256xi32, #tpu.memory_space<hbm>>
    tpu.enqueue_dma source(%dma_start3A_19 : memref<10256xi32, #tpu.memory_space<hbm>>) target(%arg8 : memref<10256xi32, #tpu.memory_space<vmem>>) target_semaphore(%arg14 : memref<!tpu.dma_semaphore, #tpu.memory_space<semaphore_mem>>)
    %iota3A = tpu.iota {dimensions = array<i32: 0>} : vector<16xi32>
    %add3A_20 = arith.constant 1 : i32
    %add3A_21 = vector.broadcast %add3A_20 : i32 to vector<16xi32>
    %add3A_22 = arith.addi %iota3A, %add3A_21 : vector<16xi32>
    %and3A = arith.constant 15 : i32
    %and3A_23 = vector.broadcast %and3A : i32 to vector<16xi32>
    %and3A_24 = arith.andi %add3A_22, %and3A_23 : vector<16xi32>
    %mul3A_25 = arith.constant 0 : i32
    %mul3A_26 = vector.broadcast %mul3A_25 : i32 to vector<16xi32>
    %mul3A_27 = arith.muli %iota3A, %mul3A_26 : vector<16xi32>
    %eq3A_28 = arith.constant 15 : i32
    %eq3A_29 = vector.broadcast %eq3A_28 : i32 to vector<16xi32>
    %eq3A_30 = arith.cmpi eq, %iota3A, %eq3A_29 : vector<16xi32>
    %parallel_loop3A = arith.constant 0 : i32
    %parallel_loop3A_31 = arith.constant 10240 : i32
    %parallel_loop3A_32 = arith.constant 128 : i32
    %parallel_loop3A_33 = scf.for %parallel_loop3A_320 = %parallel_loop3A to %parallel_loop3A_31 step %parallel_loop3A_32 iter_args(%parallel_loop3A_321 = %broadcast_in_dim3A_12) -> (vector<16xf32>)  : i32 {
      %parallel_loop3A_322 = arith.constant 0 : i32
      %parallel_loop3A_323 = arith.addi %parallel_loop3A_320, %parallel_loop3A_322 : i32
      %parallel_loop3A_324 = arith.index_cast %parallel_loop3A_323 : i32 to index
      %parallel_loop3A_325 = tpu.vector_load %arg7[%parallel_loop3A_324] {strides = array<i32>} : memref<10256xi32, #tpu.memory_space<vmem>>, vector<16xi32>,
      %parallel_loop3A_326 = vector.shape_cast %parallel_loop3A_325 : vector<16xi32> to vector<16xi32>
      %parallel_loop3A_327 = arith.constant 16 : i32
      %parallel_loop3A_328 = arith.addi %parallel_loop3A_320, %parallel_loop3A_327 : i32
      %parallel_loop3A_329 = arith.index_cast %parallel_loop3A_328 : i32 to index
      %parallel_loop3A_330 = tpu.vector_load %arg7[%parallel_loop3A_329] {strides = array<i32>} : memref<10256xi32, #tpu.memory_space<vmem>>, vector<16xi32>,
      %parallel_loop3A_331 = vector.shape_cast %parallel_loop3A_330 : vector<16xi32> to vector<16xi32>
      %parallel_loop3A_332 = arith.constant 32 : i32
      %parallel_loop3A_333 = arith.addi %parallel_loop3A_320, %parallel_loop3A_332 : i32
      %parallel_loop3A_334 = arith.index_cast %parallel_loop3A_333 : i32 to index
      %parallel_loop3A_335 = tpu.vector_load %arg7[%parallel_loop3A_334] {strides = array<i32>} : memref<10256xi32, #tpu.memory_space<vmem>>, vector<16xi32>,
      %parallel_loop3A_336 = vector.shape_cast %parallel_loop3A_335 : vector<16xi32> to vector<16xi32>
      %parallel_loop3A_337 = arith.constant 48 : i32
      %parallel_loop3A_338 = arith.addi %parallel_loop3A_320, %parallel_loop3A_337 : i32
      %parallel_loop3A_339 = arith.index_cast %parallel_loop3A_338 : i32 to index
      %parallel_loop3A_340 = tpu.vector_load %arg7[%parallel_loop3A_339] {strides = array<i32>} : memref<10256xi32, #tpu.memory_space<vmem>>, vector<16xi32>,
      %parallel_loop3A_341 = vector.shape_cast %parallel_loop3A_340 : vector<16xi32> to vector<16xi32>
      %parallel_loop3A_342 = arith.constant 64 : i32
      %parallel_loop3A_343 = arith.addi %parallel_loop3A_320, %parallel_loop3A_342 : i32
      %parallel_loop3A_344 = arith.index_cast %parallel_loop3A_343 : i32 to index
      %parallel_loop3A_345 = tpu.vector_load %arg7[%parallel_loop3A_344] {strides = array<i32>} : memref<10256xi32, #tpu.memory_space<vmem>>, vector<16xi32>,
      %parallel_loop3A_346 = vector.shape_cast %parallel_loop3A_345 : vector<16xi32> to vector<16xi32>
      %parallel_loop3A_347 = arith.constant 80 : i32
      %parallel_loop3A_348 = arith.addi %parallel_loop3A_320, %parallel_loop3A_347 : i32
      %parallel_loop3A_349 = arith.index_cast %parallel_loop3A_348 : i32 to index
      %parallel_loop3A_350 = tpu.vector_load %arg7[%parallel_loop3A_349] {strides = array<i32>} : memref<10256xi32, #tpu.memory_space<vmem>>, vector<16xi32>,
      %parallel_loop3A_351 = vector.shape_cast %parallel_loop3A_350 : vector<16xi32> to vector<16xi32>
      %parallel_loop3A_352 = arith.constant 96 : i32
      %parallel_loop3A_353 = arith.addi %parallel_loop3A_320, %parallel_loop3A_352 : i32
      %parallel_loop3A_354 = arith.index_cast %parallel_loop3A_353 : i32 to index
      %parallel_loop3A_355 = tpu.vector_load %arg7[%parallel_loop3A_354] {strides = array<i32>} : memref<10256xi32, #tpu.memory_space<vmem>>, vector<16xi32>,
      %parallel_loop3A_356 = vector.shape_cast %parallel_loop3A_355 : vector<16xi32> to vector<16xi32>
      %parallel_loop3A_357 = arith.constant 112 : i32
      %parallel_loop3A_358 = arith.addi %parallel_loop3A_320, %parallel_loop3A_357 : i32
      %parallel_loop3A_359 = arith.index_cast %parallel_loop3A_358 : i32 to index
      %parallel_loop3A_360 = tpu.vector_load %arg7[%parallel_loop3A_359] {strides = array<i32>} : memref<10256xi32, #tpu.memory_space<vmem>>, vector<16xi32>,
      %parallel_loop3A_361 = vector.shape_cast %parallel_loop3A_360 : vector<16xi32> to vector<16xi32>
      %parallel_loop3A_362 = arith.constant 128 : i32
      %parallel_loop3A_363 = arith.addi %parallel_loop3A_320, %parallel_loop3A_362 : i32
      %parallel_loop3A_364 = arith.index_cast %parallel_loop3A_363 : i32 to index
      %parallel_loop3A_365 = tpu.vector_load %arg7[%parallel_loop3A_364] {strides = array<i32>} : memref<10256xi32, #tpu.memory_space<vmem>>, vector<16xi32>,
      %parallel_loop3A_366 = vector.shape_cast %parallel_loop3A_365 : vector<16xi32> to vector<16xi32>
      %parallel_loop3A_367 = vector.shape_cast %mul3A_27 : vector<16xi32> to vector<16x1xi32>
      %parallel_loop3A_368 = vector.shape_cast %parallel_loop3A_367 : vector<16x1xi32> to vector<16xi32>
      %parallel_loop3A_369 = tpu.dynamic_gather %parallel_loop3A_331[%parallel_loop3A_368] in [0] : vector<16xi32>, vector<16xi32> -> vector<16xi32>
      %parallel_loop3A_370 = vector.shape_cast %and3A_24 : vector<16xi32> to vector<16x1xi32>
      %parallel_loop3A_371 = vector.shape_cast %parallel_loop3A_370 : vector<16x1xi32> to vector<16xi32>
      %parallel_loop3A_372 = tpu.dynamic_gather %parallel_loop3A_326[%parallel_loop3A_371] in [0] : vector<16xi32>, vector<16xi32> -> vector<16xi32>
      %parallel_loop3A_373 = arith.select %eq3A_30, %parallel_loop3A_369, %parallel_loop3A_372 : vector<16xi1>, vector<16xi32>
      %parallel_loop3A_374 = arith.constant 1000 : i32
      %parallel_loop3A_375 = vector.broadcast %parallel_loop3A_374 : i32 to vector<16xi32>
      %parallel_loop3A_376 = arith.muli %parallel_loop3A_326, %parallel_loop3A_375 : vector<16xi32>
      %parallel_loop3A_377 = arith.addi %parallel_loop3A_376, %parallel_loop3A_373 : vector<16xi32>
      %parallel_loop3A_378 = arith.constant 0 : i32
      %parallel_loop3A_379 = arith.addi %parallel_loop3A_320, %parallel_loop3A_378 : i32
      %parallel_loop3A_380 = arith.index_cast %parallel_loop3A_379 : i32 to index
      %parallel_loop3A_381 = tpu.vector_load %arg9[%parallel_loop3A_380] {strides = array<i32>} : memref<10240xi32, #tpu.memory_space<vmem>>, vector<16xi32>,
      %parallel_loop3A_382 = vector.shape_cast %parallel_loop3A_381 : vector<16xi32> to vector<16xi32>
      %parallel_loop3A_383 = vector.shape_cast %parallel_loop3A_377 : vector<16xi32> to vector<16xi32>
      tpu.vector_store %arg9[%parallel_loop3A_380], %parallel_loop3A_383 {strides = array<i32>} : memref<10240xi32, #tpu.memory_space<vmem>>, vector<16xi32>,
      %parallel_loop3A_384 = vector.shape_cast %mul3A_27 : vector<16xi32> to vector<16x1xi32>
      %parallel_loop3A_385 = vector.shape_cast %parallel_loop3A_384 : vector<16x1xi32> to vector<16xi32>
      %parallel_loop3A_386 = tpu.dynamic_gather %parallel_loop3A_336[%parallel_loop3A_385] in [0] : vector<16xi32>, vector<16xi32> -> vector<16xi32>
      %parallel_loop3A_387 = vector.shape_cast %and3A_24 : vector<16xi32> to vector<16x1xi32>
      %parallel_loop3A_388 = vector.shape_cast %parallel_loop3A_387 : vector<16x1xi32> to vector<16xi32>
      %parallel_loop3A_389 = tpu.dynamic_gather %parallel_loop3A_331[%parallel_loop3A_388] in [0] : vector<16xi32>, vector<16xi32> -> vector<16xi32>
      %parallel_loop3A_390 = arith.select %eq3A_30, %parallel_loop3A_386, %parallel_loop3A_389 : vector<16xi1>, vector<16xi32>
      %parallel_loop3A_391 = arith.constant 1000 : i32
      %parallel_loop3A_392 = vector.broadcast %parallel_loop3A_391 : i32 to vector<16xi32>
      %parallel_loop3A_393 = arith.muli %parallel_loop3A_331, %parallel_loop3A_392 : vector<16xi32>
      %parallel_loop3A_394 = arith.addi %parallel_loop3A_393, %parallel_loop3A_390 : vector<16xi32>
      %parallel_loop3A_395 = arith.constant 16 : i32
      %parallel_loop3A_396 = arith.addi %parallel_loop3A_320, %parallel_loop3A_395 : i32
      %parallel_loop3A_397 = arith.index_cast %parallel_loop3A_396 : i32 to index
      %parallel_loop3A_398 = tpu.vector_load %arg9[%parallel_loop3A_397] {strides = array<i32>} : memref<10240xi32, #tpu.memory_space<vmem>>, vector<16xi32>,
      %parallel_loop3A_399 = vector.shape_cast %parallel_loop3A_398 : vector<16xi32> to vector<16xi32>
      %parallel_loop3A_400 = vector.shape_cast %parallel_loop3A_394 : vector<16xi32> to vector<16xi32>
      tpu.vector_store %arg9[%parallel_loop3A_397], %parallel_loop3A_400 {strides = array<i32>} : memref<10240xi32, #tpu.memory_space<vmem>>, vector<16xi32>,
      %parallel_loop3A_401 = vector.shape_cast %mul3A_27 : vector<16xi32> to vector<16x1xi32>
      %parallel_loop3A_402 = vector.shape_cast %parallel_loop3A_401 : vector<16x1xi32> to vector<16xi32>
      %parallel_loop3A_403 = tpu.dynamic_gather %parallel_loop3A_341[%parallel_loop3A_402] in [0] : vector<16xi32>, vector<16xi32> -> vector<16xi32>
      %parallel_loop3A_404 = vector.shape_cast %and3A_24 : vector<16xi32> to vector<16x1xi32>
      %parallel_loop3A_405 = vector.shape_cast %parallel_loop3A_404 : vector<16x1xi32> to vector<16xi32>
      %parallel_loop3A_406 = tpu.dynamic_gather %parallel_loop3A_336[%parallel_loop3A_405] in [0] : vector<16xi32>, vector<16xi32> -> vector<16xi32>
      %parallel_loop3A_407 = arith.select %eq3A_30, %parallel_loop3A_403, %parallel_loop3A_406 : vector<16xi1>, vector<16xi32>
      %parallel_loop3A_408 = arith.constant 1000 : i32
      %parallel_loop3A_409 = vector.broadcast %parallel_loop3A_408 : i32 to vector<16xi32>
      %parallel_loop3A_410 = arith.muli %parallel_loop3A_336, %parallel_loop3A_409 : vector<16xi32>
      %parallel_loop3A_411 = arith.addi %parallel_loop3A_410, %parallel_loop3A_407 : vector<16xi32>
      %parallel_loop3A_412 = arith.constant 32 : i32
      %parallel_loop3A_413 = arith.addi %parallel_loop3A_320, %parallel_loop3A_412 : i32
      %parallel_loop3A_414 = arith.index_cast %parallel_loop3A_413 : i32 to index
      %parallel_loop3A_415 = tpu.vector_load %arg9[%parallel_loop3A_414] {strides = array<i32>} : memref<10240xi32, #tpu.memory_space<vmem>>, vector<16xi32>,
      %parallel_loop3A_416 = vector.shape_cast %parallel_loop3A_415 : vector<16xi32> to vector<16xi32>
      %parallel_loop3A_417 = vector.shape_cast %parallel_loop3A_411 : vector<16xi32> to vector<16xi32>
      tpu.vector_store %arg9[%parallel_loop3A_414], %parallel_loop3A_417 {strides = array<i32>} : memref<10240xi32, #tpu.memory_space<vmem>>, vector<16xi32>,
      %parallel_loop3A_418 = vector.shape_cast %mul3A_27 : vector<16xi32> to vector<16x1xi32>
      %parallel_loop3A_419 = vector.shape_cast %parallel_loop3A_418 : vector<16x1xi32> to vector<16xi32>
      %parallel_loop3A_420 = tpu.dynamic_gather %parallel_loop3A_346[%parallel_loop3A_419] in [0] : vector<16xi32>, vector<16xi32> -> vector<16xi32>
      %parallel_loop3A_421 = vector.shape_cast %and3A_24 : vector<16xi32> to vector<16x1xi32>
      %parallel_loop3A_422 = vector.shape_cast %parallel_loop3A_421 : vector<16x1xi32> to vector<16xi32>
      %parallel_loop3A_423 = tpu.dynamic_gather %parallel_loop3A_341[%parallel_loop3A_422] in [0] : vector<16xi32>, vector<16xi32> -> vector<16xi32>
      %parallel_loop3A_424 = arith.select %eq3A_30, %parallel_loop3A_420, %parallel_loop3A_423 : vector<16xi1>, vector<16xi32>
      %parallel_loop3A_425 = arith.constant 1000 : i32
      %parallel_loop3A_426 = vector.broadcast %parallel_loop3A_425 : i32 to vector<16xi32>
      %parallel_loop3A_427 = arith.muli %parallel_loop3A_341, %parallel_loop3A_426 : vector<16xi32>
      %parallel_loop3A_428 = arith.addi %parallel_loop3A_427, %parallel_loop3A_424 : vector<16xi32>
      %parallel_loop3A_429 = arith.constant 48 : i32
      %parallel_loop3A_430 = arith.addi %parallel_loop3A_320, %parallel_loop3A_429 : i32
      %parallel_loop3A_431 = arith.index_cast %parallel_loop3A_430 : i32 to index
      %parallel_loop3A_432 = tpu.vector_load %arg9[%parallel_loop3A_431] {strides = array<i32>} : memref<10240xi32, #tpu.memory_space<vmem>>, vector<16xi32>,
      %parallel_loop3A_433 = vector.shape_cast %parallel_loop3A_432 : vector<16xi32> to vector<16xi32>
      %parallel_loop3A_434 = vector.shape_cast %parallel_loop3A_428 : vector<16xi32> to vector<16xi32>
      tpu.vector_store %arg9[%parallel_loop3A_431], %parallel_loop3A_434 {strides = array<i32>} : memref<10240xi32, #tpu.memory_space<vmem>>, vector<16xi32>,
      %parallel_loop3A_435 = vector.shape_cast %mul3A_27 : vector<16xi32> to vector<16x1xi32>
      %parallel_loop3A_436 = vector.shape_cast %parallel_loop3A_435 : vector<16x1xi32> to vector<16xi32>
      %parallel_loop3A_437 = tpu.dynamic_gather %parallel_loop3A_351[%parallel_loop3A_436] in [0] : vector<16xi32>, vector<16xi32> -> vector<16xi32>
      %parallel_loop3A_438 = vector.shape_cast %and3A_24 : vector<16xi32> to vector<16x1xi32>
      %parallel_loop3A_439 = vector.shape_cast %parallel_loop3A_438 : vector<16x1xi32> to vector<16xi32>
      %parallel_loop3A_440 = tpu.dynamic_gather %parallel_loop3A_346[%parallel_loop3A_439] in [0] : vector<16xi32>, vector<16xi32> -> vector<16xi32>
      %parallel_loop3A_441 = arith.select %eq3A_30, %parallel_loop3A_437, %parallel_loop3A_440 : vector<16xi1>, vector<16xi32>
      %parallel_loop3A_442 = arith.constant 1000 : i32
      %parallel_loop3A_443 = vector.broadcast %parallel_loop3A_442 : i32 to vector<16xi32>
      %parallel_loop3A_444 = arith.muli %parallel_loop3A_346, %parallel_loop3A_443 : vector<16xi32>
      %parallel_loop3A_445 = arith.addi %parallel_loop3A_444, %parallel_loop3A_441 : vector<16xi32>
      %parallel_loop3A_446 = arith.constant 64 : i32
      %parallel_loop3A_447 = arith.addi %parallel_loop3A_320, %parallel_loop3A_446 : i32
      %parallel_loop3A_448 = arith.index_cast %parallel_loop3A_447 : i32 to index
      %parallel_loop3A_449 = tpu.vector_load %arg9[%parallel_loop3A_448] {strides = array<i32>} : memref<10240xi32, #tpu.memory_space<vmem>>, vector<16xi32>,
      %parallel_loop3A_450 = vector.shape_cast %parallel_loop3A_449 : vector<16xi32> to vector<16xi32>
      %parallel_loop3A_451 = vector.shape_cast %parallel_loop3A_445 : vector<16xi32> to vector<16xi32>
      tpu.vector_store %arg9[%parallel_loop3A_448], %parallel_loop3A_451 {strides = array<i32>} : memref<10240xi32, #tpu.memory_space<vmem>>, vector<16xi32>,
      %parallel_loop3A_452 = vector.shape_cast %mul3A_27 : vector<16xi32> to vector<16x1xi32>
      %parallel_loop3A_453 = vector.shape_cast %parallel_loop3A_452 : vector<16x1xi32> to vector<16xi32>
      %parallel_loop3A_454 = tpu.dynamic_gather %parallel_loop3A_356[%parallel_loop3A_453] in [0] : vector<16xi32>, vector<16xi32> -> vector<16xi32>
      %parallel_loop3A_455 = vector.shape_cast %and3A_24 : vector<16xi32> to vector<16x1xi32>
      %parallel_loop3A_456 = vector.shape_cast %parallel_loop3A_455 : vector<16x1xi32> to vector<16xi32>
      %parallel_loop3A_457 = tpu.dynamic_gather %parallel_loop3A_351[%parallel_loop3A_456] in [0] : vector<16xi32>, vector<16xi32> -> vector<16xi32>
      %parallel_loop3A_458 = arith.select %eq3A_30, %parallel_loop3A_454, %parallel_loop3A_457 : vector<16xi1>, vector<16xi32>
      %parallel_loop3A_459 = arith.constant 1000 : i32
      %parallel_loop3A_460 = vector.broadcast %parallel_loop3A_459 : i32 to vector<16xi32>
      %parallel_loop3A_461 = arith.muli %parallel_loop3A_351, %parallel_loop3A_460 : vector<16xi32>
      %parallel_loop3A_462 = arith.addi %parallel_loop3A_461, %parallel_loop3A_458 : vector<16xi32>
      %parallel_loop3A_463 = arith.constant 80 : i32
      %parallel_loop3A_464 = arith.addi %parallel_loop3A_320, %parallel_loop3A_463 : i32
      %parallel_loop3A_465 = arith.index_cast %parallel_loop3A_464 : i32 to index
      %parallel_loop3A_466 = tpu.vector_load %arg9[%parallel_loop3A_465] {strides = array<i32>} : memref<10240xi32, #tpu.memory_space<vmem>>, vector<16xi32>,
      %parallel_loop3A_467 = vector.shape_cast %parallel_loop3A_466 : vector<16xi32> to vector<16xi32>
      %parallel_loop3A_468 = vector.shape_cast %parallel_loop3A_462 : vector<16xi32> to vector<16xi32>
      tpu.vector_store %arg9[%parallel_loop3A_465], %parallel_loop3A_468 {strides = array<i32>} : memref<10240xi32, #tpu.memory_space<vmem>>, vector<16xi32>,
      %parallel_loop3A_469 = vector.shape_cast %mul3A_27 : vector<16xi32> to vector<16x1xi32>
      %parallel_loop3A_470 = vector.shape_cast %parallel_loop3A_469 : vector<16x1xi32> to vector<16xi32>
      %parallel_loop3A_471 = tpu.dynamic_gather %parallel_loop3A_361[%parallel_loop3A_470] in [0] : vector<16xi32>, vector<16xi32> -> vector<16xi32>
      %parallel_loop3A_472 = vector.shape_cast %and3A_24 : vector<16xi32> to vector<16x1xi32>
      %parallel_loop3A_473 = vector.shape_cast %parallel_loop3A_472 : vector<16x1xi32> to vector<16xi32>
      %parallel_loop3A_474 = tpu.dynamic_gather %parallel_loop3A_356[%parallel_loop3A_473] in [0] : vector<16xi32>, vector<16xi32> -> vector<16xi32>
      %parallel_loop3A_475 = arith.select %eq3A_30, %parallel_loop3A_471, %parallel_loop3A_474 : vector<16xi1>, vector<16xi32>
      %parallel_loop3A_476 = arith.constant 1000 : i32
      %parallel_loop3A_477 = vector.broadcast %parallel_loop3A_476 : i32 to vector<16xi32>
      %parallel_loop3A_478 = arith.muli %parallel_loop3A_356, %parallel_loop3A_477 : vector<16xi32>
      %parallel_loop3A_479 = arith.addi %parallel_loop3A_478, %parallel_loop3A_475 : vector<16xi32>
      %parallel_loop3A_480 = arith.constant 96 : i32
      %parallel_loop3A_481 = arith.addi %parallel_loop3A_320, %parallel_loop3A_480 : i32
      %parallel_loop3A_482 = arith.index_cast %parallel_loop3A_481 : i32 to index
      %parallel_loop3A_483 = tpu.vector_load %arg9[%parallel_loop3A_482] {strides = array<i32>} : memref<10240xi32, #tpu.memory_space<vmem>>, vector<16xi32>,
      %parallel_loop3A_484 = vector.shape_cast %parallel_loop3A_483 : vector<16xi32> to vector<16xi32>
      %parallel_loop3A_485 = vector.shape_cast %parallel_loop3A_479 : vector<16xi32> to vector<16xi32>
      tpu.vector_store %arg9[%parallel_loop3A_482], %parallel_loop3A_485 {strides = array<i32>} : memref<10240xi32, #tpu.memory_space<vmem>>, vector<16xi32>,
      %parallel_loop3A_486 = vector.shape_cast %mul3A_27 : vector<16xi32> to vector<16x1xi32>
      %parallel_loop3A_487 = vector.shape_cast %parallel_loop3A_486 : vector<16x1xi32> to vector<16xi32>
      %parallel_loop3A_488 = tpu.dynamic_gather %parallel_loop3A_366[%parallel_loop3A_487] in [0] : vector<16xi32>, vector<16xi32> -> vector<16xi32>
      %parallel_loop3A_489 = vector.shape_cast %and3A_24 : vector<16xi32> to vector<16x1xi32>
      %parallel_loop3A_490 = vector.shape_cast %parallel_loop3A_489 : vector<16x1xi32> to vector<16xi32>
      %parallel_loop3A_491 = tpu.dynamic_gather %parallel_loop3A_361[%parallel_loop3A_490] in [0] : vector<16xi32>, vector<16xi32> -> vector<16xi32>
      %parallel_loop3A_492 = arith.select %eq3A_30, %parallel_loop3A_488, %parallel_loop3A_491 : vector<16xi1>, vector<16xi32>
      %parallel_loop3A_493 = arith.constant 1000 : i32
      %parallel_loop3A_494 = vector.broadcast %parallel_loop3A_493 : i32 to vector<16xi32>
      %parallel_loop3A_495 = arith.muli %parallel_loop3A_361, %parallel_loop3A_494 : vector<16xi32>
      %parallel_loop3A_496 = arith.addi %parallel_loop3A_495, %parallel_loop3A_492 : vector<16xi32>
      %parallel_loop3A_497 = arith.constant 112 : i32
      %parallel_loop3A_498 = arith.addi %parallel_loop3A_320, %parallel_loop3A_497 : i32
      %parallel_loop3A_499 = arith.index_cast %parallel_loop3A_498 : i32 to index
      %parallel_loop3A_500 = tpu.vector_load %arg9[%parallel_loop3A_499] {strides = array<i32>} : memref<10240xi32, #tpu.memory_space<vmem>>, vector<16xi32>,
      %parallel_loop3A_501 = vector.shape_cast %parallel_loop3A_500 : vector<16xi32> to vector<16xi32>
      %parallel_loop3A_502 = vector.shape_cast %parallel_loop3A_496 : vector<16xi32> to vector<16xi32>
      tpu.vector_store %arg9[%parallel_loop3A_499], %parallel_loop3A_502 {strides = array<i32>} : memref<10240xi32, #tpu.memory_space<vmem>>, vector<16xi32>,
      scf.yield %parallel_loop3A_321 : vector<16xf32>
    } {sc.loop_unroll_factor = 2 : i64, sc.parallel_access}
    %eq3A_34 = arith.constant 0 : i32
    %eq3A_35 = arith.cmpi eq, %arg1, %eq3A_34 : i32
    %convert_element_type3A_36 = arith.extui %eq3A_35 : i1 to i32
    %cond3A_37 = arith.constant 0 : i32
    %cond3A_38 = arith.cmpi ne, %convert_element_type3A_36, %cond3A_37 : i32
    scf.if %cond3A_38 {
      tpu.wait_dma2 semaphore(%arg16 : memref<!tpu.dma_semaphore, #tpu.memory_space<semaphore_mem>>) src(%arg3 : memref<1000000xf32, #tpu.memory_space<hbm>>) dst(%arg6 : memref<1000000xf32, #tpu.memory_space<vmem_shared>>)
    } else {
    }
    %barrier3A = arith.constant 0 : index
    tpu.barrier barrier_id(%barrier3A)
    %dma_start3A_39 = arith.constant 0 : i32
    %dma_start3A_40 = tpu.memref_slice %arg6[%dma_start3A_39] : memref<1000000xf32, #tpu.memory_space<vmem_shared>> -> memref<1000000xf32, #tpu.memory_space<vmem_shared>>
    tpu.enqueue_indirect_dma source(%dma_start3A_40 : memref<1000000xf32, #tpu.memory_space<vmem_shared>>) target(%arg11 : memref<10240xf32, #tpu.memory_space<vmem>>) offsets(%arg9 : memref<10240xi32, #tpu.memory_space<vmem>>) semaphore(%arg15 : memref<!tpu.dma_semaphore, #tpu.memory_space<semaphore_mem>>)
    %add3A_41 = arith.constant 10240 : i32
    %add3A_42 = arith.addi %mul3A_2, %add3A_41 : i32
    %dma_wait3A_43 = tpu.memref_slice %arg2[%add3A_42] : memref<3276800xi32, #tpu.memory_space<hbm>> -> memref<10256xi32, #tpu.memory_space<hbm>>
    %dma_wait3A_44 = tpu.memref_slice %arg2[%add3A_42] : memref<3276800xi32, #tpu.memory_space<hbm>> -> memref<10256xi32, #tpu.memory_space<hbm>>
    tpu.wait_dma2 semaphore(%arg14 : memref<!tpu.dma_semaphore, #tpu.memory_space<semaphore_mem>>) src(%dma_wait3A_44 : memref<10256xi32, #tpu.memory_space<hbm>>) dst(%arg8 : memref<10256xi32, #tpu.memory_space<vmem>>)
    %add3A_45 = arith.constant 20480 : i32
    %add3A_46 = arith.addi %mul3A_2, %add3A_45 : i32
    %dma_start3A_47 = tpu.memref_slice %arg2[%add3A_46] : memref<3276800xi32, #tpu.memory_space<hbm>> -> memref<10256xi32, #tpu.memory_space<hbm>>
    %dma_start3A_48 = tpu.memref_slice %arg2[%add3A_46] : memref<3276800xi32, #tpu.memory_space<hbm>> -> memref<10256xi32, #tpu.memory_space<hbm>>
    tpu.enqueue_dma source(%dma_start3A_48 : memref<10256xi32, #tpu.memory_space<hbm>>) target(%arg7 : memref<10256xi32, #tpu.memory_space<vmem>>) target_semaphore(%arg14 : memref<!tpu.dma_semaphore, #tpu.memory_space<semaphore_mem>>)
    %iota3A_49 = tpu.iota {dimensions = array<i32: 0>} : vector<16xi32>
    %add3A_50 = arith.constant 1 : i32
    %add3A_51 = vector.broadcast %add3A_50 : i32 to vector<16xi32>
    %add3A_52 = arith.addi %iota3A_49, %add3A_51 : vector<16xi32>
    %and3A_53 = arith.constant 15 : i32
    %and3A_54 = vector.broadcast %and3A_53 : i32 to vector<16xi32>
    %and3A_55 = arith.andi %add3A_52, %and3A_54 : vector<16xi32>
    %mul3A_56 = arith.constant 0 : i32
    %mul3A_57 = vector.broadcast %mul3A_56 : i32 to vector<16xi32>
    %mul3A_58 = arith.muli %iota3A_49, %mul3A_57 : vector<16xi32>
    %eq3A_59 = arith.constant 15 : i32
    %eq3A_60 = vector.broadcast %eq3A_59 : i32 to vector<16xi32>
    %eq3A_61 = arith.cmpi eq, %iota3A_49, %eq3A_60 : vector<16xi32>
    %parallel_loop3A_62 = arith.constant 0 : i32
    %parallel_loop3A_63 = arith.constant 10240 : i32
    %parallel_loop3A_64 = arith.constant 128 : i32
    %parallel_loop3A_65 = scf.for %parallel_loop3A_320 = %parallel_loop3A_62 to %parallel_loop3A_63 step %parallel_loop3A_64 iter_args(%parallel_loop3A_321 = %parallel_loop3A_33) -> (vector<16xf32>)  : i32 {
      %parallel_loop3A_322 = arith.constant 0 : i32
      %parallel_loop3A_323 = arith.addi %parallel_loop3A_320, %parallel_loop3A_322 : i32
      %parallel_loop3A_324 = arith.index_cast %parallel_loop3A_323 : i32 to index
      %parallel_loop3A_325 = tpu.vector_load %arg8[%parallel_loop3A_324] {strides = array<i32>} : memref<10256xi32, #tpu.memory_space<vmem>>, vector<16xi32>,
      %parallel_loop3A_326 = vector.shape_cast %parallel_loop3A_325 : vector<16xi32> to vector<16xi32>
      %parallel_loop3A_327 = arith.constant 16 : i32
      %parallel_loop3A_328 = arith.addi %parallel_loop3A_320, %parallel_loop3A_327 : i32
      %parallel_loop3A_329 = arith.index_cast %parallel_loop3A_328 : i32 to index
      %parallel_loop3A_330 = tpu.vector_load %arg8[%parallel_loop3A_329] {strides = array<i32>} : memref<10256xi32, #tpu.memory_space<vmem>>, vector<16xi32>,
      %parallel_loop3A_331 = vector.shape_cast %parallel_loop3A_330 : vector<16xi32> to vector<16xi32>
      %parallel_loop3A_332 = arith.constant 32 : i32
      %parallel_loop3A_333 = arith.addi %parallel_loop3A_320, %parallel_loop3A_332 : i32
      %parallel_loop3A_334 = arith.index_cast %parallel_loop3A_333 : i32 to index
      %parallel_loop3A_335 = tpu.vector_load %arg8[%parallel_loop3A_334] {strides = array<i32>} : memref<10256xi32, #tpu.memory_space<vmem>>, vector<16xi32>,
      %parallel_loop3A_336 = vector.shape_cast %parallel_loop3A_335 : vector<16xi32> to vector<16xi32>
      %parallel_loop3A_337 = arith.constant 48 : i32
      %parallel_loop3A_338 = arith.addi %parallel_loop3A_320, %parallel_loop3A_337 : i32
      %parallel_loop3A_339 = arith.index_cast %parallel_loop3A_338 : i32 to index
      %parallel_loop3A_340 = tpu.vector_load %arg8[%parallel_loop3A_339] {strides = array<i32>} : memref<10256xi32, #tpu.memory_space<vmem>>, vector<16xi32>,
      %parallel_loop3A_341 = vector.shape_cast %parallel_loop3A_340 : vector<16xi32> to vector<16xi32>
      %parallel_loop3A_342 = arith.constant 64 : i32
      %parallel_loop3A_343 = arith.addi %parallel_loop3A_320, %parallel_loop3A_342 : i32
      %parallel_loop3A_344 = arith.index_cast %parallel_loop3A_343 : i32 to index
      %parallel_loop3A_345 = tpu.vector_load %arg8[%parallel_loop3A_344] {strides = array<i32>} : memref<10256xi32, #tpu.memory_space<vmem>>, vector<16xi32>,
      %parallel_loop3A_346 = vector.shape_cast %parallel_loop3A_345 : vector<16xi32> to vector<16xi32>
      %parallel_loop3A_347 = arith.constant 80 : i32
      %parallel_loop3A_348 = arith.addi %parallel_loop3A_320, %parallel_loop3A_347 : i32
      %parallel_loop3A_349 = arith.index_cast %parallel_loop3A_348 : i32 to index
      %parallel_loop3A_350 = tpu.vector_load %arg8[%parallel_loop3A_349] {strides = array<i32>} : memref<10256xi32, #tpu.memory_space<vmem>>, vector<16xi32>,
      %parallel_loop3A_351 = vector.shape_cast %parallel_loop3A_350 : vector<16xi32> to vector<16xi32>
      %parallel_loop3A_352 = arith.constant 96 : i32
      %parallel_loop3A_353 = arith.addi %parallel_loop3A_320, %parallel_loop3A_352 : i32
      %parallel_loop3A_354 = arith.index_cast %parallel_loop3A_353 : i32 to index
      %parallel_loop3A_355 = tpu.vector_load %arg8[%parallel_loop3A_354] {strides = array<i32>} : memref<10256xi32, #tpu.memory_space<vmem>>, vector<16xi32>,
      %parallel_loop3A_356 = vector.shape_cast %parallel_loop3A_355 : vector<16xi32> to vector<16xi32>
      %parallel_loop3A_357 = arith.constant 112 : i32
      %parallel_loop3A_358 = arith.addi %parallel_loop3A_320, %parallel_loop3A_357 : i32
      %parallel_loop3A_359 = arith.index_cast %parallel_loop3A_358 : i32 to index
      %parallel_loop3A_360 = tpu.vector_load %arg8[%parallel_loop3A_359] {strides = array<i32>} : memref<10256xi32, #tpu.memory_space<vmem>>, vector<16xi32>,
      %parallel_loop3A_361 = vector.shape_cast %parallel_loop3A_360 : vector<16xi32> to vector<16xi32>
      %parallel_loop3A_362 = arith.constant 128 : i32
      %parallel_loop3A_363 = arith.addi %parallel_loop3A_320, %parallel_loop3A_362 : i32
      %parallel_loop3A_364 = arith.index_cast %parallel_loop3A_363 : i32 to index
      %parallel_loop3A_365 = tpu.vector_load %arg8[%parallel_loop3A_364] {strides = array<i32>} : memref<10256xi32, #tpu.memory_space<vmem>>, vector<16xi32>,
      %parallel_loop3A_366 = vector.shape_cast %parallel_loop3A_365 : vector<16xi32> to vector<16xi32>
      %parallel_loop3A_367 = vector.shape_cast %mul3A_58 : vector<16xi32> to vector<16x1xi32>
      %parallel_loop3A_368 = vector.shape_cast %parallel_loop3A_367 : vector<16x1xi32> to vector<16xi32>
      %parallel_loop3A_369 = tpu.dynamic_gather %parallel_loop3A_331[%parallel_loop3A_368] in [0] : vector<16xi32>, vector<16xi32> -> vector<16xi32>
      %parallel_loop3A_370 = vector.shape_cast %and3A_55 : vector<16xi32> to vector<16x1xi32>
      %parallel_loop3A_371 = vector.shape_cast %parallel_loop3A_370 : vector<16x1xi32> to vector<16xi32>
      %parallel_loop3A_372 = tpu.dynamic_gather %parallel_loop3A_326[%parallel_loop3A_371] in [0] : vector<16xi32>, vector<16xi32> -> vector<16xi32>
      %parallel_loop3A_373 = arith.select %eq3A_61, %parallel_loop3A_369, %parallel_loop3A_372 : vector<16xi1>, vector<16xi32>
      %parallel_loop3A_374 = arith.constant 1000 : i32
      %parallel_loop3A_375 = vector.broadcast %parallel_loop3A_374 : i32 to vector<16xi32>
      %parallel_loop3A_376 = arith.muli %parallel_loop3A_326, %parallel_loop3A_375 : vector<16xi32>
      %parallel_loop3A_377 = arith.addi %parallel_loop3A_376, %parallel_loop3A_373 : vector<16xi32>
      %parallel_loop3A_378 = arith.constant 0 : i32
      %parallel_loop3A_379 = arith.addi %parallel_loop3A_320, %parallel_loop3A_378 : i32
      %parallel_loop3A_380 = arith.index_cast %parallel_loop3A_379 : i32 to index
      %parallel_loop3A_381 = tpu.vector_load %arg10[%parallel_loop3A_380] {strides = array<i32>} : memref<10240xi32, #tpu.memory_space<vmem>>, vector<16xi32>,
      %parallel_loop3A_382 = vector.shape_cast %parallel_loop3A_381 : vector<16xi32> to vector<16xi32>
      %parallel_loop3A_383 = vector.shape_cast %parallel_loop3A_377 : vector<16xi32> to vector<16xi32>
      tpu.vector_store %arg10[%parallel_loop3A_380], %parallel_loop3A_383 {strides = array<i32>} : memref<10240xi32, #tpu.memory_space<vmem>>, vector<16xi32>,
      %parallel_loop3A_384 = vector.shape_cast %mul3A_58 : vector<16xi32> to vector<16x1xi32>
      %parallel_loop3A_385 = vector.shape_cast %parallel_loop3A_384 : vector<16x1xi32> to vector<16xi32>
      %parallel_loop3A_386 = tpu.dynamic_gather %parallel_loop3A_336[%parallel_loop3A_385] in [0] : vector<16xi32>, vector<16xi32> -> vector<16xi32>
      %parallel_loop3A_387 = vector.shape_cast %and3A_55 : vector<16xi32> to vector<16x1xi32>
      %parallel_loop3A_388 = vector.shape_cast %parallel_loop3A_387 : vector<16x1xi32> to vector<16xi32>
      %parallel_loop3A_389 = tpu.dynamic_gather %parallel_loop3A_331[%parallel_loop3A_388] in [0] : vector<16xi32>, vector<16xi32> -> vector<16xi32>
      %parallel_loop3A_390 = arith.select %eq3A_61, %parallel_loop3A_386, %parallel_loop3A_389 : vector<16xi1>, vector<16xi32>
      %parallel_loop3A_391 = arith.constant 1000 : i32
      %parallel_loop3A_392 = vector.broadcast %parallel_loop3A_391 : i32 to vector<16xi32>
      %parallel_loop3A_393 = arith.muli %parallel_loop3A_331, %parallel_loop3A_392 : vector<16xi32>
      %parallel_loop3A_394 = arith.addi %parallel_loop3A_393, %parallel_loop3A_390 : vector<16xi32>
      %parallel_loop3A_395 = arith.constant 16 : i32
      %parallel_loop3A_396 = arith.addi %parallel_loop3A_320, %parallel_loop3A_395 : i32
      %parallel_loop3A_397 = arith.index_cast %parallel_loop3A_396 : i32 to index
      %parallel_loop3A_398 = tpu.vector_load %arg10[%parallel_loop3A_397] {strides = array<i32>} : memref<10240xi32, #tpu.memory_space<vmem>>, vector<16xi32>,
      %parallel_loop3A_399 = vector.shape_cast %parallel_loop3A_398 : vector<16xi32> to vector<16xi32>
      %parallel_loop3A_400 = vector.shape_cast %parallel_loop3A_394 : vector<16xi32> to vector<16xi32>
      tpu.vector_store %arg10[%parallel_loop3A_397], %parallel_loop3A_400 {strides = array<i32>} : memref<10240xi32, #tpu.memory_space<vmem>>, vector<16xi32>,
      %parallel_loop3A_401 = vector.shape_cast %mul3A_58 : vector<16xi32> to vector<16x1xi32>
      %parallel_loop3A_402 = vector.shape_cast %parallel_loop3A_401 : vector<16x1xi32> to vector<16xi32>
      %parallel_loop3A_403 = tpu.dynamic_gather %parallel_loop3A_341[%parallel_loop3A_402] in [0] : vector<16xi32>, vector<16xi32> -> vector<16xi32>
      %parallel_loop3A_404 = vector.shape_cast %and3A_55 : vector<16xi32> to vector<16x1xi32>
      %parallel_loop3A_405 = vector.shape_cast %parallel_loop3A_404 : vector<16x1xi32> to vector<16xi32>
      %parallel_loop3A_406 = tpu.dynamic_gather %parallel_loop3A_336[%parallel_loop3A_405] in [0] : vector<16xi32>, vector<16xi32> -> vector<16xi32>
      %parallel_loop3A_407 = arith.select %eq3A_61, %parallel_loop3A_403, %parallel_loop3A_406 : vector<16xi1>, vector<16xi32>
      %parallel_loop3A_408 = arith.constant 1000 : i32
      %parallel_loop3A_409 = vector.broadcast %parallel_loop3A_408 : i32 to vector<16xi32>
      %parallel_loop3A_410 = arith.muli %parallel_loop3A_336, %parallel_loop3A_409 : vector<16xi32>
      %parallel_loop3A_411 = arith.addi %parallel_loop3A_410, %parallel_loop3A_407 : vector<16xi32>
      %parallel_loop3A_412 = arith.constant 32 : i32
      %parallel_loop3A_413 = arith.addi %parallel_loop3A_320, %parallel_loop3A_412 : i32
      %parallel_loop3A_414 = arith.index_cast %parallel_loop3A_413 : i32 to index
      %parallel_loop3A_415 = tpu.vector_load %arg10[%parallel_loop3A_414] {strides = array<i32>} : memref<10240xi32, #tpu.memory_space<vmem>>, vector<16xi32>,
      %parallel_loop3A_416 = vector.shape_cast %parallel_loop3A_415 : vector<16xi32> to vector<16xi32>
      %parallel_loop3A_417 = vector.shape_cast %parallel_loop3A_411 : vector<16xi32> to vector<16xi32>
      tpu.vector_store %arg10[%parallel_loop3A_414], %parallel_loop3A_417 {strides = array<i32>} : memref<10240xi32, #tpu.memory_space<vmem>>, vector<16xi32>,
      %parallel_loop3A_418 = vector.shape_cast %mul3A_58 : vector<16xi32> to vector<16x1xi32>
      %parallel_loop3A_419 = vector.shape_cast %parallel_loop3A_418 : vector<16x1xi32> to vector<16xi32>
      %parallel_loop3A_420 = tpu.dynamic_gather %parallel_loop3A_346[%parallel_loop3A_419] in [0] : vector<16xi32>, vector<16xi32> -> vector<16xi32>
      %parallel_loop3A_421 = vector.shape_cast %and3A_55 : vector<16xi32> to vector<16x1xi32>
      %parallel_loop3A_422 = vector.shape_cast %parallel_loop3A_421 : vector<16x1xi32> to vector<16xi32>
      %parallel_loop3A_423 = tpu.dynamic_gather %parallel_loop3A_341[%parallel_loop3A_422] in [0] : vector<16xi32>, vector<16xi32> -> vector<16xi32>
      %parallel_loop3A_424 = arith.select %eq3A_61, %parallel_loop3A_420, %parallel_loop3A_423 : vector<16xi1>, vector<16xi32>
      %parallel_loop3A_425 = arith.constant 1000 : i32
      %parallel_loop3A_426 = vector.broadcast %parallel_loop3A_425 : i32 to vector<16xi32>
      %parallel_loop3A_427 = arith.muli %parallel_loop3A_341, %parallel_loop3A_426 : vector<16xi32>
      %parallel_loop3A_428 = arith.addi %parallel_loop3A_427, %parallel_loop3A_424 : vector<16xi32>
      %parallel_loop3A_429 = arith.constant 48 : i32
      %parallel_loop3A_430 = arith.addi %parallel_loop3A_320, %parallel_loop3A_429 : i32
      %parallel_loop3A_431 = arith.index_cast %parallel_loop3A_430 : i32 to index
      %parallel_loop3A_432 = tpu.vector_load %arg10[%parallel_loop3A_431] {strides = array<i32>} : memref<10240xi32, #tpu.memory_space<vmem>>, vector<16xi32>,
      %parallel_loop3A_433 = vector.shape_cast %parallel_loop3A_432 : vector<16xi32> to vector<16xi32>
      %parallel_loop3A_434 = vector.shape_cast %parallel_loop3A_428 : vector<16xi32> to vector<16xi32>
      tpu.vector_store %arg10[%parallel_loop3A_431], %parallel_loop3A_434 {strides = array<i32>} : memref<10240xi32, #tpu.memory_space<vmem>>, vector<16xi32>,
      %parallel_loop3A_435 = vector.shape_cast %mul3A_58 : vector<16xi32> to vector<16x1xi32>
      %parallel_loop3A_436 = vector.shape_cast %parallel_loop3A_435 : vector<16x1xi32> to vector<16xi32>
      %parallel_loop3A_437 = tpu.dynamic_gather %parallel_loop3A_351[%parallel_loop3A_436] in [0] : vector<16xi32>, vector<16xi32> -> vector<16xi32>
      %parallel_loop3A_438 = vector.shape_cast %and3A_55 : vector<16xi32> to vector<16x1xi32>
      %parallel_loop3A_439 = vector.shape_cast %parallel_loop3A_438 : vector<16x1xi32> to vector<16xi32>
      %parallel_loop3A_440 = tpu.dynamic_gather %parallel_loop3A_346[%parallel_loop3A_439] in [0] : vector<16xi32>, vector<16xi32> -> vector<16xi32>
      %parallel_loop3A_441 = arith.select %eq3A_61, %parallel_loop3A_437, %parallel_loop3A_440 : vector<16xi1>, vector<16xi32>
      %parallel_loop3A_442 = arith.constant 1000 : i32
      %parallel_loop3A_443 = vector.broadcast %parallel_loop3A_442 : i32 to vector<16xi32>
      %parallel_loop3A_444 = arith.muli %parallel_loop3A_346, %parallel_loop3A_443 : vector<16xi32>
      %parallel_loop3A_445 = arith.addi %parallel_loop3A_444, %parallel_loop3A_441 : vector<16xi32>
      %parallel_loop3A_446 = arith.constant 64 : i32
      %parallel_loop3A_447 = arith.addi %parallel_loop3A_320, %parallel_loop3A_446 : i32
      %parallel_loop3A_448 = arith.index_cast %parallel_loop3A_447 : i32 to index
      %parallel_loop3A_449 = tpu.vector_load %arg10[%parallel_loop3A_448] {strides = array<i32>} : memref<10240xi32, #tpu.memory_space<vmem>>, vector<16xi32>,
      %parallel_loop3A_450 = vector.shape_cast %parallel_loop3A_449 : vector<16xi32> to vector<16xi32>
      %parallel_loop3A_451 = vector.shape_cast %parallel_loop3A_445 : vector<16xi32> to vector<16xi32>
      tpu.vector_store %arg10[%parallel_loop3A_448], %parallel_loop3A_451 {strides = array<i32>} : memref<10240xi32, #tpu.memory_space<vmem>>, vector<16xi32>,
      %parallel_loop3A_452 = vector.shape_cast %mul3A_58 : vector<16xi32> to vector<16x1xi32>
      %parallel_loop3A_453 = vector.shape_cast %parallel_loop3A_452 : vector<16x1xi32> to vector<16xi32>
      %parallel_loop3A_454 = tpu.dynamic_gather %parallel_loop3A_356[%parallel_loop3A_453] in [0] : vector<16xi32>, vector<16xi32> -> vector<16xi32>
      %parallel_loop3A_455 = vector.shape_cast %and3A_55 : vector<16xi32> to vector<16x1xi32>
      %parallel_loop3A_456 = vector.shape_cast %parallel_loop3A_455 : vector<16x1xi32> to vector<16xi32>
      %parallel_loop3A_457 = tpu.dynamic_gather %parallel_loop3A_351[%parallel_loop3A_456] in [0] : vector<16xi32>, vector<16xi32> -> vector<16xi32>
      %parallel_loop3A_458 = arith.select %eq3A_61, %parallel_loop3A_454, %parallel_loop3A_457 : vector<16xi1>, vector<16xi32>
      %parallel_loop3A_459 = arith.constant 1000 : i32
      %parallel_loop3A_460 = vector.broadcast %parallel_loop3A_459 : i32 to vector<16xi32>
      %parallel_loop3A_461 = arith.muli %parallel_loop3A_351, %parallel_loop3A_460 : vector<16xi32>
      %parallel_loop3A_462 = arith.addi %parallel_loop3A_461, %parallel_loop3A_458 : vector<16xi32>
      %parallel_loop3A_463 = arith.constant 80 : i32
      %parallel_loop3A_464 = arith.addi %parallel_loop3A_320, %parallel_loop3A_463 : i32
      %parallel_loop3A_465 = arith.index_cast %parallel_loop3A_464 : i32 to index
      %parallel_loop3A_466 = tpu.vector_load %arg10[%parallel_loop3A_465] {strides = array<i32>} : memref<10240xi32, #tpu.memory_space<vmem>>, vector<16xi32>,
      %parallel_loop3A_467 = vector.shape_cast %parallel_loop3A_466 : vector<16xi32> to vector<16xi32>
      %parallel_loop3A_468 = vector.shape_cast %parallel_loop3A_462 : vector<16xi32> to vector<16xi32>
      tpu.vector_store %arg10[%parallel_loop3A_465], %parallel_loop3A_468 {strides = array<i32>} : memref<10240xi32, #tpu.memory_space<vmem>>, vector<16xi32>,
      %parallel_loop3A_469 = vector.shape_cast %mul3A_58 : vector<16xi32> to vector<16x1xi32>
      %parallel_loop3A_470 = vector.shape_cast %parallel_loop3A_469 : vector<16x1xi32> to vector<16xi32>
      %parallel_loop3A_471 = tpu.dynamic_gather %parallel_loop3A_361[%parallel_loop3A_470] in [0] : vector<16xi32>, vector<16xi32> -> vector<16xi32>
      %parallel_loop3A_472 = vector.shape_cast %and3A_55 : vector<16xi32> to vector<16x1xi32>
      %parallel_loop3A_473 = vector.shape_cast %parallel_loop3A_472 : vector<16x1xi32> to vector<16xi32>
      %parallel_loop3A_474 = tpu.dynamic_gather %parallel_loop3A_356[%parallel_loop3A_473] in [0] : vector<16xi32>, vector<16xi32> -> vector<16xi32>
      %parallel_loop3A_475 = arith.select %eq3A_61, %parallel_loop3A_471, %parallel_loop3A_474 : vector<16xi1>, vector<16xi32>
      %parallel_loop3A_476 = arith.constant 1000 : i32
      %parallel_loop3A_477 = vector.broadcast %parallel_loop3A_476 : i32 to vector<16xi32>
      %parallel_loop3A_478 = arith.muli %parallel_loop3A_356, %parallel_loop3A_477 : vector<16xi32>
      %parallel_loop3A_479 = arith.addi %parallel_loop3A_478, %parallel_loop3A_475 : vector<16xi32>
      %parallel_loop3A_480 = arith.constant 96 : i32
      %parallel_loop3A_481 = arith.addi %parallel_loop3A_320, %parallel_loop3A_480 : i32
      %parallel_loop3A_482 = arith.index_cast %parallel_loop3A_481 : i32 to index
      %parallel_loop3A_483 = tpu.vector_load %arg10[%parallel_loop3A_482] {strides = array<i32>} : memref<10240xi32, #tpu.memory_space<vmem>>, vector<16xi32>,
      %parallel_loop3A_484 = vector.shape_cast %parallel_loop3A_483 : vector<16xi32> to vector<16xi32>
      %parallel_loop3A_485 = vector.shape_cast %parallel_loop3A_479 : vector<16xi32> to vector<16xi32>
      tpu.vector_store %arg10[%parallel_loop3A_482], %parallel_loop3A_485 {strides = array<i32>} : memref<10240xi32, #tpu.memory_space<vmem>>, vector<16xi32>,
      %parallel_loop3A_486 = vector.shape_cast %mul3A_58 : vector<16xi32> to vector<16x1xi32>
      %parallel_loop3A_487 = vector.shape_cast %parallel_loop3A_486 : vector<16x1xi32> to vector<16xi32>
      %parallel_loop3A_488 = tpu.dynamic_gather %parallel_loop3A_366[%parallel_loop3A_487] in [0] : vector<16xi32>, vector<16xi32> -> vector<16xi32>
      %parallel_loop3A_489 = vector.shape_cast %and3A_55 : vector<16xi32> to vector<16x1xi32>
      %parallel_loop3A_490 = vector.shape_cast %parallel_loop3A_489 : vector<16x1xi32> to vector<16xi32>
      %parallel_loop3A_491 = tpu.dynamic_gather %parallel_loop3A_361[%parallel_loop3A_490] in [0] : vector<16xi32>, vector<16xi32> -> vector<16xi32>
      %parallel_loop3A_492 = arith.select %eq3A_61, %parallel_loop3A_488, %parallel_loop3A_491 : vector<16xi1>, vector<16xi32>
      %parallel_loop3A_493 = arith.constant 1000 : i32
      %parallel_loop3A_494 = vector.broadcast %parallel_loop3A_493 : i32 to vector<16xi32>
      %parallel_loop3A_495 = arith.muli %parallel_loop3A_361, %parallel_loop3A_494 : vector<16xi32>
      %parallel_loop3A_496 = arith.addi %parallel_loop3A_495, %parallel_loop3A_492 : vector<16xi32>
      %parallel_loop3A_497 = arith.constant 112 : i32
      %parallel_loop3A_498 = arith.addi %parallel_loop3A_320, %parallel_loop3A_497 : i32
      %parallel_loop3A_499 = arith.index_cast %parallel_loop3A_498 : i32 to index
      %parallel_loop3A_500 = tpu.vector_load %arg10[%parallel_loop3A_499] {strides = array<i32>} : memref<10240xi32, #tpu.memory_space<vmem>>, vector<16xi32>,
      %parallel_loop3A_501 = vector.shape_cast %parallel_loop3A_500 : vector<16xi32> to vector<16xi32>
      %parallel_loop3A_502 = vector.shape_cast %parallel_loop3A_496 : vector<16xi32> to vector<16xi32>
      tpu.vector_store %arg10[%parallel_loop3A_499], %parallel_loop3A_502 {strides = array<i32>} : memref<10240xi32, #tpu.memory_space<vmem>>, vector<16xi32>,
      scf.yield %parallel_loop3A_321 : vector<16xf32>
    } {sc.loop_unroll_factor = 2 : i64, sc.parallel_access}
    %dma_wait3A_66 = arith.constant 0 : i32
    %dma_wait3A_67 = tpu.memref_slice %arg6[%dma_wait3A_66] : memref<1000000xf32, #tpu.memory_space<vmem_shared>> -> memref<1000000xf32, #tpu.memory_space<vmem_shared>>
    tpu.wait_indirect_dma semaphore(%arg15 : memref<!tpu.dma_semaphore, #tpu.memory_space<semaphore_mem>>) src(%dma_wait3A_67 : memref<1000000xf32, #tpu.memory_space<vmem_shared>>) dst(%arg11 : memref<10240xf32, #tpu.memory_space<vmem>>)
    %dma_start3A_68 = arith.constant 0 : i32
    %dma_start3A_69 = tpu.memref_slice %arg6[%dma_start3A_68] : memref<1000000xf32, #tpu.memory_space<vmem_shared>> -> memref<1000000xf32, #tpu.memory_space<vmem_shared>>
    tpu.enqueue_indirect_dma source(%dma_start3A_69 : memref<1000000xf32, #tpu.memory_space<vmem_shared>>) target(%arg12 : memref<10240xf32, #tpu.memory_space<vmem>>) offsets(%arg10 : memref<10240xi32, #tpu.memory_space<vmem>>) semaphore(%arg15 : memref<!tpu.dma_semaphore, #tpu.memory_space<semaphore_mem>>)
    %add3A_70 = arith.constant 20480 : i32
    %add3A_71 = arith.addi %mul3A_2, %add3A_70 : i32
    %dma_wait3A_72 = tpu.memref_slice %arg2[%add3A_71] : memref<3276800xi32, #tpu.memory_space<hbm>> -> memref<10256xi32, #tpu.memory_space<hbm>>
    %dma_wait3A_73 = tpu.memref_slice %arg2[%add3A_71] : memref<3276800xi32, #tpu.memory_space<hbm>> -> memref<10256xi32, #tpu.memory_space<hbm>>
    tpu.wait_dma2 semaphore(%arg14 : memref<!tpu.dma_semaphore, #tpu.memory_space<semaphore_mem>>) src(%dma_wait3A_73 : memref<10256xi32, #tpu.memory_space<hbm>>) dst(%arg7 : memref<10256xi32, #tpu.memory_space<vmem>>)
    %add3A_74 = arith.constant 30720 : i32
    %add3A_75 = arith.addi %mul3A_2, %add3A_74 : i32
    %dma_start3A_76 = tpu.memref_slice %arg2[%add3A_75] : memref<3276800xi32, #tpu.memory_space<hbm>> -> memref<10256xi32, #tpu.memory_space<hbm>>
    %dma_start3A_77 = tpu.memref_slice %arg2[%add3A_75] : memref<3276800xi32, #tpu.memory_space<hbm>> -> memref<10256xi32, #tpu.memory_space<hbm>>
    tpu.enqueue_dma source(%dma_start3A_77 : memref<10256xi32, #tpu.memory_space<hbm>>) target(%arg8 : memref<10256xi32, #tpu.memory_space<vmem>>) target_semaphore(%arg14 : memref<!tpu.dma_semaphore, #tpu.memory_space<semaphore_mem>>)
    %iota3A_78 = tpu.iota {dimensions = array<i32: 0>} : vector<16xi32>
    %add3A_79 = arith.constant 1 : i32
    %add3A_80 = vector.broadcast %add3A_79 : i32 to vector<16xi32>
    %add3A_81 = arith.addi %iota3A_78, %add3A_80 : vector<16xi32>
    %and3A_82 = arith.constant 15 : i32
    %and3A_83 = vector.broadcast %and3A_82 : i32 to vector<16xi32>
    %and3A_84 = arith.andi %add3A_81, %and3A_83 : vector<16xi32>
    %mul3A_85 = arith.constant 0 : i32
    %mul3A_86 = vector.broadcast %mul3A_85 : i32 to vector<16xi32>
    %mul3A_87 = arith.muli %iota3A_78, %mul3A_86 : vector<16xi32>
    %eq3A_88 = arith.constant 15 : i32
    %eq3A_89 = vector.broadcast %eq3A_88 : i32 to vector<16xi32>
    %eq3A_90 = arith.cmpi eq, %iota3A_78, %eq3A_89 : vector<16xi32>
    %parallel_loop3A_91 = arith.constant 0 : i32
    %parallel_loop3A_92 = arith.constant 10240 : i32
    %parallel_loop3A_93 = arith.constant 128 : i32
    %parallel_loop3A_94 = scf.for %parallel_loop3A_320 = %parallel_loop3A_91 to %parallel_loop3A_92 step %parallel_loop3A_93 iter_args(%parallel_loop3A_321 = %parallel_loop3A_65) -> (vector<16xf32>)  : i32 {
      %parallel_loop3A_322 = arith.constant 0 : i32
      %parallel_loop3A_323 = arith.addi %parallel_loop3A_320, %parallel_loop3A_322 : i32
      %parallel_loop3A_324 = arith.index_cast %parallel_loop3A_323 : i32 to index
      %parallel_loop3A_325 = tpu.vector_load %arg7[%parallel_loop3A_324] {strides = array<i32>} : memref<10256xi32, #tpu.memory_space<vmem>>, vector<16xi32>,
      %parallel_loop3A_326 = vector.shape_cast %parallel_loop3A_325 : vector<16xi32> to vector<16xi32>
      %parallel_loop3A_327 = arith.constant 16 : i32
      %parallel_loop3A_328 = arith.addi %parallel_loop3A_320, %parallel_loop3A_327 : i32
      %parallel_loop3A_329 = arith.index_cast %parallel_loop3A_328 : i32 to index
      %parallel_loop3A_330 = tpu.vector_load %arg7[%parallel_loop3A_329] {strides = array<i32>} : memref<10256xi32, #tpu.memory_space<vmem>>, vector<16xi32>,
      %parallel_loop3A_331 = vector.shape_cast %parallel_loop3A_330 : vector<16xi32> to vector<16xi32>
      %parallel_loop3A_332 = arith.constant 32 : i32
      %parallel_loop3A_333 = arith.addi %parallel_loop3A_320, %parallel_loop3A_332 : i32
      %parallel_loop3A_334 = arith.index_cast %parallel_loop3A_333 : i32 to index
      %parallel_loop3A_335 = tpu.vector_load %arg7[%parallel_loop3A_334] {strides = array<i32>} : memref<10256xi32, #tpu.memory_space<vmem>>, vector<16xi32>,
      %parallel_loop3A_336 = vector.shape_cast %parallel_loop3A_335 : vector<16xi32> to vector<16xi32>
      %parallel_loop3A_337 = arith.constant 48 : i32
      %parallel_loop3A_338 = arith.addi %parallel_loop3A_320, %parallel_loop3A_337 : i32
      %parallel_loop3A_339 = arith.index_cast %parallel_loop3A_338 : i32 to index
      %parallel_loop3A_340 = tpu.vector_load %arg7[%parallel_loop3A_339] {strides = array<i32>} : memref<10256xi32, #tpu.memory_space<vmem>>, vector<16xi32>,
      %parallel_loop3A_341 = vector.shape_cast %parallel_loop3A_340 : vector<16xi32> to vector<16xi32>
      %parallel_loop3A_342 = arith.constant 64 : i32
      %parallel_loop3A_343 = arith.addi %parallel_loop3A_320, %parallel_loop3A_342 : i32
      %parallel_loop3A_344 = arith.index_cast %parallel_loop3A_343 : i32 to index
      %parallel_loop3A_345 = tpu.vector_load %arg7[%parallel_loop3A_344] {strides = array<i32>} : memref<10256xi32, #tpu.memory_space<vmem>>, vector<16xi32>,
      %parallel_loop3A_346 = vector.shape_cast %parallel_loop3A_345 : vector<16xi32> to vector<16xi32>
      %parallel_loop3A_347 = arith.constant 80 : i32
      %parallel_loop3A_348 = arith.addi %parallel_loop3A_320, %parallel_loop3A_347 : i32
      %parallel_loop3A_349 = arith.index_cast %parallel_loop3A_348 : i32 to index
      %parallel_loop3A_350 = tpu.vector_load %arg7[%parallel_loop3A_349] {strides = array<i32>} : memref<10256xi32, #tpu.memory_space<vmem>>, vector<16xi32>,
      %parallel_loop3A_351 = vector.shape_cast %parallel_loop3A_350 : vector<16xi32> to vector<16xi32>
      %parallel_loop3A_352 = arith.constant 96 : i32
      %parallel_loop3A_353 = arith.addi %parallel_loop3A_320, %parallel_loop3A_352 : i32
      %parallel_loop3A_354 = arith.index_cast %parallel_loop3A_353 : i32 to index
      %parallel_loop3A_355 = tpu.vector_load %arg7[%parallel_loop3A_354] {strides = array<i32>} : memref<10256xi32, #tpu.memory_space<vmem>>, vector<16xi32>,
      %parallel_loop3A_356 = vector.shape_cast %parallel_loop3A_355 : vector<16xi32> to vector<16xi32>
      %parallel_loop3A_357 = arith.constant 112 : i32
      %parallel_loop3A_358 = arith.addi %parallel_loop3A_320, %parallel_loop3A_357 : i32
      %parallel_loop3A_359 = arith.index_cast %parallel_loop3A_358 : i32 to index
      %parallel_loop3A_360 = tpu.vector_load %arg7[%parallel_loop3A_359] {strides = array<i32>} : memref<10256xi32, #tpu.memory_space<vmem>>, vector<16xi32>,
      %parallel_loop3A_361 = vector.shape_cast %parallel_loop3A_360 : vector<16xi32> to vector<16xi32>
      %parallel_loop3A_362 = arith.constant 128 : i32
      %parallel_loop3A_363 = arith.addi %parallel_loop3A_320, %parallel_loop3A_362 : i32
      %parallel_loop3A_364 = arith.index_cast %parallel_loop3A_363 : i32 to index
      %parallel_loop3A_365 = tpu.vector_load %arg7[%parallel_loop3A_364] {strides = array<i32>} : memref<10256xi32, #tpu.memory_space<vmem>>, vector<16xi32>,
      %parallel_loop3A_366 = vector.shape_cast %parallel_loop3A_365 : vector<16xi32> to vector<16xi32>
      %parallel_loop3A_367 = vector.shape_cast %mul3A_87 : vector<16xi32> to vector<16x1xi32>
      %parallel_loop3A_368 = vector.shape_cast %parallel_loop3A_367 : vector<16x1xi32> to vector<16xi32>
      %parallel_loop3A_369 = tpu.dynamic_gather %parallel_loop3A_331[%parallel_loop3A_368] in [0] : vector<16xi32>, vector<16xi32> -> vector<16xi32>
      %parallel_loop3A_370 = vector.shape_cast %and3A_84 : vector<16xi32> to vector<16x1xi32>
      %parallel_loop3A_371 = vector.shape_cast %parallel_loop3A_370 : vector<16x1xi32> to vector<16xi32>
      %parallel_loop3A_372 = tpu.dynamic_gather %parallel_loop3A_326[%parallel_loop3A_371] in [0] : vector<16xi32>, vector<16xi32> -> vector<16xi32>
      %parallel_loop3A_373 = arith.select %eq3A_90, %parallel_loop3A_369, %parallel_loop3A_372 : vector<16xi1>, vector<16xi32>
      %parallel_loop3A_374 = arith.constant 1000 : i32
      %parallel_loop3A_375 = vector.broadcast %parallel_loop3A_374 : i32 to vector<16xi32>
      %parallel_loop3A_376 = arith.muli %parallel_loop3A_326, %parallel_loop3A_375 : vector<16xi32>
      %parallel_loop3A_377 = arith.addi %parallel_loop3A_376, %parallel_loop3A_373 : vector<16xi32>
      %parallel_loop3A_378 = arith.constant 0 : i32
      %parallel_loop3A_379 = arith.addi %parallel_loop3A_320, %parallel_loop3A_378 : i32
      %parallel_loop3A_380 = arith.index_cast %parallel_loop3A_379 : i32 to index
      %parallel_loop3A_381 = tpu.vector_load %arg9[%parallel_loop3A_380] {strides = array<i32>} : memref<10240xi32, #tpu.memory_space<vmem>>, vector<16xi32>,
      %parallel_loop3A_382 = vector.shape_cast %parallel_loop3A_381 : vector<16xi32> to vector<16xi32>
      %parallel_loop3A_383 = vector.shape_cast %parallel_loop3A_377 : vector<16xi32> to vector<16xi32>
      tpu.vector_store %arg9[%parallel_loop3A_380], %parallel_loop3A_383 {strides = array<i32>} : memref<10240xi32, #tpu.memory_space<vmem>>, vector<16xi32>,
      %parallel_loop3A_384 = arith.constant 0 : i32
      %parallel_loop3A_385 = arith.addi %parallel_loop3A_320, %parallel_loop3A_384 : i32
      %parallel_loop3A_386 = arith.index_cast %parallel_loop3A_385 : i32 to index
      %parallel_loop3A_387 = tpu.vector_load %arg11[%parallel_loop3A_386] {strides = array<i32>} : memref<10240xf32, #tpu.memory_space<vmem>>, vector<16xf32>,
      %parallel_loop3A_388 = vector.shape_cast %parallel_loop3A_387 : vector<16xf32> to vector<16xf32>
      %parallel_loop3A_389 = arith.addf %parallel_loop3A_321, %parallel_loop3A_388 : vector<16xf32>
      %parallel_loop3A_390 = vector.shape_cast %mul3A_87 : vector<16xi32> to vector<16x1xi32>
      %parallel_loop3A_391 = vector.shape_cast %parallel_loop3A_390 : vector<16x1xi32> to vector<16xi32>
      %parallel_loop3A_392 = tpu.dynamic_gather %parallel_loop3A_336[%parallel_loop3A_391] in [0] : vector<16xi32>, vector<16xi32> -> vector<16xi32>
      %parallel_loop3A_393 = vector.shape_cast %and3A_84 : vector<16xi32> to vector<16x1xi32>
      %parallel_loop3A_394 = vector.shape_cast %parallel_loop3A_393 : vector<16x1xi32> to vector<16xi32>
      %parallel_loop3A_395 = tpu.dynamic_gather %parallel_loop3A_331[%parallel_loop3A_394] in [0] : vector<16xi32>, vector<16xi32> -> vector<16xi32>
      %parallel_loop3A_396 = arith.select %eq3A_90, %parallel_loop3A_392, %parallel_loop3A_395 : vector<16xi1>, vector<16xi32>
      %parallel_loop3A_397 = arith.constant 1000 : i32
      %parallel_loop3A_398 = vector.broadcast %parallel_loop3A_397 : i32 to vector<16xi32>
      %parallel_loop3A_399 = arith.muli %parallel_loop3A_331, %parallel_loop3A_398 : vector<16xi32>
      %parallel_loop3A_400 = arith.addi %parallel_loop3A_399, %parallel_loop3A_396 : vector<16xi32>
      %parallel_loop3A_401 = arith.constant 16 : i32
      %parallel_loop3A_402 = arith.addi %parallel_loop3A_320, %parallel_loop3A_401 : i32
      %parallel_loop3A_403 = arith.index_cast %parallel_loop3A_402 : i32 to index
      %parallel_loop3A_404 = tpu.vector_load %arg9[%parallel_loop3A_403] {strides = array<i32>} : memref<10240xi32, #tpu.memory_space<vmem>>, vector<16xi32>,
      %parallel_loop3A_405 = vector.shape_cast %parallel_loop3A_404 : vector<16xi32> to vector<16xi32>
      %parallel_loop3A_406 = vector.shape_cast %parallel_loop3A_400 : vector<16xi32> to vector<16xi32>
      tpu.vector_store %arg9[%parallel_loop3A_403], %parallel_loop3A_406 {strides = array<i32>} : memref<10240xi32, #tpu.memory_space<vmem>>, vector<16xi32>,
      %parallel_loop3A_407 = arith.constant 16 : i32
      %parallel_loop3A_408 = arith.addi %parallel_loop3A_320, %parallel_loop3A_407 : i32
      %parallel_loop3A_409 = arith.index_cast %parallel_loop3A_408 : i32 to index
      %parallel_loop3A_410 = tpu.vector_load %arg11[%parallel_loop3A_409] {strides = array<i32>} : memref<10240xf32, #tpu.memory_space<vmem>>, vector<16xf32>,
      %parallel_loop3A_411 = vector.shape_cast %parallel_loop3A_410 : vector<16xf32> to vector<16xf32>
      %parallel_loop3A_412 = arith.addf %parallel_loop3A_389, %parallel_loop3A_411 : vector<16xf32>
      %parallel_loop3A_413 = vector.shape_cast %mul3A_87 : vector<16xi32> to vector<16x1xi32>
      %parallel_loop3A_414 = vector.shape_cast %parallel_loop3A_413 : vector<16x1xi32> to vector<16xi32>
      %parallel_loop3A_415 = tpu.dynamic_gather %parallel_loop3A_341[%parallel_loop3A_414] in [0] : vector<16xi32>, vector<16xi32> -> vector<16xi32>
      %parallel_loop3A_416 = vector.shape_cast %and3A_84 : vector<16xi32> to vector<16x1xi32>
      %parallel_loop3A_417 = vector.shape_cast %parallel_loop3A_416 : vector<16x1xi32> to vector<16xi32>
      %parallel_loop3A_418 = tpu.dynamic_gather %parallel_loop3A_336[%parallel_loop3A_417] in [0] : vector<16xi32>, vector<16xi32> -> vector<16xi32>
      %parallel_loop3A_419 = arith.select %eq3A_90, %parallel_loop3A_415, %parallel_loop3A_418 : vector<16xi1>, vector<16xi32>
      %parallel_loop3A_420 = arith.constant 1000 : i32
      %parallel_loop3A_421 = vector.broadcast %parallel_loop3A_420 : i32 to vector<16xi32>
      %parallel_loop3A_422 = arith.muli %parallel_loop3A_336, %parallel_loop3A_421 : vector<16xi32>
      %parallel_loop3A_423 = arith.addi %parallel_loop3A_422, %parallel_loop3A_419 : vector<16xi32>
      %parallel_loop3A_424 = arith.constant 32 : i32
      %parallel_loop3A_425 = arith.addi %parallel_loop3A_320, %parallel_loop3A_424 : i32
      %parallel_loop3A_426 = arith.index_cast %parallel_loop3A_425 : i32 to index
      %parallel_loop3A_427 = tpu.vector_load %arg9[%parallel_loop3A_426] {strides = array<i32>} : memref<10240xi32, #tpu.memory_space<vmem>>, vector<16xi32>,
      %parallel_loop3A_428 = vector.shape_cast %parallel_loop3A_427 : vector<16xi32> to vector<16xi32>
      %parallel_loop3A_429 = vector.shape_cast %parallel_loop3A_423 : vector<16xi32> to vector<16xi32>
      tpu.vector_store %arg9[%parallel_loop3A_426], %parallel_loop3A_429 {strides = array<i32>} : memref<10240xi32, #tpu.memory_space<vmem>>, vector<16xi32>,
      %parallel_loop3A_430 = arith.constant 32 : i32
      %parallel_loop3A_431 = arith.addi %parallel_loop3A_320, %parallel_loop3A_430 : i32
      %parallel_loop3A_432 = arith.index_cast %parallel_loop3A_431 : i32 to index
      %parallel_loop3A_433 = tpu.vector_load %arg11[%parallel_loop3A_432] {strides = array<i32>} : memref<10240xf32, #tpu.memory_space<vmem>>, vector<16xf32>,
      %parallel_loop3A_434 = vector.shape_cast %parallel_loop3A_433 : vector<16xf32> to vector<16xf32>
      %parallel_loop3A_435 = arith.addf %parallel_loop3A_412, %parallel_loop3A_434 : vector<16xf32>
      %parallel_loop3A_436 = vector.shape_cast %mul3A_87 : vector<16xi32> to vector<16x1xi32>
      %parallel_loop3A_437 = vector.shape_cast %parallel_loop3A_436 : vector<16x1xi32> to vector<16xi32>
      %parallel_loop3A_438 = tpu.dynamic_gather %parallel_loop3A_346[%parallel_loop3A_437] in [0] : vector<16xi32>, vector<16xi32> -> vector<16xi32>
      %parallel_loop3A_439 = vector.shape_cast %and3A_84 : vector<16xi32> to vector<16x1xi32>
      %parallel_loop3A_440 = vector.shape_cast %parallel_loop3A_439 : vector<16x1xi32> to vector<16xi32>
      %parallel_loop3A_441 = tpu.dynamic_gather %parallel_loop3A_341[%parallel_loop3A_440] in [0] : vector<16xi32>, vector<16xi32> -> vector<16xi32>
      %parallel_loop3A_442 = arith.select %eq3A_90, %parallel_loop3A_438, %parallel_loop3A_441 : vector<16xi1>, vector<16xi32>
      %parallel_loop3A_443 = arith.constant 1000 : i32
      %parallel_loop3A_444 = vector.broadcast %parallel_loop3A_443 : i32 to vector<16xi32>
      %parallel_loop3A_445 = arith.muli %parallel_loop3A_341, %parallel_loop3A_444 : vector<16xi32>
      %parallel_loop3A_446 = arith.addi %parallel_loop3A_445, %parallel_loop3A_442 : vector<16xi32>
      %parallel_loop3A_447 = arith.constant 48 : i32
      %parallel_loop3A_448 = arith.addi %parallel_loop3A_320, %parallel_loop3A_447 : i32
      %parallel_loop3A_449 = arith.index_cast %parallel_loop3A_448 : i32 to index
      %parallel_loop3A_450 = tpu.vector_load %arg9[%parallel_loop3A_449] {strides = array<i32>} : memref<10240xi32, #tpu.memory_space<vmem>>, vector<16xi32>,
      %parallel_loop3A_451 = vector.shape_cast %parallel_loop3A_450 : vector<16xi32> to vector<16xi32>
      %parallel_loop3A_452 = vector.shape_cast %parallel_loop3A_446 : vector<16xi32> to vector<16xi32>
      tpu.vector_store %arg9[%parallel_loop3A_449], %parallel_loop3A_452 {strides = array<i32>} : memref<10240xi32, #tpu.memory_space<vmem>>, vector<16xi32>,
      %parallel_loop3A_453 = arith.constant 48 : i32
      %parallel_loop3A_454 = arith.addi %parallel_loop3A_320, %parallel_loop3A_453 : i32
      %parallel_loop3A_455 = arith.index_cast %parallel_loop3A_454 : i32 to index
      %parallel_loop3A_456 = tpu.vector_load %arg11[%parallel_loop3A_455] {strides = array<i32>} : memref<10240xf32, #tpu.memory_space<vmem>>, vector<16xf32>,
      %parallel_loop3A_457 = vector.shape_cast %parallel_loop3A_456 : vector<16xf32> to vector<16xf32>
      %parallel_loop3A_458 = arith.addf %parallel_loop3A_435, %parallel_loop3A_457 : vector<16xf32>
      %parallel_loop3A_459 = vector.shape_cast %mul3A_87 : vector<16xi32> to vector<16x1xi32>
      %parallel_loop3A_460 = vector.shape_cast %parallel_loop3A_459 : vector<16x1xi32> to vector<16xi32>
      %parallel_loop3A_461 = tpu.dynamic_gather %parallel_loop3A_351[%parallel_loop3A_460] in [0] : vector<16xi32>, vector<16xi32> -> vector<16xi32>
      %parallel_loop3A_462 = vector.shape_cast %and3A_84 : vector<16xi32> to vector<16x1xi32>
      %parallel_loop3A_463 = vector.shape_cast %parallel_loop3A_462 : vector<16x1xi32> to vector<16xi32>
      %parallel_loop3A_464 = tpu.dynamic_gather %parallel_loop3A_346[%parallel_loop3A_463] in [0] : vector<16xi32>, vector<16xi32> -> vector<16xi32>
      %parallel_loop3A_465 = arith.select %eq3A_90, %parallel_loop3A_461, %parallel_loop3A_464 : vector<16xi1>, vector<16xi32>
      %parallel_loop3A_466 = arith.constant 1000 : i32
      %parallel_loop3A_467 = vector.broadcast %parallel_loop3A_466 : i32 to vector<16xi32>
      %parallel_loop3A_468 = arith.muli %parallel_loop3A_346, %parallel_loop3A_467 : vector<16xi32>
      %parallel_loop3A_469 = arith.addi %parallel_loop3A_468, %parallel_loop3A_465 : vector<16xi32>
      %parallel_loop3A_470 = arith.constant 64 : i32
      %parallel_loop3A_471 = arith.addi %parallel_loop3A_320, %parallel_loop3A_470 : i32
      %parallel_loop3A_472 = arith.index_cast %parallel_loop3A_471 : i32 to index
      %parallel_loop3A_473 = tpu.vector_load %arg9[%parallel_loop3A_472] {strides = array<i32>} : memref<10240xi32, #tpu.memory_space<vmem>>, vector<16xi32>,
      %parallel_loop3A_474 = vector.shape_cast %parallel_loop3A_473 : vector<16xi32> to vector<16xi32>
      %parallel_loop3A_475 = vector.shape_cast %parallel_loop3A_469 : vector<16xi32> to vector<16xi32>
      tpu.vector_store %arg9[%parallel_loop3A_472], %parallel_loop3A_475 {strides = array<i32>} : memref<10240xi32, #tpu.memory_space<vmem>>, vector<16xi32>,
      %parallel_loop3A_476 = arith.constant 64 : i32
      %parallel_loop3A_477 = arith.addi %parallel_loop3A_320, %parallel_loop3A_476 : i32
      %parallel_loop3A_478 = arith.index_cast %parallel_loop3A_477 : i32 to index
      %parallel_loop3A_479 = tpu.vector_load %arg11[%parallel_loop3A_478] {strides = array<i32>} : memref<10240xf32, #tpu.memory_space<vmem>>, vector<16xf32>,
      %parallel_loop3A_480 = vector.shape_cast %parallel_loop3A_479 : vector<16xf32> to vector<16xf32>
      %parallel_loop3A_481 = arith.addf %parallel_loop3A_458, %parallel_loop3A_480 : vector<16xf32>
      %parallel_loop3A_482 = vector.shape_cast %mul3A_87 : vector<16xi32> to vector<16x1xi32>
      %parallel_loop3A_483 = vector.shape_cast %parallel_loop3A_482 : vector<16x1xi32> to vector<16xi32>
      %parallel_loop3A_484 = tpu.dynamic_gather %parallel_loop3A_356[%parallel_loop3A_483] in [0] : vector<16xi32>, vector<16xi32> -> vector<16xi32>
      %parallel_loop3A_485 = vector.shape_cast %and3A_84 : vector<16xi32> to vector<16x1xi32>
      %parallel_loop3A_486 = vector.shape_cast %parallel_loop3A_485 : vector<16x1xi32> to vector<16xi32>
      %parallel_loop3A_487 = tpu.dynamic_gather %parallel_loop3A_351[%parallel_loop3A_486] in [0] : vector<16xi32>, vector<16xi32> -> vector<16xi32>
      %parallel_loop3A_488 = arith.select %eq3A_90, %parallel_loop3A_484, %parallel_loop3A_487 : vector<16xi1>, vector<16xi32>
      %parallel_loop3A_489 = arith.constant 1000 : i32
      %parallel_loop3A_490 = vector.broadcast %parallel_loop3A_489 : i32 to vector<16xi32>
      %parallel_loop3A_491 = arith.muli %parallel_loop3A_351, %parallel_loop3A_490 : vector<16xi32>
      %parallel_loop3A_492 = arith.addi %parallel_loop3A_491, %parallel_loop3A_488 : vector<16xi32>
      %parallel_loop3A_493 = arith.constant 80 : i32
      %parallel_loop3A_494 = arith.addi %parallel_loop3A_320, %parallel_loop3A_493 : i32
      %parallel_loop3A_495 = arith.index_cast %parallel_loop3A_494 : i32 to index
      %parallel_loop3A_496 = tpu.vector_load %arg9[%parallel_loop3A_495] {strides = array<i32>} : memref<10240xi32, #tpu.memory_space<vmem>>, vector<16xi32>,
      %parallel_loop3A_497 = vector.shape_cast %parallel_loop3A_496 : vector<16xi32> to vector<16xi32>
      %parallel_loop3A_498 = vector.shape_cast %parallel_loop3A_492 : vector<16xi32> to vector<16xi32>
      tpu.vector_store %arg9[%parallel_loop3A_495], %parallel_loop3A_498 {strides = array<i32>} : memref<10240xi32, #tpu.memory_space<vmem>>, vector<16xi32>,
      %parallel_loop3A_499 = arith.constant 80 : i32
      %parallel_loop3A_500 = arith.addi %parallel_loop3A_320, %parallel_loop3A_499 : i32
      %parallel_loop3A_501 = arith.index_cast %parallel_loop3A_500 : i32 to index
      %parallel_loop3A_502 = tpu.vector_load %arg11[%parallel_loop3A_501] {strides = array<i32>} : memref<10240xf32, #tpu.memory_space<vmem>>, vector<16xf32>,
      %parallel_loop3A_503 = vector.shape_cast %parallel_loop3A_502 : vector<16xf32> to vector<16xf32>
      %parallel_loop3A_504 = arith.addf %parallel_loop3A_481, %parallel_loop3A_503 : vector<16xf32>
      %parallel_loop3A_505 = vector.shape_cast %mul3A_87 : vector<16xi32> to vector<16x1xi32>
      %parallel_loop3A_506 = vector.shape_cast %parallel_loop3A_505 : vector<16x1xi32> to vector<16xi32>
      %parallel_loop3A_507 = tpu.dynamic_gather %parallel_loop3A_361[%parallel_loop3A_506] in [0] : vector<16xi32>, vector<16xi32> -> vector<16xi32>
      %parallel_loop3A_508 = vector.shape_cast %and3A_84 : vector<16xi32> to vector<16x1xi32>
      %parallel_loop3A_509 = vector.shape_cast %parallel_loop3A_508 : vector<16x1xi32> to vector<16xi32>
      %parallel_loop3A_510 = tpu.dynamic_gather %parallel_loop3A_356[%parallel_loop3A_509] in [0] : vector<16xi32>, vector<16xi32> -> vector<16xi32>
      %parallel_loop3A_511 = arith.select %eq3A_90, %parallel_loop3A_507, %parallel_loop3A_510 : vector<16xi1>, vector<16xi32>
      %parallel_loop3A_512 = arith.constant 1000 : i32
      %parallel_loop3A_513 = vector.broadcast %parallel_loop3A_512 : i32 to vector<16xi32>
      %parallel_loop3A_514 = arith.muli %parallel_loop3A_356, %parallel_loop3A_513 : vector<16xi32>
      %parallel_loop3A_515 = arith.addi %parallel_loop3A_514, %parallel_loop3A_511 : vector<16xi32>
      %parallel_loop3A_516 = arith.constant 96 : i32
      %parallel_loop3A_517 = arith.addi %parallel_loop3A_320, %parallel_loop3A_516 : i32
      %parallel_loop3A_518 = arith.index_cast %parallel_loop3A_517 : i32 to index
      %parallel_loop3A_519 = tpu.vector_load %arg9[%parallel_loop3A_518] {strides = array<i32>} : memref<10240xi32, #tpu.memory_space<vmem>>, vector<16xi32>,
      %parallel_loop3A_520 = vector.shape_cast %parallel_loop3A_519 : vector<16xi32> to vector<16xi32>
      %parallel_loop3A_521 = vector.shape_cast %parallel_loop3A_515 : vector<16xi32> to vector<16xi32>
      tpu.vector_store %arg9[%parallel_loop3A_518], %parallel_loop3A_521 {strides = array<i32>} : memref<10240xi32, #tpu.memory_space<vmem>>, vector<16xi32>,
      %parallel_loop3A_522 = arith.constant 96 : i32
      %parallel_loop3A_523 = arith.addi %parallel_loop3A_320, %parallel_loop3A_522 : i32
      %parallel_loop3A_524 = arith.index_cast %parallel_loop3A_523 : i32 to index
      %parallel_loop3A_525 = tpu.vector_load %arg11[%parallel_loop3A_524] {strides = array<i32>} : memref<10240xf32, #tpu.memory_space<vmem>>, vector<16xf32>,
      %parallel_loop3A_526 = vector.shape_cast %parallel_loop3A_525 : vector<16xf32> to vector<16xf32>
      %parallel_loop3A_527 = arith.addf %parallel_loop3A_504, %parallel_loop3A_526 : vector<16xf32>
      %parallel_loop3A_528 = vector.shape_cast %mul3A_87 : vector<16xi32> to vector<16x1xi32>
      %parallel_loop3A_529 = vector.shape_cast %parallel_loop3A_528 : vector<16x1xi32> to vector<16xi32>
      %parallel_loop3A_530 = tpu.dynamic_gather %parallel_loop3A_366[%parallel_loop3A_529] in [0] : vector<16xi32>, vector<16xi32> -> vector<16xi32>
      %parallel_loop3A_531 = vector.shape_cast %and3A_84 : vector<16xi32> to vector<16x1xi32>
      %parallel_loop3A_532 = vector.shape_cast %parallel_loop3A_531 : vector<16x1xi32> to vector<16xi32>
      %parallel_loop3A_533 = tpu.dynamic_gather %parallel_loop3A_361[%parallel_loop3A_532] in [0] : vector<16xi32>, vector<16xi32> -> vector<16xi32>
      %parallel_loop3A_534 = arith.select %eq3A_90, %parallel_loop3A_530, %parallel_loop3A_533 : vector<16xi1>, vector<16xi32>
      %parallel_loop3A_535 = arith.constant 1000 : i32
      %parallel_loop3A_536 = vector.broadcast %parallel_loop3A_535 : i32 to vector<16xi32>
      %parallel_loop3A_537 = arith.muli %parallel_loop3A_361, %parallel_loop3A_536 : vector<16xi32>
      %parallel_loop3A_538 = arith.addi %parallel_loop3A_537, %parallel_loop3A_534 : vector<16xi32>
      %parallel_loop3A_539 = arith.constant 112 : i32
      %parallel_loop3A_540 = arith.addi %parallel_loop3A_320, %parallel_loop3A_539 : i32
      %parallel_loop3A_541 = arith.index_cast %parallel_loop3A_540 : i32 to index
      %parallel_loop3A_542 = tpu.vector_load %arg9[%parallel_loop3A_541] {strides = array<i32>} : memref<10240xi32, #tpu.memory_space<vmem>>, vector<16xi32>,
      %parallel_loop3A_543 = vector.shape_cast %parallel_loop3A_542 : vector<16xi32> to vector<16xi32>
      %parallel_loop3A_544 = vector.shape_cast %parallel_loop3A_538 : vector<16xi32> to vector<16xi32>
      tpu.vector_store %arg9[%parallel_loop3A_541], %parallel_loop3A_544 {strides = array<i32>} : memref<10240xi32, #tpu.memory_space<vmem>>, vector<16xi32>,
      %parallel_loop3A_545 = arith.constant 112 : i32
      %parallel_loop3A_546 = arith.addi %parallel_loop3A_320, %parallel_loop3A_545 : i32
      %parallel_loop3A_547 = arith.index_cast %parallel_loop3A_546 : i32 to index
      %parallel_loop3A_548 = tpu.vector_load %arg11[%parallel_loop3A_547] {strides = array<i32>} : memref<10240xf32, #tpu.memory_space<vmem>>, vector<16xf32>,
      %parallel_loop3A_549 = vector.shape_cast %parallel_loop3A_548 : vector<16xf32> to vector<16xf32>
      %parallel_loop3A_550 = arith.addf %parallel_loop3A_527, %parallel_loop3A_549 : vector<16xf32>
      scf.yield %parallel_loop3A_550 : vector<16xf32>
    } {sc.loop_unroll_factor = 2 : i64, sc.parallel_access}
    %dma_wait3A_95 = arith.constant 0 : i32
    %dma_wait3A_96 = tpu.memref_slice %arg6[%dma_wait3A_95] : memref<1000000xf32, #tpu.memory_space<vmem_shared>> -> memref<1000000xf32, #tpu.memory_space<vmem_shared>>
    tpu.wait_indirect_dma semaphore(%arg15 : memref<!tpu.dma_semaphore, #tpu.memory_space<semaphore_mem>>) src(%dma_wait3A_96 : memref<1000000xf32, #tpu.memory_space<vmem_shared>>) dst(%arg12 : memref<10240xf32, #tpu.memory_space<vmem>>)
    %dma_start3A_97 = arith.constant 0 : i32
    %dma_start3A_98 = tpu.memref_slice %arg6[%dma_start3A_97] : memref<1000000xf32, #tpu.memory_space<vmem_shared>> -> memref<1000000xf32, #tpu.memory_space<vmem_shared>>
    tpu.enqueue_indirect_dma source(%dma_start3A_98 : memref<1000000xf32, #tpu.memory_space<vmem_shared>>) target(%arg11 : memref<10240xf32, #tpu.memory_space<vmem>>) offsets(%arg9 : memref<10240xi32, #tpu.memory_space<vmem>>) semaphore(%arg15 : memref<!tpu.dma_semaphore, #tpu.memory_space<semaphore_mem>>)
    %add3A_99 = arith.constant 30720 : i32
    %add3A_100 = arith.addi %mul3A_2, %add3A_99 : i32
    %dma_wait3A_101 = tpu.memref_slice %arg2[%add3A_100] : memref<3276800xi32, #tpu.memory_space<hbm>> -> memref<10256xi32, #tpu.memory_space<hbm>>
    %dma_wait3A_102 = tpu.memref_slice %arg2[%add3A_100] : memref<3276800xi32, #tpu.memory_space<hbm>> -> memref<10256xi32, #tpu.memory_space<hbm>>
    tpu.wait_dma2 semaphore(%arg14 : memref<!tpu.dma_semaphore, #tpu.memory_space<semaphore_mem>>) src(%dma_wait3A_102 : memref<10256xi32, #tpu.memory_space<hbm>>) dst(%arg8 : memref<10256xi32, #tpu.memory_space<vmem>>)
    %add3A_103 = arith.constant 40960 : i32
    %add3A_104 = arith.addi %mul3A_2, %add3A_103 : i32
    %dma_start3A_105 = tpu.memref_slice %arg2[%add3A_104] : memref<3276800xi32, #tpu.memory_space<hbm>> -> memref<10256xi32, #tpu.memory_space<hbm>>
    %dma_start3A_106 = tpu.memref_slice %arg2[%add3A_104] : memref<3276800xi32, #tpu.memory_space<hbm>> -> memref<10256xi32, #tpu.memory_space<hbm>>
    tpu.enqueue_dma source(%dma_start3A_106 : memref<10256xi32, #tpu.memory_space<hbm>>) target(%arg7 : memref<10256xi32, #tpu.memory_space<vmem>>) target_semaphore(%arg14 : memref<!tpu.dma_semaphore, #tpu.memory_space<semaphore_mem>>)
    %iota3A_107 = tpu.iota {dimensions = array<i32: 0>} : vector<16xi32>
    %add3A_108 = arith.constant 1 : i32
    %add3A_109 = vector.broadcast %add3A_108 : i32 to vector<16xi32>
    %add3A_110 = arith.addi %iota3A_107, %add3A_109 : vector<16xi32>
    %and3A_111 = arith.constant 15 : i32
    %and3A_112 = vector.broadcast %and3A_111 : i32 to vector<16xi32>
    %and3A_113 = arith.andi %add3A_110, %and3A_112 : vector<16xi32>
    %mul3A_114 = arith.constant 0 : i32
    %mul3A_115 = vector.broadcast %mul3A_114 : i32 to vector<16xi32>
    %mul3A_116 = arith.muli %iota3A_107, %mul3A_115 : vector<16xi32>
    %eq3A_117 = arith.constant 15 : i32
    %eq3A_118 = vector.broadcast %eq3A_117 : i32 to vector<16xi32>
    %eq3A_119 = arith.cmpi eq, %iota3A_107, %eq3A_118 : vector<16xi32>
    %parallel_loop3A_120 = arith.constant 0 : i32
    %parallel_loop3A_121 = arith.constant 10240 : i32
    %parallel_loop3A_122 = arith.constant 128 : i32
    %parallel_loop3A_123 = scf.for %parallel_loop3A_320 = %parallel_loop3A_120 to %parallel_loop3A_121 step %parallel_loop3A_122 iter_args(%parallel_loop3A_321 = %parallel_loop3A_94) -> (vector<16xf32>)  : i32 {
      %parallel_loop3A_322 = arith.constant 0 : i32
      %parallel_loop3A_323 = arith.addi %parallel_loop3A_320, %parallel_loop3A_322 : i32
      %parallel_loop3A_324 = arith.index_cast %parallel_loop3A_323 : i32 to index
      %parallel_loop3A_325 = tpu.vector_load %arg8[%parallel_loop3A_324] {strides = array<i32>} : memref<10256xi32, #tpu.memory_space<vmem>>, vector<16xi32>,
      %parallel_loop3A_326 = vector.shape_cast %parallel_loop3A_325 : vector<16xi32> to vector<16xi32>
      %parallel_loop3A_327 = arith.constant 16 : i32
      %parallel_loop3A_328 = arith.addi %parallel_loop3A_320, %parallel_loop3A_327 : i32
      %parallel_loop3A_329 = arith.index_cast %parallel_loop3A_328 : i32 to index
      %parallel_loop3A_330 = tpu.vector_load %arg8[%parallel_loop3A_329] {strides = array<i32>} : memref<10256xi32, #tpu.memory_space<vmem>>, vector<16xi32>,
      %parallel_loop3A_331 = vector.shape_cast %parallel_loop3A_330 : vector<16xi32> to vector<16xi32>
      %parallel_loop3A_332 = arith.constant 32 : i32
      %parallel_loop3A_333 = arith.addi %parallel_loop3A_320, %parallel_loop3A_332 : i32
      %parallel_loop3A_334 = arith.index_cast %parallel_loop3A_333 : i32 to index
      %parallel_loop3A_335 = tpu.vector_load %arg8[%parallel_loop3A_334] {strides = array<i32>} : memref<10256xi32, #tpu.memory_space<vmem>>, vector<16xi32>,
      %parallel_loop3A_336 = vector.shape_cast %parallel_loop3A_335 : vector<16xi32> to vector<16xi32>
      %parallel_loop3A_337 = arith.constant 48 : i32
      %parallel_loop3A_338 = arith.addi %parallel_loop3A_320, %parallel_loop3A_337 : i32
      %parallel_loop3A_339 = arith.index_cast %parallel_loop3A_338 : i32 to index
      %parallel_loop3A_340 = tpu.vector_load %arg8[%parallel_loop3A_339] {strides = array<i32>} : memref<10256xi32, #tpu.memory_space<vmem>>, vector<16xi32>,
      %parallel_loop3A_341 = vector.shape_cast %parallel_loop3A_340 : vector<16xi32> to vector<16xi32>
      %parallel_loop3A_342 = arith.constant 64 : i32
      %parallel_loop3A_343 = arith.addi %parallel_loop3A_320, %parallel_loop3A_342 : i32
      %parallel_loop3A_344 = arith.index_cast %parallel_loop3A_343 : i32 to index
      %parallel_loop3A_345 = tpu.vector_load %arg8[%parallel_loop3A_344] {strides = array<i32>} : memref<10256xi32, #tpu.memory_space<vmem>>, vector<16xi32>,
      %parallel_loop3A_346 = vector.shape_cast %parallel_loop3A_345 : vector<16xi32> to vector<16xi32>
      %parallel_loop3A_347 = arith.constant 80 : i32
      %parallel_loop3A_348 = arith.addi %parallel_loop3A_320, %parallel_loop3A_347 : i32
      %parallel_loop3A_349 = arith.index_cast %parallel_loop3A_348 : i32 to index
      %parallel_loop3A_350 = tpu.vector_load %arg8[%parallel_loop3A_349] {strides = array<i32>} : memref<10256xi32, #tpu.memory_space<vmem>>, vector<16xi32>,
      %parallel_loop3A_351 = vector.shape_cast %parallel_loop3A_350 : vector<16xi32> to vector<16xi32>
      %parallel_loop3A_352 = arith.constant 96 : i32
      %parallel_loop3A_353 = arith.addi %parallel_loop3A_320, %parallel_loop3A_352 : i32
      %parallel_loop3A_354 = arith.index_cast %parallel_loop3A_353 : i32 to index
      %parallel_loop3A_355 = tpu.vector_load %arg8[%parallel_loop3A_354] {strides = array<i32>} : memref<10256xi32, #tpu.memory_space<vmem>>, vector<16xi32>,
      %parallel_loop3A_356 = vector.shape_cast %parallel_loop3A_355 : vector<16xi32> to vector<16xi32>
      %parallel_loop3A_357 = arith.constant 112 : i32
      %parallel_loop3A_358 = arith.addi %parallel_loop3A_320, %parallel_loop3A_357 : i32
      %parallel_loop3A_359 = arith.index_cast %parallel_loop3A_358 : i32 to index
      %parallel_loop3A_360 = tpu.vector_load %arg8[%parallel_loop3A_359] {strides = array<i32>} : memref<10256xi32, #tpu.memory_space<vmem>>, vector<16xi32>,
      %parallel_loop3A_361 = vector.shape_cast %parallel_loop3A_360 : vector<16xi32> to vector<16xi32>
      %parallel_loop3A_362 = arith.constant 128 : i32
      %parallel_loop3A_363 = arith.addi %parallel_loop3A_320, %parallel_loop3A_362 : i32
      %parallel_loop3A_364 = arith.index_cast %parallel_loop3A_363 : i32 to index
      %parallel_loop3A_365 = tpu.vector_load %arg8[%parallel_loop3A_364] {strides = array<i32>} : memref<10256xi32, #tpu.memory_space<vmem>>, vector<16xi32>,
      %parallel_loop3A_366 = vector.shape_cast %parallel_loop3A_365 : vector<16xi32> to vector<16xi32>
      %parallel_loop3A_367 = vector.shape_cast %mul3A_116 : vector<16xi32> to vector<16x1xi32>
      %parallel_loop3A_368 = vector.shape_cast %parallel_loop3A_367 : vector<16x1xi32> to vector<16xi32>
      %parallel_loop3A_369 = tpu.dynamic_gather %parallel_loop3A_331[%parallel_loop3A_368] in [0] : vector<16xi32>, vector<16xi32> -> vector<16xi32>
      %parallel_loop3A_370 = vector.shape_cast %and3A_113 : vector<16xi32> to vector<16x1xi32>
      %parallel_loop3A_371 = vector.shape_cast %parallel_loop3A_370 : vector<16x1xi32> to vector<16xi32>
      %parallel_loop3A_372 = tpu.dynamic_gather %parallel_loop3A_326[%parallel_loop3A_371] in [0] : vector<16xi32>, vector<16xi32> -> vector<16xi32>
      %parallel_loop3A_373 = arith.select %eq3A_119, %parallel_loop3A_369, %parallel_loop3A_372 : vector<16xi1>, vector<16xi32>
      %parallel_loop3A_374 = arith.constant 1000 : i32
      %parallel_loop3A_375 = vector.broadcast %parallel_loop3A_374 : i32 to vector<16xi32>
      %parallel_loop3A_376 = arith.muli %parallel_loop3A_326, %parallel_loop3A_375 : vector<16xi32>
      %parallel_loop3A_377 = arith.addi %parallel_loop3A_376, %parallel_loop3A_373 : vector<16xi32>
      %parallel_loop3A_378 = arith.constant 0 : i32
      %parallel_loop3A_379 = arith.addi %parallel_loop3A_320, %parallel_loop3A_378 : i32
      %parallel_loop3A_380 = arith.index_cast %parallel_loop3A_379 : i32 to index
      %parallel_loop3A_381 = tpu.vector_load %arg10[%parallel_loop3A_380] {strides = array<i32>} : memref<10240xi32, #tpu.memory_space<vmem>>, vector<16xi32>,
      %parallel_loop3A_382 = vector.shape_cast %parallel_loop3A_381 : vector<16xi32> to vector<16xi32>
      %parallel_loop3A_383 = vector.shape_cast %parallel_loop3A_377 : vector<16xi32> to vector<16xi32>
      tpu.vector_store %arg10[%parallel_loop3A_380], %parallel_loop3A_383 {strides = array<i32>} : memref<10240xi32, #tpu.memory_space<vmem>>, vector<16xi32>,
      %parallel_loop3A_384 = arith.constant 0 : i32
      %parallel_loop3A_385 = arith.addi %parallel_loop3A_320, %parallel_loop3A_384 : i32
      %parallel_loop3A_386 = arith.index_cast %parallel_loop3A_385 : i32 to index
      %parallel_loop3A_387 = tpu.vector_load %arg12[%parallel_loop3A_386] {strides = array<i32>} : memref<10240xf32, #tpu.memory_space<vmem>>, vector<16xf32>,
      %parallel_loop3A_388 = vector.shape_cast %parallel_loop3A_387 : vector<16xf32> to vector<16xf32>
      %parallel_loop3A_389 = arith.addf %parallel_loop3A_321, %parallel_loop3A_388 : vector<16xf32>
      %parallel_loop3A_390 = vector.shape_cast %mul3A_116 : vector<16xi32> to vector<16x1xi32>
      %parallel_loop3A_391 = vector.shape_cast %parallel_loop3A_390 : vector<16x1xi32> to vector<16xi32>
      %parallel_loop3A_392 = tpu.dynamic_gather %parallel_loop3A_336[%parallel_loop3A_391] in [0] : vector<16xi32>, vector<16xi32> -> vector<16xi32>
      %parallel_loop3A_393 = vector.shape_cast %and3A_113 : vector<16xi32> to vector<16x1xi32>
      %parallel_loop3A_394 = vector.shape_cast %parallel_loop3A_393 : vector<16x1xi32> to vector<16xi32>
      %parallel_loop3A_395 = tpu.dynamic_gather %parallel_loop3A_331[%parallel_loop3A_394] in [0] : vector<16xi32>, vector<16xi32> -> vector<16xi32>
      %parallel_loop3A_396 = arith.select %eq3A_119, %parallel_loop3A_392, %parallel_loop3A_395 : vector<16xi1>, vector<16xi32>
      %parallel_loop3A_397 = arith.constant 1000 : i32
      %parallel_loop3A_398 = vector.broadcast %parallel_loop3A_397 : i32 to vector<16xi32>
      %parallel_loop3A_399 = arith.muli %parallel_loop3A_331, %parallel_loop3A_398 : vector<16xi32>
      %parallel_loop3A_400 = arith.addi %parallel_loop3A_399, %parallel_loop3A_396 : vector<16xi32>
      %parallel_loop3A_401 = arith.constant 16 : i32
      %parallel_loop3A_402 = arith.addi %parallel_loop3A_320, %parallel_loop3A_401 : i32
      %parallel_loop3A_403 = arith.index_cast %parallel_loop3A_402 : i32 to index
      %parallel_loop3A_404 = tpu.vector_load %arg10[%parallel_loop3A_403] {strides = array<i32>} : memref<10240xi32, #tpu.memory_space<vmem>>, vector<16xi32>,
      %parallel_loop3A_405 = vector.shape_cast %parallel_loop3A_404 : vector<16xi32> to vector<16xi32>
      %parallel_loop3A_406 = vector.shape_cast %parallel_loop3A_400 : vector<16xi32> to vector<16xi32>
      tpu.vector_store %arg10[%parallel_loop3A_403], %parallel_loop3A_406 {strides = array<i32>} : memref<10240xi32, #tpu.memory_space<vmem>>, vector<16xi32>,
      %parallel_loop3A_407 = arith.constant 16 : i32
      %parallel_loop3A_408 = arith.addi %parallel_loop3A_320, %parallel_loop3A_407 : i32
      %parallel_loop3A_409 = arith.index_cast %parallel_loop3A_408 : i32 to index
      %parallel_loop3A_410 = tpu.vector_load %arg12[%parallel_loop3A_409] {strides = array<i32>} : memref<10240xf32, #tpu.memory_space<vmem>>, vector<16xf32>,
      %parallel_loop3A_411 = vector.shape_cast %parallel_loop3A_410 : vector<16xf32> to vector<16xf32>
      %parallel_loop3A_412 = arith.addf %parallel_loop3A_389, %parallel_loop3A_411 : vector<16xf32>
      %parallel_loop3A_413 = vector.shape_cast %mul3A_116 : vector<16xi32> to vector<16x1xi32>
      %parallel_loop3A_414 = vector.shape_cast %parallel_loop3A_413 : vector<16x1xi32> to vector<16xi32>
      %parallel_loop3A_415 = tpu.dynamic_gather %parallel_loop3A_341[%parallel_loop3A_414] in [0] : vector<16xi32>, vector<16xi32> -> vector<16xi32>
      %parallel_loop3A_416 = vector.shape_cast %and3A_113 : vector<16xi32> to vector<16x1xi32>
      %parallel_loop3A_417 = vector.shape_cast %parallel_loop3A_416 : vector<16x1xi32> to vector<16xi32>
      %parallel_loop3A_418 = tpu.dynamic_gather %parallel_loop3A_336[%parallel_loop3A_417] in [0] : vector<16xi32>, vector<16xi32> -> vector<16xi32>
      %parallel_loop3A_419 = arith.select %eq3A_119, %parallel_loop3A_415, %parallel_loop3A_418 : vector<16xi1>, vector<16xi32>
      %parallel_loop3A_420 = arith.constant 1000 : i32
      %parallel_loop3A_421 = vector.broadcast %parallel_loop3A_420 : i32 to vector<16xi32>
      %parallel_loop3A_422 = arith.muli %parallel_loop3A_336, %parallel_loop3A_421 : vector<16xi32>
      %parallel_loop3A_423 = arith.addi %parallel_loop3A_422, %parallel_loop3A_419 : vector<16xi32>
      %parallel_loop3A_424 = arith.constant 32 : i32
      %parallel_loop3A_425 = arith.addi %parallel_loop3A_320, %parallel_loop3A_424 : i32
      %parallel_loop3A_426 = arith.index_cast %parallel_loop3A_425 : i32 to index
      %parallel_loop3A_427 = tpu.vector_load %arg10[%parallel_loop3A_426] {strides = array<i32>} : memref<10240xi32, #tpu.memory_space<vmem>>, vector<16xi32>,
      %parallel_loop3A_428 = vector.shape_cast %parallel_loop3A_427 : vector<16xi32> to vector<16xi32>
      %parallel_loop3A_429 = vector.shape_cast %parallel_loop3A_423 : vector<16xi32> to vector<16xi32>
      tpu.vector_store %arg10[%parallel_loop3A_426], %parallel_loop3A_429 {strides = array<i32>} : memref<10240xi32, #tpu.memory_space<vmem>>, vector<16xi32>,
      %parallel_loop3A_430 = arith.constant 32 : i32
      %parallel_loop3A_431 = arith.addi %parallel_loop3A_320, %parallel_loop3A_430 : i32
      %parallel_loop3A_432 = arith.index_cast %parallel_loop3A_431 : i32 to index
      %parallel_loop3A_433 = tpu.vector_load %arg12[%parallel_loop3A_432] {strides = array<i32>} : memref<10240xf32, #tpu.memory_space<vmem>>, vector<16xf32>,
      %parallel_loop3A_434 = vector.shape_cast %parallel_loop3A_433 : vector<16xf32> to vector<16xf32>
      %parallel_loop3A_435 = arith.addf %parallel_loop3A_412, %parallel_loop3A_434 : vector<16xf32>
      %parallel_loop3A_436 = vector.shape_cast %mul3A_116 : vector<16xi32> to vector<16x1xi32>
      %parallel_loop3A_437 = vector.shape_cast %parallel_loop3A_436 : vector<16x1xi32> to vector<16xi32>
      %parallel_loop3A_438 = tpu.dynamic_gather %parallel_loop3A_346[%parallel_loop3A_437] in [0] : vector<16xi32>, vector<16xi32> -> vector<16xi32>
      %parallel_loop3A_439 = vector.shape_cast %and3A_113 : vector<16xi32> to vector<16x1xi32>
      %parallel_loop3A_440 = vector.shape_cast %parallel_loop3A_439 : vector<16x1xi32> to vector<16xi32>
      %parallel_loop3A_441 = tpu.dynamic_gather %parallel_loop3A_341[%parallel_loop3A_440] in [0] : vector<16xi32>, vector<16xi32> -> vector<16xi32>
      %parallel_loop3A_442 = arith.select %eq3A_119, %parallel_loop3A_438, %parallel_loop3A_441 : vector<16xi1>, vector<16xi32>
      %parallel_loop3A_443 = arith.constant 1000 : i32
      %parallel_loop3A_444 = vector.broadcast %parallel_loop3A_443 : i32 to vector<16xi32>
      %parallel_loop3A_445 = arith.muli %parallel_loop3A_341, %parallel_loop3A_444 : vector<16xi32>
      %parallel_loop3A_446 = arith.addi %parallel_loop3A_445, %parallel_loop3A_442 : vector<16xi32>
      %parallel_loop3A_447 = arith.constant 48 : i32
      %parallel_loop3A_448 = arith.addi %parallel_loop3A_320, %parallel_loop3A_447 : i32
      %parallel_loop3A_449 = arith.index_cast %parallel_loop3A_448 : i32 to index
      %parallel_loop3A_450 = tpu.vector_load %arg10[%parallel_loop3A_449] {strides = array<i32>} : memref<10240xi32, #tpu.memory_space<vmem>>, vector<16xi32>,
      %parallel_loop3A_451 = vector.shape_cast %parallel_loop3A_450 : vector<16xi32> to vector<16xi32>
      %parallel_loop3A_452 = vector.shape_cast %parallel_loop3A_446 : vector<16xi32> to vector<16xi32>
      tpu.vector_store %arg10[%parallel_loop3A_449], %parallel_loop3A_452 {strides = array<i32>} : memref<10240xi32, #tpu.memory_space<vmem>>, vector<16xi32>,
      %parallel_loop3A_453 = arith.constant 48 : i32
      %parallel_loop3A_454 = arith.addi %parallel_loop3A_320, %parallel_loop3A_453 : i32
      %parallel_loop3A_455 = arith.index_cast %parallel_loop3A_454 : i32 to index
      %parallel_loop3A_456 = tpu.vector_load %arg12[%parallel_loop3A_455] {strides = array<i32>} : memref<10240xf32, #tpu.memory_space<vmem>>, vector<16xf32>,
      %parallel_loop3A_457 = vector.shape_cast %parallel_loop3A_456 : vector<16xf32> to vector<16xf32>
      %parallel_loop3A_458 = arith.addf %parallel_loop3A_435, %parallel_loop3A_457 : vector<16xf32>
      %parallel_loop3A_459 = vector.shape_cast %mul3A_116 : vector<16xi32> to vector<16x1xi32>
      %parallel_loop3A_460 = vector.shape_cast %parallel_loop3A_459 : vector<16x1xi32> to vector<16xi32>
      %parallel_loop3A_461 = tpu.dynamic_gather %parallel_loop3A_351[%parallel_loop3A_460] in [0] : vector<16xi32>, vector<16xi32> -> vector<16xi32>
      %parallel_loop3A_462 = vector.shape_cast %and3A_113 : vector<16xi32> to vector<16x1xi32>
      %parallel_loop3A_463 = vector.shape_cast %parallel_loop3A_462 : vector<16x1xi32> to vector<16xi32>
      %parallel_loop3A_464 = tpu.dynamic_gather %parallel_loop3A_346[%parallel_loop3A_463] in [0] : vector<16xi32>, vector<16xi32> -> vector<16xi32>
      %parallel_loop3A_465 = arith.select %eq3A_119, %parallel_loop3A_461, %parallel_loop3A_464 : vector<16xi1>, vector<16xi32>
      %parallel_loop3A_466 = arith.constant 1000 : i32
      %parallel_loop3A_467 = vector.broadcast %parallel_loop3A_466 : i32 to vector<16xi32>
      %parallel_loop3A_468 = arith.muli %parallel_loop3A_346, %parallel_loop3A_467 : vector<16xi32>
      %parallel_loop3A_469 = arith.addi %parallel_loop3A_468, %parallel_loop3A_465 : vector<16xi32>
      %parallel_loop3A_470 = arith.constant 64 : i32
      %parallel_loop3A_471 = arith.addi %parallel_loop3A_320, %parallel_loop3A_470 : i32
      %parallel_loop3A_472 = arith.index_cast %parallel_loop3A_471 : i32 to index
      %parallel_loop3A_473 = tpu.vector_load %arg10[%parallel_loop3A_472] {strides = array<i32>} : memref<10240xi32, #tpu.memory_space<vmem>>, vector<16xi32>,
      %parallel_loop3A_474 = vector.shape_cast %parallel_loop3A_473 : vector<16xi32> to vector<16xi32>
      %parallel_loop3A_475 = vector.shape_cast %parallel_loop3A_469 : vector<16xi32> to vector<16xi32>
      tpu.vector_store %arg10[%parallel_loop3A_472], %parallel_loop3A_475 {strides = array<i32>} : memref<10240xi32, #tpu.memory_space<vmem>>, vector<16xi32>,
      %parallel_loop3A_476 = arith.constant 64 : i32
      %parallel_loop3A_477 = arith.addi %parallel_loop3A_320, %parallel_loop3A_476 : i32
      %parallel_loop3A_478 = arith.index_cast %parallel_loop3A_477 : i32 to index
      %parallel_loop3A_479 = tpu.vector_load %arg12[%parallel_loop3A_478] {strides = array<i32>} : memref<10240xf32, #tpu.memory_space<vmem>>, vector<16xf32>,
      %parallel_loop3A_480 = vector.shape_cast %parallel_loop3A_479 : vector<16xf32> to vector<16xf32>
      %parallel_loop3A_481 = arith.addf %parallel_loop3A_458, %parallel_loop3A_480 : vector<16xf32>
      %parallel_loop3A_482 = vector.shape_cast %mul3A_116 : vector<16xi32> to vector<16x1xi32>
      %parallel_loop3A_483 = vector.shape_cast %parallel_loop3A_482 : vector<16x1xi32> to vector<16xi32>
      %parallel_loop3A_484 = tpu.dynamic_gather %parallel_loop3A_356[%parallel_loop3A_483] in [0] : vector<16xi32>, vector<16xi32> -> vector<16xi32>
      %parallel_loop3A_485 = vector.shape_cast %and3A_113 : vector<16xi32> to vector<16x1xi32>
      %parallel_loop3A_486 = vector.shape_cast %parallel_loop3A_485 : vector<16x1xi32> to vector<16xi32>
      %parallel_loop3A_487 = tpu.dynamic_gather %parallel_loop3A_351[%parallel_loop3A_486] in [0] : vector<16xi32>, vector<16xi32> -> vector<16xi32>
      %parallel_loop3A_488 = arith.select %eq3A_119, %parallel_loop3A_484, %parallel_loop3A_487 : vector<16xi1>, vector<16xi32>
      %parallel_loop3A_489 = arith.constant 1000 : i32
      %parallel_loop3A_490 = vector.broadcast %parallel_loop3A_489 : i32 to vector<16xi32>
      %parallel_loop3A_491 = arith.muli %parallel_loop3A_351, %parallel_loop3A_490 : vector<16xi32>
      %parallel_loop3A_492 = arith.addi %parallel_loop3A_491, %parallel_loop3A_488 : vector<16xi32>
      %parallel_loop3A_493 = arith.constant 80 : i32
      %parallel_loop3A_494 = arith.addi %parallel_loop3A_320, %parallel_loop3A_493 : i32
      %parallel_loop3A_495 = arith.index_cast %parallel_loop3A_494 : i32 to index
      %parallel_loop3A_496 = tpu.vector_load %arg10[%parallel_loop3A_495] {strides = array<i32>} : memref<10240xi32, #tpu.memory_space<vmem>>, vector<16xi32>,
      %parallel_loop3A_497 = vector.shape_cast %parallel_loop3A_496 : vector<16xi32> to vector<16xi32>
      %parallel_loop3A_498 = vector.shape_cast %parallel_loop3A_492 : vector<16xi32> to vector<16xi32>
      tpu.vector_store %arg10[%parallel_loop3A_495], %parallel_loop3A_498 {strides = array<i32>} : memref<10240xi32, #tpu.memory_space<vmem>>, vector<16xi32>,
      %parallel_loop3A_499 = arith.constant 80 : i32
      %parallel_loop3A_500 = arith.addi %parallel_loop3A_320, %parallel_loop3A_499 : i32
      %parallel_loop3A_501 = arith.index_cast %parallel_loop3A_500 : i32 to index
      %parallel_loop3A_502 = tpu.vector_load %arg12[%parallel_loop3A_501] {strides = array<i32>} : memref<10240xf32, #tpu.memory_space<vmem>>, vector<16xf32>,
      %parallel_loop3A_503 = vector.shape_cast %parallel_loop3A_502 : vector<16xf32> to vector<16xf32>
      %parallel_loop3A_504 = arith.addf %parallel_loop3A_481, %parallel_loop3A_503 : vector<16xf32>
      %parallel_loop3A_505 = vector.shape_cast %mul3A_116 : vector<16xi32> to vector<16x1xi32>
      %parallel_loop3A_506 = vector.shape_cast %parallel_loop3A_505 : vector<16x1xi32> to vector<16xi32>
      %parallel_loop3A_507 = tpu.dynamic_gather %parallel_loop3A_361[%parallel_loop3A_506] in [0] : vector<16xi32>, vector<16xi32> -> vector<16xi32>
      %parallel_loop3A_508 = vector.shape_cast %and3A_113 : vector<16xi32> to vector<16x1xi32>
      %parallel_loop3A_509 = vector.shape_cast %parallel_loop3A_508 : vector<16x1xi32> to vector<16xi32>
      %parallel_loop3A_510 = tpu.dynamic_gather %parallel_loop3A_356[%parallel_loop3A_509] in [0] : vector<16xi32>, vector<16xi32> -> vector<16xi32>
      %parallel_loop3A_511 = arith.select %eq3A_119, %parallel_loop3A_507, %parallel_loop3A_510 : vector<16xi1>, vector<16xi32>
      %parallel_loop3A_512 = arith.constant 1000 : i32
      %parallel_loop3A_513 = vector.broadcast %parallel_loop3A_512 : i32 to vector<16xi32>
      %parallel_loop3A_514 = arith.muli %parallel_loop3A_356, %parallel_loop3A_513 : vector<16xi32>
      %parallel_loop3A_515 = arith.addi %parallel_loop3A_514, %parallel_loop3A_511 : vector<16xi32>
      %parallel_loop3A_516 = arith.constant 96 : i32
      %parallel_loop3A_517 = arith.addi %parallel_loop3A_320, %parallel_loop3A_516 : i32
      %parallel_loop3A_518 = arith.index_cast %parallel_loop3A_517 : i32 to index
      %parallel_loop3A_519 = tpu.vector_load %arg10[%parallel_loop3A_518] {strides = array<i32>} : memref<10240xi32, #tpu.memory_space<vmem>>, vector<16xi32>,
      %parallel_loop3A_520 = vector.shape_cast %parallel_loop3A_519 : vector<16xi32> to vector<16xi32>
      %parallel_loop3A_521 = vector.shape_cast %parallel_loop3A_515 : vector<16xi32> to vector<16xi32>
      tpu.vector_store %arg10[%parallel_loop3A_518], %parallel_loop3A_521 {strides = array<i32>} : memref<10240xi32, #tpu.memory_space<vmem>>, vector<16xi32>,
      %parallel_loop3A_522 = arith.constant 96 : i32
      %parallel_loop3A_523 = arith.addi %parallel_loop3A_320, %parallel_loop3A_522 : i32
      %parallel_loop3A_524 = arith.index_cast %parallel_loop3A_523 : i32 to index
      %parallel_loop3A_525 = tpu.vector_load %arg12[%parallel_loop3A_524] {strides = array<i32>} : memref<10240xf32, #tpu.memory_space<vmem>>, vector<16xf32>,
      %parallel_loop3A_526 = vector.shape_cast %parallel_loop3A_525 : vector<16xf32> to vector<16xf32>
      %parallel_loop3A_527 = arith.addf %parallel_loop3A_504, %parallel_loop3A_526 : vector<16xf32>
      %parallel_loop3A_528 = vector.shape_cast %mul3A_116 : vector<16xi32> to vector<16x1xi32>
      %parallel_loop3A_529 = vector.shape_cast %parallel_loop3A_528 : vector<16x1xi32> to vector<16xi32>
      %parallel_loop3A_530 = tpu.dynamic_gather %parallel_loop3A_366[%parallel_loop3A_529] in [0] : vector<16xi32>, vector<16xi32> -> vector<16xi32>
      %parallel_loop3A_531 = vector.shape_cast %and3A_113 : vector<16xi32> to vector<16x1xi32>
      %parallel_loop3A_532 = vector.shape_cast %parallel_loop3A_531 : vector<16x1xi32> to vector<16xi32>
      %parallel_loop3A_533 = tpu.dynamic_gather %parallel_loop3A_361[%parallel_loop3A_532] in [0] : vector<16xi32>, vector<16xi32> -> vector<16xi32>
      %parallel_loop3A_534 = arith.select %eq3A_119, %parallel_loop3A_530, %parallel_loop3A_533 : vector<16xi1>, vector<16xi32>
      %parallel_loop3A_535 = arith.constant 1000 : i32
      %parallel_loop3A_536 = vector.broadcast %parallel_loop3A_535 : i32 to vector<16xi32>
      %parallel_loop3A_537 = arith.muli %parallel_loop3A_361, %parallel_loop3A_536 : vector<16xi32>
      %parallel_loop3A_538 = arith.addi %parallel_loop3A_537, %parallel_loop3A_534 : vector<16xi32>
      %parallel_loop3A_539 = arith.constant 112 : i32
      %parallel_loop3A_540 = arith.addi %parallel_loop3A_320, %parallel_loop3A_539 : i32
      %parallel_loop3A_541 = arith.index_cast %parallel_loop3A_540 : i32 to index
      %parallel_loop3A_542 = tpu.vector_load %arg10[%parallel_loop3A_541] {strides = array<i32>} : memref<10240xi32, #tpu.memory_space<vmem>>, vector<16xi32>,
      %parallel_loop3A_543 = vector.shape_cast %parallel_loop3A_542 : vector<16xi32> to vector<16xi32>
      %parallel_loop3A_544 = vector.shape_cast %parallel_loop3A_538 : vector<16xi32> to vector<16xi32>
      tpu.vector_store %arg10[%parallel_loop3A_541], %parallel_loop3A_544 {strides = array<i32>} : memref<10240xi32, #tpu.memory_space<vmem>>, vector<16xi32>,
      %parallel_loop3A_545 = arith.constant 112 : i32
      %parallel_loop3A_546 = arith.addi %parallel_loop3A_320, %parallel_loop3A_545 : i32
      %parallel_loop3A_547 = arith.index_cast %parallel_loop3A_546 : i32 to index
      %parallel_loop3A_548 = tpu.vector_load %arg12[%parallel_loop3A_547] {strides = array<i32>} : memref<10240xf32, #tpu.memory_space<vmem>>, vector<16xf32>,
      %parallel_loop3A_549 = vector.shape_cast %parallel_loop3A_548 : vector<16xf32> to vector<16xf32>
      %parallel_loop3A_550 = arith.addf %parallel_loop3A_527, %parallel_loop3A_549 : vector<16xf32>
      scf.yield %parallel_loop3A_550 : vector<16xf32>
    } {sc.loop_unroll_factor = 2 : i64, sc.parallel_access}
    %dma_wait3A_124 = arith.constant 0 : i32
    %dma_wait3A_125 = tpu.memref_slice %arg6[%dma_wait3A_124] : memref<1000000xf32, #tpu.memory_space<vmem_shared>> -> memref<1000000xf32, #tpu.memory_space<vmem_shared>>
    tpu.wait_indirect_dma semaphore(%arg15 : memref<!tpu.dma_semaphore, #tpu.memory_space<semaphore_mem>>) src(%dma_wait3A_125 : memref<1000000xf32, #tpu.memory_space<vmem_shared>>) dst(%arg11 : memref<10240xf32, #tpu.memory_space<vmem>>)
    %dma_start3A_126 = arith.constant 0 : i32
    %dma_start3A_127 = tpu.memref_slice %arg6[%dma_start3A_126] : memref<1000000xf32, #tpu.memory_space<vmem_shared>> -> memref<1000000xf32, #tpu.memory_space<vmem_shared>>
    tpu.enqueue_indirect_dma source(%dma_start3A_127 : memref<1000000xf32, #tpu.memory_space<vmem_shared>>) target(%arg12 : memref<10240xf32, #tpu.memory_space<vmem>>) offsets(%arg10 : memref<10240xi32, #tpu.memory_space<vmem>>) semaphore(%arg15 : memref<!tpu.dma_semaphore, #tpu.memory_space<semaphore_mem>>)
    %add3A_128 = arith.constant 40960 : i32
    %add3A_129 = arith.addi %mul3A_2, %add3A_128 : i32
    %dma_wait3A_130 = tpu.memref_slice %arg2[%add3A_129] : memref<3276800xi32, #tpu.memory_space<hbm>> -> memref<10256xi32, #tpu.memory_space<hbm>>
    %dma_wait3A_131 = tpu.memref_slice %arg2[%add3A_129] : memref<3276800xi32, #tpu.memory_space<hbm>> -> memref<10256xi32, #tpu.memory_space<hbm>>
    tpu.wait_dma2 semaphore(%arg14 : memref<!tpu.dma_semaphore, #tpu.memory_space<semaphore_mem>>) src(%dma_wait3A_131 : memref<10256xi32, #tpu.memory_space<hbm>>) dst(%arg7 : memref<10256xi32, #tpu.memory_space<vmem>>)
    %add3A_132 = arith.constant 51200 : i32
    %add3A_133 = arith.addi %mul3A_2, %add3A_132 : i32
    %dma_start3A_134 = tpu.memref_slice %arg2[%add3A_133] : memref<3276800xi32, #tpu.memory_space<hbm>> -> memref<10256xi32, #tpu.memory_space<hbm>>
    %dma_start3A_135 = tpu.memref_slice %arg2[%add3A_133] : memref<3276800xi32, #tpu.memory_space<hbm>> -> memref<10256xi32, #tpu.memory_space<hbm>>
    tpu.enqueue_dma source(%dma_start3A_135 : memref<10256xi32, #tpu.memory_space<hbm>>) target(%arg8 : memref<10256xi32, #tpu.memory_space<vmem>>) target_semaphore(%arg14 : memref<!tpu.dma_semaphore, #tpu.memory_space<semaphore_mem>>)
    %iota3A_136 = tpu.iota {dimensions = array<i32: 0>} : vector<16xi32>
    %add3A_137 = arith.constant 1 : i32
    %add3A_138 = vector.broadcast %add3A_137 : i32 to vector<16xi32>
    %add3A_139 = arith.addi %iota3A_136, %add3A_138 : vector<16xi32>
    %and3A_140 = arith.constant 15 : i32
    %and3A_141 = vector.broadcast %and3A_140 : i32 to vector<16xi32>
    %and3A_142 = arith.andi %add3A_139, %and3A_141 : vector<16xi32>
    %mul3A_143 = arith.constant 0 : i32
    %mul3A_144 = vector.broadcast %mul3A_143 : i32 to vector<16xi32>
    %mul3A_145 = arith.muli %iota3A_136, %mul3A_144 : vector<16xi32>
    %eq3A_146 = arith.constant 15 : i32
    %eq3A_147 = vector.broadcast %eq3A_146 : i32 to vector<16xi32>
    %eq3A_148 = arith.cmpi eq, %iota3A_136, %eq3A_147 : vector<16xi32>
    %parallel_loop3A_149 = arith.constant 0 : i32
    %parallel_loop3A_150 = arith.constant 10240 : i32
    %parallel_loop3A_151 = arith.constant 128 : i32
    %parallel_loop3A_152 = scf.for %parallel_loop3A_320 = %parallel_loop3A_149 to %parallel_loop3A_150 step %parallel_loop3A_151 iter_args(%parallel_loop3A_321 = %parallel_loop3A_123) -> (vector<16xf32>)  : i32 {
      %parallel_loop3A_322 = arith.constant 0 : i32
      %parallel_loop3A_323 = arith.addi %parallel_loop3A_320, %parallel_loop3A_322 : i32
      %parallel_loop3A_324 = arith.index_cast %parallel_loop3A_323 : i32 to index
      %parallel_loop3A_325 = tpu.vector_load %arg7[%parallel_loop3A_324] {strides = array<i32>} : memref<10256xi32, #tpu.memory_space<vmem>>, vector<16xi32>,
      %parallel_loop3A_326 = vector.shape_cast %parallel_loop3A_325 : vector<16xi32> to vector<16xi32>
      %parallel_loop3A_327 = arith.constant 16 : i32
      %parallel_loop3A_328 = arith.addi %parallel_loop3A_320, %parallel_loop3A_327 : i32
      %parallel_loop3A_329 = arith.index_cast %parallel_loop3A_328 : i32 to index
      %parallel_loop3A_330 = tpu.vector_load %arg7[%parallel_loop3A_329] {strides = array<i32>} : memref<10256xi32, #tpu.memory_space<vmem>>, vector<16xi32>,
      %parallel_loop3A_331 = vector.shape_cast %parallel_loop3A_330 : vector<16xi32> to vector<16xi32>
      %parallel_loop3A_332 = arith.constant 32 : i32
      %parallel_loop3A_333 = arith.addi %parallel_loop3A_320, %parallel_loop3A_332 : i32
      %parallel_loop3A_334 = arith.index_cast %parallel_loop3A_333 : i32 to index
      %parallel_loop3A_335 = tpu.vector_load %arg7[%parallel_loop3A_334] {strides = array<i32>} : memref<10256xi32, #tpu.memory_space<vmem>>, vector<16xi32>,
      %parallel_loop3A_336 = vector.shape_cast %parallel_loop3A_335 : vector<16xi32> to vector<16xi32>
      %parallel_loop3A_337 = arith.constant 48 : i32
      %parallel_loop3A_338 = arith.addi %parallel_loop3A_320, %parallel_loop3A_337 : i32
      %parallel_loop3A_339 = arith.index_cast %parallel_loop3A_338 : i32 to index
      %parallel_loop3A_340 = tpu.vector_load %arg7[%parallel_loop3A_339] {strides = array<i32>} : memref<10256xi32, #tpu.memory_space<vmem>>, vector<16xi32>,
      %parallel_loop3A_341 = vector.shape_cast %parallel_loop3A_340 : vector<16xi32> to vector<16xi32>
      %parallel_loop3A_342 = arith.constant 64 : i32
      %parallel_loop3A_343 = arith.addi %parallel_loop3A_320, %parallel_loop3A_342 : i32
      %parallel_loop3A_344 = arith.index_cast %parallel_loop3A_343 : i32 to index
      %parallel_loop3A_345 = tpu.vector_load %arg7[%parallel_loop3A_344] {strides = array<i32>} : memref<10256xi32, #tpu.memory_space<vmem>>, vector<16xi32>,
      %parallel_loop3A_346 = vector.shape_cast %parallel_loop3A_345 : vector<16xi32> to vector<16xi32>
      %parallel_loop3A_347 = arith.constant 80 : i32
      %parallel_loop3A_348 = arith.addi %parallel_loop3A_320, %parallel_loop3A_347 : i32
      %parallel_loop3A_349 = arith.index_cast %parallel_loop3A_348 : i32 to index
      %parallel_loop3A_350 = tpu.vector_load %arg7[%parallel_loop3A_349] {strides = array<i32>} : memref<10256xi32, #tpu.memory_space<vmem>>, vector<16xi32>,
      %parallel_loop3A_351 = vector.shape_cast %parallel_loop3A_350 : vector<16xi32> to vector<16xi32>
      %parallel_loop3A_352 = arith.constant 96 : i32
      %parallel_loop3A_353 = arith.addi %parallel_loop3A_320, %parallel_loop3A_352 : i32
      %parallel_loop3A_354 = arith.index_cast %parallel_loop3A_353 : i32 to index
      %parallel_loop3A_355 = tpu.vector_load %arg7[%parallel_loop3A_354] {strides = array<i32>} : memref<10256xi32, #tpu.memory_space<vmem>>, vector<16xi32>,
      %parallel_loop3A_356 = vector.shape_cast %parallel_loop3A_355 : vector<16xi32> to vector<16xi32>
      %parallel_loop3A_357 = arith.constant 112 : i32
      %parallel_loop3A_358 = arith.addi %parallel_loop3A_320, %parallel_loop3A_357 : i32
      %parallel_loop3A_359 = arith.index_cast %parallel_loop3A_358 : i32 to index
      %parallel_loop3A_360 = tpu.vector_load %arg7[%parallel_loop3A_359] {strides = array<i32>} : memref<10256xi32, #tpu.memory_space<vmem>>, vector<16xi32>,
      %parallel_loop3A_361 = vector.shape_cast %parallel_loop3A_360 : vector<16xi32> to vector<16xi32>
      %parallel_loop3A_362 = arith.constant 128 : i32
      %parallel_loop3A_363 = arith.addi %parallel_loop3A_320, %parallel_loop3A_362 : i32
      %parallel_loop3A_364 = arith.index_cast %parallel_loop3A_363 : i32 to index
      %parallel_loop3A_365 = tpu.vector_load %arg7[%parallel_loop3A_364] {strides = array<i32>} : memref<10256xi32, #tpu.memory_space<vmem>>, vector<16xi32>,
      %parallel_loop3A_366 = vector.shape_cast %parallel_loop3A_365 : vector<16xi32> to vector<16xi32>
      %parallel_loop3A_367 = vector.shape_cast %mul3A_145 : vector<16xi32> to vector<16x1xi32>
      %parallel_loop3A_368 = vector.shape_cast %parallel_loop3A_367 : vector<16x1xi32> to vector<16xi32>
      %parallel_loop3A_369 = tpu.dynamic_gather %parallel_loop3A_331[%parallel_loop3A_368] in [0] : vector<16xi32>, vector<16xi32> -> vector<16xi32>
      %parallel_loop3A_370 = vector.shape_cast %and3A_142 : vector<16xi32> to vector<16x1xi32>
      %parallel_loop3A_371 = vector.shape_cast %parallel_loop3A_370 : vector<16x1xi32> to vector<16xi32>
      %parallel_loop3A_372 = tpu.dynamic_gather %parallel_loop3A_326[%parallel_loop3A_371] in [0] : vector<16xi32>, vector<16xi32> -> vector<16xi32>
      %parallel_loop3A_373 = arith.select %eq3A_148, %parallel_loop3A_369, %parallel_loop3A_372 : vector<16xi1>, vector<16xi32>
      %parallel_loop3A_374 = arith.constant 1000 : i32
      %parallel_loop3A_375 = vector.broadcast %parallel_loop3A_374 : i32 to vector<16xi32>
      %parallel_loop3A_376 = arith.muli %parallel_loop3A_326, %parallel_loop3A_375 : vector<16xi32>
      %parallel_loop3A_377 = arith.addi %parallel_loop3A_376, %parallel_loop3A_373 : vector<16xi32>
      %parallel_loop3A_378 = arith.constant 0 : i32
      %parallel_loop3A_379 = arith.addi %parallel_loop3A_320, %parallel_loop3A_378 : i32
      %parallel_loop3A_380 = arith.index_cast %parallel_loop3A_379 : i32 to index
      %parallel_loop3A_381 = tpu.vector_load %arg9[%parallel_loop3A_380] {strides = array<i32>} : memref<10240xi32, #tpu.memory_space<vmem>>, vector<16xi32>,
      %parallel_loop3A_382 = vector.shape_cast %parallel_loop3A_381 : vector<16xi32> to vector<16xi32>
      %parallel_loop3A_383 = vector.shape_cast %parallel_loop3A_377 : vector<16xi32> to vector<16xi32>
      tpu.vector_store %arg9[%parallel_loop3A_380], %parallel_loop3A_383 {strides = array<i32>} : memref<10240xi32, #tpu.memory_space<vmem>>, vector<16xi32>,
      %parallel_loop3A_384 = arith.constant 0 : i32
      %parallel_loop3A_385 = arith.addi %parallel_loop3A_320, %parallel_loop3A_384 : i32
      %parallel_loop3A_386 = arith.index_cast %parallel_loop3A_385 : i32 to index
      %parallel_loop3A_387 = tpu.vector_load %arg11[%parallel_loop3A_386] {strides = array<i32>} : memref<10240xf32, #tpu.memory_space<vmem>>, vector<16xf32>,
      %parallel_loop3A_388 = vector.shape_cast %parallel_loop3A_387 : vector<16xf32> to vector<16xf32>
      %parallel_loop3A_389 = arith.addf %parallel_loop3A_321, %parallel_loop3A_388 : vector<16xf32>
      %parallel_loop3A_390 = vector.shape_cast %mul3A_145 : vector<16xi32> to vector<16x1xi32>
      %parallel_loop3A_391 = vector.shape_cast %parallel_loop3A_390 : vector<16x1xi32> to vector<16xi32>
      %parallel_loop3A_392 = tpu.dynamic_gather %parallel_loop3A_336[%parallel_loop3A_391] in [0] : vector<16xi32>, vector<16xi32> -> vector<16xi32>
      %parallel_loop3A_393 = vector.shape_cast %and3A_142 : vector<16xi32> to vector<16x1xi32>
      %parallel_loop3A_394 = vector.shape_cast %parallel_loop3A_393 : vector<16x1xi32> to vector<16xi32>
      %parallel_loop3A_395 = tpu.dynamic_gather %parallel_loop3A_331[%parallel_loop3A_394] in [0] : vector<16xi32>, vector<16xi32> -> vector<16xi32>
      %parallel_loop3A_396 = arith.select %eq3A_148, %parallel_loop3A_392, %parallel_loop3A_395 : vector<16xi1>, vector<16xi32>
      %parallel_loop3A_397 = arith.constant 1000 : i32
      %parallel_loop3A_398 = vector.broadcast %parallel_loop3A_397 : i32 to vector<16xi32>
      %parallel_loop3A_399 = arith.muli %parallel_loop3A_331, %parallel_loop3A_398 : vector<16xi32>
      %parallel_loop3A_400 = arith.addi %parallel_loop3A_399, %parallel_loop3A_396 : vector<16xi32>
      %parallel_loop3A_401 = arith.constant 16 : i32
      %parallel_loop3A_402 = arith.addi %parallel_loop3A_320, %parallel_loop3A_401 : i32
      %parallel_loop3A_403 = arith.index_cast %parallel_loop3A_402 : i32 to index
      %parallel_loop3A_404 = tpu.vector_load %arg9[%parallel_loop3A_403] {strides = array<i32>} : memref<10240xi32, #tpu.memory_space<vmem>>, vector<16xi32>,
      %parallel_loop3A_405 = vector.shape_cast %parallel_loop3A_404 : vector<16xi32> to vector<16xi32>
      %parallel_loop3A_406 = vector.shape_cast %parallel_loop3A_400 : vector<16xi32> to vector<16xi32>
      tpu.vector_store %arg9[%parallel_loop3A_403], %parallel_loop3A_406 {strides = array<i32>} : memref<10240xi32, #tpu.memory_space<vmem>>, vector<16xi32>,
      %parallel_loop3A_407 = arith.constant 16 : i32
      %parallel_loop3A_408 = arith.addi %parallel_loop3A_320, %parallel_loop3A_407 : i32
      %parallel_loop3A_409 = arith.index_cast %parallel_loop3A_408 : i32 to index
      %parallel_loop3A_410 = tpu.vector_load %arg11[%parallel_loop3A_409] {strides = array<i32>} : memref<10240xf32, #tpu.memory_space<vmem>>, vector<16xf32>,
      %parallel_loop3A_411 = vector.shape_cast %parallel_loop3A_410 : vector<16xf32> to vector<16xf32>
      %parallel_loop3A_412 = arith.addf %parallel_loop3A_389, %parallel_loop3A_411 : vector<16xf32>
      %parallel_loop3A_413 = vector.shape_cast %mul3A_145 : vector<16xi32> to vector<16x1xi32>
      %parallel_loop3A_414 = vector.shape_cast %parallel_loop3A_413 : vector<16x1xi32> to vector<16xi32>
      %parallel_loop3A_415 = tpu.dynamic_gather %parallel_loop3A_341[%parallel_loop3A_414] in [0] : vector<16xi32>, vector<16xi32> -> vector<16xi32>
      %parallel_loop3A_416 = vector.shape_cast %and3A_142 : vector<16xi32> to vector<16x1xi32>
      %parallel_loop3A_417 = vector.shape_cast %parallel_loop3A_416 : vector<16x1xi32> to vector<16xi32>
      %parallel_loop3A_418 = tpu.dynamic_gather %parallel_loop3A_336[%parallel_loop3A_417] in [0] : vector<16xi32>, vector<16xi32> -> vector<16xi32>
      %parallel_loop3A_419 = arith.select %eq3A_148, %parallel_loop3A_415, %parallel_loop3A_418 : vector<16xi1>, vector<16xi32>
      %parallel_loop3A_420 = arith.constant 1000 : i32
      %parallel_loop3A_421 = vector.broadcast %parallel_loop3A_420 : i32 to vector<16xi32>
      %parallel_loop3A_422 = arith.muli %parallel_loop3A_336, %parallel_loop3A_421 : vector<16xi32>
      %parallel_loop3A_423 = arith.addi %parallel_loop3A_422, %parallel_loop3A_419 : vector<16xi32>
      %parallel_loop3A_424 = arith.constant 32 : i32
      %parallel_loop3A_425 = arith.addi %parallel_loop3A_320, %parallel_loop3A_424 : i32
      %parallel_loop3A_426 = arith.index_cast %parallel_loop3A_425 : i32 to index
      %parallel_loop3A_427 = tpu.vector_load %arg9[%parallel_loop3A_426] {strides = array<i32>} : memref<10240xi32, #tpu.memory_space<vmem>>, vector<16xi32>,
      %parallel_loop3A_428 = vector.shape_cast %parallel_loop3A_427 : vector<16xi32> to vector<16xi32>
      %parallel_loop3A_429 = vector.shape_cast %parallel_loop3A_423 : vector<16xi32> to vector<16xi32>
      tpu.vector_store %arg9[%parallel_loop3A_426], %parallel_loop3A_429 {strides = array<i32>} : memref<10240xi32, #tpu.memory_space<vmem>>, vector<16xi32>,
      %parallel_loop3A_430 = arith.constant 32 : i32
      %parallel_loop3A_431 = arith.addi %parallel_loop3A_320, %parallel_loop3A_430 : i32
      %parallel_loop3A_432 = arith.index_cast %parallel_loop3A_431 : i32 to index
      %parallel_loop3A_433 = tpu.vector_load %arg11[%parallel_loop3A_432] {strides = array<i32>} : memref<10240xf32, #tpu.memory_space<vmem>>, vector<16xf32>,
      %parallel_loop3A_434 = vector.shape_cast %parallel_loop3A_433 : vector<16xf32> to vector<16xf32>
      %parallel_loop3A_435 = arith.addf %parallel_loop3A_412, %parallel_loop3A_434 : vector<16xf32>
      %parallel_loop3A_436 = vector.shape_cast %mul3A_145 : vector<16xi32> to vector<16x1xi32>
      %parallel_loop3A_437 = vector.shape_cast %parallel_loop3A_436 : vector<16x1xi32> to vector<16xi32>
      %parallel_loop3A_438 = tpu.dynamic_gather %parallel_loop3A_346[%parallel_loop3A_437] in [0] : vector<16xi32>, vector<16xi32> -> vector<16xi32>
      %parallel_loop3A_439 = vector.shape_cast %and3A_142 : vector<16xi32> to vector<16x1xi32>
      %parallel_loop3A_440 = vector.shape_cast %parallel_loop3A_439 : vector<16x1xi32> to vector<16xi32>
      %parallel_loop3A_441 = tpu.dynamic_gather %parallel_loop3A_341[%parallel_loop3A_440] in [0] : vector<16xi32>, vector<16xi32> -> vector<16xi32>
      %parallel_loop3A_442 = arith.select %eq3A_148, %parallel_loop3A_438, %parallel_loop3A_441 : vector<16xi1>, vector<16xi32>
      %parallel_loop3A_443 = arith.constant 1000 : i32
      %parallel_loop3A_444 = vector.broadcast %parallel_loop3A_443 : i32 to vector<16xi32>
      %parallel_loop3A_445 = arith.muli %parallel_loop3A_341, %parallel_loop3A_444 : vector<16xi32>
      %parallel_loop3A_446 = arith.addi %parallel_loop3A_445, %parallel_loop3A_442 : vector<16xi32>
      %parallel_loop3A_447 = arith.constant 48 : i32
      %parallel_loop3A_448 = arith.addi %parallel_loop3A_320, %parallel_loop3A_447 : i32
      %parallel_loop3A_449 = arith.index_cast %parallel_loop3A_448 : i32 to index
      %parallel_loop3A_450 = tpu.vector_load %arg9[%parallel_loop3A_449] {strides = array<i32>} : memref<10240xi32, #tpu.memory_space<vmem>>, vector<16xi32>,
      %parallel_loop3A_451 = vector.shape_cast %parallel_loop3A_450 : vector<16xi32> to vector<16xi32>
      %parallel_loop3A_452 = vector.shape_cast %parallel_loop3A_446 : vector<16xi32> to vector<16xi32>
      tpu.vector_store %arg9[%parallel_loop3A_449], %parallel_loop3A_452 {strides = array<i32>} : memref<10240xi32, #tpu.memory_space<vmem>>, vector<16xi32>,
      %parallel_loop3A_453 = arith.constant 48 : i32
      %parallel_loop3A_454 = arith.addi %parallel_loop3A_320, %parallel_loop3A_453 : i32
      %parallel_loop3A_455 = arith.index_cast %parallel_loop3A_454 : i32 to index
      %parallel_loop3A_456 = tpu.vector_load %arg11[%parallel_loop3A_455] {strides = array<i32>} : memref<10240xf32, #tpu.memory_space<vmem>>, vector<16xf32>,
      %parallel_loop3A_457 = vector.shape_cast %parallel_loop3A_456 : vector<16xf32> to vector<16xf32>
      %parallel_loop3A_458 = arith.addf %parallel_loop3A_435, %parallel_loop3A_457 : vector<16xf32>
      %parallel_loop3A_459 = vector.shape_cast %mul3A_145 : vector<16xi32> to vector<16x1xi32>
      %parallel_loop3A_460 = vector.shape_cast %parallel_loop3A_459 : vector<16x1xi32> to vector<16xi32>
      %parallel_loop3A_461 = tpu.dynamic_gather %parallel_loop3A_351[%parallel_loop3A_460] in [0] : vector<16xi32>, vector<16xi32> -> vector<16xi32>
      %parallel_loop3A_462 = vector.shape_cast %and3A_142 : vector<16xi32> to vector<16x1xi32>
      %parallel_loop3A_463 = vector.shape_cast %parallel_loop3A_462 : vector<16x1xi32> to vector<16xi32>
      %parallel_loop3A_464 = tpu.dynamic_gather %parallel_loop3A_346[%parallel_loop3A_463] in [0] : vector<16xi32>, vector<16xi32> -> vector<16xi32>
      %parallel_loop3A_465 = arith.select %eq3A_148, %parallel_loop3A_461, %parallel_loop3A_464 : vector<16xi1>, vector<16xi32>
      %parallel_loop3A_466 = arith.constant 1000 : i32
      %parallel_loop3A_467 = vector.broadcast %parallel_loop3A_466 : i32 to vector<16xi32>
      %parallel_loop3A_468 = arith.muli %parallel_loop3A_346, %parallel_loop3A_467 : vector<16xi32>
      %parallel_loop3A_469 = arith.addi %parallel_loop3A_468, %parallel_loop3A_465 : vector<16xi32>
      %parallel_loop3A_470 = arith.constant 64 : i32
      %parallel_loop3A_471 = arith.addi %parallel_loop3A_320, %parallel_loop3A_470 : i32
      %parallel_loop3A_472 = arith.index_cast %parallel_loop3A_471 : i32 to index
      %parallel_loop3A_473 = tpu.vector_load %arg9[%parallel_loop3A_472] {strides = array<i32>} : memref<10240xi32, #tpu.memory_space<vmem>>, vector<16xi32>,
      %parallel_loop3A_474 = vector.shape_cast %parallel_loop3A_473 : vector<16xi32> to vector<16xi32>
      %parallel_loop3A_475 = vector.shape_cast %parallel_loop3A_469 : vector<16xi32> to vector<16xi32>
      tpu.vector_store %arg9[%parallel_loop3A_472], %parallel_loop3A_475 {strides = array<i32>} : memref<10240xi32, #tpu.memory_space<vmem>>, vector<16xi32>,
      %parallel_loop3A_476 = arith.constant 64 : i32
      %parallel_loop3A_477 = arith.addi %parallel_loop3A_320, %parallel_loop3A_476 : i32
      %parallel_loop3A_478 = arith.index_cast %parallel_loop3A_477 : i32 to index
      %parallel_loop3A_479 = tpu.vector_load %arg11[%parallel_loop3A_478] {strides = array<i32>} : memref<10240xf32, #tpu.memory_space<vmem>>, vector<16xf32>,
      %parallel_loop3A_480 = vector.shape_cast %parallel_loop3A_479 : vector<16xf32> to vector<16xf32>
      %parallel_loop3A_481 = arith.addf %parallel_loop3A_458, %parallel_loop3A_480 : vector<16xf32>
      %parallel_loop3A_482 = vector.shape_cast %mul3A_145 : vector<16xi32> to vector<16x1xi32>
      %parallel_loop3A_483 = vector.shape_cast %parallel_loop3A_482 : vector<16x1xi32> to vector<16xi32>
      %parallel_loop3A_484 = tpu.dynamic_gather %parallel_loop3A_356[%parallel_loop3A_483] in [0] : vector<16xi32>, vector<16xi32> -> vector<16xi32>
      %parallel_loop3A_485 = vector.shape_cast %and3A_142 : vector<16xi32> to vector<16x1xi32>
      %parallel_loop3A_486 = vector.shape_cast %parallel_loop3A_485 : vector<16x1xi32> to vector<16xi32>
      %parallel_loop3A_487 = tpu.dynamic_gather %parallel_loop3A_351[%parallel_loop3A_486] in [0] : vector<16xi32>, vector<16xi32> -> vector<16xi32>
      %parallel_loop3A_488 = arith.select %eq3A_148, %parallel_loop3A_484, %parallel_loop3A_487 : vector<16xi1>, vector<16xi32>
      %parallel_loop3A_489 = arith.constant 1000 : i32
      %parallel_loop3A_490 = vector.broadcast %parallel_loop3A_489 : i32 to vector<16xi32>
      %parallel_loop3A_491 = arith.muli %parallel_loop3A_351, %parallel_loop3A_490 : vector<16xi32>
      %parallel_loop3A_492 = arith.addi %parallel_loop3A_491, %parallel_loop3A_488 : vector<16xi32>
      %parallel_loop3A_493 = arith.constant 80 : i32
      %parallel_loop3A_494 = arith.addi %parallel_loop3A_320, %parallel_loop3A_493 : i32
      %parallel_loop3A_495 = arith.index_cast %parallel_loop3A_494 : i32 to index
      %parallel_loop3A_496 = tpu.vector_load %arg9[%parallel_loop3A_495] {strides = array<i32>} : memref<10240xi32, #tpu.memory_space<vmem>>, vector<16xi32>,
      %parallel_loop3A_497 = vector.shape_cast %parallel_loop3A_496 : vector<16xi32> to vector<16xi32>
      %parallel_loop3A_498 = vector.shape_cast %parallel_loop3A_492 : vector<16xi32> to vector<16xi32>
      tpu.vector_store %arg9[%parallel_loop3A_495], %parallel_loop3A_498 {strides = array<i32>} : memref<10240xi32, #tpu.memory_space<vmem>>, vector<16xi32>,
      %parallel_loop3A_499 = arith.constant 80 : i32
      %parallel_loop3A_500 = arith.addi %parallel_loop3A_320, %parallel_loop3A_499 : i32
      %parallel_loop3A_501 = arith.index_cast %parallel_loop3A_500 : i32 to index
      %parallel_loop3A_502 = tpu.vector_load %arg11[%parallel_loop3A_501] {strides = array<i32>} : memref<10240xf32, #tpu.memory_space<vmem>>, vector<16xf32>,
      %parallel_loop3A_503 = vector.shape_cast %parallel_loop3A_502 : vector<16xf32> to vector<16xf32>
      %parallel_loop3A_504 = arith.addf %parallel_loop3A_481, %parallel_loop3A_503 : vector<16xf32>
      %parallel_loop3A_505 = vector.shape_cast %mul3A_145 : vector<16xi32> to vector<16x1xi32>
      %parallel_loop3A_506 = vector.shape_cast %parallel_loop3A_505 : vector<16x1xi32> to vector<16xi32>
      %parallel_loop3A_507 = tpu.dynamic_gather %parallel_loop3A_361[%parallel_loop3A_506] in [0] : vector<16xi32>, vector<16xi32> -> vector<16xi32>
      %parallel_loop3A_508 = vector.shape_cast %and3A_142 : vector<16xi32> to vector<16x1xi32>
      %parallel_loop3A_509 = vector.shape_cast %parallel_loop3A_508 : vector<16x1xi32> to vector<16xi32>
      %parallel_loop3A_510 = tpu.dynamic_gather %parallel_loop3A_356[%parallel_loop3A_509] in [0] : vector<16xi32>, vector<16xi32> -> vector<16xi32>
      %parallel_loop3A_511 = arith.select %eq3A_148, %parallel_loop3A_507, %parallel_loop3A_510 : vector<16xi1>, vector<16xi32>
      %parallel_loop3A_512 = arith.constant 1000 : i32
      %parallel_loop3A_513 = vector.broadcast %parallel_loop3A_512 : i32 to vector<16xi32>
      %parallel_loop3A_514 = arith.muli %parallel_loop3A_356, %parallel_loop3A_513 : vector<16xi32>
      %parallel_loop3A_515 = arith.addi %parallel_loop3A_514, %parallel_loop3A_511 : vector<16xi32>
      %parallel_loop3A_516 = arith.constant 96 : i32
      %parallel_loop3A_517 = arith.addi %parallel_loop3A_320, %parallel_loop3A_516 : i32
      %parallel_loop3A_518 = arith.index_cast %parallel_loop3A_517 : i32 to index
      %parallel_loop3A_519 = tpu.vector_load %arg9[%parallel_loop3A_518] {strides = array<i32>} : memref<10240xi32, #tpu.memory_space<vmem>>, vector<16xi32>,
      %parallel_loop3A_520 = vector.shape_cast %parallel_loop3A_519 : vector<16xi32> to vector<16xi32>
      %parallel_loop3A_521 = vector.shape_cast %parallel_loop3A_515 : vector<16xi32> to vector<16xi32>
      tpu.vector_store %arg9[%parallel_loop3A_518], %parallel_loop3A_521 {strides = array<i32>} : memref<10240xi32, #tpu.memory_space<vmem>>, vector<16xi32>,
      %parallel_loop3A_522 = arith.constant 96 : i32
      %parallel_loop3A_523 = arith.addi %parallel_loop3A_320, %parallel_loop3A_522 : i32
      %parallel_loop3A_524 = arith.index_cast %parallel_loop3A_523 : i32 to index
      %parallel_loop3A_525 = tpu.vector_load %arg11[%parallel_loop3A_524] {strides = array<i32>} : memref<10240xf32, #tpu.memory_space<vmem>>, vector<16xf32>,
      %parallel_loop3A_526 = vector.shape_cast %parallel_loop3A_525 : vector<16xf32> to vector<16xf32>
      %parallel_loop3A_527 = arith.addf %parallel_loop3A_504, %parallel_loop3A_526 : vector<16xf32>
      %parallel_loop3A_528 = vector.shape_cast %mul3A_145 : vector<16xi32> to vector<16x1xi32>
      %parallel_loop3A_529 = vector.shape_cast %parallel_loop3A_528 : vector<16x1xi32> to vector<16xi32>
      %parallel_loop3A_530 = tpu.dynamic_gather %parallel_loop3A_366[%parallel_loop3A_529] in [0] : vector<16xi32>, vector<16xi32> -> vector<16xi32>
      %parallel_loop3A_531 = vector.shape_cast %and3A_142 : vector<16xi32> to vector<16x1xi32>
      %parallel_loop3A_532 = vector.shape_cast %parallel_loop3A_531 : vector<16x1xi32> to vector<16xi32>
      %parallel_loop3A_533 = tpu.dynamic_gather %parallel_loop3A_361[%parallel_loop3A_532] in [0] : vector<16xi32>, vector<16xi32> -> vector<16xi32>
      %parallel_loop3A_534 = arith.select %eq3A_148, %parallel_loop3A_530, %parallel_loop3A_533 : vector<16xi1>, vector<16xi32>
      %parallel_loop3A_535 = arith.constant 1000 : i32
      %parallel_loop3A_536 = vector.broadcast %parallel_loop3A_535 : i32 to vector<16xi32>
      %parallel_loop3A_537 = arith.muli %parallel_loop3A_361, %parallel_loop3A_536 : vector<16xi32>
      %parallel_loop3A_538 = arith.addi %parallel_loop3A_537, %parallel_loop3A_534 : vector<16xi32>
      %parallel_loop3A_539 = arith.constant 112 : i32
      %parallel_loop3A_540 = arith.addi %parallel_loop3A_320, %parallel_loop3A_539 : i32
      %parallel_loop3A_541 = arith.index_cast %parallel_loop3A_540 : i32 to index
      %parallel_loop3A_542 = tpu.vector_load %arg9[%parallel_loop3A_541] {strides = array<i32>} : memref<10240xi32, #tpu.memory_space<vmem>>, vector<16xi32>,
      %parallel_loop3A_543 = vector.shape_cast %parallel_loop3A_542 : vector<16xi32> to vector<16xi32>
      %parallel_loop3A_544 = vector.shape_cast %parallel_loop3A_538 : vector<16xi32> to vector<16xi32>
      tpu.vector_store %arg9[%parallel_loop3A_541], %parallel_loop3A_544 {strides = array<i32>} : memref<10240xi32, #tpu.memory_space<vmem>>, vector<16xi32>,
      %parallel_loop3A_545 = arith.constant 112 : i32
      %parallel_loop3A_546 = arith.addi %parallel_loop3A_320, %parallel_loop3A_545 : i32
      %parallel_loop3A_547 = arith.index_cast %parallel_loop3A_546 : i32 to index
      %parallel_loop3A_548 = tpu.vector_load %arg11[%parallel_loop3A_547] {strides = array<i32>} : memref<10240xf32, #tpu.memory_space<vmem>>, vector<16xf32>,
      %parallel_loop3A_549 = vector.shape_cast %parallel_loop3A_548 : vector<16xf32> to vector<16xf32>
      %parallel_loop3A_550 = arith.addf %parallel_loop3A_527, %parallel_loop3A_549 : vector<16xf32>
      scf.yield %parallel_loop3A_550 : vector<16xf32>
    } {sc.loop_unroll_factor = 2 : i64, sc.parallel_access}
    %dma_wait3A_153 = arith.constant 0 : i32
    %dma_wait3A_154 = tpu.memref_slice %arg6[%dma_wait3A_153] : memref<1000000xf32, #tpu.memory_space<vmem_shared>> -> memref<1000000xf32, #tpu.memory_space<vmem_shared>>
    tpu.wait_indirect_dma semaphore(%arg15 : memref<!tpu.dma_semaphore, #tpu.memory_space<semaphore_mem>>) src(%dma_wait3A_154 : memref<1000000xf32, #tpu.memory_space<vmem_shared>>) dst(%arg12 : memref<10240xf32, #tpu.memory_space<vmem>>)
    %dma_start3A_155 = arith.constant 0 : i32
    %dma_start3A_156 = tpu.memref_slice %arg6[%dma_start3A_155] : memref<1000000xf32, #tpu.memory_space<vmem_shared>> -> memref<1000000xf32, #tpu.memory_space<vmem_shared>>
    tpu.enqueue_indirect_dma source(%dma_start3A_156 : memref<1000000xf32, #tpu.memory_space<vmem_shared>>) target(%arg11 : memref<10240xf32, #tpu.memory_space<vmem>>) offsets(%arg9 : memref<10240xi32, #tpu.memory_space<vmem>>) semaphore(%arg15 : memref<!tpu.dma_semaphore, #tpu.memory_space<semaphore_mem>>)
    %add3A_157 = arith.constant 51200 : i32
    %add3A_158 = arith.addi %mul3A_2, %add3A_157 : i32
    %dma_wait3A_159 = tpu.memref_slice %arg2[%add3A_158] : memref<3276800xi32, #tpu.memory_space<hbm>> -> memref<10256xi32, #tpu.memory_space<hbm>>
    %dma_wait3A_160 = tpu.memref_slice %arg2[%add3A_158] : memref<3276800xi32, #tpu.memory_space<hbm>> -> memref<10256xi32, #tpu.memory_space<hbm>>
    tpu.wait_dma2 semaphore(%arg14 : memref<!tpu.dma_semaphore, #tpu.memory_space<semaphore_mem>>) src(%dma_wait3A_160 : memref<10256xi32, #tpu.memory_space<hbm>>) dst(%arg8 : memref<10256xi32, #tpu.memory_space<vmem>>)
    %add3A_161 = arith.constant 61440 : i32
    %add3A_162 = arith.addi %mul3A_2, %add3A_161 : i32
    %dma_start3A_163 = tpu.memref_slice %arg2[%add3A_162] : memref<3276800xi32, #tpu.memory_space<hbm>> -> memref<10256xi32, #tpu.memory_space<hbm>>
    %dma_start3A_164 = tpu.memref_slice %arg2[%add3A_162] : memref<3276800xi32, #tpu.memory_space<hbm>> -> memref<10256xi32, #tpu.memory_space<hbm>>
    tpu.enqueue_dma source(%dma_start3A_164 : memref<10256xi32, #tpu.memory_space<hbm>>) target(%arg7 : memref<10256xi32, #tpu.memory_space<vmem>>) target_semaphore(%arg14 : memref<!tpu.dma_semaphore, #tpu.memory_space<semaphore_mem>>)
    %iota3A_165 = tpu.iota {dimensions = array<i32: 0>} : vector<16xi32>
    %add3A_166 = arith.constant 1 : i32
    %add3A_167 = vector.broadcast %add3A_166 : i32 to vector<16xi32>
    %add3A_168 = arith.addi %iota3A_165, %add3A_167 : vector<16xi32>
    %and3A_169 = arith.constant 15 : i32
    %and3A_170 = vector.broadcast %and3A_169 : i32 to vector<16xi32>
    %and3A_171 = arith.andi %add3A_168, %and3A_170 : vector<16xi32>
    %mul3A_172 = arith.constant 0 : i32
    %mul3A_173 = vector.broadcast %mul3A_172 : i32 to vector<16xi32>
    %mul3A_174 = arith.muli %iota3A_165, %mul3A_173 : vector<16xi32>
    %eq3A_175 = arith.constant 15 : i32
    %eq3A_176 = vector.broadcast %eq3A_175 : i32 to vector<16xi32>
    %eq3A_177 = arith.cmpi eq, %iota3A_165, %eq3A_176 : vector<16xi32>
    %parallel_loop3A_178 = arith.constant 0 : i32
    %parallel_loop3A_179 = arith.constant 10240 : i32
    %parallel_loop3A_180 = arith.constant 128 : i32
    %parallel_loop3A_181 = scf.for %parallel_loop3A_320 = %parallel_loop3A_178 to %parallel_loop3A_179 step %parallel_loop3A_180 iter_args(%parallel_loop3A_321 = %parallel_loop3A_152) -> (vector<16xf32>)  : i32 {
      %parallel_loop3A_322 = arith.constant 0 : i32
      %parallel_loop3A_323 = arith.addi %parallel_loop3A_320, %parallel_loop3A_322 : i32
      %parallel_loop3A_324 = arith.index_cast %parallel_loop3A_323 : i32 to index
      %parallel_loop3A_325 = tpu.vector_load %arg8[%parallel_loop3A_324] {strides = array<i32>} : memref<10256xi32, #tpu.memory_space<vmem>>, vector<16xi32>,
      %parallel_loop3A_326 = vector.shape_cast %parallel_loop3A_325 : vector<16xi32> to vector<16xi32>
      %parallel_loop3A_327 = arith.constant 16 : i32
      %parallel_loop3A_328 = arith.addi %parallel_loop3A_320, %parallel_loop3A_327 : i32
      %parallel_loop3A_329 = arith.index_cast %parallel_loop3A_328 : i32 to index
      %parallel_loop3A_330 = tpu.vector_load %arg8[%parallel_loop3A_329] {strides = array<i32>} : memref<10256xi32, #tpu.memory_space<vmem>>, vector<16xi32>,
      %parallel_loop3A_331 = vector.shape_cast %parallel_loop3A_330 : vector<16xi32> to vector<16xi32>
      %parallel_loop3A_332 = arith.constant 32 : i32
      %parallel_loop3A_333 = arith.addi %parallel_loop3A_320, %parallel_loop3A_332 : i32
      %parallel_loop3A_334 = arith.index_cast %parallel_loop3A_333 : i32 to index
      %parallel_loop3A_335 = tpu.vector_load %arg8[%parallel_loop3A_334] {strides = array<i32>} : memref<10256xi32, #tpu.memory_space<vmem>>, vector<16xi32>,
      %parallel_loop3A_336 = vector.shape_cast %parallel_loop3A_335 : vector<16xi32> to vector<16xi32>
      %parallel_loop3A_337 = arith.constant 48 : i32
      %parallel_loop3A_338 = arith.addi %parallel_loop3A_320, %parallel_loop3A_337 : i32
      %parallel_loop3A_339 = arith.index_cast %parallel_loop3A_338 : i32 to index
      %parallel_loop3A_340 = tpu.vector_load %arg8[%parallel_loop3A_339] {strides = array<i32>} : memref<10256xi32, #tpu.memory_space<vmem>>, vector<16xi32>,
      %parallel_loop3A_341 = vector.shape_cast %parallel_loop3A_340 : vector<16xi32> to vector<16xi32>
      %parallel_loop3A_342 = arith.constant 64 : i32
      %parallel_loop3A_343 = arith.addi %parallel_loop3A_320, %parallel_loop3A_342 : i32
      %parallel_loop3A_344 = arith.index_cast %parallel_loop3A_343 : i32 to index
      %parallel_loop3A_345 = tpu.vector_load %arg8[%parallel_loop3A_344] {strides = array<i32>} : memref<10256xi32, #tpu.memory_space<vmem>>, vector<16xi32>,
      %parallel_loop3A_346 = vector.shape_cast %parallel_loop3A_345 : vector<16xi32> to vector<16xi32>
      %parallel_loop3A_347 = arith.constant 80 : i32
      %parallel_loop3A_348 = arith.addi %parallel_loop3A_320, %parallel_loop3A_347 : i32
      %parallel_loop3A_349 = arith.index_cast %parallel_loop3A_348 : i32 to index
      %parallel_loop3A_350 = tpu.vector_load %arg8[%parallel_loop3A_349] {strides = array<i32>} : memref<10256xi32, #tpu.memory_space<vmem>>, vector<16xi32>,
      %parallel_loop3A_351 = vector.shape_cast %parallel_loop3A_350 : vector<16xi32> to vector<16xi32>
      %parallel_loop3A_352 = arith.constant 96 : i32
      %parallel_loop3A_353 = arith.addi %parallel_loop3A_320, %parallel_loop3A_352 : i32
      %parallel_loop3A_354 = arith.index_cast %parallel_loop3A_353 : i32 to index
      %parallel_loop3A_355 = tpu.vector_load %arg8[%parallel_loop3A_354] {strides = array<i32>} : memref<10256xi32, #tpu.memory_space<vmem>>, vector<16xi32>,
      %parallel_loop3A_356 = vector.shape_cast %parallel_loop3A_355 : vector<16xi32> to vector<16xi32>
      %parallel_loop3A_357 = arith.constant 112 : i32
      %parallel_loop3A_358 = arith.addi %parallel_loop3A_320, %parallel_loop3A_357 : i32
      %parallel_loop3A_359 = arith.index_cast %parallel_loop3A_358 : i32 to index
      %parallel_loop3A_360 = tpu.vector_load %arg8[%parallel_loop3A_359] {strides = array<i32>} : memref<10256xi32, #tpu.memory_space<vmem>>, vector<16xi32>,
      %parallel_loop3A_361 = vector.shape_cast %parallel_loop3A_360 : vector<16xi32> to vector<16xi32>
      %parallel_loop3A_362 = arith.constant 128 : i32
      %parallel_loop3A_363 = arith.addi %parallel_loop3A_320, %parallel_loop3A_362 : i32
      %parallel_loop3A_364 = arith.index_cast %parallel_loop3A_363 : i32 to index
      %parallel_loop3A_365 = tpu.vector_load %arg8[%parallel_loop3A_364] {strides = array<i32>} : memref<10256xi32, #tpu.memory_space<vmem>>, vector<16xi32>,
      %parallel_loop3A_366 = vector.shape_cast %parallel_loop3A_365 : vector<16xi32> to vector<16xi32>
      %parallel_loop3A_367 = vector.shape_cast %mul3A_174 : vector<16xi32> to vector<16x1xi32>
      %parallel_loop3A_368 = vector.shape_cast %parallel_loop3A_367 : vector<16x1xi32> to vector<16xi32>
      %parallel_loop3A_369 = tpu.dynamic_gather %parallel_loop3A_331[%parallel_loop3A_368] in [0] : vector<16xi32>, vector<16xi32> -> vector<16xi32>
      %parallel_loop3A_370 = vector.shape_cast %and3A_171 : vector<16xi32> to vector<16x1xi32>
      %parallel_loop3A_371 = vector.shape_cast %parallel_loop3A_370 : vector<16x1xi32> to vector<16xi32>
      %parallel_loop3A_372 = tpu.dynamic_gather %parallel_loop3A_326[%parallel_loop3A_371] in [0] : vector<16xi32>, vector<16xi32> -> vector<16xi32>
      %parallel_loop3A_373 = arith.select %eq3A_177, %parallel_loop3A_369, %parallel_loop3A_372 : vector<16xi1>, vector<16xi32>
      %parallel_loop3A_374 = arith.constant 1000 : i32
      %parallel_loop3A_375 = vector.broadcast %parallel_loop3A_374 : i32 to vector<16xi32>
      %parallel_loop3A_376 = arith.muli %parallel_loop3A_326, %parallel_loop3A_375 : vector<16xi32>
      %parallel_loop3A_377 = arith.addi %parallel_loop3A_376, %parallel_loop3A_373 : vector<16xi32>
      %parallel_loop3A_378 = arith.constant 0 : i32
      %parallel_loop3A_379 = arith.addi %parallel_loop3A_320, %parallel_loop3A_378 : i32
      %parallel_loop3A_380 = arith.index_cast %parallel_loop3A_379 : i32 to index
      %parallel_loop3A_381 = tpu.vector_load %arg10[%parallel_loop3A_380] {strides = array<i32>} : memref<10240xi32, #tpu.memory_space<vmem>>, vector<16xi32>,
      %parallel_loop3A_382 = vector.shape_cast %parallel_loop3A_381 : vector<16xi32> to vector<16xi32>
      %parallel_loop3A_383 = vector.shape_cast %parallel_loop3A_377 : vector<16xi32> to vector<16xi32>
      tpu.vector_store %arg10[%parallel_loop3A_380], %parallel_loop3A_383 {strides = array<i32>} : memref<10240xi32, #tpu.memory_space<vmem>>, vector<16xi32>,
      %parallel_loop3A_384 = arith.constant 0 : i32
      %parallel_loop3A_385 = arith.addi %parallel_loop3A_320, %parallel_loop3A_384 : i32
      %parallel_loop3A_386 = arith.index_cast %parallel_loop3A_385 : i32 to index
      %parallel_loop3A_387 = tpu.vector_load %arg12[%parallel_loop3A_386] {strides = array<i32>} : memref<10240xf32, #tpu.memory_space<vmem>>, vector<16xf32>,
      %parallel_loop3A_388 = vector.shape_cast %parallel_loop3A_387 : vector<16xf32> to vector<16xf32>
      %parallel_loop3A_389 = arith.addf %parallel_loop3A_321, %parallel_loop3A_388 : vector<16xf32>
      %parallel_loop3A_390 = vector.shape_cast %mul3A_174 : vector<16xi32> to vector<16x1xi32>
      %parallel_loop3A_391 = vector.shape_cast %parallel_loop3A_390 : vector<16x1xi32> to vector<16xi32>
      %parallel_loop3A_392 = tpu.dynamic_gather %parallel_loop3A_336[%parallel_loop3A_391] in [0] : vector<16xi32>, vector<16xi32> -> vector<16xi32>
      %parallel_loop3A_393 = vector.shape_cast %and3A_171 : vector<16xi32> to vector<16x1xi32>
      %parallel_loop3A_394 = vector.shape_cast %parallel_loop3A_393 : vector<16x1xi32> to vector<16xi32>
      %parallel_loop3A_395 = tpu.dynamic_gather %parallel_loop3A_331[%parallel_loop3A_394] in [0] : vector<16xi32>, vector<16xi32> -> vector<16xi32>
      %parallel_loop3A_396 = arith.select %eq3A_177, %parallel_loop3A_392, %parallel_loop3A_395 : vector<16xi1>, vector<16xi32>
      %parallel_loop3A_397 = arith.constant 1000 : i32
      %parallel_loop3A_398 = vector.broadcast %parallel_loop3A_397 : i32 to vector<16xi32>
      %parallel_loop3A_399 = arith.muli %parallel_loop3A_331, %parallel_loop3A_398 : vector<16xi32>
      %parallel_loop3A_400 = arith.addi %parallel_loop3A_399, %parallel_loop3A_396 : vector<16xi32>
      %parallel_loop3A_401 = arith.constant 16 : i32
      %parallel_loop3A_402 = arith.addi %parallel_loop3A_320, %parallel_loop3A_401 : i32
      %parallel_loop3A_403 = arith.index_cast %parallel_loop3A_402 : i32 to index
      %parallel_loop3A_404 = tpu.vector_load %arg10[%parallel_loop3A_403] {strides = array<i32>} : memref<10240xi32, #tpu.memory_space<vmem>>, vector<16xi32>,
      %parallel_loop3A_405 = vector.shape_cast %parallel_loop3A_404 : vector<16xi32> to vector<16xi32>
      %parallel_loop3A_406 = vector.shape_cast %parallel_loop3A_400 : vector<16xi32> to vector<16xi32>
      tpu.vector_store %arg10[%parallel_loop3A_403], %parallel_loop3A_406 {strides = array<i32>} : memref<10240xi32, #tpu.memory_space<vmem>>, vector<16xi32>,
      %parallel_loop3A_407 = arith.constant 16 : i32
      %parallel_loop3A_408 = arith.addi %parallel_loop3A_320, %parallel_loop3A_407 : i32
      %parallel_loop3A_409 = arith.index_cast %parallel_loop3A_408 : i32 to index
      %parallel_loop3A_410 = tpu.vector_load %arg12[%parallel_loop3A_409] {strides = array<i32>} : memref<10240xf32, #tpu.memory_space<vmem>>, vector<16xf32>,
      %parallel_loop3A_411 = vector.shape_cast %parallel_loop3A_410 : vector<16xf32> to vector<16xf32>
      %parallel_loop3A_412 = arith.addf %parallel_loop3A_389, %parallel_loop3A_411 : vector<16xf32>
      %parallel_loop3A_413 = vector.shape_cast %mul3A_174 : vector<16xi32> to vector<16x1xi32>
      %parallel_loop3A_414 = vector.shape_cast %parallel_loop3A_413 : vector<16x1xi32> to vector<16xi32>
      %parallel_loop3A_415 = tpu.dynamic_gather %parallel_loop3A_341[%parallel_loop3A_414] in [0] : vector<16xi32>, vector<16xi32> -> vector<16xi32>
      %parallel_loop3A_416 = vector.shape_cast %and3A_171 : vector<16xi32> to vector<16x1xi32>
      %parallel_loop3A_417 = vector.shape_cast %parallel_loop3A_416 : vector<16x1xi32> to vector<16xi32>
      %parallel_loop3A_418 = tpu.dynamic_gather %parallel_loop3A_336[%parallel_loop3A_417] in [0] : vector<16xi32>, vector<16xi32> -> vector<16xi32>
      %parallel_loop3A_419 = arith.select %eq3A_177, %parallel_loop3A_415, %parallel_loop3A_418 : vector<16xi1>, vector<16xi32>
      %parallel_loop3A_420 = arith.constant 1000 : i32
      %parallel_loop3A_421 = vector.broadcast %parallel_loop3A_420 : i32 to vector<16xi32>
      %parallel_loop3A_422 = arith.muli %parallel_loop3A_336, %parallel_loop3A_421 : vector<16xi32>
      %parallel_loop3A_423 = arith.addi %parallel_loop3A_422, %parallel_loop3A_419 : vector<16xi32>
      %parallel_loop3A_424 = arith.constant 32 : i32
      %parallel_loop3A_425 = arith.addi %parallel_loop3A_320, %parallel_loop3A_424 : i32
      %parallel_loop3A_426 = arith.index_cast %parallel_loop3A_425 : i32 to index
      %parallel_loop3A_427 = tpu.vector_load %arg10[%parallel_loop3A_426] {strides = array<i32>} : memref<10240xi32, #tpu.memory_space<vmem>>, vector<16xi32>,
      %parallel_loop3A_428 = vector.shape_cast %parallel_loop3A_427 : vector<16xi32> to vector<16xi32>
      %parallel_loop3A_429 = vector.shape_cast %parallel_loop3A_423 : vector<16xi32> to vector<16xi32>
      tpu.vector_store %arg10[%parallel_loop3A_426], %parallel_loop3A_429 {strides = array<i32>} : memref<10240xi32, #tpu.memory_space<vmem>>, vector<16xi32>,
      %parallel_loop3A_430 = arith.constant 32 : i32
      %parallel_loop3A_431 = arith.addi %parallel_loop3A_320, %parallel_loop3A_430 : i32
      %parallel_loop3A_432 = arith.index_cast %parallel_loop3A_431 : i32 to index
      %parallel_loop3A_433 = tpu.vector_load %arg12[%parallel_loop3A_432] {strides = array<i32>} : memref<10240xf32, #tpu.memory_space<vmem>>, vector<16xf32>,
      %parallel_loop3A_434 = vector.shape_cast %parallel_loop3A_433 : vector<16xf32> to vector<16xf32>
      %parallel_loop3A_435 = arith.addf %parallel_loop3A_412, %parallel_loop3A_434 : vector<16xf32>
      %parallel_loop3A_436 = vector.shape_cast %mul3A_174 : vector<16xi32> to vector<16x1xi32>
      %parallel_loop3A_437 = vector.shape_cast %parallel_loop3A_436 : vector<16x1xi32> to vector<16xi32>
      %parallel_loop3A_438 = tpu.dynamic_gather %parallel_loop3A_346[%parallel_loop3A_437] in [0] : vector<16xi32>, vector<16xi32> -> vector<16xi32>
      %parallel_loop3A_439 = vector.shape_cast %and3A_171 : vector<16xi32> to vector<16x1xi32>
      %parallel_loop3A_440 = vector.shape_cast %parallel_loop3A_439 : vector<16x1xi32> to vector<16xi32>
      %parallel_loop3A_441 = tpu.dynamic_gather %parallel_loop3A_341[%parallel_loop3A_440] in [0] : vector<16xi32>, vector<16xi32> -> vector<16xi32>
      %parallel_loop3A_442 = arith.select %eq3A_177, %parallel_loop3A_438, %parallel_loop3A_441 : vector<16xi1>, vector<16xi32>
      %parallel_loop3A_443 = arith.constant 1000 : i32
      %parallel_loop3A_444 = vector.broadcast %parallel_loop3A_443 : i32 to vector<16xi32>
      %parallel_loop3A_445 = arith.muli %parallel_loop3A_341, %parallel_loop3A_444 : vector<16xi32>
      %parallel_loop3A_446 = arith.addi %parallel_loop3A_445, %parallel_loop3A_442 : vector<16xi32>
      %parallel_loop3A_447 = arith.constant 48 : i32
      %parallel_loop3A_448 = arith.addi %parallel_loop3A_320, %parallel_loop3A_447 : i32
      %parallel_loop3A_449 = arith.index_cast %parallel_loop3A_448 : i32 to index
      %parallel_loop3A_450 = tpu.vector_load %arg10[%parallel_loop3A_449] {strides = array<i32>} : memref<10240xi32, #tpu.memory_space<vmem>>, vector<16xi32>,
      %parallel_loop3A_451 = vector.shape_cast %parallel_loop3A_450 : vector<16xi32> to vector<16xi32>
      %parallel_loop3A_452 = vector.shape_cast %parallel_loop3A_446 : vector<16xi32> to vector<16xi32>
      tpu.vector_store %arg10[%parallel_loop3A_449], %parallel_loop3A_452 {strides = array<i32>} : memref<10240xi32, #tpu.memory_space<vmem>>, vector<16xi32>,
      %parallel_loop3A_453 = arith.constant 48 : i32
      %parallel_loop3A_454 = arith.addi %parallel_loop3A_320, %parallel_loop3A_453 : i32
      %parallel_loop3A_455 = arith.index_cast %parallel_loop3A_454 : i32 to index
      %parallel_loop3A_456 = tpu.vector_load %arg12[%parallel_loop3A_455] {strides = array<i32>} : memref<10240xf32, #tpu.memory_space<vmem>>, vector<16xf32>,
      %parallel_loop3A_457 = vector.shape_cast %parallel_loop3A_456 : vector<16xf32> to vector<16xf32>
      %parallel_loop3A_458 = arith.addf %parallel_loop3A_435, %parallel_loop3A_457 : vector<16xf32>
      %parallel_loop3A_459 = vector.shape_cast %mul3A_174 : vector<16xi32> to vector<16x1xi32>
      %parallel_loop3A_460 = vector.shape_cast %parallel_loop3A_459 : vector<16x1xi32> to vector<16xi32>
      %parallel_loop3A_461 = tpu.dynamic_gather %parallel_loop3A_351[%parallel_loop3A_460] in [0] : vector<16xi32>, vector<16xi32> -> vector<16xi32>
      %parallel_loop3A_462 = vector.shape_cast %and3A_171 : vector<16xi32> to vector<16x1xi32>
      %parallel_loop3A_463 = vector.shape_cast %parallel_loop3A_462 : vector<16x1xi32> to vector<16xi32>
      %parallel_loop3A_464 = tpu.dynamic_gather %parallel_loop3A_346[%parallel_loop3A_463] in [0] : vector<16xi32>, vector<16xi32> -> vector<16xi32>
      %parallel_loop3A_465 = arith.select %eq3A_177, %parallel_loop3A_461, %parallel_loop3A_464 : vector<16xi1>, vector<16xi32>
      %parallel_loop3A_466 = arith.constant 1000 : i32
      %parallel_loop3A_467 = vector.broadcast %parallel_loop3A_466 : i32 to vector<16xi32>
      %parallel_loop3A_468 = arith.muli %parallel_loop3A_346, %parallel_loop3A_467 : vector<16xi32>
      %parallel_loop3A_469 = arith.addi %parallel_loop3A_468, %parallel_loop3A_465 : vector<16xi32>
      %parallel_loop3A_470 = arith.constant 64 : i32
      %parallel_loop3A_471 = arith.addi %parallel_loop3A_320, %parallel_loop3A_470 : i32
      %parallel_loop3A_472 = arith.index_cast %parallel_loop3A_471 : i32 to index
      %parallel_loop3A_473 = tpu.vector_load %arg10[%parallel_loop3A_472] {strides = array<i32>} : memref<10240xi32, #tpu.memory_space<vmem>>, vector<16xi32>,
      %parallel_loop3A_474 = vector.shape_cast %parallel_loop3A_473 : vector<16xi32> to vector<16xi32>
      %parallel_loop3A_475 = vector.shape_cast %parallel_loop3A_469 : vector<16xi32> to vector<16xi32>
      tpu.vector_store %arg10[%parallel_loop3A_472], %parallel_loop3A_475 {strides = array<i32>} : memref<10240xi32, #tpu.memory_space<vmem>>, vector<16xi32>,
      %parallel_loop3A_476 = arith.constant 64 : i32
      %parallel_loop3A_477 = arith.addi %parallel_loop3A_320, %parallel_loop3A_476 : i32
      %parallel_loop3A_478 = arith.index_cast %parallel_loop3A_477 : i32 to index
      %parallel_loop3A_479 = tpu.vector_load %arg12[%parallel_loop3A_478] {strides = array<i32>} : memref<10240xf32, #tpu.memory_space<vmem>>, vector<16xf32>,
      %parallel_loop3A_480 = vector.shape_cast %parallel_loop3A_479 : vector<16xf32> to vector<16xf32>
      %parallel_loop3A_481 = arith.addf %parallel_loop3A_458, %parallel_loop3A_480 : vector<16xf32>
      %parallel_loop3A_482 = vector.shape_cast %mul3A_174 : vector<16xi32> to vector<16x1xi32>
      %parallel_loop3A_483 = vector.shape_cast %parallel_loop3A_482 : vector<16x1xi32> to vector<16xi32>
      %parallel_loop3A_484 = tpu.dynamic_gather %parallel_loop3A_356[%parallel_loop3A_483] in [0] : vector<16xi32>, vector<16xi32> -> vector<16xi32>
      %parallel_loop3A_485 = vector.shape_cast %and3A_171 : vector<16xi32> to vector<16x1xi32>
      %parallel_loop3A_486 = vector.shape_cast %parallel_loop3A_485 : vector<16x1xi32> to vector<16xi32>
      %parallel_loop3A_487 = tpu.dynamic_gather %parallel_loop3A_351[%parallel_loop3A_486] in [0] : vector<16xi32>, vector<16xi32> -> vector<16xi32>
      %parallel_loop3A_488 = arith.select %eq3A_177, %parallel_loop3A_484, %parallel_loop3A_487 : vector<16xi1>, vector<16xi32>
      %parallel_loop3A_489 = arith.constant 1000 : i32
      %parallel_loop3A_490 = vector.broadcast %parallel_loop3A_489 : i32 to vector<16xi32>
      %parallel_loop3A_491 = arith.muli %parallel_loop3A_351, %parallel_loop3A_490 : vector<16xi32>
      %parallel_loop3A_492 = arith.addi %parallel_loop3A_491, %parallel_loop3A_488 : vector<16xi32>
      %parallel_loop3A_493 = arith.constant 80 : i32
      %parallel_loop3A_494 = arith.addi %parallel_loop3A_320, %parallel_loop3A_493 : i32
      %parallel_loop3A_495 = arith.index_cast %parallel_loop3A_494 : i32 to index
      %parallel_loop3A_496 = tpu.vector_load %arg10[%parallel_loop3A_495] {strides = array<i32>} : memref<10240xi32, #tpu.memory_space<vmem>>, vector<16xi32>,
      %parallel_loop3A_497 = vector.shape_cast %parallel_loop3A_496 : vector<16xi32> to vector<16xi32>
      %parallel_loop3A_498 = vector.shape_cast %parallel_loop3A_492 : vector<16xi32> to vector<16xi32>
      tpu.vector_store %arg10[%parallel_loop3A_495], %parallel_loop3A_498 {strides = array<i32>} : memref<10240xi32, #tpu.memory_space<vmem>>, vector<16xi32>,
      %parallel_loop3A_499 = arith.constant 80 : i32
      %parallel_loop3A_500 = arith.addi %parallel_loop3A_320, %parallel_loop3A_499 : i32
      %parallel_loop3A_501 = arith.index_cast %parallel_loop3A_500 : i32 to index
      %parallel_loop3A_502 = tpu.vector_load %arg12[%parallel_loop3A_501] {strides = array<i32>} : memref<10240xf32, #tpu.memory_space<vmem>>, vector<16xf32>,
      %parallel_loop3A_503 = vector.shape_cast %parallel_loop3A_502 : vector<16xf32> to vector<16xf32>
      %parallel_loop3A_504 = arith.addf %parallel_loop3A_481, %parallel_loop3A_503 : vector<16xf32>
      %parallel_loop3A_505 = vector.shape_cast %mul3A_174 : vector<16xi32> to vector<16x1xi32>
      %parallel_loop3A_506 = vector.shape_cast %parallel_loop3A_505 : vector<16x1xi32> to vector<16xi32>
      %parallel_loop3A_507 = tpu.dynamic_gather %parallel_loop3A_361[%parallel_loop3A_506] in [0] : vector<16xi32>, vector<16xi32> -> vector<16xi32>
      %parallel_loop3A_508 = vector.shape_cast %and3A_171 : vector<16xi32> to vector<16x1xi32>
      %parallel_loop3A_509 = vector.shape_cast %parallel_loop3A_508 : vector<16x1xi32> to vector<16xi32>
      %parallel_loop3A_510 = tpu.dynamic_gather %parallel_loop3A_356[%parallel_loop3A_509] in [0] : vector<16xi32>, vector<16xi32> -> vector<16xi32>
      %parallel_loop3A_511 = arith.select %eq3A_177, %parallel_loop3A_507, %parallel_loop3A_510 : vector<16xi1>, vector<16xi32>
      %parallel_loop3A_512 = arith.constant 1000 : i32
      %parallel_loop3A_513 = vector.broadcast %parallel_loop3A_512 : i32 to vector<16xi32>
      %parallel_loop3A_514 = arith.muli %parallel_loop3A_356, %parallel_loop3A_513 : vector<16xi32>
      %parallel_loop3A_515 = arith.addi %parallel_loop3A_514, %parallel_loop3A_511 : vector<16xi32>
      %parallel_loop3A_516 = arith.constant 96 : i32
      %parallel_loop3A_517 = arith.addi %parallel_loop3A_320, %parallel_loop3A_516 : i32
      %parallel_loop3A_518 = arith.index_cast %parallel_loop3A_517 : i32 to index
      %parallel_loop3A_519 = tpu.vector_load %arg10[%parallel_loop3A_518] {strides = array<i32>} : memref<10240xi32, #tpu.memory_space<vmem>>, vector<16xi32>,
      %parallel_loop3A_520 = vector.shape_cast %parallel_loop3A_519 : vector<16xi32> to vector<16xi32>
      %parallel_loop3A_521 = vector.shape_cast %parallel_loop3A_515 : vector<16xi32> to vector<16xi32>
      tpu.vector_store %arg10[%parallel_loop3A_518], %parallel_loop3A_521 {strides = array<i32>} : memref<10240xi32, #tpu.memory_space<vmem>>, vector<16xi32>,
      %parallel_loop3A_522 = arith.constant 96 : i32
      %parallel_loop3A_523 = arith.addi %parallel_loop3A_320, %parallel_loop3A_522 : i32
      %parallel_loop3A_524 = arith.index_cast %parallel_loop3A_523 : i32 to index
      %parallel_loop3A_525 = tpu.vector_load %arg12[%parallel_loop3A_524] {strides = array<i32>} : memref<10240xf32, #tpu.memory_space<vmem>>, vector<16xf32>,
      %parallel_loop3A_526 = vector.shape_cast %parallel_loop3A_525 : vector<16xf32> to vector<16xf32>
      %parallel_loop3A_527 = arith.addf %parallel_loop3A_504, %parallel_loop3A_526 : vector<16xf32>
      %parallel_loop3A_528 = vector.shape_cast %mul3A_174 : vector<16xi32> to vector<16x1xi32>
      %parallel_loop3A_529 = vector.shape_cast %parallel_loop3A_528 : vector<16x1xi32> to vector<16xi32>
      %parallel_loop3A_530 = tpu.dynamic_gather %parallel_loop3A_366[%parallel_loop3A_529] in [0] : vector<16xi32>, vector<16xi32> -> vector<16xi32>
      %parallel_loop3A_531 = vector.shape_cast %and3A_171 : vector<16xi32> to vector<16x1xi32>
      %parallel_loop3A_532 = vector.shape_cast %parallel_loop3A_531 : vector<16x1xi32> to vector<16xi32>
      %parallel_loop3A_533 = tpu.dynamic_gather %parallel_loop3A_361[%parallel_loop3A_532] in [0] : vector<16xi32>, vector<16xi32> -> vector<16xi32>
      %parallel_loop3A_534 = arith.select %eq3A_177, %parallel_loop3A_530, %parallel_loop3A_533 : vector<16xi1>, vector<16xi32>
      %parallel_loop3A_535 = arith.constant 1000 : i32
      %parallel_loop3A_536 = vector.broadcast %parallel_loop3A_535 : i32 to vector<16xi32>
      %parallel_loop3A_537 = arith.muli %parallel_loop3A_361, %parallel_loop3A_536 : vector<16xi32>
      %parallel_loop3A_538 = arith.addi %parallel_loop3A_537, %parallel_loop3A_534 : vector<16xi32>
      %parallel_loop3A_539 = arith.constant 112 : i32
      %parallel_loop3A_540 = arith.addi %parallel_loop3A_320, %parallel_loop3A_539 : i32
      %parallel_loop3A_541 = arith.index_cast %parallel_loop3A_540 : i32 to index
      %parallel_loop3A_542 = tpu.vector_load %arg10[%parallel_loop3A_541] {strides = array<i32>} : memref<10240xi32, #tpu.memory_space<vmem>>, vector<16xi32>,
      %parallel_loop3A_543 = vector.shape_cast %parallel_loop3A_542 : vector<16xi32> to vector<16xi32>
      %parallel_loop3A_544 = vector.shape_cast %parallel_loop3A_538 : vector<16xi32> to vector<16xi32>
      tpu.vector_store %arg10[%parallel_loop3A_541], %parallel_loop3A_544 {strides = array<i32>} : memref<10240xi32, #tpu.memory_space<vmem>>, vector<16xi32>,
      %parallel_loop3A_545 = arith.constant 112 : i32
      %parallel_loop3A_546 = arith.addi %parallel_loop3A_320, %parallel_loop3A_545 : i32
      %parallel_loop3A_547 = arith.index_cast %parallel_loop3A_546 : i32 to index
      %parallel_loop3A_548 = tpu.vector_load %arg12[%parallel_loop3A_547] {strides = array<i32>} : memref<10240xf32, #tpu.memory_space<vmem>>, vector<16xf32>,
      %parallel_loop3A_549 = vector.shape_cast %parallel_loop3A_548 : vector<16xf32> to vector<16xf32>
      %parallel_loop3A_550 = arith.addf %parallel_loop3A_527, %parallel_loop3A_549 : vector<16xf32>
      scf.yield %parallel_loop3A_550 : vector<16xf32>
    } {sc.loop_unroll_factor = 2 : i64, sc.parallel_access}
    %dma_wait3A_182 = arith.constant 0 : i32
    %dma_wait3A_183 = tpu.memref_slice %arg6[%dma_wait3A_182] : memref<1000000xf32, #tpu.memory_space<vmem_shared>> -> memref<1000000xf32, #tpu.memory_space<vmem_shared>>
    tpu.wait_indirect_dma semaphore(%arg15 : memref<!tpu.dma_semaphore, #tpu.memory_space<semaphore_mem>>) src(%dma_wait3A_183 : memref<1000000xf32, #tpu.memory_space<vmem_shared>>) dst(%arg11 : memref<10240xf32, #tpu.memory_space<vmem>>)
    %dma_start3A_184 = arith.constant 0 : i32
    %dma_start3A_185 = tpu.memref_slice %arg6[%dma_start3A_184] : memref<1000000xf32, #tpu.memory_space<vmem_shared>> -> memref<1000000xf32, #tpu.memory_space<vmem_shared>>
    tpu.enqueue_indirect_dma source(%dma_start3A_185 : memref<1000000xf32, #tpu.memory_space<vmem_shared>>) target(%arg12 : memref<10240xf32, #tpu.memory_space<vmem>>) offsets(%arg10 : memref<10240xi32, #tpu.memory_space<vmem>>) semaphore(%arg15 : memref<!tpu.dma_semaphore, #tpu.memory_space<semaphore_mem>>)
    %add3A_186 = arith.constant 61440 : i32
    %add3A_187 = arith.addi %mul3A_2, %add3A_186 : i32
    %dma_wait3A_188 = tpu.memref_slice %arg2[%add3A_187] : memref<3276800xi32, #tpu.memory_space<hbm>> -> memref<10256xi32, #tpu.memory_space<hbm>>
    %dma_wait3A_189 = tpu.memref_slice %arg2[%add3A_187] : memref<3276800xi32, #tpu.memory_space<hbm>> -> memref<10256xi32, #tpu.memory_space<hbm>>
    tpu.wait_dma2 semaphore(%arg14 : memref<!tpu.dma_semaphore, #tpu.memory_space<semaphore_mem>>) src(%dma_wait3A_189 : memref<10256xi32, #tpu.memory_space<hbm>>) dst(%arg7 : memref<10256xi32, #tpu.memory_space<vmem>>)
    %add3A_190 = arith.constant 71680 : i32
    %add3A_191 = arith.addi %mul3A_2, %add3A_190 : i32
    %dma_start3A_192 = tpu.memref_slice %arg2[%add3A_191] : memref<3276800xi32, #tpu.memory_space<hbm>> -> memref<10256xi32, #tpu.memory_space<hbm>>
    %dma_start3A_193 = tpu.memref_slice %arg2[%add3A_191] : memref<3276800xi32, #tpu.memory_space<hbm>> -> memref<10256xi32, #tpu.memory_space<hbm>>
    tpu.enqueue_dma source(%dma_start3A_193 : memref<10256xi32, #tpu.memory_space<hbm>>) target(%arg8 : memref<10256xi32, #tpu.memory_space<vmem>>) target_semaphore(%arg14 : memref<!tpu.dma_semaphore, #tpu.memory_space<semaphore_mem>>)
    %iota3A_194 = tpu.iota {dimensions = array<i32: 0>} : vector<16xi32>
    %add3A_195 = arith.constant 1 : i32
    %add3A_196 = vector.broadcast %add3A_195 : i32 to vector<16xi32>
    %add3A_197 = arith.addi %iota3A_194, %add3A_196 : vector<16xi32>
    %and3A_198 = arith.constant 15 : i32
    %and3A_199 = vector.broadcast %and3A_198 : i32 to vector<16xi32>
    %and3A_200 = arith.andi %add3A_197, %and3A_199 : vector<16xi32>
    %mul3A_201 = arith.constant 0 : i32
    %mul3A_202 = vector.broadcast %mul3A_201 : i32 to vector<16xi32>
    %mul3A_203 = arith.muli %iota3A_194, %mul3A_202 : vector<16xi32>
    %eq3A_204 = arith.constant 15 : i32
    %eq3A_205 = vector.broadcast %eq3A_204 : i32 to vector<16xi32>
    %eq3A_206 = arith.cmpi eq, %iota3A_194, %eq3A_205 : vector<16xi32>
    %parallel_loop3A_207 = arith.constant 0 : i32
    %parallel_loop3A_208 = arith.constant 10240 : i32
    %parallel_loop3A_209 = arith.constant 128 : i32
    %parallel_loop3A_210 = scf.for %parallel_loop3A_320 = %parallel_loop3A_207 to %parallel_loop3A_208 step %parallel_loop3A_209 iter_args(%parallel_loop3A_321 = %parallel_loop3A_181) -> (vector<16xf32>)  : i32 {
      %parallel_loop3A_322 = arith.constant 0 : i32
      %parallel_loop3A_323 = arith.addi %parallel_loop3A_320, %parallel_loop3A_322 : i32
      %parallel_loop3A_324 = arith.index_cast %parallel_loop3A_323 : i32 to index
      %parallel_loop3A_325 = tpu.vector_load %arg7[%parallel_loop3A_324] {strides = array<i32>} : memref<10256xi32, #tpu.memory_space<vmem>>, vector<16xi32>,
      %parallel_loop3A_326 = vector.shape_cast %parallel_loop3A_325 : vector<16xi32> to vector<16xi32>
      %parallel_loop3A_327 = arith.constant 16 : i32
      %parallel_loop3A_328 = arith.addi %parallel_loop3A_320, %parallel_loop3A_327 : i32
      %parallel_loop3A_329 = arith.index_cast %parallel_loop3A_328 : i32 to index
      %parallel_loop3A_330 = tpu.vector_load %arg7[%parallel_loop3A_329] {strides = array<i32>} : memref<10256xi32, #tpu.memory_space<vmem>>, vector<16xi32>,
      %parallel_loop3A_331 = vector.shape_cast %parallel_loop3A_330 : vector<16xi32> to vector<16xi32>
      %parallel_loop3A_332 = arith.constant 32 : i32
      %parallel_loop3A_333 = arith.addi %parallel_loop3A_320, %parallel_loop3A_332 : i32
      %parallel_loop3A_334 = arith.index_cast %parallel_loop3A_333 : i32 to index
      %parallel_loop3A_335 = tpu.vector_load %arg7[%parallel_loop3A_334] {strides = array<i32>} : memref<10256xi32, #tpu.memory_space<vmem>>, vector<16xi32>,
      %parallel_loop3A_336 = vector.shape_cast %parallel_loop3A_335 : vector<16xi32> to vector<16xi32>
      %parallel_loop3A_337 = arith.constant 48 : i32
      %parallel_loop3A_338 = arith.addi %parallel_loop3A_320, %parallel_loop3A_337 : i32
      %parallel_loop3A_339 = arith.index_cast %parallel_loop3A_338 : i32 to index
      %parallel_loop3A_340 = tpu.vector_load %arg7[%parallel_loop3A_339] {strides = array<i32>} : memref<10256xi32, #tpu.memory_space<vmem>>, vector<16xi32>,
      %parallel_loop3A_341 = vector.shape_cast %parallel_loop3A_340 : vector<16xi32> to vector<16xi32>
      %parallel_loop3A_342 = arith.constant 64 : i32
      %parallel_loop3A_343 = arith.addi %parallel_loop3A_320, %parallel_loop3A_342 : i32
      %parallel_loop3A_344 = arith.index_cast %parallel_loop3A_343 : i32 to index
      %parallel_loop3A_345 = tpu.vector_load %arg7[%parallel_loop3A_344] {strides = array<i32>} : memref<10256xi32, #tpu.memory_space<vmem>>, vector<16xi32>,
      %parallel_loop3A_346 = vector.shape_cast %parallel_loop3A_345 : vector<16xi32> to vector<16xi32>
      %parallel_loop3A_347 = arith.constant 80 : i32
      %parallel_loop3A_348 = arith.addi %parallel_loop3A_320, %parallel_loop3A_347 : i32
      %parallel_loop3A_349 = arith.index_cast %parallel_loop3A_348 : i32 to index
      %parallel_loop3A_350 = tpu.vector_load %arg7[%parallel_loop3A_349] {strides = array<i32>} : memref<10256xi32, #tpu.memory_space<vmem>>, vector<16xi32>,
      %parallel_loop3A_351 = vector.shape_cast %parallel_loop3A_350 : vector<16xi32> to vector<16xi32>
      %parallel_loop3A_352 = arith.constant 96 : i32
      %parallel_loop3A_353 = arith.addi %parallel_loop3A_320, %parallel_loop3A_352 : i32
      %parallel_loop3A_354 = arith.index_cast %parallel_loop3A_353 : i32 to index
      %parallel_loop3A_355 = tpu.vector_load %arg7[%parallel_loop3A_354] {strides = array<i32>} : memref<10256xi32, #tpu.memory_space<vmem>>, vector<16xi32>,
      %parallel_loop3A_356 = vector.shape_cast %parallel_loop3A_355 : vector<16xi32> to vector<16xi32>
      %parallel_loop3A_357 = arith.constant 112 : i32
      %parallel_loop3A_358 = arith.addi %parallel_loop3A_320, %parallel_loop3A_357 : i32
      %parallel_loop3A_359 = arith.index_cast %parallel_loop3A_358 : i32 to index
      %parallel_loop3A_360 = tpu.vector_load %arg7[%parallel_loop3A_359] {strides = array<i32>} : memref<10256xi32, #tpu.memory_space<vmem>>, vector<16xi32>,
      %parallel_loop3A_361 = vector.shape_cast %parallel_loop3A_360 : vector<16xi32> to vector<16xi32>
      %parallel_loop3A_362 = arith.constant 128 : i32
      %parallel_loop3A_363 = arith.addi %parallel_loop3A_320, %parallel_loop3A_362 : i32
      %parallel_loop3A_364 = arith.index_cast %parallel_loop3A_363 : i32 to index
      %parallel_loop3A_365 = tpu.vector_load %arg7[%parallel_loop3A_364] {strides = array<i32>} : memref<10256xi32, #tpu.memory_space<vmem>>, vector<16xi32>,
      %parallel_loop3A_366 = vector.shape_cast %parallel_loop3A_365 : vector<16xi32> to vector<16xi32>
      %parallel_loop3A_367 = vector.shape_cast %mul3A_203 : vector<16xi32> to vector<16x1xi32>
      %parallel_loop3A_368 = vector.shape_cast %parallel_loop3A_367 : vector<16x1xi32> to vector<16xi32>
      %parallel_loop3A_369 = tpu.dynamic_gather %parallel_loop3A_331[%parallel_loop3A_368] in [0] : vector<16xi32>, vector<16xi32> -> vector<16xi32>
      %parallel_loop3A_370 = vector.shape_cast %and3A_200 : vector<16xi32> to vector<16x1xi32>
      %parallel_loop3A_371 = vector.shape_cast %parallel_loop3A_370 : vector<16x1xi32> to vector<16xi32>
      %parallel_loop3A_372 = tpu.dynamic_gather %parallel_loop3A_326[%parallel_loop3A_371] in [0] : vector<16xi32>, vector<16xi32> -> vector<16xi32>
      %parallel_loop3A_373 = arith.select %eq3A_206, %parallel_loop3A_369, %parallel_loop3A_372 : vector<16xi1>, vector<16xi32>
      %parallel_loop3A_374 = arith.constant 1000 : i32
      %parallel_loop3A_375 = vector.broadcast %parallel_loop3A_374 : i32 to vector<16xi32>
      %parallel_loop3A_376 = arith.muli %parallel_loop3A_326, %parallel_loop3A_375 : vector<16xi32>
      %parallel_loop3A_377 = arith.addi %parallel_loop3A_376, %parallel_loop3A_373 : vector<16xi32>
      %parallel_loop3A_378 = arith.constant 0 : i32
      %parallel_loop3A_379 = arith.addi %parallel_loop3A_320, %parallel_loop3A_378 : i32
      %parallel_loop3A_380 = arith.index_cast %parallel_loop3A_379 : i32 to index
      %parallel_loop3A_381 = tpu.vector_load %arg9[%parallel_loop3A_380] {strides = array<i32>} : memref<10240xi32, #tpu.memory_space<vmem>>, vector<16xi32>,
      %parallel_loop3A_382 = vector.shape_cast %parallel_loop3A_381 : vector<16xi32> to vector<16xi32>
      %parallel_loop3A_383 = vector.shape_cast %parallel_loop3A_377 : vector<16xi32> to vector<16xi32>
      tpu.vector_store %arg9[%parallel_loop3A_380], %parallel_loop3A_383 {strides = array<i32>} : memref<10240xi32, #tpu.memory_space<vmem>>, vector<16xi32>,
      %parallel_loop3A_384 = arith.constant 0 : i32
      %parallel_loop3A_385 = arith.addi %parallel_loop3A_320, %parallel_loop3A_384 : i32
      %parallel_loop3A_386 = arith.index_cast %parallel_loop3A_385 : i32 to index
      %parallel_loop3A_387 = tpu.vector_load %arg11[%parallel_loop3A_386] {strides = array<i32>} : memref<10240xf32, #tpu.memory_space<vmem>>, vector<16xf32>,
      %parallel_loop3A_388 = vector.shape_cast %parallel_loop3A_387 : vector<16xf32> to vector<16xf32>
      %parallel_loop3A_389 = arith.addf %parallel_loop3A_321, %parallel_loop3A_388 : vector<16xf32>
      %parallel_loop3A_390 = vector.shape_cast %mul3A_203 : vector<16xi32> to vector<16x1xi32>
      %parallel_loop3A_391 = vector.shape_cast %parallel_loop3A_390 : vector<16x1xi32> to vector<16xi32>
      %parallel_loop3A_392 = tpu.dynamic_gather %parallel_loop3A_336[%parallel_loop3A_391] in [0] : vector<16xi32>, vector<16xi32> -> vector<16xi32>
      %parallel_loop3A_393 = vector.shape_cast %and3A_200 : vector<16xi32> to vector<16x1xi32>
      %parallel_loop3A_394 = vector.shape_cast %parallel_loop3A_393 : vector<16x1xi32> to vector<16xi32>
      %parallel_loop3A_395 = tpu.dynamic_gather %parallel_loop3A_331[%parallel_loop3A_394] in [0] : vector<16xi32>, vector<16xi32> -> vector<16xi32>
      %parallel_loop3A_396 = arith.select %eq3A_206, %parallel_loop3A_392, %parallel_loop3A_395 : vector<16xi1>, vector<16xi32>
      %parallel_loop3A_397 = arith.constant 1000 : i32
      %parallel_loop3A_398 = vector.broadcast %parallel_loop3A_397 : i32 to vector<16xi32>
      %parallel_loop3A_399 = arith.muli %parallel_loop3A_331, %parallel_loop3A_398 : vector<16xi32>
      %parallel_loop3A_400 = arith.addi %parallel_loop3A_399, %parallel_loop3A_396 : vector<16xi32>
      %parallel_loop3A_401 = arith.constant 16 : i32
      %parallel_loop3A_402 = arith.addi %parallel_loop3A_320, %parallel_loop3A_401 : i32
      %parallel_loop3A_403 = arith.index_cast %parallel_loop3A_402 : i32 to index
      %parallel_loop3A_404 = tpu.vector_load %arg9[%parallel_loop3A_403] {strides = array<i32>} : memref<10240xi32, #tpu.memory_space<vmem>>, vector<16xi32>,
      %parallel_loop3A_405 = vector.shape_cast %parallel_loop3A_404 : vector<16xi32> to vector<16xi32>
      %parallel_loop3A_406 = vector.shape_cast %parallel_loop3A_400 : vector<16xi32> to vector<16xi32>
      tpu.vector_store %arg9[%parallel_loop3A_403], %parallel_loop3A_406 {strides = array<i32>} : memref<10240xi32, #tpu.memory_space<vmem>>, vector<16xi32>,
      %parallel_loop3A_407 = arith.constant 16 : i32
      %parallel_loop3A_408 = arith.addi %parallel_loop3A_320, %parallel_loop3A_407 : i32
      %parallel_loop3A_409 = arith.index_cast %parallel_loop3A_408 : i32 to index
      %parallel_loop3A_410 = tpu.vector_load %arg11[%parallel_loop3A_409] {strides = array<i32>} : memref<10240xf32, #tpu.memory_space<vmem>>, vector<16xf32>,
      %parallel_loop3A_411 = vector.shape_cast %parallel_loop3A_410 : vector<16xf32> to vector<16xf32>
      %parallel_loop3A_412 = arith.addf %parallel_loop3A_389, %parallel_loop3A_411 : vector<16xf32>
      %parallel_loop3A_413 = vector.shape_cast %mul3A_203 : vector<16xi32> to vector<16x1xi32>
      %parallel_loop3A_414 = vector.shape_cast %parallel_loop3A_413 : vector<16x1xi32> to vector<16xi32>
      %parallel_loop3A_415 = tpu.dynamic_gather %parallel_loop3A_341[%parallel_loop3A_414] in [0] : vector<16xi32>, vector<16xi32> -> vector<16xi32>
      %parallel_loop3A_416 = vector.shape_cast %and3A_200 : vector<16xi32> to vector<16x1xi32>
      %parallel_loop3A_417 = vector.shape_cast %parallel_loop3A_416 : vector<16x1xi32> to vector<16xi32>
      %parallel_loop3A_418 = tpu.dynamic_gather %parallel_loop3A_336[%parallel_loop3A_417] in [0] : vector<16xi32>, vector<16xi32> -> vector<16xi32>
      %parallel_loop3A_419 = arith.select %eq3A_206, %parallel_loop3A_415, %parallel_loop3A_418 : vector<16xi1>, vector<16xi32>
      %parallel_loop3A_420 = arith.constant 1000 : i32
      %parallel_loop3A_421 = vector.broadcast %parallel_loop3A_420 : i32 to vector<16xi32>
      %parallel_loop3A_422 = arith.muli %parallel_loop3A_336, %parallel_loop3A_421 : vector<16xi32>
      %parallel_loop3A_423 = arith.addi %parallel_loop3A_422, %parallel_loop3A_419 : vector<16xi32>
      %parallel_loop3A_424 = arith.constant 32 : i32
      %parallel_loop3A_425 = arith.addi %parallel_loop3A_320, %parallel_loop3A_424 : i32
      %parallel_loop3A_426 = arith.index_cast %parallel_loop3A_425 : i32 to index
      %parallel_loop3A_427 = tpu.vector_load %arg9[%parallel_loop3A_426] {strides = array<i32>} : memref<10240xi32, #tpu.memory_space<vmem>>, vector<16xi32>,
      %parallel_loop3A_428 = vector.shape_cast %parallel_loop3A_427 : vector<16xi32> to vector<16xi32>
      %parallel_loop3A_429 = vector.shape_cast %parallel_loop3A_423 : vector<16xi32> to vector<16xi32>
      tpu.vector_store %arg9[%parallel_loop3A_426], %parallel_loop3A_429 {strides = array<i32>} : memref<10240xi32, #tpu.memory_space<vmem>>, vector<16xi32>,
      %parallel_loop3A_430 = arith.constant 32 : i32
      %parallel_loop3A_431 = arith.addi %parallel_loop3A_320, %parallel_loop3A_430 : i32
      %parallel_loop3A_432 = arith.index_cast %parallel_loop3A_431 : i32 to index
      %parallel_loop3A_433 = tpu.vector_load %arg11[%parallel_loop3A_432] {strides = array<i32>} : memref<10240xf32, #tpu.memory_space<vmem>>, vector<16xf32>,
      %parallel_loop3A_434 = vector.shape_cast %parallel_loop3A_433 : vector<16xf32> to vector<16xf32>
      %parallel_loop3A_435 = arith.addf %parallel_loop3A_412, %parallel_loop3A_434 : vector<16xf32>
      %parallel_loop3A_436 = vector.shape_cast %mul3A_203 : vector<16xi32> to vector<16x1xi32>
      %parallel_loop3A_437 = vector.shape_cast %parallel_loop3A_436 : vector<16x1xi32> to vector<16xi32>
      %parallel_loop3A_438 = tpu.dynamic_gather %parallel_loop3A_346[%parallel_loop3A_437] in [0] : vector<16xi32>, vector<16xi32> -> vector<16xi32>
      %parallel_loop3A_439 = vector.shape_cast %and3A_200 : vector<16xi32> to vector<16x1xi32>
      %parallel_loop3A_440 = vector.shape_cast %parallel_loop3A_439 : vector<16x1xi32> to vector<16xi32>
      %parallel_loop3A_441 = tpu.dynamic_gather %parallel_loop3A_341[%parallel_loop3A_440] in [0] : vector<16xi32>, vector<16xi32> -> vector<16xi32>
      %parallel_loop3A_442 = arith.select %eq3A_206, %parallel_loop3A_438, %parallel_loop3A_441 : vector<16xi1>, vector<16xi32>
      %parallel_loop3A_443 = arith.constant 1000 : i32
      %parallel_loop3A_444 = vector.broadcast %parallel_loop3A_443 : i32 to vector<16xi32>
      %parallel_loop3A_445 = arith.muli %parallel_loop3A_341, %parallel_loop3A_444 : vector<16xi32>
      %parallel_loop3A_446 = arith.addi %parallel_loop3A_445, %parallel_loop3A_442 : vector<16xi32>
      %parallel_loop3A_447 = arith.constant 48 : i32
      %parallel_loop3A_448 = arith.addi %parallel_loop3A_320, %parallel_loop3A_447 : i32
      %parallel_loop3A_449 = arith.index_cast %parallel_loop3A_448 : i32 to index
      %parallel_loop3A_450 = tpu.vector_load %arg9[%parallel_loop3A_449] {strides = array<i32>} : memref<10240xi32, #tpu.memory_space<vmem>>, vector<16xi32>,
      %parallel_loop3A_451 = vector.shape_cast %parallel_loop3A_450 : vector<16xi32> to vector<16xi32>
      %parallel_loop3A_452 = vector.shape_cast %parallel_loop3A_446 : vector<16xi32> to vector<16xi32>
      tpu.vector_store %arg9[%parallel_loop3A_449], %parallel_loop3A_452 {strides = array<i32>} : memref<10240xi32, #tpu.memory_space<vmem>>, vector<16xi32>,
      %parallel_loop3A_453 = arith.constant 48 : i32
      %parallel_loop3A_454 = arith.addi %parallel_loop3A_320, %parallel_loop3A_453 : i32
      %parallel_loop3A_455 = arith.index_cast %parallel_loop3A_454 : i32 to index
      %parallel_loop3A_456 = tpu.vector_load %arg11[%parallel_loop3A_455] {strides = array<i32>} : memref<10240xf32, #tpu.memory_space<vmem>>, vector<16xf32>,
      %parallel_loop3A_457 = vector.shape_cast %parallel_loop3A_456 : vector<16xf32> to vector<16xf32>
      %parallel_loop3A_458 = arith.addf %parallel_loop3A_435, %parallel_loop3A_457 : vector<16xf32>
      %parallel_loop3A_459 = vector.shape_cast %mul3A_203 : vector<16xi32> to vector<16x1xi32>
      %parallel_loop3A_460 = vector.shape_cast %parallel_loop3A_459 : vector<16x1xi32> to vector<16xi32>
      %parallel_loop3A_461 = tpu.dynamic_gather %parallel_loop3A_351[%parallel_loop3A_460] in [0] : vector<16xi32>, vector<16xi32> -> vector<16xi32>
      %parallel_loop3A_462 = vector.shape_cast %and3A_200 : vector<16xi32> to vector<16x1xi32>
      %parallel_loop3A_463 = vector.shape_cast %parallel_loop3A_462 : vector<16x1xi32> to vector<16xi32>
      %parallel_loop3A_464 = tpu.dynamic_gather %parallel_loop3A_346[%parallel_loop3A_463] in [0] : vector<16xi32>, vector<16xi32> -> vector<16xi32>
      %parallel_loop3A_465 = arith.select %eq3A_206, %parallel_loop3A_461, %parallel_loop3A_464 : vector<16xi1>, vector<16xi32>
      %parallel_loop3A_466 = arith.constant 1000 : i32
      %parallel_loop3A_467 = vector.broadcast %parallel_loop3A_466 : i32 to vector<16xi32>
      %parallel_loop3A_468 = arith.muli %parallel_loop3A_346, %parallel_loop3A_467 : vector<16xi32>
      %parallel_loop3A_469 = arith.addi %parallel_loop3A_468, %parallel_loop3A_465 : vector<16xi32>
      %parallel_loop3A_470 = arith.constant 64 : i32
      %parallel_loop3A_471 = arith.addi %parallel_loop3A_320, %parallel_loop3A_470 : i32
      %parallel_loop3A_472 = arith.index_cast %parallel_loop3A_471 : i32 to index
      %parallel_loop3A_473 = tpu.vector_load %arg9[%parallel_loop3A_472] {strides = array<i32>} : memref<10240xi32, #tpu.memory_space<vmem>>, vector<16xi32>,
      %parallel_loop3A_474 = vector.shape_cast %parallel_loop3A_473 : vector<16xi32> to vector<16xi32>
      %parallel_loop3A_475 = vector.shape_cast %parallel_loop3A_469 : vector<16xi32> to vector<16xi32>
      tpu.vector_store %arg9[%parallel_loop3A_472], %parallel_loop3A_475 {strides = array<i32>} : memref<10240xi32, #tpu.memory_space<vmem>>, vector<16xi32>,
      %parallel_loop3A_476 = arith.constant 64 : i32
      %parallel_loop3A_477 = arith.addi %parallel_loop3A_320, %parallel_loop3A_476 : i32
      %parallel_loop3A_478 = arith.index_cast %parallel_loop3A_477 : i32 to index
      %parallel_loop3A_479 = tpu.vector_load %arg11[%parallel_loop3A_478] {strides = array<i32>} : memref<10240xf32, #tpu.memory_space<vmem>>, vector<16xf32>,
      %parallel_loop3A_480 = vector.shape_cast %parallel_loop3A_479 : vector<16xf32> to vector<16xf32>
      %parallel_loop3A_481 = arith.addf %parallel_loop3A_458, %parallel_loop3A_480 : vector<16xf32>
      %parallel_loop3A_482 = vector.shape_cast %mul3A_203 : vector<16xi32> to vector<16x1xi32>
      %parallel_loop3A_483 = vector.shape_cast %parallel_loop3A_482 : vector<16x1xi32> to vector<16xi32>
      %parallel_loop3A_484 = tpu.dynamic_gather %parallel_loop3A_356[%parallel_loop3A_483] in [0] : vector<16xi32>, vector<16xi32> -> vector<16xi32>
      %parallel_loop3A_485 = vector.shape_cast %and3A_200 : vector<16xi32> to vector<16x1xi32>
      %parallel_loop3A_486 = vector.shape_cast %parallel_loop3A_485 : vector<16x1xi32> to vector<16xi32>
      %parallel_loop3A_487 = tpu.dynamic_gather %parallel_loop3A_351[%parallel_loop3A_486] in [0] : vector<16xi32>, vector<16xi32> -> vector<16xi32>
      %parallel_loop3A_488 = arith.select %eq3A_206, %parallel_loop3A_484, %parallel_loop3A_487 : vector<16xi1>, vector<16xi32>
      %parallel_loop3A_489 = arith.constant 1000 : i32
      %parallel_loop3A_490 = vector.broadcast %parallel_loop3A_489 : i32 to vector<16xi32>
      %parallel_loop3A_491 = arith.muli %parallel_loop3A_351, %parallel_loop3A_490 : vector<16xi32>
      %parallel_loop3A_492 = arith.addi %parallel_loop3A_491, %parallel_loop3A_488 : vector<16xi32>
      %parallel_loop3A_493 = arith.constant 80 : i32
      %parallel_loop3A_494 = arith.addi %parallel_loop3A_320, %parallel_loop3A_493 : i32
      %parallel_loop3A_495 = arith.index_cast %parallel_loop3A_494 : i32 to index
      %parallel_loop3A_496 = tpu.vector_load %arg9[%parallel_loop3A_495] {strides = array<i32>} : memref<10240xi32, #tpu.memory_space<vmem>>, vector<16xi32>,
      %parallel_loop3A_497 = vector.shape_cast %parallel_loop3A_496 : vector<16xi32> to vector<16xi32>
      %parallel_loop3A_498 = vector.shape_cast %parallel_loop3A_492 : vector<16xi32> to vector<16xi32>
      tpu.vector_store %arg9[%parallel_loop3A_495], %parallel_loop3A_498 {strides = array<i32>} : memref<10240xi32, #tpu.memory_space<vmem>>, vector<16xi32>,
      %parallel_loop3A_499 = arith.constant 80 : i32
      %parallel_loop3A_500 = arith.addi %parallel_loop3A_320, %parallel_loop3A_499 : i32
      %parallel_loop3A_501 = arith.index_cast %parallel_loop3A_500 : i32 to index
      %parallel_loop3A_502 = tpu.vector_load %arg11[%parallel_loop3A_501] {strides = array<i32>} : memref<10240xf32, #tpu.memory_space<vmem>>, vector<16xf32>,
      %parallel_loop3A_503 = vector.shape_cast %parallel_loop3A_502 : vector<16xf32> to vector<16xf32>
      %parallel_loop3A_504 = arith.addf %parallel_loop3A_481, %parallel_loop3A_503 : vector<16xf32>
      %parallel_loop3A_505 = vector.shape_cast %mul3A_203 : vector<16xi32> to vector<16x1xi32>
      %parallel_loop3A_506 = vector.shape_cast %parallel_loop3A_505 : vector<16x1xi32> to vector<16xi32>
      %parallel_loop3A_507 = tpu.dynamic_gather %parallel_loop3A_361[%parallel_loop3A_506] in [0] : vector<16xi32>, vector<16xi32> -> vector<16xi32>
      %parallel_loop3A_508 = vector.shape_cast %and3A_200 : vector<16xi32> to vector<16x1xi32>
      %parallel_loop3A_509 = vector.shape_cast %parallel_loop3A_508 : vector<16x1xi32> to vector<16xi32>
      %parallel_loop3A_510 = tpu.dynamic_gather %parallel_loop3A_356[%parallel_loop3A_509] in [0] : vector<16xi32>, vector<16xi32> -> vector<16xi32>
      %parallel_loop3A_511 = arith.select %eq3A_206, %parallel_loop3A_507, %parallel_loop3A_510 : vector<16xi1>, vector<16xi32>
      %parallel_loop3A_512 = arith.constant 1000 : i32
      %parallel_loop3A_513 = vector.broadcast %parallel_loop3A_512 : i32 to vector<16xi32>
      %parallel_loop3A_514 = arith.muli %parallel_loop3A_356, %parallel_loop3A_513 : vector<16xi32>
      %parallel_loop3A_515 = arith.addi %parallel_loop3A_514, %parallel_loop3A_511 : vector<16xi32>
      %parallel_loop3A_516 = arith.constant 96 : i32
      %parallel_loop3A_517 = arith.addi %parallel_loop3A_320, %parallel_loop3A_516 : i32
      %parallel_loop3A_518 = arith.index_cast %parallel_loop3A_517 : i32 to index
      %parallel_loop3A_519 = tpu.vector_load %arg9[%parallel_loop3A_518] {strides = array<i32>} : memref<10240xi32, #tpu.memory_space<vmem>>, vector<16xi32>,
      %parallel_loop3A_520 = vector.shape_cast %parallel_loop3A_519 : vector<16xi32> to vector<16xi32>
      %parallel_loop3A_521 = vector.shape_cast %parallel_loop3A_515 : vector<16xi32> to vector<16xi32>
      tpu.vector_store %arg9[%parallel_loop3A_518], %parallel_loop3A_521 {strides = array<i32>} : memref<10240xi32, #tpu.memory_space<vmem>>, vector<16xi32>,
      %parallel_loop3A_522 = arith.constant 96 : i32
      %parallel_loop3A_523 = arith.addi %parallel_loop3A_320, %parallel_loop3A_522 : i32
      %parallel_loop3A_524 = arith.index_cast %parallel_loop3A_523 : i32 to index
      %parallel_loop3A_525 = tpu.vector_load %arg11[%parallel_loop3A_524] {strides = array<i32>} : memref<10240xf32, #tpu.memory_space<vmem>>, vector<16xf32>,
      %parallel_loop3A_526 = vector.shape_cast %parallel_loop3A_525 : vector<16xf32> to vector<16xf32>
      %parallel_loop3A_527 = arith.addf %parallel_loop3A_504, %parallel_loop3A_526 : vector<16xf32>
      %parallel_loop3A_528 = vector.shape_cast %mul3A_203 : vector<16xi32> to vector<16x1xi32>
      %parallel_loop3A_529 = vector.shape_cast %parallel_loop3A_528 : vector<16x1xi32> to vector<16xi32>
      %parallel_loop3A_530 = tpu.dynamic_gather %parallel_loop3A_366[%parallel_loop3A_529] in [0] : vector<16xi32>, vector<16xi32> -> vector<16xi32>
      %parallel_loop3A_531 = vector.shape_cast %and3A_200 : vector<16xi32> to vector<16x1xi32>
      %parallel_loop3A_532 = vector.shape_cast %parallel_loop3A_531 : vector<16x1xi32> to vector<16xi32>
      %parallel_loop3A_533 = tpu.dynamic_gather %parallel_loop3A_361[%parallel_loop3A_532] in [0] : vector<16xi32>, vector<16xi32> -> vector<16xi32>
      %parallel_loop3A_534 = arith.select %eq3A_206, %parallel_loop3A_530, %parallel_loop3A_533 : vector<16xi1>, vector<16xi32>
      %parallel_loop3A_535 = arith.constant 1000 : i32
      %parallel_loop3A_536 = vector.broadcast %parallel_loop3A_535 : i32 to vector<16xi32>
      %parallel_loop3A_537 = arith.muli %parallel_loop3A_361, %parallel_loop3A_536 : vector<16xi32>
      %parallel_loop3A_538 = arith.addi %parallel_loop3A_537, %parallel_loop3A_534 : vector<16xi32>
      %parallel_loop3A_539 = arith.constant 112 : i32
      %parallel_loop3A_540 = arith.addi %parallel_loop3A_320, %parallel_loop3A_539 : i32
      %parallel_loop3A_541 = arith.index_cast %parallel_loop3A_540 : i32 to index
      %parallel_loop3A_542 = tpu.vector_load %arg9[%parallel_loop3A_541] {strides = array<i32>} : memref<10240xi32, #tpu.memory_space<vmem>>, vector<16xi32>,
      %parallel_loop3A_543 = vector.shape_cast %parallel_loop3A_542 : vector<16xi32> to vector<16xi32>
      %parallel_loop3A_544 = vector.shape_cast %parallel_loop3A_538 : vector<16xi32> to vector<16xi32>
      tpu.vector_store %arg9[%parallel_loop3A_541], %parallel_loop3A_544 {strides = array<i32>} : memref<10240xi32, #tpu.memory_space<vmem>>, vector<16xi32>,
      %parallel_loop3A_545 = arith.constant 112 : i32
      %parallel_loop3A_546 = arith.addi %parallel_loop3A_320, %parallel_loop3A_545 : i32
      %parallel_loop3A_547 = arith.index_cast %parallel_loop3A_546 : i32 to index
      %parallel_loop3A_548 = tpu.vector_load %arg11[%parallel_loop3A_547] {strides = array<i32>} : memref<10240xf32, #tpu.memory_space<vmem>>, vector<16xf32>,
      %parallel_loop3A_549 = vector.shape_cast %parallel_loop3A_548 : vector<16xf32> to vector<16xf32>
      %parallel_loop3A_550 = arith.addf %parallel_loop3A_527, %parallel_loop3A_549 : vector<16xf32>
      scf.yield %parallel_loop3A_550 : vector<16xf32>
    } {sc.loop_unroll_factor = 2 : i64, sc.parallel_access}
    %dma_wait3A_211 = arith.constant 0 : i32
    %dma_wait3A_212 = tpu.memref_slice %arg6[%dma_wait3A_211] : memref<1000000xf32, #tpu.memory_space<vmem_shared>> -> memref<1000000xf32, #tpu.memory_space<vmem_shared>>
    tpu.wait_indirect_dma semaphore(%arg15 : memref<!tpu.dma_semaphore, #tpu.memory_space<semaphore_mem>>) src(%dma_wait3A_212 : memref<1000000xf32, #tpu.memory_space<vmem_shared>>) dst(%arg12 : memref<10240xf32, #tpu.memory_space<vmem>>)
    %dma_start3A_213 = arith.constant 0 : i32
    %dma_start3A_214 = tpu.memref_slice %arg6[%dma_start3A_213] : memref<1000000xf32, #tpu.memory_space<vmem_shared>> -> memref<1000000xf32, #tpu.memory_space<vmem_shared>>
    tpu.enqueue_indirect_dma source(%dma_start3A_214 : memref<1000000xf32, #tpu.memory_space<vmem_shared>>) target(%arg11 : memref<10240xf32, #tpu.memory_space<vmem>>) offsets(%arg9 : memref<10240xi32, #tpu.memory_space<vmem>>) semaphore(%arg15 : memref<!tpu.dma_semaphore, #tpu.memory_space<semaphore_mem>>)
    %add3A_215 = arith.constant 71680 : i32
    %add3A_216 = arith.addi %mul3A_2, %add3A_215 : i32
    %dma_wait3A_217 = tpu.memref_slice %arg2[%add3A_216] : memref<3276800xi32, #tpu.memory_space<hbm>> -> memref<10256xi32, #tpu.memory_space<hbm>>
    %dma_wait3A_218 = tpu.memref_slice %arg2[%add3A_216] : memref<3276800xi32, #tpu.memory_space<hbm>> -> memref<10256xi32, #tpu.memory_space<hbm>>
    tpu.wait_dma2 semaphore(%arg14 : memref<!tpu.dma_semaphore, #tpu.memory_space<semaphore_mem>>) src(%dma_wait3A_218 : memref<10256xi32, #tpu.memory_space<hbm>>) dst(%arg8 : memref<10256xi32, #tpu.memory_space<vmem>>)
    %add3A_219 = arith.constant 81920 : i32
    %add3A_220 = arith.addi %mul3A_2, %add3A_219 : i32
    %dma_start3A_221 = tpu.memref_slice %arg2[%add3A_220] : memref<3276800xi32, #tpu.memory_space<hbm>> -> memref<10256xi32, #tpu.memory_space<hbm>>
    %dma_start3A_222 = tpu.memref_slice %arg2[%add3A_220] : memref<3276800xi32, #tpu.memory_space<hbm>> -> memref<10256xi32, #tpu.memory_space<hbm>>
    tpu.enqueue_dma source(%dma_start3A_222 : memref<10256xi32, #tpu.memory_space<hbm>>) target(%arg7 : memref<10256xi32, #tpu.memory_space<vmem>>) target_semaphore(%arg14 : memref<!tpu.dma_semaphore, #tpu.memory_space<semaphore_mem>>)
    %iota3A_223 = tpu.iota {dimensions = array<i32: 0>} : vector<16xi32>
    %add3A_224 = arith.constant 1 : i32
    %add3A_225 = vector.broadcast %add3A_224 : i32 to vector<16xi32>
    %add3A_226 = arith.addi %iota3A_223, %add3A_225 : vector<16xi32>
    %and3A_227 = arith.constant 15 : i32
    %and3A_228 = vector.broadcast %and3A_227 : i32 to vector<16xi32>
    %and3A_229 = arith.andi %add3A_226, %and3A_228 : vector<16xi32>
    %mul3A_230 = arith.constant 0 : i32
    %mul3A_231 = vector.broadcast %mul3A_230 : i32 to vector<16xi32>
    %mul3A_232 = arith.muli %iota3A_223, %mul3A_231 : vector<16xi32>
    %eq3A_233 = arith.constant 15 : i32
    %eq3A_234 = vector.broadcast %eq3A_233 : i32 to vector<16xi32>
    %eq3A_235 = arith.cmpi eq, %iota3A_223, %eq3A_234 : vector<16xi32>
    %parallel_loop3A_236 = arith.constant 0 : i32
    %parallel_loop3A_237 = arith.constant 10240 : i32
    %parallel_loop3A_238 = arith.constant 128 : i32
    %parallel_loop3A_239 = scf.for %parallel_loop3A_320 = %parallel_loop3A_236 to %parallel_loop3A_237 step %parallel_loop3A_238 iter_args(%parallel_loop3A_321 = %parallel_loop3A_210) -> (vector<16xf32>)  : i32 {
      %parallel_loop3A_322 = arith.constant 0 : i32
      %parallel_loop3A_323 = arith.addi %parallel_loop3A_320, %parallel_loop3A_322 : i32
      %parallel_loop3A_324 = arith.index_cast %parallel_loop3A_323 : i32 to index
      %parallel_loop3A_325 = tpu.vector_load %arg8[%parallel_loop3A_324] {strides = array<i32>} : memref<10256xi32, #tpu.memory_space<vmem>>, vector<16xi32>,
      %parallel_loop3A_326 = vector.shape_cast %parallel_loop3A_325 : vector<16xi32> to vector<16xi32>
      %parallel_loop3A_327 = arith.constant 16 : i32
      %parallel_loop3A_328 = arith.addi %parallel_loop3A_320, %parallel_loop3A_327 : i32
      %parallel_loop3A_329 = arith.index_cast %parallel_loop3A_328 : i32 to index
      %parallel_loop3A_330 = tpu.vector_load %arg8[%parallel_loop3A_329] {strides = array<i32>} : memref<10256xi32, #tpu.memory_space<vmem>>, vector<16xi32>,
      %parallel_loop3A_331 = vector.shape_cast %parallel_loop3A_330 : vector<16xi32> to vector<16xi32>
      %parallel_loop3A_332 = arith.constant 32 : i32
      %parallel_loop3A_333 = arith.addi %parallel_loop3A_320, %parallel_loop3A_332 : i32
      %parallel_loop3A_334 = arith.index_cast %parallel_loop3A_333 : i32 to index
      %parallel_loop3A_335 = tpu.vector_load %arg8[%parallel_loop3A_334] {strides = array<i32>} : memref<10256xi32, #tpu.memory_space<vmem>>, vector<16xi32>,
      %parallel_loop3A_336 = vector.shape_cast %parallel_loop3A_335 : vector<16xi32> to vector<16xi32>
      %parallel_loop3A_337 = arith.constant 48 : i32
      %parallel_loop3A_338 = arith.addi %parallel_loop3A_320, %parallel_loop3A_337 : i32
      %parallel_loop3A_339 = arith.index_cast %parallel_loop3A_338 : i32 to index
      %parallel_loop3A_340 = tpu.vector_load %arg8[%parallel_loop3A_339] {strides = array<i32>} : memref<10256xi32, #tpu.memory_space<vmem>>, vector<16xi32>,
      %parallel_loop3A_341 = vector.shape_cast %parallel_loop3A_340 : vector<16xi32> to vector<16xi32>
      %parallel_loop3A_342 = arith.constant 64 : i32
      %parallel_loop3A_343 = arith.addi %parallel_loop3A_320, %parallel_loop3A_342 : i32
      %parallel_loop3A_344 = arith.index_cast %parallel_loop3A_343 : i32 to index
      %parallel_loop3A_345 = tpu.vector_load %arg8[%parallel_loop3A_344] {strides = array<i32>} : memref<10256xi32, #tpu.memory_space<vmem>>, vector<16xi32>,
      %parallel_loop3A_346 = vector.shape_cast %parallel_loop3A_345 : vector<16xi32> to vector<16xi32>
      %parallel_loop3A_347 = arith.constant 80 : i32
      %parallel_loop3A_348 = arith.addi %parallel_loop3A_320, %parallel_loop3A_347 : i32
      %parallel_loop3A_349 = arith.index_cast %parallel_loop3A_348 : i32 to index
      %parallel_loop3A_350 = tpu.vector_load %arg8[%parallel_loop3A_349] {strides = array<i32>} : memref<10256xi32, #tpu.memory_space<vmem>>, vector<16xi32>,
      %parallel_loop3A_351 = vector.shape_cast %parallel_loop3A_350 : vector<16xi32> to vector<16xi32>
      %parallel_loop3A_352 = arith.constant 96 : i32
      %parallel_loop3A_353 = arith.addi %parallel_loop3A_320, %parallel_loop3A_352 : i32
      %parallel_loop3A_354 = arith.index_cast %parallel_loop3A_353 : i32 to index
      %parallel_loop3A_355 = tpu.vector_load %arg8[%parallel_loop3A_354] {strides = array<i32>} : memref<10256xi32, #tpu.memory_space<vmem>>, vector<16xi32>,
      %parallel_loop3A_356 = vector.shape_cast %parallel_loop3A_355 : vector<16xi32> to vector<16xi32>
      %parallel_loop3A_357 = arith.constant 112 : i32
      %parallel_loop3A_358 = arith.addi %parallel_loop3A_320, %parallel_loop3A_357 : i32
      %parallel_loop3A_359 = arith.index_cast %parallel_loop3A_358 : i32 to index
      %parallel_loop3A_360 = tpu.vector_load %arg8[%parallel_loop3A_359] {strides = array<i32>} : memref<10256xi32, #tpu.memory_space<vmem>>, vector<16xi32>,
      %parallel_loop3A_361 = vector.shape_cast %parallel_loop3A_360 : vector<16xi32> to vector<16xi32>
      %parallel_loop3A_362 = arith.constant 128 : i32
      %parallel_loop3A_363 = arith.addi %parallel_loop3A_320, %parallel_loop3A_362 : i32
      %parallel_loop3A_364 = arith.index_cast %parallel_loop3A_363 : i32 to index
      %parallel_loop3A_365 = tpu.vector_load %arg8[%parallel_loop3A_364] {strides = array<i32>} : memref<10256xi32, #tpu.memory_space<vmem>>, vector<16xi32>,
      %parallel_loop3A_366 = vector.shape_cast %parallel_loop3A_365 : vector<16xi32> to vector<16xi32>
      %parallel_loop3A_367 = vector.shape_cast %mul3A_232 : vector<16xi32> to vector<16x1xi32>
      %parallel_loop3A_368 = vector.shape_cast %parallel_loop3A_367 : vector<16x1xi32> to vector<16xi32>
      %parallel_loop3A_369 = tpu.dynamic_gather %parallel_loop3A_331[%parallel_loop3A_368] in [0] : vector<16xi32>, vector<16xi32> -> vector<16xi32>
      %parallel_loop3A_370 = vector.shape_cast %and3A_229 : vector<16xi32> to vector<16x1xi32>
      %parallel_loop3A_371 = vector.shape_cast %parallel_loop3A_370 : vector<16x1xi32> to vector<16xi32>
      %parallel_loop3A_372 = tpu.dynamic_gather %parallel_loop3A_326[%parallel_loop3A_371] in [0] : vector<16xi32>, vector<16xi32> -> vector<16xi32>
      %parallel_loop3A_373 = arith.select %eq3A_235, %parallel_loop3A_369, %parallel_loop3A_372 : vector<16xi1>, vector<16xi32>
      %parallel_loop3A_374 = arith.constant 1000 : i32
      %parallel_loop3A_375 = vector.broadcast %parallel_loop3A_374 : i32 to vector<16xi32>
      %parallel_loop3A_376 = arith.muli %parallel_loop3A_326, %parallel_loop3A_375 : vector<16xi32>
      %parallel_loop3A_377 = arith.addi %parallel_loop3A_376, %parallel_loop3A_373 : vector<16xi32>
      %parallel_loop3A_378 = arith.constant 0 : i32
      %parallel_loop3A_379 = arith.addi %parallel_loop3A_320, %parallel_loop3A_378 : i32
      %parallel_loop3A_380 = arith.index_cast %parallel_loop3A_379 : i32 to index
      %parallel_loop3A_381 = tpu.vector_load %arg10[%parallel_loop3A_380] {strides = array<i32>} : memref<10240xi32, #tpu.memory_space<vmem>>, vector<16xi32>,
      %parallel_loop3A_382 = vector.shape_cast %parallel_loop3A_381 : vector<16xi32> to vector<16xi32>
      %parallel_loop3A_383 = vector.shape_cast %parallel_loop3A_377 : vector<16xi32> to vector<16xi32>
      tpu.vector_store %arg10[%parallel_loop3A_380], %parallel_loop3A_383 {strides = array<i32>} : memref<10240xi32, #tpu.memory_space<vmem>>, vector<16xi32>,
      %parallel_loop3A_384 = arith.constant 0 : i32
      %parallel_loop3A_385 = arith.addi %parallel_loop3A_320, %parallel_loop3A_384 : i32
      %parallel_loop3A_386 = arith.index_cast %parallel_loop3A_385 : i32 to index
      %parallel_loop3A_387 = tpu.vector_load %arg12[%parallel_loop3A_386] {strides = array<i32>} : memref<10240xf32, #tpu.memory_space<vmem>>, vector<16xf32>,
      %parallel_loop3A_388 = vector.shape_cast %parallel_loop3A_387 : vector<16xf32> to vector<16xf32>
      %parallel_loop3A_389 = arith.addf %parallel_loop3A_321, %parallel_loop3A_388 : vector<16xf32>
      %parallel_loop3A_390 = vector.shape_cast %mul3A_232 : vector<16xi32> to vector<16x1xi32>
      %parallel_loop3A_391 = vector.shape_cast %parallel_loop3A_390 : vector<16x1xi32> to vector<16xi32>
      %parallel_loop3A_392 = tpu.dynamic_gather %parallel_loop3A_336[%parallel_loop3A_391] in [0] : vector<16xi32>, vector<16xi32> -> vector<16xi32>
      %parallel_loop3A_393 = vector.shape_cast %and3A_229 : vector<16xi32> to vector<16x1xi32>
      %parallel_loop3A_394 = vector.shape_cast %parallel_loop3A_393 : vector<16x1xi32> to vector<16xi32>
      %parallel_loop3A_395 = tpu.dynamic_gather %parallel_loop3A_331[%parallel_loop3A_394] in [0] : vector<16xi32>, vector<16xi32> -> vector<16xi32>
      %parallel_loop3A_396 = arith.select %eq3A_235, %parallel_loop3A_392, %parallel_loop3A_395 : vector<16xi1>, vector<16xi32>
      %parallel_loop3A_397 = arith.constant 1000 : i32
      %parallel_loop3A_398 = vector.broadcast %parallel_loop3A_397 : i32 to vector<16xi32>
      %parallel_loop3A_399 = arith.muli %parallel_loop3A_331, %parallel_loop3A_398 : vector<16xi32>
      %parallel_loop3A_400 = arith.addi %parallel_loop3A_399, %parallel_loop3A_396 : vector<16xi32>
      %parallel_loop3A_401 = arith.constant 16 : i32
      %parallel_loop3A_402 = arith.addi %parallel_loop3A_320, %parallel_loop3A_401 : i32
      %parallel_loop3A_403 = arith.index_cast %parallel_loop3A_402 : i32 to index
      %parallel_loop3A_404 = tpu.vector_load %arg10[%parallel_loop3A_403] {strides = array<i32>} : memref<10240xi32, #tpu.memory_space<vmem>>, vector<16xi32>,
      %parallel_loop3A_405 = vector.shape_cast %parallel_loop3A_404 : vector<16xi32> to vector<16xi32>
      %parallel_loop3A_406 = vector.shape_cast %parallel_loop3A_400 : vector<16xi32> to vector<16xi32>
      tpu.vector_store %arg10[%parallel_loop3A_403], %parallel_loop3A_406 {strides = array<i32>} : memref<10240xi32, #tpu.memory_space<vmem>>, vector<16xi32>,
      %parallel_loop3A_407 = arith.constant 16 : i32
      %parallel_loop3A_408 = arith.addi %parallel_loop3A_320, %parallel_loop3A_407 : i32
      %parallel_loop3A_409 = arith.index_cast %parallel_loop3A_408 : i32 to index
      %parallel_loop3A_410 = tpu.vector_load %arg12[%parallel_loop3A_409] {strides = array<i32>} : memref<10240xf32, #tpu.memory_space<vmem>>, vector<16xf32>,
      %parallel_loop3A_411 = vector.shape_cast %parallel_loop3A_410 : vector<16xf32> to vector<16xf32>
      %parallel_loop3A_412 = arith.addf %parallel_loop3A_389, %parallel_loop3A_411 : vector<16xf32>
      %parallel_loop3A_413 = vector.shape_cast %mul3A_232 : vector<16xi32> to vector<16x1xi32>
      %parallel_loop3A_414 = vector.shape_cast %parallel_loop3A_413 : vector<16x1xi32> to vector<16xi32>
      %parallel_loop3A_415 = tpu.dynamic_gather %parallel_loop3A_341[%parallel_loop3A_414] in [0] : vector<16xi32>, vector<16xi32> -> vector<16xi32>
      %parallel_loop3A_416 = vector.shape_cast %and3A_229 : vector<16xi32> to vector<16x1xi32>
      %parallel_loop3A_417 = vector.shape_cast %parallel_loop3A_416 : vector<16x1xi32> to vector<16xi32>
      %parallel_loop3A_418 = tpu.dynamic_gather %parallel_loop3A_336[%parallel_loop3A_417] in [0] : vector<16xi32>, vector<16xi32> -> vector<16xi32>
      %parallel_loop3A_419 = arith.select %eq3A_235, %parallel_loop3A_415, %parallel_loop3A_418 : vector<16xi1>, vector<16xi32>
      %parallel_loop3A_420 = arith.constant 1000 : i32
      %parallel_loop3A_421 = vector.broadcast %parallel_loop3A_420 : i32 to vector<16xi32>
      %parallel_loop3A_422 = arith.muli %parallel_loop3A_336, %parallel_loop3A_421 : vector<16xi32>
      %parallel_loop3A_423 = arith.addi %parallel_loop3A_422, %parallel_loop3A_419 : vector<16xi32>
      %parallel_loop3A_424 = arith.constant 32 : i32
      %parallel_loop3A_425 = arith.addi %parallel_loop3A_320, %parallel_loop3A_424 : i32
      %parallel_loop3A_426 = arith.index_cast %parallel_loop3A_425 : i32 to index
      %parallel_loop3A_427 = tpu.vector_load %arg10[%parallel_loop3A_426] {strides = array<i32>} : memref<10240xi32, #tpu.memory_space<vmem>>, vector<16xi32>,
      %parallel_loop3A_428 = vector.shape_cast %parallel_loop3A_427 : vector<16xi32> to vector<16xi32>
      %parallel_loop3A_429 = vector.shape_cast %parallel_loop3A_423 : vector<16xi32> to vector<16xi32>
      tpu.vector_store %arg10[%parallel_loop3A_426], %parallel_loop3A_429 {strides = array<i32>} : memref<10240xi32, #tpu.memory_space<vmem>>, vector<16xi32>,
      %parallel_loop3A_430 = arith.constant 32 : i32
      %parallel_loop3A_431 = arith.addi %parallel_loop3A_320, %parallel_loop3A_430 : i32
      %parallel_loop3A_432 = arith.index_cast %parallel_loop3A_431 : i32 to index
      %parallel_loop3A_433 = tpu.vector_load %arg12[%parallel_loop3A_432] {strides = array<i32>} : memref<10240xf32, #tpu.memory_space<vmem>>, vector<16xf32>,
      %parallel_loop3A_434 = vector.shape_cast %parallel_loop3A_433 : vector<16xf32> to vector<16xf32>
      %parallel_loop3A_435 = arith.addf %parallel_loop3A_412, %parallel_loop3A_434 : vector<16xf32>
      %parallel_loop3A_436 = vector.shape_cast %mul3A_232 : vector<16xi32> to vector<16x1xi32>
      %parallel_loop3A_437 = vector.shape_cast %parallel_loop3A_436 : vector<16x1xi32> to vector<16xi32>
      %parallel_loop3A_438 = tpu.dynamic_gather %parallel_loop3A_346[%parallel_loop3A_437] in [0] : vector<16xi32>, vector<16xi32> -> vector<16xi32>
      %parallel_loop3A_439 = vector.shape_cast %and3A_229 : vector<16xi32> to vector<16x1xi32>
      %parallel_loop3A_440 = vector.shape_cast %parallel_loop3A_439 : vector<16x1xi32> to vector<16xi32>
      %parallel_loop3A_441 = tpu.dynamic_gather %parallel_loop3A_341[%parallel_loop3A_440] in [0] : vector<16xi32>, vector<16xi32> -> vector<16xi32>
      %parallel_loop3A_442 = arith.select %eq3A_235, %parallel_loop3A_438, %parallel_loop3A_441 : vector<16xi1>, vector<16xi32>
      %parallel_loop3A_443 = arith.constant 1000 : i32
      %parallel_loop3A_444 = vector.broadcast %parallel_loop3A_443 : i32 to vector<16xi32>
      %parallel_loop3A_445 = arith.muli %parallel_loop3A_341, %parallel_loop3A_444 : vector<16xi32>
      %parallel_loop3A_446 = arith.addi %parallel_loop3A_445, %parallel_loop3A_442 : vector<16xi32>
      %parallel_loop3A_447 = arith.constant 48 : i32
      %parallel_loop3A_448 = arith.addi %parallel_loop3A_320, %parallel_loop3A_447 : i32
      %parallel_loop3A_449 = arith.index_cast %parallel_loop3A_448 : i32 to index
      %parallel_loop3A_450 = tpu.vector_load %arg10[%parallel_loop3A_449] {strides = array<i32>} : memref<10240xi32, #tpu.memory_space<vmem>>, vector<16xi32>,
      %parallel_loop3A_451 = vector.shape_cast %parallel_loop3A_450 : vector<16xi32> to vector<16xi32>
      %parallel_loop3A_452 = vector.shape_cast %parallel_loop3A_446 : vector<16xi32> to vector<16xi32>
      tpu.vector_store %arg10[%parallel_loop3A_449], %parallel_loop3A_452 {strides = array<i32>} : memref<10240xi32, #tpu.memory_space<vmem>>, vector<16xi32>,
      %parallel_loop3A_453 = arith.constant 48 : i32
      %parallel_loop3A_454 = arith.addi %parallel_loop3A_320, %parallel_loop3A_453 : i32
      %parallel_loop3A_455 = arith.index_cast %parallel_loop3A_454 : i32 to index
      %parallel_loop3A_456 = tpu.vector_load %arg12[%parallel_loop3A_455] {strides = array<i32>} : memref<10240xf32, #tpu.memory_space<vmem>>, vector<16xf32>,
      %parallel_loop3A_457 = vector.shape_cast %parallel_loop3A_456 : vector<16xf32> to vector<16xf32>
      %parallel_loop3A_458 = arith.addf %parallel_loop3A_435, %parallel_loop3A_457 : vector<16xf32>
      %parallel_loop3A_459 = vector.shape_cast %mul3A_232 : vector<16xi32> to vector<16x1xi32>
      %parallel_loop3A_460 = vector.shape_cast %parallel_loop3A_459 : vector<16x1xi32> to vector<16xi32>
      %parallel_loop3A_461 = tpu.dynamic_gather %parallel_loop3A_351[%parallel_loop3A_460] in [0] : vector<16xi32>, vector<16xi32> -> vector<16xi32>
      %parallel_loop3A_462 = vector.shape_cast %and3A_229 : vector<16xi32> to vector<16x1xi32>
      %parallel_loop3A_463 = vector.shape_cast %parallel_loop3A_462 : vector<16x1xi32> to vector<16xi32>
      %parallel_loop3A_464 = tpu.dynamic_gather %parallel_loop3A_346[%parallel_loop3A_463] in [0] : vector<16xi32>, vector<16xi32> -> vector<16xi32>
      %parallel_loop3A_465 = arith.select %eq3A_235, %parallel_loop3A_461, %parallel_loop3A_464 : vector<16xi1>, vector<16xi32>
      %parallel_loop3A_466 = arith.constant 1000 : i32
      %parallel_loop3A_467 = vector.broadcast %parallel_loop3A_466 : i32 to vector<16xi32>
      %parallel_loop3A_468 = arith.muli %parallel_loop3A_346, %parallel_loop3A_467 : vector<16xi32>
      %parallel_loop3A_469 = arith.addi %parallel_loop3A_468, %parallel_loop3A_465 : vector<16xi32>
      %parallel_loop3A_470 = arith.constant 64 : i32
      %parallel_loop3A_471 = arith.addi %parallel_loop3A_320, %parallel_loop3A_470 : i32
      %parallel_loop3A_472 = arith.index_cast %parallel_loop3A_471 : i32 to index
      %parallel_loop3A_473 = tpu.vector_load %arg10[%parallel_loop3A_472] {strides = array<i32>} : memref<10240xi32, #tpu.memory_space<vmem>>, vector<16xi32>,
      %parallel_loop3A_474 = vector.shape_cast %parallel_loop3A_473 : vector<16xi32> to vector<16xi32>
      %parallel_loop3A_475 = vector.shape_cast %parallel_loop3A_469 : vector<16xi32> to vector<16xi32>
      tpu.vector_store %arg10[%parallel_loop3A_472], %parallel_loop3A_475 {strides = array<i32>} : memref<10240xi32, #tpu.memory_space<vmem>>, vector<16xi32>,
      %parallel_loop3A_476 = arith.constant 64 : i32
      %parallel_loop3A_477 = arith.addi %parallel_loop3A_320, %parallel_loop3A_476 : i32
      %parallel_loop3A_478 = arith.index_cast %parallel_loop3A_477 : i32 to index
      %parallel_loop3A_479 = tpu.vector_load %arg12[%parallel_loop3A_478] {strides = array<i32>} : memref<10240xf32, #tpu.memory_space<vmem>>, vector<16xf32>,
      %parallel_loop3A_480 = vector.shape_cast %parallel_loop3A_479 : vector<16xf32> to vector<16xf32>
      %parallel_loop3A_481 = arith.addf %parallel_loop3A_458, %parallel_loop3A_480 : vector<16xf32>
      %parallel_loop3A_482 = vector.shape_cast %mul3A_232 : vector<16xi32> to vector<16x1xi32>
      %parallel_loop3A_483 = vector.shape_cast %parallel_loop3A_482 : vector<16x1xi32> to vector<16xi32>
      %parallel_loop3A_484 = tpu.dynamic_gather %parallel_loop3A_356[%parallel_loop3A_483] in [0] : vector<16xi32>, vector<16xi32> -> vector<16xi32>
      %parallel_loop3A_485 = vector.shape_cast %and3A_229 : vector<16xi32> to vector<16x1xi32>
      %parallel_loop3A_486 = vector.shape_cast %parallel_loop3A_485 : vector<16x1xi32> to vector<16xi32>
      %parallel_loop3A_487 = tpu.dynamic_gather %parallel_loop3A_351[%parallel_loop3A_486] in [0] : vector<16xi32>, vector<16xi32> -> vector<16xi32>
      %parallel_loop3A_488 = arith.select %eq3A_235, %parallel_loop3A_484, %parallel_loop3A_487 : vector<16xi1>, vector<16xi32>
      %parallel_loop3A_489 = arith.constant 1000 : i32
      %parallel_loop3A_490 = vector.broadcast %parallel_loop3A_489 : i32 to vector<16xi32>
      %parallel_loop3A_491 = arith.muli %parallel_loop3A_351, %parallel_loop3A_490 : vector<16xi32>
      %parallel_loop3A_492 = arith.addi %parallel_loop3A_491, %parallel_loop3A_488 : vector<16xi32>
      %parallel_loop3A_493 = arith.constant 80 : i32
      %parallel_loop3A_494 = arith.addi %parallel_loop3A_320, %parallel_loop3A_493 : i32
      %parallel_loop3A_495 = arith.index_cast %parallel_loop3A_494 : i32 to index
      %parallel_loop3A_496 = tpu.vector_load %arg10[%parallel_loop3A_495] {strides = array<i32>} : memref<10240xi32, #tpu.memory_space<vmem>>, vector<16xi32>,
      %parallel_loop3A_497 = vector.shape_cast %parallel_loop3A_496 : vector<16xi32> to vector<16xi32>
      %parallel_loop3A_498 = vector.shape_cast %parallel_loop3A_492 : vector<16xi32> to vector<16xi32>
      tpu.vector_store %arg10[%parallel_loop3A_495], %parallel_loop3A_498 {strides = array<i32>} : memref<10240xi32, #tpu.memory_space<vmem>>, vector<16xi32>,
      %parallel_loop3A_499 = arith.constant 80 : i32
      %parallel_loop3A_500 = arith.addi %parallel_loop3A_320, %parallel_loop3A_499 : i32
      %parallel_loop3A_501 = arith.index_cast %parallel_loop3A_500 : i32 to index
      %parallel_loop3A_502 = tpu.vector_load %arg12[%parallel_loop3A_501] {strides = array<i32>} : memref<10240xf32, #tpu.memory_space<vmem>>, vector<16xf32>,
      %parallel_loop3A_503 = vector.shape_cast %parallel_loop3A_502 : vector<16xf32> to vector<16xf32>
      %parallel_loop3A_504 = arith.addf %parallel_loop3A_481, %parallel_loop3A_503 : vector<16xf32>
      %parallel_loop3A_505 = vector.shape_cast %mul3A_232 : vector<16xi32> to vector<16x1xi32>
      %parallel_loop3A_506 = vector.shape_cast %parallel_loop3A_505 : vector<16x1xi32> to vector<16xi32>
      %parallel_loop3A_507 = tpu.dynamic_gather %parallel_loop3A_361[%parallel_loop3A_506] in [0] : vector<16xi32>, vector<16xi32> -> vector<16xi32>
      %parallel_loop3A_508 = vector.shape_cast %and3A_229 : vector<16xi32> to vector<16x1xi32>
      %parallel_loop3A_509 = vector.shape_cast %parallel_loop3A_508 : vector<16x1xi32> to vector<16xi32>
      %parallel_loop3A_510 = tpu.dynamic_gather %parallel_loop3A_356[%parallel_loop3A_509] in [0] : vector<16xi32>, vector<16xi32> -> vector<16xi32>
      %parallel_loop3A_511 = arith.select %eq3A_235, %parallel_loop3A_507, %parallel_loop3A_510 : vector<16xi1>, vector<16xi32>
      %parallel_loop3A_512 = arith.constant 1000 : i32
      %parallel_loop3A_513 = vector.broadcast %parallel_loop3A_512 : i32 to vector<16xi32>
      %parallel_loop3A_514 = arith.muli %parallel_loop3A_356, %parallel_loop3A_513 : vector<16xi32>
      %parallel_loop3A_515 = arith.addi %parallel_loop3A_514, %parallel_loop3A_511 : vector<16xi32>
      %parallel_loop3A_516 = arith.constant 96 : i32
      %parallel_loop3A_517 = arith.addi %parallel_loop3A_320, %parallel_loop3A_516 : i32
      %parallel_loop3A_518 = arith.index_cast %parallel_loop3A_517 : i32 to index
      %parallel_loop3A_519 = tpu.vector_load %arg10[%parallel_loop3A_518] {strides = array<i32>} : memref<10240xi32, #tpu.memory_space<vmem>>, vector<16xi32>,
      %parallel_loop3A_520 = vector.shape_cast %parallel_loop3A_519 : vector<16xi32> to vector<16xi32>
      %parallel_loop3A_521 = vector.shape_cast %parallel_loop3A_515 : vector<16xi32> to vector<16xi32>
      tpu.vector_store %arg10[%parallel_loop3A_518], %parallel_loop3A_521 {strides = array<i32>} : memref<10240xi32, #tpu.memory_space<vmem>>, vector<16xi32>,
      %parallel_loop3A_522 = arith.constant 96 : i32
      %parallel_loop3A_523 = arith.addi %parallel_loop3A_320, %parallel_loop3A_522 : i32
      %parallel_loop3A_524 = arith.index_cast %parallel_loop3A_523 : i32 to index
      %parallel_loop3A_525 = tpu.vector_load %arg12[%parallel_loop3A_524] {strides = array<i32>} : memref<10240xf32, #tpu.memory_space<vmem>>, vector<16xf32>,
      %parallel_loop3A_526 = vector.shape_cast %parallel_loop3A_525 : vector<16xf32> to vector<16xf32>
      %parallel_loop3A_527 = arith.addf %parallel_loop3A_504, %parallel_loop3A_526 : vector<16xf32>
      %parallel_loop3A_528 = vector.shape_cast %mul3A_232 : vector<16xi32> to vector<16x1xi32>
      %parallel_loop3A_529 = vector.shape_cast %parallel_loop3A_528 : vector<16x1xi32> to vector<16xi32>
      %parallel_loop3A_530 = tpu.dynamic_gather %parallel_loop3A_366[%parallel_loop3A_529] in [0] : vector<16xi32>, vector<16xi32> -> vector<16xi32>
      %parallel_loop3A_531 = vector.shape_cast %and3A_229 : vector<16xi32> to vector<16x1xi32>
      %parallel_loop3A_532 = vector.shape_cast %parallel_loop3A_531 : vector<16x1xi32> to vector<16xi32>
      %parallel_loop3A_533 = tpu.dynamic_gather %parallel_loop3A_361[%parallel_loop3A_532] in [0] : vector<16xi32>, vector<16xi32> -> vector<16xi32>
      %parallel_loop3A_534 = arith.select %eq3A_235, %parallel_loop3A_530, %parallel_loop3A_533 : vector<16xi1>, vector<16xi32>
      %parallel_loop3A_535 = arith.constant 1000 : i32
      %parallel_loop3A_536 = vector.broadcast %parallel_loop3A_535 : i32 to vector<16xi32>
      %parallel_loop3A_537 = arith.muli %parallel_loop3A_361, %parallel_loop3A_536 : vector<16xi32>
      %parallel_loop3A_538 = arith.addi %parallel_loop3A_537, %parallel_loop3A_534 : vector<16xi32>
      %parallel_loop3A_539 = arith.constant 112 : i32
      %parallel_loop3A_540 = arith.addi %parallel_loop3A_320, %parallel_loop3A_539 : i32
      %parallel_loop3A_541 = arith.index_cast %parallel_loop3A_540 : i32 to index
      %parallel_loop3A_542 = tpu.vector_load %arg10[%parallel_loop3A_541] {strides = array<i32>} : memref<10240xi32, #tpu.memory_space<vmem>>, vector<16xi32>,
      %parallel_loop3A_543 = vector.shape_cast %parallel_loop3A_542 : vector<16xi32> to vector<16xi32>
      %parallel_loop3A_544 = vector.shape_cast %parallel_loop3A_538 : vector<16xi32> to vector<16xi32>
      tpu.vector_store %arg10[%parallel_loop3A_541], %parallel_loop3A_544 {strides = array<i32>} : memref<10240xi32, #tpu.memory_space<vmem>>, vector<16xi32>,
      %parallel_loop3A_545 = arith.constant 112 : i32
      %parallel_loop3A_546 = arith.addi %parallel_loop3A_320, %parallel_loop3A_545 : i32
      %parallel_loop3A_547 = arith.index_cast %parallel_loop3A_546 : i32 to index
      %parallel_loop3A_548 = tpu.vector_load %arg12[%parallel_loop3A_547] {strides = array<i32>} : memref<10240xf32, #tpu.memory_space<vmem>>, vector<16xf32>,
      %parallel_loop3A_549 = vector.shape_cast %parallel_loop3A_548 : vector<16xf32> to vector<16xf32>
      %parallel_loop3A_550 = arith.addf %parallel_loop3A_527, %parallel_loop3A_549 : vector<16xf32>
      scf.yield %parallel_loop3A_550 : vector<16xf32>
    } {sc.loop_unroll_factor = 2 : i64, sc.parallel_access}
    %dma_wait3A_240 = arith.constant 0 : i32
    %dma_wait3A_241 = tpu.memref_slice %arg6[%dma_wait3A_240] : memref<1000000xf32, #tpu.memory_space<vmem_shared>> -> memref<1000000xf32, #tpu.memory_space<vmem_shared>>
    tpu.wait_indirect_dma semaphore(%arg15 : memref<!tpu.dma_semaphore, #tpu.memory_space<semaphore_mem>>) src(%dma_wait3A_241 : memref<1000000xf32, #tpu.memory_space<vmem_shared>>) dst(%arg11 : memref<10240xf32, #tpu.memory_space<vmem>>)
    %dma_start3A_242 = arith.constant 0 : i32
    %dma_start3A_243 = tpu.memref_slice %arg6[%dma_start3A_242] : memref<1000000xf32, #tpu.memory_space<vmem_shared>> -> memref<1000000xf32, #tpu.memory_space<vmem_shared>>
    tpu.enqueue_indirect_dma source(%dma_start3A_243 : memref<1000000xf32, #tpu.memory_space<vmem_shared>>) target(%arg12 : memref<10240xf32, #tpu.memory_space<vmem>>) offsets(%arg10 : memref<10240xi32, #tpu.memory_space<vmem>>) semaphore(%arg15 : memref<!tpu.dma_semaphore, #tpu.memory_space<semaphore_mem>>)
    %add3A_244 = arith.constant 81920 : i32
    %add3A_245 = arith.addi %mul3A_2, %add3A_244 : i32
    %dma_wait3A_246 = tpu.memref_slice %arg2[%add3A_245] : memref<3276800xi32, #tpu.memory_space<hbm>> -> memref<10256xi32, #tpu.memory_space<hbm>>
    %dma_wait3A_247 = tpu.memref_slice %arg2[%add3A_245] : memref<3276800xi32, #tpu.memory_space<hbm>> -> memref<10256xi32, #tpu.memory_space<hbm>>
    tpu.wait_dma2 semaphore(%arg14 : memref<!tpu.dma_semaphore, #tpu.memory_space<semaphore_mem>>) src(%dma_wait3A_247 : memref<10256xi32, #tpu.memory_space<hbm>>) dst(%arg7 : memref<10256xi32, #tpu.memory_space<vmem>>)
    %add3A_248 = arith.constant 92160 : i32
    %add3A_249 = arith.addi %mul3A_2, %add3A_248 : i32
    %convert_element_type3A_250 = arith.extui %eq3A_3 : i1 to i32
    %cond3A_251 = arith.constant 0 : i32
    %cond3A_252 = arith.cmpi ne, %convert_element_type3A_250, %cond3A_251 : i32
    scf.if %cond3A_252 {
      %dma_start3A_320 = arith.constant 0 : i32
      %dma_start3A_321 = tpu.memref_slice %arg8[%dma_start3A_320] : memref<10256xi32, #tpu.memory_space<vmem>> -> memref<10240xi32, #tpu.memory_space<vmem>>
      %dma_start3A_322 = tpu.memref_slice %arg2[%add3A_249] : memref<3276800xi32, #tpu.memory_space<hbm>> -> memref<10240xi32, #tpu.memory_space<hbm>>
      %dma_start3A_323 = arith.constant 0 : i32
      %dma_start3A_324 = tpu.memref_slice %arg8[%dma_start3A_323] : memref<10256xi32, #tpu.memory_space<vmem>> -> memref<10240xi32, #tpu.memory_space<vmem>>
      %dma_start3A_325 = tpu.memref_slice %arg2[%add3A_249] : memref<3276800xi32, #tpu.memory_space<hbm>> -> memref<10240xi32, #tpu.memory_space<hbm>>
      tpu.enqueue_dma source(%dma_start3A_325 : memref<10240xi32, #tpu.memory_space<hbm>>) target(%dma_start3A_324 : memref<10240xi32, #tpu.memory_space<vmem>>) target_semaphore(%arg14 : memref<!tpu.dma_semaphore, #tpu.memory_space<semaphore_mem>>)
    } else {
    }
    %not3A = arith.constant true
    %not3A_253 = arith.xori %eq3A_3, %not3A : i1
    %convert_element_type3A_254 = arith.extui %not3A_253 : i1 to i32
    %cond3A_255 = arith.constant 0 : i32
    %cond3A_256 = arith.cmpi ne, %convert_element_type3A_254, %cond3A_255 : i32
    scf.if %cond3A_256 {
      %dma_start3A_320 = tpu.memref_slice %arg2[%add3A_249] : memref<3276800xi32, #tpu.memory_space<hbm>> -> memref<10256xi32, #tpu.memory_space<hbm>>
      %dma_start3A_321 = tpu.memref_slice %arg2[%add3A_249] : memref<3276800xi32, #tpu.memory_space<hbm>> -> memref<10256xi32, #tpu.memory_space<hbm>>
      tpu.enqueue_dma source(%dma_start3A_321 : memref<10256xi32, #tpu.memory_space<hbm>>) target(%arg8 : memref<10256xi32, #tpu.memory_space<vmem>>) target_semaphore(%arg14 : memref<!tpu.dma_semaphore, #tpu.memory_space<semaphore_mem>>)
    } else {
    }
    %iota3A_257 = tpu.iota {dimensions = array<i32: 0>} : vector<16xi32>
    %add3A_258 = arith.constant 1 : i32
    %add3A_259 = vector.broadcast %add3A_258 : i32 to vector<16xi32>
    %add3A_260 = arith.addi %iota3A_257, %add3A_259 : vector<16xi32>
    %and3A_261 = arith.constant 15 : i32
    %and3A_262 = vector.broadcast %and3A_261 : i32 to vector<16xi32>
    %and3A_263 = arith.andi %add3A_260, %and3A_262 : vector<16xi32>
    %mul3A_264 = arith.constant 0 : i32
    %mul3A_265 = vector.broadcast %mul3A_264 : i32 to vector<16xi32>
    %mul3A_266 = arith.muli %iota3A_257, %mul3A_265 : vector<16xi32>
    %eq3A_267 = arith.constant 15 : i32
    %eq3A_268 = vector.broadcast %eq3A_267 : i32 to vector<16xi32>
    %eq3A_269 = arith.cmpi eq, %iota3A_257, %eq3A_268 : vector<16xi32>
    %parallel_loop3A_270 = arith.constant 0 : i32
    %parallel_loop3A_271 = arith.constant 10240 : i32
    %parallel_loop3A_272 = arith.constant 128 : i32
    %parallel_loop3A_273 = scf.for %parallel_loop3A_320 = %parallel_loop3A_270 to %parallel_loop3A_271 step %parallel_loop3A_272 iter_args(%parallel_loop3A_321 = %parallel_loop3A_239) -> (vector<16xf32>)  : i32 {
      %parallel_loop3A_322 = arith.constant 0 : i32
      %parallel_loop3A_323 = arith.addi %parallel_loop3A_320, %parallel_loop3A_322 : i32
      %parallel_loop3A_324 = arith.index_cast %parallel_loop3A_323 : i32 to index
      %parallel_loop3A_325 = tpu.vector_load %arg7[%parallel_loop3A_324] {strides = array<i32>} : memref<10256xi32, #tpu.memory_space<vmem>>, vector<16xi32>,
      %parallel_loop3A_326 = vector.shape_cast %parallel_loop3A_325 : vector<16xi32> to vector<16xi32>
      %parallel_loop3A_327 = arith.constant 16 : i32
      %parallel_loop3A_328 = arith.addi %parallel_loop3A_320, %parallel_loop3A_327 : i32
      %parallel_loop3A_329 = arith.index_cast %parallel_loop3A_328 : i32 to index
      %parallel_loop3A_330 = tpu.vector_load %arg7[%parallel_loop3A_329] {strides = array<i32>} : memref<10256xi32, #tpu.memory_space<vmem>>, vector<16xi32>,
      %parallel_loop3A_331 = vector.shape_cast %parallel_loop3A_330 : vector<16xi32> to vector<16xi32>
      %parallel_loop3A_332 = arith.constant 32 : i32
      %parallel_loop3A_333 = arith.addi %parallel_loop3A_320, %parallel_loop3A_332 : i32
      %parallel_loop3A_334 = arith.index_cast %parallel_loop3A_333 : i32 to index
      %parallel_loop3A_335 = tpu.vector_load %arg7[%parallel_loop3A_334] {strides = array<i32>} : memref<10256xi32, #tpu.memory_space<vmem>>, vector<16xi32>,
      %parallel_loop3A_336 = vector.shape_cast %parallel_loop3A_335 : vector<16xi32> to vector<16xi32>
      %parallel_loop3A_337 = arith.constant 48 : i32
      %parallel_loop3A_338 = arith.addi %parallel_loop3A_320, %parallel_loop3A_337 : i32
      %parallel_loop3A_339 = arith.index_cast %parallel_loop3A_338 : i32 to index
      %parallel_loop3A_340 = tpu.vector_load %arg7[%parallel_loop3A_339] {strides = array<i32>} : memref<10256xi32, #tpu.memory_space<vmem>>, vector<16xi32>,
      %parallel_loop3A_341 = vector.shape_cast %parallel_loop3A_340 : vector<16xi32> to vector<16xi32>
      %parallel_loop3A_342 = arith.constant 64 : i32
      %parallel_loop3A_343 = arith.addi %parallel_loop3A_320, %parallel_loop3A_342 : i32
      %parallel_loop3A_344 = arith.index_cast %parallel_loop3A_343 : i32 to index
      %parallel_loop3A_345 = tpu.vector_load %arg7[%parallel_loop3A_344] {strides = array<i32>} : memref<10256xi32, #tpu.memory_space<vmem>>, vector<16xi32>,
      %parallel_loop3A_346 = vector.shape_cast %parallel_loop3A_345 : vector<16xi32> to vector<16xi32>
      %parallel_loop3A_347 = arith.constant 80 : i32
      %parallel_loop3A_348 = arith.addi %parallel_loop3A_320, %parallel_loop3A_347 : i32
      %parallel_loop3A_349 = arith.index_cast %parallel_loop3A_348 : i32 to index
      %parallel_loop3A_350 = tpu.vector_load %arg7[%parallel_loop3A_349] {strides = array<i32>} : memref<10256xi32, #tpu.memory_space<vmem>>, vector<16xi32>,
      %parallel_loop3A_351 = vector.shape_cast %parallel_loop3A_350 : vector<16xi32> to vector<16xi32>
      %parallel_loop3A_352 = arith.constant 96 : i32
      %parallel_loop3A_353 = arith.addi %parallel_loop3A_320, %parallel_loop3A_352 : i32
      %parallel_loop3A_354 = arith.index_cast %parallel_loop3A_353 : i32 to index
      %parallel_loop3A_355 = tpu.vector_load %arg7[%parallel_loop3A_354] {strides = array<i32>} : memref<10256xi32, #tpu.memory_space<vmem>>, vector<16xi32>,
      %parallel_loop3A_356 = vector.shape_cast %parallel_loop3A_355 : vector<16xi32> to vector<16xi32>
      %parallel_loop3A_357 = arith.constant 112 : i32
      %parallel_loop3A_358 = arith.addi %parallel_loop3A_320, %parallel_loop3A_357 : i32
      %parallel_loop3A_359 = arith.index_cast %parallel_loop3A_358 : i32 to index
      %parallel_loop3A_360 = tpu.vector_load %arg7[%parallel_loop3A_359] {strides = array<i32>} : memref<10256xi32, #tpu.memory_space<vmem>>, vector<16xi32>,
      %parallel_loop3A_361 = vector.shape_cast %parallel_loop3A_360 : vector<16xi32> to vector<16xi32>
      %parallel_loop3A_362 = arith.constant 128 : i32
      %parallel_loop3A_363 = arith.addi %parallel_loop3A_320, %parallel_loop3A_362 : i32
      %parallel_loop3A_364 = arith.index_cast %parallel_loop3A_363 : i32 to index
      %parallel_loop3A_365 = tpu.vector_load %arg7[%parallel_loop3A_364] {strides = array<i32>} : memref<10256xi32, #tpu.memory_space<vmem>>, vector<16xi32>,
      %parallel_loop3A_366 = vector.shape_cast %parallel_loop3A_365 : vector<16xi32> to vector<16xi32>
      %parallel_loop3A_367 = vector.shape_cast %mul3A_266 : vector<16xi32> to vector<16x1xi32>
      %parallel_loop3A_368 = vector.shape_cast %parallel_loop3A_367 : vector<16x1xi32> to vector<16xi32>
      %parallel_loop3A_369 = tpu.dynamic_gather %parallel_loop3A_331[%parallel_loop3A_368] in [0] : vector<16xi32>, vector<16xi32> -> vector<16xi32>
      %parallel_loop3A_370 = vector.shape_cast %and3A_263 : vector<16xi32> to vector<16x1xi32>
      %parallel_loop3A_371 = vector.shape_cast %parallel_loop3A_370 : vector<16x1xi32> to vector<16xi32>
      %parallel_loop3A_372 = tpu.dynamic_gather %parallel_loop3A_326[%parallel_loop3A_371] in [0] : vector<16xi32>, vector<16xi32> -> vector<16xi32>
      %parallel_loop3A_373 = arith.select %eq3A_269, %parallel_loop3A_369, %parallel_loop3A_372 : vector<16xi1>, vector<16xi32>
      %parallel_loop3A_374 = arith.constant 1000 : i32
      %parallel_loop3A_375 = vector.broadcast %parallel_loop3A_374 : i32 to vector<16xi32>
      %parallel_loop3A_376 = arith.muli %parallel_loop3A_326, %parallel_loop3A_375 : vector<16xi32>
      %parallel_loop3A_377 = arith.addi %parallel_loop3A_376, %parallel_loop3A_373 : vector<16xi32>
      %parallel_loop3A_378 = arith.constant 0 : i32
      %parallel_loop3A_379 = arith.addi %parallel_loop3A_320, %parallel_loop3A_378 : i32
      %parallel_loop3A_380 = arith.index_cast %parallel_loop3A_379 : i32 to index
      %parallel_loop3A_381 = tpu.vector_load %arg9[%parallel_loop3A_380] {strides = array<i32>} : memref<10240xi32, #tpu.memory_space<vmem>>, vector<16xi32>,
      %parallel_loop3A_382 = vector.shape_cast %parallel_loop3A_381 : vector<16xi32> to vector<16xi32>
      %parallel_loop3A_383 = vector.shape_cast %parallel_loop3A_377 : vector<16xi32> to vector<16xi32>
      tpu.vector_store %arg9[%parallel_loop3A_380], %parallel_loop3A_383 {strides = array<i32>} : memref<10240xi32, #tpu.memory_space<vmem>>, vector<16xi32>,
      %parallel_loop3A_384 = arith.constant 0 : i32
      %parallel_loop3A_385 = arith.addi %parallel_loop3A_320, %parallel_loop3A_384 : i32
      %parallel_loop3A_386 = arith.index_cast %parallel_loop3A_385 : i32 to index
      %parallel_loop3A_387 = tpu.vector_load %arg11[%parallel_loop3A_386] {strides = array<i32>} : memref<10240xf32, #tpu.memory_space<vmem>>, vector<16xf32>,
      %parallel_loop3A_388 = vector.shape_cast %parallel_loop3A_387 : vector<16xf32> to vector<16xf32>
      %parallel_loop3A_389 = arith.addf %parallel_loop3A_321, %parallel_loop3A_388 : vector<16xf32>
      %parallel_loop3A_390 = vector.shape_cast %mul3A_266 : vector<16xi32> to vector<16x1xi32>
      %parallel_loop3A_391 = vector.shape_cast %parallel_loop3A_390 : vector<16x1xi32> to vector<16xi32>
      %parallel_loop3A_392 = tpu.dynamic_gather %parallel_loop3A_336[%parallel_loop3A_391] in [0] : vector<16xi32>, vector<16xi32> -> vector<16xi32>
      %parallel_loop3A_393 = vector.shape_cast %and3A_263 : vector<16xi32> to vector<16x1xi32>
      %parallel_loop3A_394 = vector.shape_cast %parallel_loop3A_393 : vector<16x1xi32> to vector<16xi32>
      %parallel_loop3A_395 = tpu.dynamic_gather %parallel_loop3A_331[%parallel_loop3A_394] in [0] : vector<16xi32>, vector<16xi32> -> vector<16xi32>
      %parallel_loop3A_396 = arith.select %eq3A_269, %parallel_loop3A_392, %parallel_loop3A_395 : vector<16xi1>, vector<16xi32>
      %parallel_loop3A_397 = arith.constant 1000 : i32
      %parallel_loop3A_398 = vector.broadcast %parallel_loop3A_397 : i32 to vector<16xi32>
      %parallel_loop3A_399 = arith.muli %parallel_loop3A_331, %parallel_loop3A_398 : vector<16xi32>
      %parallel_loop3A_400 = arith.addi %parallel_loop3A_399, %parallel_loop3A_396 : vector<16xi32>
      %parallel_loop3A_401 = arith.constant 16 : i32
      %parallel_loop3A_402 = arith.addi %parallel_loop3A_320, %parallel_loop3A_401 : i32
      %parallel_loop3A_403 = arith.index_cast %parallel_loop3A_402 : i32 to index
      %parallel_loop3A_404 = tpu.vector_load %arg9[%parallel_loop3A_403] {strides = array<i32>} : memref<10240xi32, #tpu.memory_space<vmem>>, vector<16xi32>,
      %parallel_loop3A_405 = vector.shape_cast %parallel_loop3A_404 : vector<16xi32> to vector<16xi32>
      %parallel_loop3A_406 = vector.shape_cast %parallel_loop3A_400 : vector<16xi32> to vector<16xi32>
      tpu.vector_store %arg9[%parallel_loop3A_403], %parallel_loop3A_406 {strides = array<i32>} : memref<10240xi32, #tpu.memory_space<vmem>>, vector<16xi32>,
      %parallel_loop3A_407 = arith.constant 16 : i32
      %parallel_loop3A_408 = arith.addi %parallel_loop3A_320, %parallel_loop3A_407 : i32
      %parallel_loop3A_409 = arith.index_cast %parallel_loop3A_408 : i32 to index
      %parallel_loop3A_410 = tpu.vector_load %arg11[%parallel_loop3A_409] {strides = array<i32>} : memref<10240xf32, #tpu.memory_space<vmem>>, vector<16xf32>,
      %parallel_loop3A_411 = vector.shape_cast %parallel_loop3A_410 : vector<16xf32> to vector<16xf32>
      %parallel_loop3A_412 = arith.addf %parallel_loop3A_389, %parallel_loop3A_411 : vector<16xf32>
      %parallel_loop3A_413 = vector.shape_cast %mul3A_266 : vector<16xi32> to vector<16x1xi32>
      %parallel_loop3A_414 = vector.shape_cast %parallel_loop3A_413 : vector<16x1xi32> to vector<16xi32>
      %parallel_loop3A_415 = tpu.dynamic_gather %parallel_loop3A_341[%parallel_loop3A_414] in [0] : vector<16xi32>, vector<16xi32> -> vector<16xi32>
      %parallel_loop3A_416 = vector.shape_cast %and3A_263 : vector<16xi32> to vector<16x1xi32>
      %parallel_loop3A_417 = vector.shape_cast %parallel_loop3A_416 : vector<16x1xi32> to vector<16xi32>
      %parallel_loop3A_418 = tpu.dynamic_gather %parallel_loop3A_336[%parallel_loop3A_417] in [0] : vector<16xi32>, vector<16xi32> -> vector<16xi32>
      %parallel_loop3A_419 = arith.select %eq3A_269, %parallel_loop3A_415, %parallel_loop3A_418 : vector<16xi1>, vector<16xi32>
      %parallel_loop3A_420 = arith.constant 1000 : i32
      %parallel_loop3A_421 = vector.broadcast %parallel_loop3A_420 : i32 to vector<16xi32>
      %parallel_loop3A_422 = arith.muli %parallel_loop3A_336, %parallel_loop3A_421 : vector<16xi32>
      %parallel_loop3A_423 = arith.addi %parallel_loop3A_422, %parallel_loop3A_419 : vector<16xi32>
      %parallel_loop3A_424 = arith.constant 32 : i32
      %parallel_loop3A_425 = arith.addi %parallel_loop3A_320, %parallel_loop3A_424 : i32
      %parallel_loop3A_426 = arith.index_cast %parallel_loop3A_425 : i32 to index
      %parallel_loop3A_427 = tpu.vector_load %arg9[%parallel_loop3A_426] {strides = array<i32>} : memref<10240xi32, #tpu.memory_space<vmem>>, vector<16xi32>,
      %parallel_loop3A_428 = vector.shape_cast %parallel_loop3A_427 : vector<16xi32> to vector<16xi32>
      %parallel_loop3A_429 = vector.shape_cast %parallel_loop3A_423 : vector<16xi32> to vector<16xi32>
      tpu.vector_store %arg9[%parallel_loop3A_426], %parallel_loop3A_429 {strides = array<i32>} : memref<10240xi32, #tpu.memory_space<vmem>>, vector<16xi32>,
      %parallel_loop3A_430 = arith.constant 32 : i32
      %parallel_loop3A_431 = arith.addi %parallel_loop3A_320, %parallel_loop3A_430 : i32
      %parallel_loop3A_432 = arith.index_cast %parallel_loop3A_431 : i32 to index
      %parallel_loop3A_433 = tpu.vector_load %arg11[%parallel_loop3A_432] {strides = array<i32>} : memref<10240xf32, #tpu.memory_space<vmem>>, vector<16xf32>,
      %parallel_loop3A_434 = vector.shape_cast %parallel_loop3A_433 : vector<16xf32> to vector<16xf32>
      %parallel_loop3A_435 = arith.addf %parallel_loop3A_412, %parallel_loop3A_434 : vector<16xf32>
      %parallel_loop3A_436 = vector.shape_cast %mul3A_266 : vector<16xi32> to vector<16x1xi32>
      %parallel_loop3A_437 = vector.shape_cast %parallel_loop3A_436 : vector<16x1xi32> to vector<16xi32>
      %parallel_loop3A_438 = tpu.dynamic_gather %parallel_loop3A_346[%parallel_loop3A_437] in [0] : vector<16xi32>, vector<16xi32> -> vector<16xi32>
      %parallel_loop3A_439 = vector.shape_cast %and3A_263 : vector<16xi32> to vector<16x1xi32>
      %parallel_loop3A_440 = vector.shape_cast %parallel_loop3A_439 : vector<16x1xi32> to vector<16xi32>
      %parallel_loop3A_441 = tpu.dynamic_gather %parallel_loop3A_341[%parallel_loop3A_440] in [0] : vector<16xi32>, vector<16xi32> -> vector<16xi32>
      %parallel_loop3A_442 = arith.select %eq3A_269, %parallel_loop3A_438, %parallel_loop3A_441 : vector<16xi1>, vector<16xi32>
      %parallel_loop3A_443 = arith.constant 1000 : i32
      %parallel_loop3A_444 = vector.broadcast %parallel_loop3A_443 : i32 to vector<16xi32>
      %parallel_loop3A_445 = arith.muli %parallel_loop3A_341, %parallel_loop3A_444 : vector<16xi32>
      %parallel_loop3A_446 = arith.addi %parallel_loop3A_445, %parallel_loop3A_442 : vector<16xi32>
      %parallel_loop3A_447 = arith.constant 48 : i32
      %parallel_loop3A_448 = arith.addi %parallel_loop3A_320, %parallel_loop3A_447 : i32
      %parallel_loop3A_449 = arith.index_cast %parallel_loop3A_448 : i32 to index
      %parallel_loop3A_450 = tpu.vector_load %arg9[%parallel_loop3A_449] {strides = array<i32>} : memref<10240xi32, #tpu.memory_space<vmem>>, vector<16xi32>,
      %parallel_loop3A_451 = vector.shape_cast %parallel_loop3A_450 : vector<16xi32> to vector<16xi32>
      %parallel_loop3A_452 = vector.shape_cast %parallel_loop3A_446 : vector<16xi32> to vector<16xi32>
      tpu.vector_store %arg9[%parallel_loop3A_449], %parallel_loop3A_452 {strides = array<i32>} : memref<10240xi32, #tpu.memory_space<vmem>>, vector<16xi32>,
      %parallel_loop3A_453 = arith.constant 48 : i32
      %parallel_loop3A_454 = arith.addi %parallel_loop3A_320, %parallel_loop3A_453 : i32
      %parallel_loop3A_455 = arith.index_cast %parallel_loop3A_454 : i32 to index
      %parallel_loop3A_456 = tpu.vector_load %arg11[%parallel_loop3A_455] {strides = array<i32>} : memref<10240xf32, #tpu.memory_space<vmem>>, vector<16xf32>,
      %parallel_loop3A_457 = vector.shape_cast %parallel_loop3A_456 : vector<16xf32> to vector<16xf32>
      %parallel_loop3A_458 = arith.addf %parallel_loop3A_435, %parallel_loop3A_457 : vector<16xf32>
      %parallel_loop3A_459 = vector.shape_cast %mul3A_266 : vector<16xi32> to vector<16x1xi32>
      %parallel_loop3A_460 = vector.shape_cast %parallel_loop3A_459 : vector<16x1xi32> to vector<16xi32>
      %parallel_loop3A_461 = tpu.dynamic_gather %parallel_loop3A_351[%parallel_loop3A_460] in [0] : vector<16xi32>, vector<16xi32> -> vector<16xi32>
      %parallel_loop3A_462 = vector.shape_cast %and3A_263 : vector<16xi32> to vector<16x1xi32>
      %parallel_loop3A_463 = vector.shape_cast %parallel_loop3A_462 : vector<16x1xi32> to vector<16xi32>
      %parallel_loop3A_464 = tpu.dynamic_gather %parallel_loop3A_346[%parallel_loop3A_463] in [0] : vector<16xi32>, vector<16xi32> -> vector<16xi32>
      %parallel_loop3A_465 = arith.select %eq3A_269, %parallel_loop3A_461, %parallel_loop3A_464 : vector<16xi1>, vector<16xi32>
      %parallel_loop3A_466 = arith.constant 1000 : i32
      %parallel_loop3A_467 = vector.broadcast %parallel_loop3A_466 : i32 to vector<16xi32>
      %parallel_loop3A_468 = arith.muli %parallel_loop3A_346, %parallel_loop3A_467 : vector<16xi32>
      %parallel_loop3A_469 = arith.addi %parallel_loop3A_468, %parallel_loop3A_465 : vector<16xi32>
      %parallel_loop3A_470 = arith.constant 64 : i32
      %parallel_loop3A_471 = arith.addi %parallel_loop3A_320, %parallel_loop3A_470 : i32
      %parallel_loop3A_472 = arith.index_cast %parallel_loop3A_471 : i32 to index
      %parallel_loop3A_473 = tpu.vector_load %arg9[%parallel_loop3A_472] {strides = array<i32>} : memref<10240xi32, #tpu.memory_space<vmem>>, vector<16xi32>,
      %parallel_loop3A_474 = vector.shape_cast %parallel_loop3A_473 : vector<16xi32> to vector<16xi32>
      %parallel_loop3A_475 = vector.shape_cast %parallel_loop3A_469 : vector<16xi32> to vector<16xi32>
      tpu.vector_store %arg9[%parallel_loop3A_472], %parallel_loop3A_475 {strides = array<i32>} : memref<10240xi32, #tpu.memory_space<vmem>>, vector<16xi32>,
      %parallel_loop3A_476 = arith.constant 64 : i32
      %parallel_loop3A_477 = arith.addi %parallel_loop3A_320, %parallel_loop3A_476 : i32
      %parallel_loop3A_478 = arith.index_cast %parallel_loop3A_477 : i32 to index
      %parallel_loop3A_479 = tpu.vector_load %arg11[%parallel_loop3A_478] {strides = array<i32>} : memref<10240xf32, #tpu.memory_space<vmem>>, vector<16xf32>,
      %parallel_loop3A_480 = vector.shape_cast %parallel_loop3A_479 : vector<16xf32> to vector<16xf32>
      %parallel_loop3A_481 = arith.addf %parallel_loop3A_458, %parallel_loop3A_480 : vector<16xf32>
      %parallel_loop3A_482 = vector.shape_cast %mul3A_266 : vector<16xi32> to vector<16x1xi32>
      %parallel_loop3A_483 = vector.shape_cast %parallel_loop3A_482 : vector<16x1xi32> to vector<16xi32>
      %parallel_loop3A_484 = tpu.dynamic_gather %parallel_loop3A_356[%parallel_loop3A_483] in [0] : vector<16xi32>, vector<16xi32> -> vector<16xi32>
      %parallel_loop3A_485 = vector.shape_cast %and3A_263 : vector<16xi32> to vector<16x1xi32>
      %parallel_loop3A_486 = vector.shape_cast %parallel_loop3A_485 : vector<16x1xi32> to vector<16xi32>
      %parallel_loop3A_487 = tpu.dynamic_gather %parallel_loop3A_351[%parallel_loop3A_486] in [0] : vector<16xi32>, vector<16xi32> -> vector<16xi32>
      %parallel_loop3A_488 = arith.select %eq3A_269, %parallel_loop3A_484, %parallel_loop3A_487 : vector<16xi1>, vector<16xi32>
      %parallel_loop3A_489 = arith.constant 1000 : i32
      %parallel_loop3A_490 = vector.broadcast %parallel_loop3A_489 : i32 to vector<16xi32>
      %parallel_loop3A_491 = arith.muli %parallel_loop3A_351, %parallel_loop3A_490 : vector<16xi32>
      %parallel_loop3A_492 = arith.addi %parallel_loop3A_491, %parallel_loop3A_488 : vector<16xi32>
      %parallel_loop3A_493 = arith.constant 80 : i32
      %parallel_loop3A_494 = arith.addi %parallel_loop3A_320, %parallel_loop3A_493 : i32
      %parallel_loop3A_495 = arith.index_cast %parallel_loop3A_494 : i32 to index
      %parallel_loop3A_496 = tpu.vector_load %arg9[%parallel_loop3A_495] {strides = array<i32>} : memref<10240xi32, #tpu.memory_space<vmem>>, vector<16xi32>,
      %parallel_loop3A_497 = vector.shape_cast %parallel_loop3A_496 : vector<16xi32> to vector<16xi32>
      %parallel_loop3A_498 = vector.shape_cast %parallel_loop3A_492 : vector<16xi32> to vector<16xi32>
      tpu.vector_store %arg9[%parallel_loop3A_495], %parallel_loop3A_498 {strides = array<i32>} : memref<10240xi32, #tpu.memory_space<vmem>>, vector<16xi32>,
      %parallel_loop3A_499 = arith.constant 80 : i32
      %parallel_loop3A_500 = arith.addi %parallel_loop3A_320, %parallel_loop3A_499 : i32
      %parallel_loop3A_501 = arith.index_cast %parallel_loop3A_500 : i32 to index
      %parallel_loop3A_502 = tpu.vector_load %arg11[%parallel_loop3A_501] {strides = array<i32>} : memref<10240xf32, #tpu.memory_space<vmem>>, vector<16xf32>,
      %parallel_loop3A_503 = vector.shape_cast %parallel_loop3A_502 : vector<16xf32> to vector<16xf32>
      %parallel_loop3A_504 = arith.addf %parallel_loop3A_481, %parallel_loop3A_503 : vector<16xf32>
      %parallel_loop3A_505 = vector.shape_cast %mul3A_266 : vector<16xi32> to vector<16x1xi32>
      %parallel_loop3A_506 = vector.shape_cast %parallel_loop3A_505 : vector<16x1xi32> to vector<16xi32>
      %parallel_loop3A_507 = tpu.dynamic_gather %parallel_loop3A_361[%parallel_loop3A_506] in [0] : vector<16xi32>, vector<16xi32> -> vector<16xi32>
      %parallel_loop3A_508 = vector.shape_cast %and3A_263 : vector<16xi32> to vector<16x1xi32>
      %parallel_loop3A_509 = vector.shape_cast %parallel_loop3A_508 : vector<16x1xi32> to vector<16xi32>
      %parallel_loop3A_510 = tpu.dynamic_gather %parallel_loop3A_356[%parallel_loop3A_509] in [0] : vector<16xi32>, vector<16xi32> -> vector<16xi32>
      %parallel_loop3A_511 = arith.select %eq3A_269, %parallel_loop3A_507, %parallel_loop3A_510 : vector<16xi1>, vector<16xi32>
      %parallel_loop3A_512 = arith.constant 1000 : i32
      %parallel_loop3A_513 = vector.broadcast %parallel_loop3A_512 : i32 to vector<16xi32>
      %parallel_loop3A_514 = arith.muli %parallel_loop3A_356, %parallel_loop3A_513 : vector<16xi32>
      %parallel_loop3A_515 = arith.addi %parallel_loop3A_514, %parallel_loop3A_511 : vector<16xi32>
      %parallel_loop3A_516 = arith.constant 96 : i32
      %parallel_loop3A_517 = arith.addi %parallel_loop3A_320, %parallel_loop3A_516 : i32
      %parallel_loop3A_518 = arith.index_cast %parallel_loop3A_517 : i32 to index
      %parallel_loop3A_519 = tpu.vector_load %arg9[%parallel_loop3A_518] {strides = array<i32>} : memref<10240xi32, #tpu.memory_space<vmem>>, vector<16xi32>,
      %parallel_loop3A_520 = vector.shape_cast %parallel_loop3A_519 : vector<16xi32> to vector<16xi32>
      %parallel_loop3A_521 = vector.shape_cast %parallel_loop3A_515 : vector<16xi32> to vector<16xi32>
      tpu.vector_store %arg9[%parallel_loop3A_518], %parallel_loop3A_521 {strides = array<i32>} : memref<10240xi32, #tpu.memory_space<vmem>>, vector<16xi32>,
      %parallel_loop3A_522 = arith.constant 96 : i32
      %parallel_loop3A_523 = arith.addi %parallel_loop3A_320, %parallel_loop3A_522 : i32
      %parallel_loop3A_524 = arith.index_cast %parallel_loop3A_523 : i32 to index
      %parallel_loop3A_525 = tpu.vector_load %arg11[%parallel_loop3A_524] {strides = array<i32>} : memref<10240xf32, #tpu.memory_space<vmem>>, vector<16xf32>,
      %parallel_loop3A_526 = vector.shape_cast %parallel_loop3A_525 : vector<16xf32> to vector<16xf32>
      %parallel_loop3A_527 = arith.addf %parallel_loop3A_504, %parallel_loop3A_526 : vector<16xf32>
      %parallel_loop3A_528 = vector.shape_cast %mul3A_266 : vector<16xi32> to vector<16x1xi32>
      %parallel_loop3A_529 = vector.shape_cast %parallel_loop3A_528 : vector<16x1xi32> to vector<16xi32>
      %parallel_loop3A_530 = tpu.dynamic_gather %parallel_loop3A_366[%parallel_loop3A_529] in [0] : vector<16xi32>, vector<16xi32> -> vector<16xi32>
      %parallel_loop3A_531 = vector.shape_cast %and3A_263 : vector<16xi32> to vector<16x1xi32>
      %parallel_loop3A_532 = vector.shape_cast %parallel_loop3A_531 : vector<16x1xi32> to vector<16xi32>
      %parallel_loop3A_533 = tpu.dynamic_gather %parallel_loop3A_361[%parallel_loop3A_532] in [0] : vector<16xi32>, vector<16xi32> -> vector<16xi32>
      %parallel_loop3A_534 = arith.select %eq3A_269, %parallel_loop3A_530, %parallel_loop3A_533 : vector<16xi1>, vector<16xi32>
      %parallel_loop3A_535 = arith.constant 1000 : i32
      %parallel_loop3A_536 = vector.broadcast %parallel_loop3A_535 : i32 to vector<16xi32>
      %parallel_loop3A_537 = arith.muli %parallel_loop3A_361, %parallel_loop3A_536 : vector<16xi32>
      %parallel_loop3A_538 = arith.addi %parallel_loop3A_537, %parallel_loop3A_534 : vector<16xi32>
      %parallel_loop3A_539 = arith.constant 112 : i32
      %parallel_loop3A_540 = arith.addi %parallel_loop3A_320, %parallel_loop3A_539 : i32
      %parallel_loop3A_541 = arith.index_cast %parallel_loop3A_540 : i32 to index
      %parallel_loop3A_542 = tpu.vector_load %arg9[%parallel_loop3A_541] {strides = array<i32>} : memref<10240xi32, #tpu.memory_space<vmem>>, vector<16xi32>,
      %parallel_loop3A_543 = vector.shape_cast %parallel_loop3A_542 : vector<16xi32> to vector<16xi32>
      %parallel_loop3A_544 = vector.shape_cast %parallel_loop3A_538 : vector<16xi32> to vector<16xi32>
      tpu.vector_store %arg9[%parallel_loop3A_541], %parallel_loop3A_544 {strides = array<i32>} : memref<10240xi32, #tpu.memory_space<vmem>>, vector<16xi32>,
      %parallel_loop3A_545 = arith.constant 112 : i32
      %parallel_loop3A_546 = arith.addi %parallel_loop3A_320, %parallel_loop3A_545 : i32
      %parallel_loop3A_547 = arith.index_cast %parallel_loop3A_546 : i32 to index
      %parallel_loop3A_548 = tpu.vector_load %arg11[%parallel_loop3A_547] {strides = array<i32>} : memref<10240xf32, #tpu.memory_space<vmem>>, vector<16xf32>,
      %parallel_loop3A_549 = vector.shape_cast %parallel_loop3A_548 : vector<16xf32> to vector<16xf32>
      %parallel_loop3A_550 = arith.addf %parallel_loop3A_527, %parallel_loop3A_549 : vector<16xf32>
      scf.yield %parallel_loop3A_550 : vector<16xf32>
    } {sc.loop_unroll_factor = 2 : i64, sc.parallel_access}
    %dma_wait3A_274 = arith.constant 0 : i32
    %dma_wait3A_275 = tpu.memref_slice %arg6[%dma_wait3A_274] : memref<1000000xf32, #tpu.memory_space<vmem_shared>> -> memref<1000000xf32, #tpu.memory_space<vmem_shared>>
    tpu.wait_indirect_dma semaphore(%arg15 : memref<!tpu.dma_semaphore, #tpu.memory_space<semaphore_mem>>) src(%dma_wait3A_275 : memref<1000000xf32, #tpu.memory_space<vmem_shared>>) dst(%arg12 : memref<10240xf32, #tpu.memory_space<vmem>>)
    %dma_start3A_276 = arith.constant 0 : i32
    %dma_start3A_277 = tpu.memref_slice %arg6[%dma_start3A_276] : memref<1000000xf32, #tpu.memory_space<vmem_shared>> -> memref<1000000xf32, #tpu.memory_space<vmem_shared>>
    tpu.enqueue_indirect_dma source(%dma_start3A_277 : memref<1000000xf32, #tpu.memory_space<vmem_shared>>) target(%arg11 : memref<10240xf32, #tpu.memory_space<vmem>>) offsets(%arg9 : memref<10240xi32, #tpu.memory_space<vmem>>) semaphore(%arg15 : memref<!tpu.dma_semaphore, #tpu.memory_space<semaphore_mem>>)
    %add3A_278 = arith.constant 92160 : i32
    %add3A_279 = arith.addi %mul3A_2, %add3A_278 : i32
    %convert_element_type3A_280 = arith.extui %eq3A_3 : i1 to i32
    %cond3A_281 = arith.constant 0 : i32
    %cond3A_282 = arith.cmpi ne, %convert_element_type3A_280, %cond3A_281 : i32
    scf.if %cond3A_282 {
      %dma_wait3A_320 = arith.constant 0 : i32
      %dma_wait3A_321 = tpu.memref_slice %arg8[%dma_wait3A_320] : memref<10256xi32, #tpu.memory_space<vmem>> -> memref<10240xi32, #tpu.memory_space<vmem>>
      %dma_wait3A_322 = tpu.memref_slice %arg2[%add3A_279] : memref<3276800xi32, #tpu.memory_space<hbm>> -> memref<10240xi32, #tpu.memory_space<hbm>>
      %dma_wait3A_323 = arith.constant 0 : i32
      %dma_wait3A_324 = tpu.memref_slice %arg8[%dma_wait3A_323] : memref<10256xi32, #tpu.memory_space<vmem>> -> memref<10240xi32, #tpu.memory_space<vmem>>
      %dma_wait3A_325 = tpu.memref_slice %arg2[%add3A_279] : memref<3276800xi32, #tpu.memory_space<hbm>> -> memref<10240xi32, #tpu.memory_space<hbm>>
      tpu.wait_dma2 semaphore(%arg14 : memref<!tpu.dma_semaphore, #tpu.memory_space<semaphore_mem>>) src(%dma_wait3A_325 : memref<10240xi32, #tpu.memory_space<hbm>>) dst(%dma_wait3A_324 : memref<10240xi32, #tpu.memory_space<vmem>>)
      %swap3A_326 = arith.constant 10240 : index
      %swap3A_327 = tpu.vector_load %arg8[%swap3A_326] {strides = array<i32>} : memref<10256xi32, #tpu.memory_space<vmem>>, vector<16xi32>,
      %swap3A_328 = vector.shape_cast %swap3A_327 : vector<16xi32> to vector<16xi32>
      %swap3A_329 = vector.shape_cast %get3A_8 : vector<16xi32> to vector<16xi32>
      tpu.vector_store %arg8[%swap3A_326], %swap3A_329 {strides = array<i32>} : memref<10256xi32, #tpu.memory_space<vmem>>, vector<16xi32>,
    } else {
    }
    %not3A_283 = arith.constant true
    %not3A_284 = arith.xori %eq3A_3, %not3A_283 : i1
    %convert_element_type3A_285 = arith.extui %not3A_284 : i1 to i32
    %cond3A_286 = arith.constant 0 : i32
    %cond3A_287 = arith.cmpi ne, %convert_element_type3A_285, %cond3A_286 : i32
    scf.if %cond3A_287 {
      %dma_wait3A_320 = tpu.memref_slice %arg2[%add3A_279] : memref<3276800xi32, #tpu.memory_space<hbm>> -> memref<10256xi32, #tpu.memory_space<hbm>>
      %dma_wait3A_321 = tpu.memref_slice %arg2[%add3A_279] : memref<3276800xi32, #tpu.memory_space<hbm>> -> memref<10256xi32, #tpu.memory_space<hbm>>
      tpu.wait_dma2 semaphore(%arg14 : memref<!tpu.dma_semaphore, #tpu.memory_space<semaphore_mem>>) src(%dma_wait3A_321 : memref<10256xi32, #tpu.memory_space<hbm>>) dst(%arg8 : memref<10256xi32, #tpu.memory_space<vmem>>)
    } else {
    }
    %iota3A_288 = tpu.iota {dimensions = array<i32: 0>} : vector<16xi32>
    %add3A_289 = arith.constant 1 : i32
    %add3A_290 = vector.broadcast %add3A_289 : i32 to vector<16xi32>
    %add3A_291 = arith.addi %iota3A_288, %add3A_290 : vector<16xi32>
    %and3A_292 = arith.constant 15 : i32
    %and3A_293 = vector.broadcast %and3A_292 : i32 to vector<16xi32>
    %and3A_294 = arith.andi %add3A_291, %and3A_293 : vector<16xi32>
    %mul3A_295 = arith.constant 0 : i32
    %mul3A_296 = vector.broadcast %mul3A_295 : i32 to vector<16xi32>
    %mul3A_297 = arith.muli %iota3A_288, %mul3A_296 : vector<16xi32>
    %eq3A_298 = arith.constant 15 : i32
    %eq3A_299 = vector.broadcast %eq3A_298 : i32 to vector<16xi32>
    %eq3A_300 = arith.cmpi eq, %iota3A_288, %eq3A_299 : vector<16xi32>
    %parallel_loop3A_301 = arith.constant 0 : i32
    %parallel_loop3A_302 = arith.constant 10240 : i32
    %parallel_loop3A_303 = arith.constant 128 : i32
    %parallel_loop3A_304 = scf.for %parallel_loop3A_320 = %parallel_loop3A_301 to %parallel_loop3A_302 step %parallel_loop3A_303 iter_args(%parallel_loop3A_321 = %parallel_loop3A_273) -> (vector<16xf32>)  : i32 {
      %parallel_loop3A_322 = arith.constant 0 : i32
      %parallel_loop3A_323 = arith.addi %parallel_loop3A_320, %parallel_loop3A_322 : i32
      %parallel_loop3A_324 = arith.index_cast %parallel_loop3A_323 : i32 to index
      %parallel_loop3A_325 = tpu.vector_load %arg8[%parallel_loop3A_324] {strides = array<i32>} : memref<10256xi32, #tpu.memory_space<vmem>>, vector<16xi32>,
      %parallel_loop3A_326 = vector.shape_cast %parallel_loop3A_325 : vector<16xi32> to vector<16xi32>
      %parallel_loop3A_327 = arith.constant 16 : i32
      %parallel_loop3A_328 = arith.addi %parallel_loop3A_320, %parallel_loop3A_327 : i32
      %parallel_loop3A_329 = arith.index_cast %parallel_loop3A_328 : i32 to index
      %parallel_loop3A_330 = tpu.vector_load %arg8[%parallel_loop3A_329] {strides = array<i32>} : memref<10256xi32, #tpu.memory_space<vmem>>, vector<16xi32>,
      %parallel_loop3A_331 = vector.shape_cast %parallel_loop3A_330 : vector<16xi32> to vector<16xi32>
      %parallel_loop3A_332 = arith.constant 32 : i32
      %parallel_loop3A_333 = arith.addi %parallel_loop3A_320, %parallel_loop3A_332 : i32
      %parallel_loop3A_334 = arith.index_cast %parallel_loop3A_333 : i32 to index
      %parallel_loop3A_335 = tpu.vector_load %arg8[%parallel_loop3A_334] {strides = array<i32>} : memref<10256xi32, #tpu.memory_space<vmem>>, vector<16xi32>,
      %parallel_loop3A_336 = vector.shape_cast %parallel_loop3A_335 : vector<16xi32> to vector<16xi32>
      %parallel_loop3A_337 = arith.constant 48 : i32
      %parallel_loop3A_338 = arith.addi %parallel_loop3A_320, %parallel_loop3A_337 : i32
      %parallel_loop3A_339 = arith.index_cast %parallel_loop3A_338 : i32 to index
      %parallel_loop3A_340 = tpu.vector_load %arg8[%parallel_loop3A_339] {strides = array<i32>} : memref<10256xi32, #tpu.memory_space<vmem>>, vector<16xi32>,
      %parallel_loop3A_341 = vector.shape_cast %parallel_loop3A_340 : vector<16xi32> to vector<16xi32>
      %parallel_loop3A_342 = arith.constant 64 : i32
      %parallel_loop3A_343 = arith.addi %parallel_loop3A_320, %parallel_loop3A_342 : i32
      %parallel_loop3A_344 = arith.index_cast %parallel_loop3A_343 : i32 to index
      %parallel_loop3A_345 = tpu.vector_load %arg8[%parallel_loop3A_344] {strides = array<i32>} : memref<10256xi32, #tpu.memory_space<vmem>>, vector<16xi32>,
      %parallel_loop3A_346 = vector.shape_cast %parallel_loop3A_345 : vector<16xi32> to vector<16xi32>
      %parallel_loop3A_347 = arith.constant 80 : i32
      %parallel_loop3A_348 = arith.addi %parallel_loop3A_320, %parallel_loop3A_347 : i32
      %parallel_loop3A_349 = arith.index_cast %parallel_loop3A_348 : i32 to index
      %parallel_loop3A_350 = tpu.vector_load %arg8[%parallel_loop3A_349] {strides = array<i32>} : memref<10256xi32, #tpu.memory_space<vmem>>, vector<16xi32>,
      %parallel_loop3A_351 = vector.shape_cast %parallel_loop3A_350 : vector<16xi32> to vector<16xi32>
      %parallel_loop3A_352 = arith.constant 96 : i32
      %parallel_loop3A_353 = arith.addi %parallel_loop3A_320, %parallel_loop3A_352 : i32
      %parallel_loop3A_354 = arith.index_cast %parallel_loop3A_353 : i32 to index
      %parallel_loop3A_355 = tpu.vector_load %arg8[%parallel_loop3A_354] {strides = array<i32>} : memref<10256xi32, #tpu.memory_space<vmem>>, vector<16xi32>,
      %parallel_loop3A_356 = vector.shape_cast %parallel_loop3A_355 : vector<16xi32> to vector<16xi32>
      %parallel_loop3A_357 = arith.constant 112 : i32
      %parallel_loop3A_358 = arith.addi %parallel_loop3A_320, %parallel_loop3A_357 : i32
      %parallel_loop3A_359 = arith.index_cast %parallel_loop3A_358 : i32 to index
      %parallel_loop3A_360 = tpu.vector_load %arg8[%parallel_loop3A_359] {strides = array<i32>} : memref<10256xi32, #tpu.memory_space<vmem>>, vector<16xi32>,
      %parallel_loop3A_361 = vector.shape_cast %parallel_loop3A_360 : vector<16xi32> to vector<16xi32>
      %parallel_loop3A_362 = arith.constant 128 : i32
      %parallel_loop3A_363 = arith.addi %parallel_loop3A_320, %parallel_loop3A_362 : i32
      %parallel_loop3A_364 = arith.index_cast %parallel_loop3A_363 : i32 to index
      %parallel_loop3A_365 = tpu.vector_load %arg8[%parallel_loop3A_364] {strides = array<i32>} : memref<10256xi32, #tpu.memory_space<vmem>>, vector<16xi32>,
      %parallel_loop3A_366 = vector.shape_cast %parallel_loop3A_365 : vector<16xi32> to vector<16xi32>
      %parallel_loop3A_367 = vector.shape_cast %mul3A_297 : vector<16xi32> to vector<16x1xi32>
      %parallel_loop3A_368 = vector.shape_cast %parallel_loop3A_367 : vector<16x1xi32> to vector<16xi32>
      %parallel_loop3A_369 = tpu.dynamic_gather %parallel_loop3A_331[%parallel_loop3A_368] in [0] : vector<16xi32>, vector<16xi32> -> vector<16xi32>
      %parallel_loop3A_370 = vector.shape_cast %and3A_294 : vector<16xi32> to vector<16x1xi32>
      %parallel_loop3A_371 = vector.shape_cast %parallel_loop3A_370 : vector<16x1xi32> to vector<16xi32>
      %parallel_loop3A_372 = tpu.dynamic_gather %parallel_loop3A_326[%parallel_loop3A_371] in [0] : vector<16xi32>, vector<16xi32> -> vector<16xi32>
      %parallel_loop3A_373 = arith.select %eq3A_300, %parallel_loop3A_369, %parallel_loop3A_372 : vector<16xi1>, vector<16xi32>
      %parallel_loop3A_374 = arith.constant 1000 : i32
      %parallel_loop3A_375 = vector.broadcast %parallel_loop3A_374 : i32 to vector<16xi32>
      %parallel_loop3A_376 = arith.muli %parallel_loop3A_326, %parallel_loop3A_375 : vector<16xi32>
      %parallel_loop3A_377 = arith.addi %parallel_loop3A_376, %parallel_loop3A_373 : vector<16xi32>
      %parallel_loop3A_378 = arith.constant 0 : i32
      %parallel_loop3A_379 = arith.addi %parallel_loop3A_320, %parallel_loop3A_378 : i32
      %parallel_loop3A_380 = arith.index_cast %parallel_loop3A_379 : i32 to index
      %parallel_loop3A_381 = tpu.vector_load %arg10[%parallel_loop3A_380] {strides = array<i32>} : memref<10240xi32, #tpu.memory_space<vmem>>, vector<16xi32>,
      %parallel_loop3A_382 = vector.shape_cast %parallel_loop3A_381 : vector<16xi32> to vector<16xi32>
      %parallel_loop3A_383 = vector.shape_cast %parallel_loop3A_377 : vector<16xi32> to vector<16xi32>
      tpu.vector_store %arg10[%parallel_loop3A_380], %parallel_loop3A_383 {strides = array<i32>} : memref<10240xi32, #tpu.memory_space<vmem>>, vector<16xi32>,
      %parallel_loop3A_384 = arith.constant 0 : i32
      %parallel_loop3A_385 = arith.addi %parallel_loop3A_320, %parallel_loop3A_384 : i32
      %parallel_loop3A_386 = arith.index_cast %parallel_loop3A_385 : i32 to index
      %parallel_loop3A_387 = tpu.vector_load %arg12[%parallel_loop3A_386] {strides = array<i32>} : memref<10240xf32, #tpu.memory_space<vmem>>, vector<16xf32>,
      %parallel_loop3A_388 = vector.shape_cast %parallel_loop3A_387 : vector<16xf32> to vector<16xf32>
      %parallel_loop3A_389 = arith.addf %parallel_loop3A_321, %parallel_loop3A_388 : vector<16xf32>
      %parallel_loop3A_390 = vector.shape_cast %mul3A_297 : vector<16xi32> to vector<16x1xi32>
      %parallel_loop3A_391 = vector.shape_cast %parallel_loop3A_390 : vector<16x1xi32> to vector<16xi32>
      %parallel_loop3A_392 = tpu.dynamic_gather %parallel_loop3A_336[%parallel_loop3A_391] in [0] : vector<16xi32>, vector<16xi32> -> vector<16xi32>
      %parallel_loop3A_393 = vector.shape_cast %and3A_294 : vector<16xi32> to vector<16x1xi32>
      %parallel_loop3A_394 = vector.shape_cast %parallel_loop3A_393 : vector<16x1xi32> to vector<16xi32>
      %parallel_loop3A_395 = tpu.dynamic_gather %parallel_loop3A_331[%parallel_loop3A_394] in [0] : vector<16xi32>, vector<16xi32> -> vector<16xi32>
      %parallel_loop3A_396 = arith.select %eq3A_300, %parallel_loop3A_392, %parallel_loop3A_395 : vector<16xi1>, vector<16xi32>
      %parallel_loop3A_397 = arith.constant 1000 : i32
      %parallel_loop3A_398 = vector.broadcast %parallel_loop3A_397 : i32 to vector<16xi32>
      %parallel_loop3A_399 = arith.muli %parallel_loop3A_331, %parallel_loop3A_398 : vector<16xi32>
      %parallel_loop3A_400 = arith.addi %parallel_loop3A_399, %parallel_loop3A_396 : vector<16xi32>
      %parallel_loop3A_401 = arith.constant 16 : i32
      %parallel_loop3A_402 = arith.addi %parallel_loop3A_320, %parallel_loop3A_401 : i32
      %parallel_loop3A_403 = arith.index_cast %parallel_loop3A_402 : i32 to index
      %parallel_loop3A_404 = tpu.vector_load %arg10[%parallel_loop3A_403] {strides = array<i32>} : memref<10240xi32, #tpu.memory_space<vmem>>, vector<16xi32>,
      %parallel_loop3A_405 = vector.shape_cast %parallel_loop3A_404 : vector<16xi32> to vector<16xi32>
      %parallel_loop3A_406 = vector.shape_cast %parallel_loop3A_400 : vector<16xi32> to vector<16xi32>
      tpu.vector_store %arg10[%parallel_loop3A_403], %parallel_loop3A_406 {strides = array<i32>} : memref<10240xi32, #tpu.memory_space<vmem>>, vector<16xi32>,
      %parallel_loop3A_407 = arith.constant 16 : i32
      %parallel_loop3A_408 = arith.addi %parallel_loop3A_320, %parallel_loop3A_407 : i32
      %parallel_loop3A_409 = arith.index_cast %parallel_loop3A_408 : i32 to index
      %parallel_loop3A_410 = tpu.vector_load %arg12[%parallel_loop3A_409] {strides = array<i32>} : memref<10240xf32, #tpu.memory_space<vmem>>, vector<16xf32>,
      %parallel_loop3A_411 = vector.shape_cast %parallel_loop3A_410 : vector<16xf32> to vector<16xf32>
      %parallel_loop3A_412 = arith.addf %parallel_loop3A_389, %parallel_loop3A_411 : vector<16xf32>
      %parallel_loop3A_413 = vector.shape_cast %mul3A_297 : vector<16xi32> to vector<16x1xi32>
      %parallel_loop3A_414 = vector.shape_cast %parallel_loop3A_413 : vector<16x1xi32> to vector<16xi32>
      %parallel_loop3A_415 = tpu.dynamic_gather %parallel_loop3A_341[%parallel_loop3A_414] in [0] : vector<16xi32>, vector<16xi32> -> vector<16xi32>
      %parallel_loop3A_416 = vector.shape_cast %and3A_294 : vector<16xi32> to vector<16x1xi32>
      %parallel_loop3A_417 = vector.shape_cast %parallel_loop3A_416 : vector<16x1xi32> to vector<16xi32>
      %parallel_loop3A_418 = tpu.dynamic_gather %parallel_loop3A_336[%parallel_loop3A_417] in [0] : vector<16xi32>, vector<16xi32> -> vector<16xi32>
      %parallel_loop3A_419 = arith.select %eq3A_300, %parallel_loop3A_415, %parallel_loop3A_418 : vector<16xi1>, vector<16xi32>
      %parallel_loop3A_420 = arith.constant 1000 : i32
      %parallel_loop3A_421 = vector.broadcast %parallel_loop3A_420 : i32 to vector<16xi32>
      %parallel_loop3A_422 = arith.muli %parallel_loop3A_336, %parallel_loop3A_421 : vector<16xi32>
      %parallel_loop3A_423 = arith.addi %parallel_loop3A_422, %parallel_loop3A_419 : vector<16xi32>
      %parallel_loop3A_424 = arith.constant 32 : i32
      %parallel_loop3A_425 = arith.addi %parallel_loop3A_320, %parallel_loop3A_424 : i32
      %parallel_loop3A_426 = arith.index_cast %parallel_loop3A_425 : i32 to index
      %parallel_loop3A_427 = tpu.vector_load %arg10[%parallel_loop3A_426] {strides = array<i32>} : memref<10240xi32, #tpu.memory_space<vmem>>, vector<16xi32>,
      %parallel_loop3A_428 = vector.shape_cast %parallel_loop3A_427 : vector<16xi32> to vector<16xi32>
      %parallel_loop3A_429 = vector.shape_cast %parallel_loop3A_423 : vector<16xi32> to vector<16xi32>
      tpu.vector_store %arg10[%parallel_loop3A_426], %parallel_loop3A_429 {strides = array<i32>} : memref<10240xi32, #tpu.memory_space<vmem>>, vector<16xi32>,
      %parallel_loop3A_430 = arith.constant 32 : i32
      %parallel_loop3A_431 = arith.addi %parallel_loop3A_320, %parallel_loop3A_430 : i32
      %parallel_loop3A_432 = arith.index_cast %parallel_loop3A_431 : i32 to index
      %parallel_loop3A_433 = tpu.vector_load %arg12[%parallel_loop3A_432] {strides = array<i32>} : memref<10240xf32, #tpu.memory_space<vmem>>, vector<16xf32>,
      %parallel_loop3A_434 = vector.shape_cast %parallel_loop3A_433 : vector<16xf32> to vector<16xf32>
      %parallel_loop3A_435 = arith.addf %parallel_loop3A_412, %parallel_loop3A_434 : vector<16xf32>
      %parallel_loop3A_436 = vector.shape_cast %mul3A_297 : vector<16xi32> to vector<16x1xi32>
      %parallel_loop3A_437 = vector.shape_cast %parallel_loop3A_436 : vector<16x1xi32> to vector<16xi32>
      %parallel_loop3A_438 = tpu.dynamic_gather %parallel_loop3A_346[%parallel_loop3A_437] in [0] : vector<16xi32>, vector<16xi32> -> vector<16xi32>
      %parallel_loop3A_439 = vector.shape_cast %and3A_294 : vector<16xi32> to vector<16x1xi32>
      %parallel_loop3A_440 = vector.shape_cast %parallel_loop3A_439 : vector<16x1xi32> to vector<16xi32>
      %parallel_loop3A_441 = tpu.dynamic_gather %parallel_loop3A_341[%parallel_loop3A_440] in [0] : vector<16xi32>, vector<16xi32> -> vector<16xi32>
      %parallel_loop3A_442 = arith.select %eq3A_300, %parallel_loop3A_438, %parallel_loop3A_441 : vector<16xi1>, vector<16xi32>
      %parallel_loop3A_443 = arith.constant 1000 : i32
      %parallel_loop3A_444 = vector.broadcast %parallel_loop3A_443 : i32 to vector<16xi32>
      %parallel_loop3A_445 = arith.muli %parallel_loop3A_341, %parallel_loop3A_444 : vector<16xi32>
      %parallel_loop3A_446 = arith.addi %parallel_loop3A_445, %parallel_loop3A_442 : vector<16xi32>
      %parallel_loop3A_447 = arith.constant 48 : i32
      %parallel_loop3A_448 = arith.addi %parallel_loop3A_320, %parallel_loop3A_447 : i32
      %parallel_loop3A_449 = arith.index_cast %parallel_loop3A_448 : i32 to index
      %parallel_loop3A_450 = tpu.vector_load %arg10[%parallel_loop3A_449] {strides = array<i32>} : memref<10240xi32, #tpu.memory_space<vmem>>, vector<16xi32>,
      %parallel_loop3A_451 = vector.shape_cast %parallel_loop3A_450 : vector<16xi32> to vector<16xi32>
      %parallel_loop3A_452 = vector.shape_cast %parallel_loop3A_446 : vector<16xi32> to vector<16xi32>
      tpu.vector_store %arg10[%parallel_loop3A_449], %parallel_loop3A_452 {strides = array<i32>} : memref<10240xi32, #tpu.memory_space<vmem>>, vector<16xi32>,
      %parallel_loop3A_453 = arith.constant 48 : i32
      %parallel_loop3A_454 = arith.addi %parallel_loop3A_320, %parallel_loop3A_453 : i32
      %parallel_loop3A_455 = arith.index_cast %parallel_loop3A_454 : i32 to index
      %parallel_loop3A_456 = tpu.vector_load %arg12[%parallel_loop3A_455] {strides = array<i32>} : memref<10240xf32, #tpu.memory_space<vmem>>, vector<16xf32>,
      %parallel_loop3A_457 = vector.shape_cast %parallel_loop3A_456 : vector<16xf32> to vector<16xf32>
      %parallel_loop3A_458 = arith.addf %parallel_loop3A_435, %parallel_loop3A_457 : vector<16xf32>
      %parallel_loop3A_459 = vector.shape_cast %mul3A_297 : vector<16xi32> to vector<16x1xi32>
      %parallel_loop3A_460 = vector.shape_cast %parallel_loop3A_459 : vector<16x1xi32> to vector<16xi32>
      %parallel_loop3A_461 = tpu.dynamic_gather %parallel_loop3A_351[%parallel_loop3A_460] in [0] : vector<16xi32>, vector<16xi32> -> vector<16xi32>
      %parallel_loop3A_462 = vector.shape_cast %and3A_294 : vector<16xi32> to vector<16x1xi32>
      %parallel_loop3A_463 = vector.shape_cast %parallel_loop3A_462 : vector<16x1xi32> to vector<16xi32>
      %parallel_loop3A_464 = tpu.dynamic_gather %parallel_loop3A_346[%parallel_loop3A_463] in [0] : vector<16xi32>, vector<16xi32> -> vector<16xi32>
      %parallel_loop3A_465 = arith.select %eq3A_300, %parallel_loop3A_461, %parallel_loop3A_464 : vector<16xi1>, vector<16xi32>
      %parallel_loop3A_466 = arith.constant 1000 : i32
      %parallel_loop3A_467 = vector.broadcast %parallel_loop3A_466 : i32 to vector<16xi32>
      %parallel_loop3A_468 = arith.muli %parallel_loop3A_346, %parallel_loop3A_467 : vector<16xi32>
      %parallel_loop3A_469 = arith.addi %parallel_loop3A_468, %parallel_loop3A_465 : vector<16xi32>
      %parallel_loop3A_470 = arith.constant 64 : i32
      %parallel_loop3A_471 = arith.addi %parallel_loop3A_320, %parallel_loop3A_470 : i32
      %parallel_loop3A_472 = arith.index_cast %parallel_loop3A_471 : i32 to index
      %parallel_loop3A_473 = tpu.vector_load %arg10[%parallel_loop3A_472] {strides = array<i32>} : memref<10240xi32, #tpu.memory_space<vmem>>, vector<16xi32>,
      %parallel_loop3A_474 = vector.shape_cast %parallel_loop3A_473 : vector<16xi32> to vector<16xi32>
      %parallel_loop3A_475 = vector.shape_cast %parallel_loop3A_469 : vector<16xi32> to vector<16xi32>
      tpu.vector_store %arg10[%parallel_loop3A_472], %parallel_loop3A_475 {strides = array<i32>} : memref<10240xi32, #tpu.memory_space<vmem>>, vector<16xi32>,
      %parallel_loop3A_476 = arith.constant 64 : i32
      %parallel_loop3A_477 = arith.addi %parallel_loop3A_320, %parallel_loop3A_476 : i32
      %parallel_loop3A_478 = arith.index_cast %parallel_loop3A_477 : i32 to index
      %parallel_loop3A_479 = tpu.vector_load %arg12[%parallel_loop3A_478] {strides = array<i32>} : memref<10240xf32, #tpu.memory_space<vmem>>, vector<16xf32>,
      %parallel_loop3A_480 = vector.shape_cast %parallel_loop3A_479 : vector<16xf32> to vector<16xf32>
      %parallel_loop3A_481 = arith.addf %parallel_loop3A_458, %parallel_loop3A_480 : vector<16xf32>
      %parallel_loop3A_482 = vector.shape_cast %mul3A_297 : vector<16xi32> to vector<16x1xi32>
      %parallel_loop3A_483 = vector.shape_cast %parallel_loop3A_482 : vector<16x1xi32> to vector<16xi32>
      %parallel_loop3A_484 = tpu.dynamic_gather %parallel_loop3A_356[%parallel_loop3A_483] in [0] : vector<16xi32>, vector<16xi32> -> vector<16xi32>
      %parallel_loop3A_485 = vector.shape_cast %and3A_294 : vector<16xi32> to vector<16x1xi32>
      %parallel_loop3A_486 = vector.shape_cast %parallel_loop3A_485 : vector<16x1xi32> to vector<16xi32>
      %parallel_loop3A_487 = tpu.dynamic_gather %parallel_loop3A_351[%parallel_loop3A_486] in [0] : vector<16xi32>, vector<16xi32> -> vector<16xi32>
      %parallel_loop3A_488 = arith.select %eq3A_300, %parallel_loop3A_484, %parallel_loop3A_487 : vector<16xi1>, vector<16xi32>
      %parallel_loop3A_489 = arith.constant 1000 : i32
      %parallel_loop3A_490 = vector.broadcast %parallel_loop3A_489 : i32 to vector<16xi32>
      %parallel_loop3A_491 = arith.muli %parallel_loop3A_351, %parallel_loop3A_490 : vector<16xi32>
      %parallel_loop3A_492 = arith.addi %parallel_loop3A_491, %parallel_loop3A_488 : vector<16xi32>
      %parallel_loop3A_493 = arith.constant 80 : i32
      %parallel_loop3A_494 = arith.addi %parallel_loop3A_320, %parallel_loop3A_493 : i32
      %parallel_loop3A_495 = arith.index_cast %parallel_loop3A_494 : i32 to index
      %parallel_loop3A_496 = tpu.vector_load %arg10[%parallel_loop3A_495] {strides = array<i32>} : memref<10240xi32, #tpu.memory_space<vmem>>, vector<16xi32>,
      %parallel_loop3A_497 = vector.shape_cast %parallel_loop3A_496 : vector<16xi32> to vector<16xi32>
      %parallel_loop3A_498 = vector.shape_cast %parallel_loop3A_492 : vector<16xi32> to vector<16xi32>
      tpu.vector_store %arg10[%parallel_loop3A_495], %parallel_loop3A_498 {strides = array<i32>} : memref<10240xi32, #tpu.memory_space<vmem>>, vector<16xi32>,
      %parallel_loop3A_499 = arith.constant 80 : i32
      %parallel_loop3A_500 = arith.addi %parallel_loop3A_320, %parallel_loop3A_499 : i32
      %parallel_loop3A_501 = arith.index_cast %parallel_loop3A_500 : i32 to index
      %parallel_loop3A_502 = tpu.vector_load %arg12[%parallel_loop3A_501] {strides = array<i32>} : memref<10240xf32, #tpu.memory_space<vmem>>, vector<16xf32>,
      %parallel_loop3A_503 = vector.shape_cast %parallel_loop3A_502 : vector<16xf32> to vector<16xf32>
      %parallel_loop3A_504 = arith.addf %parallel_loop3A_481, %parallel_loop3A_503 : vector<16xf32>
      %parallel_loop3A_505 = vector.shape_cast %mul3A_297 : vector<16xi32> to vector<16x1xi32>
      %parallel_loop3A_506 = vector.shape_cast %parallel_loop3A_505 : vector<16x1xi32> to vector<16xi32>
      %parallel_loop3A_507 = tpu.dynamic_gather %parallel_loop3A_361[%parallel_loop3A_506] in [0] : vector<16xi32>, vector<16xi32> -> vector<16xi32>
      %parallel_loop3A_508 = vector.shape_cast %and3A_294 : vector<16xi32> to vector<16x1xi32>
      %parallel_loop3A_509 = vector.shape_cast %parallel_loop3A_508 : vector<16x1xi32> to vector<16xi32>
      %parallel_loop3A_510 = tpu.dynamic_gather %parallel_loop3A_356[%parallel_loop3A_509] in [0] : vector<16xi32>, vector<16xi32> -> vector<16xi32>
      %parallel_loop3A_511 = arith.select %eq3A_300, %parallel_loop3A_507, %parallel_loop3A_510 : vector<16xi1>, vector<16xi32>
      %parallel_loop3A_512 = arith.constant 1000 : i32
      %parallel_loop3A_513 = vector.broadcast %parallel_loop3A_512 : i32 to vector<16xi32>
      %parallel_loop3A_514 = arith.muli %parallel_loop3A_356, %parallel_loop3A_513 : vector<16xi32>
      %parallel_loop3A_515 = arith.addi %parallel_loop3A_514, %parallel_loop3A_511 : vector<16xi32>
      %parallel_loop3A_516 = arith.constant 96 : i32
      %parallel_loop3A_517 = arith.addi %parallel_loop3A_320, %parallel_loop3A_516 : i32
      %parallel_loop3A_518 = arith.index_cast %parallel_loop3A_517 : i32 to index
      %parallel_loop3A_519 = tpu.vector_load %arg10[%parallel_loop3A_518] {strides = array<i32>} : memref<10240xi32, #tpu.memory_space<vmem>>, vector<16xi32>,
      %parallel_loop3A_520 = vector.shape_cast %parallel_loop3A_519 : vector<16xi32> to vector<16xi32>
      %parallel_loop3A_521 = vector.shape_cast %parallel_loop3A_515 : vector<16xi32> to vector<16xi32>
      tpu.vector_store %arg10[%parallel_loop3A_518], %parallel_loop3A_521 {strides = array<i32>} : memref<10240xi32, #tpu.memory_space<vmem>>, vector<16xi32>,
      %parallel_loop3A_522 = arith.constant 96 : i32
      %parallel_loop3A_523 = arith.addi %parallel_loop3A_320, %parallel_loop3A_522 : i32
      %parallel_loop3A_524 = arith.index_cast %parallel_loop3A_523 : i32 to index
      %parallel_loop3A_525 = tpu.vector_load %arg12[%parallel_loop3A_524] {strides = array<i32>} : memref<10240xf32, #tpu.memory_space<vmem>>, vector<16xf32>,
      %parallel_loop3A_526 = vector.shape_cast %parallel_loop3A_525 : vector<16xf32> to vector<16xf32>
      %parallel_loop3A_527 = arith.addf %parallel_loop3A_504, %parallel_loop3A_526 : vector<16xf32>
      %parallel_loop3A_528 = vector.shape_cast %mul3A_297 : vector<16xi32> to vector<16x1xi32>
      %parallel_loop3A_529 = vector.shape_cast %parallel_loop3A_528 : vector<16x1xi32> to vector<16xi32>
      %parallel_loop3A_530 = tpu.dynamic_gather %parallel_loop3A_366[%parallel_loop3A_529] in [0] : vector<16xi32>, vector<16xi32> -> vector<16xi32>
      %parallel_loop3A_531 = vector.shape_cast %and3A_294 : vector<16xi32> to vector<16x1xi32>
      %parallel_loop3A_532 = vector.shape_cast %parallel_loop3A_531 : vector<16x1xi32> to vector<16xi32>
      %parallel_loop3A_533 = tpu.dynamic_gather %parallel_loop3A_361[%parallel_loop3A_532] in [0] : vector<16xi32>, vector<16xi32> -> vector<16xi32>
      %parallel_loop3A_534 = arith.select %eq3A_300, %parallel_loop3A_530, %parallel_loop3A_533 : vector<16xi1>, vector<16xi32>
      %parallel_loop3A_535 = arith.constant 1000 : i32
      %parallel_loop3A_536 = vector.broadcast %parallel_loop3A_535 : i32 to vector<16xi32>
      %parallel_loop3A_537 = arith.muli %parallel_loop3A_361, %parallel_loop3A_536 : vector<16xi32>
      %parallel_loop3A_538 = arith.addi %parallel_loop3A_537, %parallel_loop3A_534 : vector<16xi32>
      %parallel_loop3A_539 = arith.constant 112 : i32
      %parallel_loop3A_540 = arith.addi %parallel_loop3A_320, %parallel_loop3A_539 : i32
      %parallel_loop3A_541 = arith.index_cast %parallel_loop3A_540 : i32 to index
      %parallel_loop3A_542 = tpu.vector_load %arg10[%parallel_loop3A_541] {strides = array<i32>} : memref<10240xi32, #tpu.memory_space<vmem>>, vector<16xi32>,
      %parallel_loop3A_543 = vector.shape_cast %parallel_loop3A_542 : vector<16xi32> to vector<16xi32>
      %parallel_loop3A_544 = vector.shape_cast %parallel_loop3A_538 : vector<16xi32> to vector<16xi32>
      tpu.vector_store %arg10[%parallel_loop3A_541], %parallel_loop3A_544 {strides = array<i32>} : memref<10240xi32, #tpu.memory_space<vmem>>, vector<16xi32>,
      %parallel_loop3A_545 = arith.constant 112 : i32
      %parallel_loop3A_546 = arith.addi %parallel_loop3A_320, %parallel_loop3A_545 : i32
      %parallel_loop3A_547 = arith.index_cast %parallel_loop3A_546 : i32 to index
      %parallel_loop3A_548 = tpu.vector_load %arg12[%parallel_loop3A_547] {strides = array<i32>} : memref<10240xf32, #tpu.memory_space<vmem>>, vector<16xf32>,
      %parallel_loop3A_549 = vector.shape_cast %parallel_loop3A_548 : vector<16xf32> to vector<16xf32>
      %parallel_loop3A_550 = arith.addf %parallel_loop3A_527, %parallel_loop3A_549 : vector<16xf32>
      scf.yield %parallel_loop3A_550 : vector<16xf32>
    } {sc.loop_unroll_factor = 2 : i64, sc.parallel_access}
    %dma_wait3A_305 = arith.constant 0 : i32
    %dma_wait3A_306 = tpu.memref_slice %arg6[%dma_wait3A_305] : memref<1000000xf32, #tpu.memory_space<vmem_shared>> -> memref<1000000xf32, #tpu.memory_space<vmem_shared>>
    tpu.wait_indirect_dma semaphore(%arg15 : memref<!tpu.dma_semaphore, #tpu.memory_space<semaphore_mem>>) src(%dma_wait3A_306 : memref<1000000xf32, #tpu.memory_space<vmem_shared>>) dst(%arg11 : memref<10240xf32, #tpu.memory_space<vmem>>)
    %dma_start3A_307 = arith.constant 0 : i32
    %dma_start3A_308 = tpu.memref_slice %arg6[%dma_start3A_307] : memref<1000000xf32, #tpu.memory_space<vmem_shared>> -> memref<1000000xf32, #tpu.memory_space<vmem_shared>>
    tpu.enqueue_indirect_dma source(%dma_start3A_308 : memref<1000000xf32, #tpu.memory_space<vmem_shared>>) target(%arg12 : memref<10240xf32, #tpu.memory_space<vmem>>) offsets(%arg10 : memref<10240xi32, #tpu.memory_space<vmem>>) semaphore(%arg15 : memref<!tpu.dma_semaphore, #tpu.memory_space<semaphore_mem>>)
    %dma_wait3A_309 = arith.constant 0 : i32
    %dma_wait3A_310 = tpu.memref_slice %arg6[%dma_wait3A_309] : memref<1000000xf32, #tpu.memory_space<vmem_shared>> -> memref<1000000xf32, #tpu.memory_space<vmem_shared>>
    tpu.wait_indirect_dma semaphore(%arg15 : memref<!tpu.dma_semaphore, #tpu.memory_space<semaphore_mem>>) src(%dma_wait3A_310 : memref<1000000xf32, #tpu.memory_space<vmem_shared>>) dst(%arg12 : memref<10240xf32, #tpu.memory_space<vmem>>)
    %parallel_loop3A_311 = arith.constant 0 : i32
    %parallel_loop3A_312 = arith.constant 10240 : i32
    %parallel_loop3A_313 = arith.constant 16 : i32
    %parallel_loop3A_314 = scf.for %parallel_loop3A_320 = %parallel_loop3A_311 to %parallel_loop3A_312 step %parallel_loop3A_313 iter_args(%parallel_loop3A_321 = %parallel_loop3A_304) -> (vector<16xf32>)  : i32 {
      %parallel_loop3A_322 = arith.index_cast %parallel_loop3A_320 : i32 to index
      %parallel_loop3A_323 = tpu.vector_load %arg11[%parallel_loop3A_322] {strides = array<i32>} : memref<10240xf32, #tpu.memory_space<vmem>>, vector<16xf32>,
      %parallel_loop3A_324 = vector.shape_cast %parallel_loop3A_323 : vector<16xf32> to vector<16xf32>
      %parallel_loop3A_325 = arith.addf %parallel_loop3A_321, %parallel_loop3A_324 : vector<16xf32>
      %parallel_loop3A_326 = arith.index_cast %parallel_loop3A_320 : i32 to index
      %parallel_loop3A_327 = tpu.vector_load %arg12[%parallel_loop3A_326] {strides = array<i32>} : memref<10240xf32, #tpu.memory_space<vmem>>, vector<16xf32>,
      %parallel_loop3A_328 = vector.shape_cast %parallel_loop3A_327 : vector<16xf32> to vector<16xf32>
      %parallel_loop3A_329 = arith.addf %parallel_loop3A_325, %parallel_loop3A_328 : vector<16xf32>
      scf.yield %parallel_loop3A_329 : vector<16xf32>
    } {sc.loop_unroll_factor = 16 : i64, sc.parallel_access}
    %swap3A = arith.constant 0 : index
    %swap3A_315 = tpu.vector_load %arg11[%swap3A] {strides = array<i32>} : memref<10240xf32, #tpu.memory_space<vmem>>, vector<16xf32>,
    %swap3A_316 = vector.shape_cast %swap3A_315 : vector<16xf32> to vector<16xf32>
    %swap3A_317 = vector.shape_cast %parallel_loop3A_314 : vector<16xf32> to vector<16xf32>
    tpu.vector_store %arg11[%swap3A], %swap3A_317 {strides = array<i32>} : memref<10240xf32, #tpu.memory_space<vmem>>, vector<16xf32>,
    %mul3A_318 = arith.constant 16 : i32
    %mul3A_319 = arith.muli %add3A, %mul3A_318 : i32
    "tpu.region"() ({
      %run_scoped3A = tpu.sem_alloc : memref<!tpu.dma_semaphore, #tpu.memory_space<semaphore_mem>>
      %dma_start3A_320 = arith.constant 0 : i32
      %dma_start3A_321 = tpu.memref_slice %arg11[%dma_start3A_320] : memref<10240xf32, #tpu.memory_space<vmem>> -> memref<16xf32, #tpu.memory_space<vmem>>
      %dma_start3A_322 = tpu.memref_slice %arg5[%mul3A_319] : memref<512xf32, #tpu.memory_space<hbm>> -> memref<16xf32, #tpu.memory_space<hbm>>
      %dma_start3A_323 = tpu.memref_slice %arg5[%mul3A_319] : memref<512xf32, #tpu.memory_space<hbm>> -> memref<16xf32, #tpu.memory_space<hbm>>
      %dma_start3A_324 = arith.constant 0 : i32
      %dma_start3A_325 = tpu.memref_slice %arg11[%dma_start3A_324] : memref<10240xf32, #tpu.memory_space<vmem>> -> memref<16xf32, #tpu.memory_space<vmem>>
      tpu.enqueue_dma source(%dma_start3A_325 : memref<16xf32, #tpu.memory_space<vmem>>) target(%dma_start3A_323 : memref<16xf32, #tpu.memory_space<hbm>>) target_semaphore(%run_scoped3A : memref<!tpu.dma_semaphore, #tpu.memory_space<semaphore_mem>>)
      %dma_wait3A_326 = arith.constant 0 : i32
      %dma_wait3A_327 = tpu.memref_slice %arg11[%dma_wait3A_326] : memref<10240xf32, #tpu.memory_space<vmem>> -> memref<16xf32, #tpu.memory_space<vmem>>
      %dma_wait3A_328 = tpu.memref_slice %arg5[%mul3A_319] : memref<512xf32, #tpu.memory_space<hbm>> -> memref<16xf32, #tpu.memory_space<hbm>>
      %dma_wait3A_329 = tpu.memref_slice %arg5[%mul3A_319] : memref<512xf32, #tpu.memory_space<hbm>> -> memref<16xf32, #tpu.memory_space<hbm>>
      %dma_wait3A_330 = arith.constant 0 : i32
      %dma_wait3A_331 = tpu.memref_slice %arg11[%dma_wait3A_330] : memref<10240xf32, #tpu.memory_space<vmem>> -> memref<16xf32, #tpu.memory_space<vmem>>
      tpu.wait_dma2 semaphore(%run_scoped3A : memref<!tpu.dma_semaphore, #tpu.memory_space<semaphore_mem>>) src(%dma_wait3A_331 : memref<16xf32, #tpu.memory_space<vmem>>) dst(%dma_wait3A_329 : memref<16xf32, #tpu.memory_space<hbm>>)
      tpu.yield
    }) : () -> ()
    return
  }
}

</mosaic_0001>

<sc_bundles>
// kernel: kernel.3.cloned.1.call-start
scs
__scs_entry_jumppad:
0x0: {  	(pc) =	sbr.rel $0x88, $3  }
0x1: {  	(tag) =	ssettag $0x0;
	lr =	simm.s32 $0x1  }
0x2: {  	[smem:$0x3F9E] =	sst lr;
	_ =	strace $0xD0000000  }
0x3: {  	_ = 	snop  }
0x4: {  	_ = 	snop  }
0x5: {  	_ = 	snop  }
0x6: {  	_ = 	snop  }
0x7: {  	_ = 	snop  }
__scs_overlays_trampoline_lowered:
0x8: {  	[smem:$0x3FAD] =	sst s0  }
0x9: {  	[smem:$0x3FAE] =	sst s1  }
0xa: {  	[smem:$0x3FAF] =	sst s2  }
0xb: {  	[smem:$0x3FB0] =	sst s3  }
0xc: {  	[smem:$0x3FB1] =	sst s4  }
0xd: {  	[smem:$0x3FB2] =	sst s5  }
0xe: {  	[smem:$0x3FB3] =	sst s6  }
0xf: {  	[smem:$0x3FB4] =	sst s7  }
0x10: {  	[smem:$0x3FB5] =	sst s8  }
0x11: {  	[smem:$0x3FB6] =	sst s9;
	s0 =	simm.s32 @!p0 $0x0  }
0x12: {  	s1 =	sld [smem:$0x3F9C];
	s0 =	simm.s32 @p0 $0x1  }
0x13: {  	[smem:$0x3FB7] =	sst s0;
	s0 =	simm.s32 @!p1 $0x0  }
0x14: {  	s2 =	sld [smem:$0x3F9B];
	s0 =	simm.s32 @p1 $0x1  }
0x15: {  	[smem:$0x3FB8] =	sst s0;
	s0 =	simm.s32 @!p2 $0x0  }
0x16: {  	s3 =	sld [smem:$0x3FDB];
	s0 =	simm.s32 @p2 $0x1  }
0x17: {  	s4 =	simm.s32 $0x1BF5;
	[smem:$0x3FBA] =	sst s0  }
0x18: {  	s0 =	sld [smem:$0x3F9D];
	_ =	swait.ge [sflag:s4], $0x0  }
0x19: {  	s7 =	sld [smem:$0x3F9E]  }
0x1a: {  	s8 =	sadd.s32 $0xFFFFE003, lr  }
0x1b: {  	s9 =	sadd.s32 $0xFFFFFEF7, lr;
	s5 =	simm.s32 $0xFFFFFFFF;
	p2 =	slt.u32 s8, $0xFFFFF086  }
0x1c: {  	p1 =	slt.u32 s9, $0xF7A;
	s5 =	simm.s32 @!p2 $0x0  }
0x1d: {  	s5 =	simm.s32 @p1 $0x1;
	p0 =	seq.s32 s7, s2  }
0x1e: {  	s7 =	smul.u32 @!p0 $0xF7A, s2;
	p2 =	seq.s32 @!p0 s5, $0x0  }
0x1f: {  	s9 =	smul.u32 $0xF7A, s1;
	s8 =	simm.s32 @!p0 $0x1BF5;
	p2 =	por !p2, p0  }
0x20: {  	[sflag:s8] =	ssyncset.s32 @!p0 $0xFFFFF086;
	s6 =	sadd.s32 @!p0 s3, s7;
	s7 =	simm.s32 @!p0 $0x108  }
0x21: {  	s3 =	sadd.s32 s3, s9;
	s6 =	sadd.s32 @!p0 $0x88, s6;
	s7 =	simm.s32 @p2 $0x1082  }
0x22: {  	[simem:s7], [sflag:s8] =	dma.local @!p0 [hbm:s6], $0xF7A  }
0x23: {  	s9 =	sor.u32 $0xD0000000, s2;
	s6 =	simm.s32 $0x108;
	_ =	swait.ge @!p0 [sflag:s8], $0x0  }
0x24: {  	s3 =	sadd.s32 $0x88, s3;
	s6 =	simm.s32 @!p1 $0x1082;
	[sflag:s4] =	ssyncset.s32 $0xFFFFF086  }
0x25: {  	[simem:s6], [sflag:s4] =	dma.local [hbm:s3], $0xF7A  }
0x26: {  	[smem:$0x3F9E] =	sst s1;
	(tag) =	ssettag s2;
	_ =	strace s9  }
0x27: {  	s1 =	sld [smem:$0x3FAE]  }
0x28: {  	s2 =	sld [smem:$0x3FAF]  }
0x29: {  	s4 =	sld [smem:$0x3FB1]  }
0x2a: {  	p0 =	seq.s32 s5, $0x0;
	s5 =	sld [smem:$0x3FB2]  }
0x2b: {  	s6 =	sld [smem:$0x3FB3]  }
0x2c: {  	s7 =	sld [smem:$0x3FB4]  }
0x2d: {  	s3 =	simm.s32 $0x108;
	s8 =	sld [smem:$0x3FB5]  }
0x2e: {  	s3 =	simm.s32 @!p0 $0x1082;
	s9 =	sld [smem:$0x3FB6]  }
0x2f: {  	lr =	sadd.s32 s0, s3;
	s0 =	sld [smem:$0x3FAD]  }
0x30: {  	s3 =	sld [smem:$0x3FB0]  }
0x31: {  	[smem:$0x3FB9] =	sst s10  }
0x32: {  	s10 =	sld [smem:$0x3FB7];
	_ =	sdelay $0x3  }
0x33: {  	p0 =	seq.s32 s10, $0x1;
	s10 =	sld [smem:$0x3FB9];
	_ =	sdelay $0x3  }
0x34: {  	[smem:$0x3FB9] =	sst s10  }
0x35: {  	s10 =	sld [smem:$0x3FB8];
	_ =	sdelay $0x3  }
0x36: {  	p1 =	seq.s32 s10, $0x1;
	s10 =	sld [smem:$0x3FB9];
	_ =	sdelay $0x3  }
0x37: {  	[smem:$0x3FB9] =	sst s10  }
0x38: {  	s10 =	sld [smem:$0x3FBA]  }
0x39: {  	_ = 	snop;
	(pc) =	sbr.ind lr, $3  }
0x3a: {  	_ = 	snop  }
0x3b: {  	_ = 	snop  }
0x3c: {  	p2 =	seq.s32 s10, $0x1;
	s10 =	sld [smem:$0x3FB9]  }
0x3d: {  	_ =	shalt  }
0x3e: {  	_ =	shalt  }
0x3f: {  	_ =	shalt  }
0x40: {  	_ =	shalt  }
0x41: {  	_ =	shalt  }
0x42: {  	_ =	shalt  }
0x43: {  	_ =	shalt  }
0x44: {  	_ =	shalt  }
0x45: {  	_ =	shalt  }
0x46: {  	_ =	shalt  }
0x47: {  	_ =	shalt  }
0x48: {  	_ =	shalt  }
0x49: {  	_ =	shalt  }
0x4a: {  	_ =	shalt  }
0x4b: {  	_ =	shalt  }
0x4c: {  	_ =	shalt  }
0x4d: {  	_ =	shalt  }
0x4e: {  	_ =	shalt  }
0x4f: {  	_ =	shalt  }
0x50: {  	_ =	shalt  }
0x51: {  	_ =	shalt  }
0x52: {  	_ =	shalt  }
0x53: {  	_ =	shalt  }
0x54: {  	_ =	shalt  }
0x55: {  	_ =	shalt  }
0x56: {  	_ =	shalt  }
0x57: {  	_ =	shalt  }
0x58: {  	_ =	shalt  }
0x59: {  	_ =	shalt  }
0x5a: {  	_ =	shalt  }
0x5b: {  	_ =	shalt  }
0x5c: {  	_ =	shalt  }
0x5d: {  	_ =	shalt  }
0x5e: {  	_ =	shalt  }
0x5f: {  	_ =	shalt  }
0x60: {  	_ =	shalt  }
0x61: {  	_ =	shalt  }
0x62: {  	_ =	shalt  }
0x63: {  	_ =	shalt  }
0x64: {  	_ =	shalt  }
0x65: {  	_ =	shalt  }
0x66: {  	_ =	shalt  }
0x67: {  	_ =	shalt  }
0x68: {  	_ =	shalt  }
0x69: {  	_ =	shalt  }
0x6a: {  	_ =	shalt  }
0x6b: {  	_ =	shalt  }
0x6c: {  	_ =	shalt  }
0x6d: {  	_ =	shalt  }
0x6e: {  	_ =	shalt  }
0x6f: {  	_ =	shalt  }
0x70: {  	_ =	shalt  }
0x71: {  	_ =	shalt  }
0x72: {  	_ =	shalt  }
0x73: {  	_ =	shalt  }
0x74: {  	_ =	shalt  }
0x75: {  	_ =	shalt  }
0x76: {  	_ =	shalt  }
0x77: {  	_ =	shalt  }
0x78: {  	_ =	shalt  }
0x79: {  	_ =	shalt  }
0x7a: {  	_ =	shalt  }
0x7b: {  	_ =	shalt  }
0x7c: {  	_ =	shalt  }
0x7d: {  	_ =	shalt  }
0x7e: {  	_ =	shalt  }
0x7f: {  	_ =	shalt  }
0x80: {  	_ =	shalt  }
0x81: {  	_ =	shalt  }
0x82: {  	_ =	shalt  }
0x83: {  	_ =	shalt  }
0x84: {  	_ =	shalt  }
0x85: {  	_ =	shalt  }
0x86: {  	_ =	shalt  }
0x87: {  	_ =	shalt  }
.Lfunc_end0:
.L_simem_size_0:
called_computation_lowered:
.L_overlay_start_0:
0x88: {  	s2 =	sld [smem:$0x3FD9]  }
0x89: {  	s3 =	sld [smem:$0x3FFE];
	_ =	sdelay $0x1  }
0x8a: {  	s1 =	srdreg.scid  }
0x8b: {  	s0 =	sand.u32 $0x1, s1  }
0x8c: {  	s17 =	sshll.u32 s0, $0xA;
	s2 =	sadd.s32 s3, s2  }
0x8d: {  	s2 =	sadd.s32 s2, s17  }
0x8e: {  	[smem:$0x3FC5] =	sst s2  }
0x8f: {  	_ = 	snop  }
0x90: {  	s2 =	sld [smem:$0x3FC9]  }
0x91: {  	s18 =	sld [smem:$0x3FD0];
	(tm) =	ssettm $0x1  }
0x92: {  	s4 =	sld [smem:$0x3FFB];
	_ =	sdelay $0x3  }
0x93: {  	_ =	strace s4  }
0x94: {  	s4 =	sld [smem:$0x3FFC];
	_ =	sdelay $0x3  }
0x95: {  	_ =	strace s4  }
0x96: {  	s4 =	sld [smem:$0x3FFD];
	_ =	sdelay $0x3  }
0x97: {  	_ =	strace s4  }
0x98: {  	_ =	strace $0x8FFFFFFF  }
0x99: {  	s19 =	sld [smem:$0x3FDB];
	_ =	sdelay $0x1  }
0x9a: {  	s5 =	simm.s32 $_scs_section_size  }
0x9b: {  	s6 =	simm.s32 $_size__tile_overlayer_lowered;
	s7 =	simm.s32 $_tile_overlayer_lowered  }
0x9c: {  	s22 =	simm.s32 $0x1BFF;
	s21 =	sshll.u32 s7, $0x1;
	s4 =	sadd.s32 s5, s19  }
0x9d: {  	s8 =	simm.s32 $0x0;
	s20 =	sshll.u32 s6, $0x1;
	s6 =	sadd.s32 s21, s4  }
0x9e: {  	[timem:s8], [sflag:s22] =	dma.local [hbm:s6], s20  }
0x9f: {  	_ =	swait.ge [sflag:s22], s20  }
0xa0: {  	s5 =	ssub.s32 $0x0, s20;
	[sflag:s22] =	ssyncset.done $0x0  }
0xa1: {  	[sflag:s22] =	ssyncadd.s32 s5;
	_ =	sdelay $0x1  }
0xa2: {  	s23 =	simm.s32 $0x1B8B  }
0xa3: {  	_ =	swait.ge [sflag:s23], $0x1  }
0xa4: {  	[sflag:s23] =	ssyncset.done $0x0  }
0xa5: {  	s25 =	simm.s32 $0x1B8E;
	s24 =	sld [smem:$0x3FFE];
	[sflag:s23] =	ssyncadd.s32 $0xFFFFFFFF  }
0xa6: {  	s26 =	simm.s32 $execute0_lowered;
	[smem:$0x3FD2] =	sst s25  }
0xa7: {  	s6 =	sshll.u32 s26, $0x1;
	_ =	strace $0x80000046;
	[dreg:$0x1] =	wrdreg $0xFFFFFFFF  }
0xa8: {  	s28 =	simm.s32 $_size_execute0_lowered;
	s4 =	sadd.s32 s4, s6;
	[dreg:$0x0] =	wrdreg $0x0  }
0xa9: {  	s6 =	sshll.u32 s28, $0x1;
	[dreg:$0x2] =	wrdreg s4  }
0xaa: {  	[dreg:$0x3] =	wrdreg s6  }
0xab: {  	[dreg:$0x4] =	wrdreg $0xC0  }
0xac: {  	_ =	task [dreg:s8], $0x5FFFF  }
0xad: {  	[dreg:$0x1] =	wrdreg $0xFFFFFFFF  }
0xae: {  	[dreg:$0x0] =	wrdreg $0x60  }
0xaf: {  	[dreg:$0x2] =	wrdreg s2  }
0xb0: {  	[dreg:$0x3] =	wrdreg s24  }
0xb1: {  	[dreg:$0x4] =	wrdreg s18  }
0xb2: {  	[dreg:$0x5] =	wrdreg $0x0  }
0xb3: {  	[dreg:$0x6] =	wrdreg $0x9  }
0xb4: {  	_ =	task.clear_ibuf [dreg:s8], $0x7FFFF;
	_ =	strace $0x90000046  }
0xb5: {  	s29 =	simm.s32 $0x9;
	_ =	strace $0x80000048  }
0xb6: {  	_ =	swait.ge [sflag:s29], $0x1  }
0xb7: {  	[sflag:s29] =	ssyncadd.s32 $0xFFFFFFFF  }
0xb8: {  	_ =	strace $0x90000048  }
0xb9: {  	_ =	sfence  }
0xba: {  	s30 =	sld [smem:$0x0];
	_ =	sdelay $0x2  }
0xbb: {  	s31 =	sshll.u32 s1, $0xD;
	s1 =	sshrl.u32 s1, $0x2  }
0xbc: {  	s3 =	sand.u32 $0x4000, s31;
	s1 =	sadd.s32 s1, s30  }
0xbd: {  	s0 =	sor.u32 s3, s0;
	s1 =	sshll.u32 s1, $0x11  }
0xbe: {  	s0 =	sor.u32 s1, s0  }
0xbf: {  	s0 =	sadd.s32 $0x8F2B, s0  }
0xc0: {  	[sflag:s0] =	ssyncadd.remote.s32 $0x1  }
0xc1: {  	_ =	sfence.sel $0xFFFF  }
0xc2: {  	[dreg:$0x0] =	wrdreg $0xFFFFFFFF;
	(pc) =	sbr.abs _section_cstart, $3  }
0xc3: {  	[dreg:$0x1] =	wrdreg $0xFFFFFFFF  }
0xc4: {  	_ =	task.clear_ibuf [dreg:s8], $0x2FFFF;
	_ =	strace $0x9FFFFFFF  }
0xc5: {  	(tm) =	ssettm $0x7FFFFFFF  }
tec
execute0_lowered:
.L_overlay_start_1:
0x0: {  	(tag) =	ssettag $0x1  }
0x1: {  	s0 =	rddreg [dreg:$0x0]  }
0x2: {  	s7 =	rddreg [dreg:$0x1];
	s1 =	srdreg.scid  }
0x3: {  	s2 =	stileid.u32;
	s3 =	rddreg [dreg:$0x3];
	s20 =	simm.s32 $0x4  }
0x4: {  	s21 =	simm.s32 $0xF428;
	s22 =	simm.s32 $0x1;
	s23 =	simm.s32 $0x11CA8  }
0x5: {  	s24 =	simm.s32 $0x2800;
	s25 =	simm.s32 $0x14528;
	s26 =	simm.s32 $0x19528  }
0x6: {  	s28 =	simm.s32 $0x2;
	s29 =	simm.s32 $0x16D28;
	s30 =	simm.s32 $0x1BD28  }
0x7: {  	s31 =	simm.s32 $0x0;
	s1 =	sand.u32 $0x1, s1;
	s4 =	sshll.u32 s2, $0x1  }
0x8: {  	s15 =	sadd.s32 $0x63B00, s0;
	p0 =	sne.s32 s2, $0x0;
	s19 =	sor.u32 s1, s4  }
0x9: {  	v0 =	vimm.s32 $0xFEDCBA9;
	v1 =	vimm.s32 $0x87654321;
	s4 =	simm.s32 $0x0;
	s1 =	ssub.s32 $0x2, s1;
	s18 =	sshrl.u32 @!p0 s3, $0x3  }
0xa: {  	v0 =	vunpack.c.l.s4.s8 v0;
	v1 =	vunpack.c.l.s4.s8 v1;
	s5 =	smul.u32 $0x19000, s19;
	[smem:$0x7FF] =	sst s4;
	s6 =	sshll.u32 s19, $0x1  }
0xb: {  	s10 =	sshrl.u32 s1, $0x1;
	p1 =	sne.s32 s19, $0x1F;
	_ =	strace $0x80000047  }
0xc: {  	v0 =	vunpack.c.0.s8.s32 v0;
	v1 =	vunpack.c.0.s8.s32 v1;
	s16 =	sadd.s32 s6, s7;
	s1 =	ssub.s32 s1, s10;
	s5 =	sshrl.u32 s5, $0x3  }
0xd: {  	s16 =	sadd.s32 $0x1EA00, s16;
	s17 =	smax.u32 s1, $0x1;
	s5 =	sadd.s32 s0, s5  }
0xe: {  	v1 =	vcombine.low v1, v0;
	s6 =	sadd.s32 $0x500, s5;
	s7 =	sadd.s32 $0xA00, s5;
	s8 =	sadd.s32 $0xF00, s5  }
0xf: {  	s9 =	sadd.s32 $0x1400, s5;
	s10 =	sadd.s32 $0x1900, s5;
	s11 =	sadd.s32 $0x1E00, s5  }
0x10: {  	vm0 =	vmmov $0x7fff;
	v0 =	vimm.s32 $0x0;
	s12 =	sadd.s32 $0x2300, s5;
	s13 =	sadd.s32 $0x2800, s5;
	s14 =	sadd.s32 $0x2D00, s5;
	v1 =	vand.u32 $0xF, v1  }
.LBB2_1:
0x11: {  	s0 =	simm.s32 @!p0 $0x1C03;
	s1 =	rddreg [dreg:$0x1]  }
0x12: {  	[spmem:s18], [sflag:s0] =	dma.local @!p0 [hbm:s1], $0x1E850  }
0x13: {  	s2 =	simm.s32 $0x1E528;
	s0 =	rddreg [dreg:$0x2]  }
0x14: {  	[tilespmem:s2], [sflag:$0x4] =	stream.linear.gather [hbm4b:s0+s4], $0x80, $0x38;
	[tilespmem:$0x1E5A8] =	vst v63  }
0x15: {  	_ =	swait.ge [sflag:s20], $0x80  }
0x16: {  	[sflag:s20] =	ssyncset.done $0x0  }
0x17: {  	[sflag:s20] =	ssyncadd.s32 $0xFFFFFF80  }
0x18: {  	v2 =	vld [tilespmem:$0x1E528];
	[tilespmem:s21], [sflag:$0x1] =	stream.linear.gather [hbm4b:s5+s4], $0x2810, $0x38  }
0x19: {  	_ =	swait.ge [sflag:s22], $0x2810  }
0x1a: {  	[sflag:s22] =	ssyncset.done $0x0  }
0x1b: {  	s19 =	simm.s32 $0xF4A8;
	[sflag:s22] =	ssyncadd.s32 $0xFFFFD7F0  }
0x1c: {  	[tilespmem:s23], [sflag:$0x1] =	stream.linear.gather [hbm4b:s6+s4], $0x2810, $0x38;
	[tilespmem:$0x1E5A8] =	vst v63  }
0x1d: {  	v4 =	vld [tilespmem:s19+$0x70]  }
0x1e: {  	v5 =	vld [tilespmem:s19+$0x80]  }
0x1f: {  	v6 =	vld [tilespmem:s19+$0xFFFFFF90]  }
0x20: {  	v7 =	vld [tilespmem:s19+$0xFFFFFFA0]  }
0x21: {  	v8 =	vld [tilespmem:s19+$0xFFFFFFB0]  }
0x22: {  	v10 =	vld [tilespmem:s19+$0x10]  }
0x23: {  	v11 =	vld [tilespmem:s19+$0x20];
	v3 =	vperm.xlane v4, v0  }
0x24: {  	v12 =	vld [tilespmem:s19+$0x30];
	v5 =	vperm.xlane v5, v0;
	v9 =	vperm.xlane v4, v1  }
0x25: {  	v17 =	vld [tilespmem:s19+$0x40];
	v21 =	vperm.xlane v6, v0;
	v14 =	vperm.xlane v6, v1  }
0x26: {  	v26 =	vld [tilespmem:s19+$0x50];
	v15 =	vperm.xlane v7, v0;
	v22 =	vperm.xlane v7, v1  }
0x27: {  	v13 =	vld [tilespmem:s19+$0xFFFFFFC0];
	v23 =	vperm.xlane v8, v0;
	v24 =	vperm.xlane v8, v1  }
0x28: {  	v16 =	vld [tilespmem:s19+$0xFFFFFFD0];
	v36 =	vperm.xlane v10, v0;
	v37 =	vperm.xlane v10, v1  }
0x29: {  	v18 =	vld [tilespmem:s19+$0xFFFFFFE0];
	v38 =	vperm.xlane v11, v0;
	v39 =	vperm.xlane v11, v1  }
0x2a: {  	v19 =	vld [tilespmem:s19+$0xFFFFFFF0];
	v40 =	vperm.xlane v12, v0;
	v41 =	vperm.xlane v12, v1  }
0x2b: {  	v20 =	vld [tilespmem:s19+$0x0];
	v4 =	vmul.u32 $0x3E8, v4;
	v42 =	vperm.xlane v17, v0;
	v43 =	vperm.xlane v17, v1  }
0x2c: {  	v28 =	vld [tilespmem:s19+$0xFFFFFF80];
	v7 =	vmul.u32 $0x3E8, v7;
	v44 =	vperm.xlane v26, v0;
	v29 =	vperm.xlane v13, v0  }
0x2d: {  	v30 =	vperm.xlane v13, v1;
	v13 =	vmul.u32 $0x3E8, v13;
	v45 =	vperm.xlane v16, v0  }
0x2e: {  	v27 =	vld [tilespmem:s19+$0x60];
	v46 =	vperm.xlane v16, v1;
	v16 =	vmul.u32 $0x3E8, v16;
	v47 =	vperm.xlane v18, v0  }
0x2f: {  	v48 =	vperm.xlane v18, v1;
	v18 =	vmul.u32 $0x3E8, v18;
	v49 =	vperm.xlane v19, v0  }
0x30: {  	v50 =	vperm.xlane v19, v1;
	v19 =	vmul.u32 $0x3E8, v19;
	v51 =	vperm.xlane v20, v0  }
0x31: {  	v52 =	vperm.xlane v20, v1;
	v20 =	vmul.u32 $0x3E8, v20;
	v32 =	vperm.xlane v28, v1  }
0x32: {  	v31 =	vmul.u32 $0x3E8, v28;
	v17 =	vmul.u32 $0x3E8, v17;
	v5 =	vsel vm0, v9, v5  }
0x33: {  	v9 =	vmul.u32 $0x3E8, v8;
	v8 =	vmul.u32 $0x3E8, v12;
	v12 =	vperm.xlane v27, v0  }
0x34: {  	v25 =	vsel vm0, v14, v15;
	v15 =	vmul.u32 $0x3E8, v26;
	v14 =	vmul.u32 $0x3E8, v27  }
0x35: {  	v34 =	vsel vm0, v32, v21;
	v33 =	vsel vm0, v22, v23;
	v32 =	vsel vm0, v24, v29  }
0x36: {  	v30 =	vsel vm0, v30, v45;
	v29 =	vsel vm0, v46, v47;
	v28 =	vsel vm0, v48, v49  }
0x37: {  	v24 =	vsel vm0, v37, v38;
	v23 =	vsel vm0, v39, v40;
	v22 =	vsel vm0, v41, v42  }
0x38: {  	v35 =	vadd.s32 v4, v5;
	v4 =	vmul.u32 $0x3E8, v6;
	v5 =	vmul.u32 $0x3E8, v10  }
0x39: {  	s2 =	simm.s32 $0x145A8;
	v6 =	vmul.u32 $0x3E8, v11;
	v10 =	vperm.xlane v26, v1;
	v11 =	vperm.xlane v27, v1  }
0x3a: {  	s1 =	simm.s32 $0x145A8;
	s0 =	simm.s32 $0xF5A8;
	s19 =	simm.s32 $0x0;
	v21 =	vsel vm0, v43, v44;
	v27 =	vsel vm0, v50, v51;
	v26 =	vsel vm0, v52, v36;
	[tilespmem:s2+$0x70] =	vst v35  }
.LBB2_2:
0x3b: {  	v35 =	vld [tilespmem:s0+$0x70];
	v31 =	vadd.s32 v31, v34;
	v10 =	vsel vm0, v10, v12;
	v11 =	vsel vm0, v11, v3  }
0x3c: {  	s19 =	sadd.s32 $0x100, s19;
	v3 =	vadd.s32 v4, v25;
	v4 =	vadd.s32 v7, v33;
	v7 =	vadd.s32 v9, v32;
	v12 =	vld [tilespmem:s0+$0x80];
	[tilespmem:s2+$0xFFFFFF80] =	vst v31  }
0x3d: {  	v13 =	vadd.s32 v13, v30;
	v16 =	vadd.s32 v16, v29;
	v18 =	vadd.s32 v18, v28;
	p2 =	slt.u32 s19, $0x2700;
	v9 =	vld [tilespmem:s0+$0xFFFFFF90];
	[tilespmem:s2+$0xFFFFFF90] =	vst v3  }
0x3e: {  	v5 =	vadd.s32 v5, v24;
	v25 =	vld [tilespmem:s0+$0xFFFFFFA0];
	[tilespmem:s2+$0xFFFFFFA0] =	vst v4;
	v4 =	vadd.s32 v19, v27;
	v19 =	vadd.s32 v20, v26  }
0x3f: {  	v6 =	vadd.s32 v6, v23;
	v8 =	vadd.s32 v8, v22;
	v17 =	vadd.s32 v17, v21;
	v20 =	vld [tilespmem:s0+$0xFFFFFFB0];
	[tilespmem:s2+$0xFFFFFFB0] =	vst v7  }
0x40: {  	v14 =	vadd.s32 v14, v11;
	v21 =	vld [tilespmem:s0+$0x10];
	v3 =	vperm.xlane v35, v0;
	[tilespmem:s2+$0xFFFFFFC0] =	vst v13;
	v13 =	vadd.s32 v15, v10  }
0x41: {  	v11 =	vperm.xlane v35, v1;
	v10 =	vld [tilespmem:s0+$0x20];
	v7 =	vperm.xlane v12, v0;
	[tilespmem:s2+$0xFFFFFFD0] =	vst v16  }
0x42: {  	v16 =	vmul.u32 $0x3E8, v35;
	v22 =	vperm.xlane v9, v0;
	v15 =	vperm.xlane v9, v1;
	v12 =	vld [tilespmem:s0+$0x30];
	[tilespmem:s2+$0xFFFFFFE0] =	vst v18  }
0x43: {  	v23 =	vperm.xlane v25, v0;
	v24 =	vperm.xlane v25, v1;
	v26 =	vld [tilespmem:s0+$0x40];
	v7 =	vsel vm0, v11, v7;
	[tilespmem:s2+$0xFFFFFFF0] =	vst v4  }
0x44: {  	s2 =	sadd.s32 $0x100, s2;
	v27 =	vperm.xlane v20, v0;
	v28 =	vperm.xlane v20, v1;
	v29 =	vld [tilespmem:s0+$0x50];
	v7 =	vadd.s32 v16, v7;
	[tilespmem:s1+$0x0] =	vst v19  }
0x45: {  	v4 =	vmul.u32 $0x3E8, v9;
	v30 =	vld [tilespmem:s0+$0x60];
	v35 =	vperm.xlane v21, v0;
	v36 =	vperm.xlane v21, v1;
	[tilespmem:s2+$0x70] =	vst v7  }
0x46: {  	v7 =	vmul.u32 $0x3E8, v25;
	v16 =	vld [tilespmem:s0+$0xFFFFFFC0];
	v37 =	vperm.xlane v10, v0;
	v38 =	vperm.xlane v10, v1;
	[tilespmem:s1+$0x10] =	vst v5  }
0x47: {  	v9 =	vmul.u32 $0x3E8, v20;
	v18 =	vld [tilespmem:s0+$0xFFFFFFD0];
	v39 =	vperm.xlane v12, v0;
	v40 =	vperm.xlane v12, v1;
	[tilespmem:s1+$0x20] =	vst v6  }
0x48: {  	v5 =	vmul.u32 $0x3E8, v21;
	v19 =	vld [tilespmem:s0+$0xFFFFFFE0];
	v21 =	vperm.xlane v26, v0;
	v41 =	vperm.xlane v26, v1;
	[tilespmem:s1+$0x30] =	vst v8  }
0x49: {  	v6 =	vmul.u32 $0x3E8, v10;
	v20 =	vld [tilespmem:s0+$0xFFFFFFF0];
	v42 =	vperm.xlane v29, v0;
	v10 =	vperm.xlane v29, v1;
	[tilespmem:s1+$0x40] =	vst v17  }
0x4a: {  	v8 =	vmul.u32 $0x3E8, v12;
	v17 =	vld [tilespmem:s0+$0x0];
	v12 =	vperm.xlane v30, v0;
	v11 =	vperm.xlane v30, v1;
	[tilespmem:s1+$0x50] =	vst v13  }
0x4b: {  	v25 =	vld [tilespmem:s0+$0xFFFFFF80];
	v32 =	vperm.xlane v16, v0;
	v43 =	vperm.xlane v16, v1;
	v13 =	vmul.u32 $0x3E8, v16;
	[tilespmem:s1+$0x60] =	vst v14;
	s1 =	smov.u32 s2  }
0x4c: {  	v44 =	vperm.xlane v18, v0;
	v45 =	vperm.xlane v18, v1;
	v16 =	vmul.u32 $0x3E8, v18  }
0x4d: {  	v46 =	vperm.xlane v19, v0;
	v47 =	vperm.xlane v19, v1;
	v18 =	vmul.u32 $0x3E8, v19  }
0x4e: {  	v48 =	vperm.xlane v20, v0;
	v49 =	vperm.xlane v20, v1;
	v19 =	vmul.u32 $0x3E8, v20  }
0x4f: {  	v50 =	vperm.xlane v17, v0;
	v51 =	vperm.xlane v17, v1;
	v20 =	vmul.u32 $0x3E8, v17  }
0x50: {  	v17 =	vmul.u32 $0x3E8, v26;
	v33 =	vperm.xlane v25, v1;
	v31 =	vmul.u32 $0x3E8, v25  }
.Ltmp0:
0x51: {  	v14 =	vmul.u32 $0x3E8, v30;
	v25 =	vsel vm0, v15, v23;
	v15 =	vmul.u32 $0x3E8, v29;
	(pc) =	sbr.rel @p2 .LBB2_2-.Ltmp0, $4  }
0x52: {  	v32 =	vsel vm0, v28, v32;
	v34 =	vsel vm0, v33, v22;
	v33 =	vsel vm0, v24, v27  }
0x53: {  	v30 =	vsel vm0, v43, v44;
	v29 =	vsel vm0, v45, v46;
	v28 =	vsel vm0, v47, v48  }
0x54: {  	v26 =	vsel vm0, v51, v35;
	v27 =	vsel vm0, v49, v50;
	v24 =	vsel vm0, v36, v37  }
0x55: {  	s0 =	sadd.s32 $0x100, s0;
	v23 =	vsel vm0, v38, v39;
	v22 =	vsel vm0, v40, v21;
	v21 =	vsel vm0, v41, v42  }
0x56: {  	v31 =	vadd.s32 v31, v34  }
0x57: {  	v4 =	vadd.s32 v4, v25;
	[tilespmem:s2+$0xFFFFFF80] =	vst v31  }
0x58: {  	v7 =	vadd.s32 v7, v33;
	[tilespmem:s2+$0xFFFFFF90] =	vst v4  }
0x59: {  	v4 =	vadd.s32 v9, v32;
	[tilespmem:s2+$0xFFFFFFA0] =	vst v7  }
0x5a: {  	v3 =	vsel vm0, v11, v3;
	v7 =	vadd.s32 v13, v30;
	[tilespmem:s2+$0xFFFFFFB0] =	vst v4  }
0x5b: {  	v3 =	vadd.s32 v14, v3;
	[tilespmem:s2+$0xFFFFFFC0] =	vst v7  }
0x5c: {  	v4 =	vadd.s32 v16, v29;
	[tilespmem:s1+$0x60] =	vst v3  }
0x5d: {  	v7 =	vadd.s32 v18, v28;
	[tilespmem:s2+$0xFFFFFFD0] =	vst v4  }
0x5e: {  	v4 =	vadd.s32 v19, v27;
	[tilespmem:s2+$0xFFFFFFE0] =	vst v7  }
0x5f: {  	v7 =	vadd.s32 v20, v26;
	[tilespmem:s2+$0xFFFFFFF0] =	vst v4  }
0x60: {  	v4 =	vadd.s32 v5, v24;
	[tilespmem:s1+$0x0] =	vst v7  }
0x61: {  	v5 =	vadd.s32 v6, v23;
	[tilespmem:s1+$0x10] =	vst v4  }
0x62: {  	v6 =	vadd.s32 v17, v21;
	[tilespmem:s1+$0x20] =	vst v5  }
0x63: {  	v4 =	vadd.s32 v8, v22;
	v5 =	vsel vm0, v10, v12;
	[tilespmem:s1+$0x40] =	vst v6  }
0x64: {  	[tilespmem:s1+$0x30] =	vst v4;
	v4 =	vadd.s32 v15, v5  }
0x65: {  	s0 =	simm.s32 @!p0 $0x3;
	[tilespmem:s1+$0x50] =	vst v4  }
0x66: {  	_ =	swait.ge @!p0 [sflag:s0], $0x1E850  }
0x67: {  	[sflag:s0] =	ssyncset.done @!p0 $0x0  }
0x68: {  	[sflag:s0] =	ssyncadd.s32 @!p0 $0xFFFE17B0  }
0x69: {  	[bflag:$0x0] =	sbarrier.arrive $0xFFFF  }
0x6a: {  	[tilespmem:s26], [sflag:$0x2] =	stream.indirect.gather [spmem:s3], $0x1, s25, s24, $0xb8;
	[tilespmem:$0x1E5A8] =	vst v63  }
0x6b: {  	_ =	swait.ge [sflag:s22], $0x2810  }
0x6c: {  	[sflag:s22] =	ssyncset.done $0x0  }
0x6d: {  	s19 =	simm.s32 $0x11D28;
	[sflag:s22] =	ssyncadd.s32 $0xFFFFD7F0  }
0x6e: {  	[tilespmem:s21], [sflag:$0x1] =	stream.linear.gather [hbm4b:s7+s4], $0x2810, $0x38;
	[tilespmem:$0x1E5A8] =	vst v63  }
0x6f: {  	v4 =	vld [tilespmem:s19+$0x70]  }
0x70: {  	v5 =	vld [tilespmem:s19+$0x80]  }
0x71: {  	v6 =	vld [tilespmem:s19+$0xFFFFFF90]  }
0x72: {  	v7 =	vld [tilespmem:s19+$0xFFFFFFA0]  }
0x73: {  	v8 =	vld [tilespmem:s19+$0xFFFFFFB0]  }
0x74: {  	v10 =	vld [tilespmem:s19+$0x10]  }
0x75: {  	v11 =	vld [tilespmem:s19+$0x20];
	v3 =	vperm.xlane v4, v0  }
0x76: {  	v12 =	vld [tilespmem:s19+$0x30];
	v5 =	vperm.xlane v5, v0;
	v9 =	vperm.xlane v4, v1  }
0x77: {  	v17 =	vld [tilespmem:s19+$0x40];
	v21 =	vperm.xlane v6, v0;
	v14 =	vperm.xlane v6, v1  }
0x78: {  	v26 =	vld [tilespmem:s19+$0x50];
	v15 =	vperm.xlane v7, v0;
	v22 =	vperm.xlane v7, v1  }
0x79: {  	v13 =	vld [tilespmem:s19+$0xFFFFFFC0];
	v23 =	vperm.xlane v8, v0;
	v24 =	vperm.xlane v8, v1  }
0x7a: {  	v16 =	vld [tilespmem:s19+$0xFFFFFFD0];
	v36 =	vperm.xlane v10, v0;
	v37 =	vperm.xlane v10, v1  }
0x7b: {  	v18 =	vld [tilespmem:s19+$0xFFFFFFE0];
	v38 =	vperm.xlane v11, v0;
	v39 =	vperm.xlane v11, v1  }
0x7c: {  	v19 =	vld [tilespmem:s19+$0xFFFFFFF0];
	v40 =	vperm.xlane v12, v0;
	v41 =	vperm.xlane v12, v1  }
0x7d: {  	v20 =	vld [tilespmem:s19+$0x0];
	v4 =	vmul.u32 $0x3E8, v4;
	v42 =	vperm.xlane v17, v0;
	v43 =	vperm.xlane v17, v1  }
0x7e: {  	v28 =	vld [tilespmem:s19+$0xFFFFFF80];
	v7 =	vmul.u32 $0x3E8, v7;
	v44 =	vperm.xlane v26, v0;
	v29 =	vperm.xlane v13, v0  }
0x7f: {  	v30 =	vperm.xlane v13, v1;
	v13 =	vmul.u32 $0x3E8, v13;
	v45 =	vperm.xlane v16, v0  }
0x80: {  	v27 =	vld [tilespmem:s19+$0x60];
	v46 =	vperm.xlane v16, v1;
	v16 =	vmul.u32 $0x3E8, v16;
	v47 =	vperm.xlane v18, v0  }
0x81: {  	v48 =	vperm.xlane v18, v1;
	v18 =	vmul.u32 $0x3E8, v18;
	v49 =	vperm.xlane v19, v0  }
0x82: {  	v50 =	vperm.xlane v19, v1;
	v19 =	vmul.u32 $0x3E8, v19;
	v51 =	vperm.xlane v20, v0  }
0x83: {  	v52 =	vperm.xlane v20, v1;
	v20 =	vmul.u32 $0x3E8, v20;
	v63 =	vperm.xlane v28, v1  }
0x84: {  	v31 =	vmul.u32 $0x3E8, v28;
	v17 =	vmul.u32 $0x3E8, v17;
	v5 =	vsel vm0, v9, v5  }
0x85: {  	v9 =	vmul.u32 $0x3E8, v8;
	v8 =	vmul.u32 $0x3E8, v12;
	v12 =	vperm.xlane v27, v0  }
0x86: {  	v25 =	vsel vm0, v14, v15;
	v15 =	vmul.u32 $0x3E8, v26;
	v14 =	vmul.u32 $0x3E8, v27  }
0x87: {  	v34 =	vsel vm0, v63, v21;
	v33 =	vsel vm0, v22, v23;
	v32 =	vsel vm0, v24, v29  }
0x88: {  	v30 =	vsel vm0, v30, v45;
	v29 =	vsel vm0, v46, v47;
	v28 =	vsel vm0, v48, v49  }
0x89: {  	v24 =	vsel vm0, v37, v38;
	v23 =	vsel vm0, v39, v40;
	v22 =	vsel vm0, v41, v42  }
0x8a: {  	v35 =	vadd.s32 v4, v5;
	v4 =	vmul.u32 $0x3E8, v6;
	v5 =	vmul.u32 $0x3E8, v10  }
0x8b: {  	s2 =	simm.s32 $0x16DA8;
	v6 =	vmul.u32 $0x3E8, v11;
	v10 =	vperm.xlane v26, v1;
	v11 =	vperm.xlane v27, v1  }
0x8c: {  	s1 =	simm.s32 $0x16DA8;
	s0 =	simm.s32 $0x11E28;
	s19 =	simm.s32 $0x0;
	v21 =	vsel vm0, v43, v44;
	v27 =	vsel vm0, v50, v51;
	v26 =	vsel vm0, v52, v36;
	[tilespmem:s2+$0x70] =	vst v35  }
.LBB2_4:
0x8d: {  	v35 =	vld [tilespmem:s0+$0x70];
	v31 =	vadd.s32 v31, v34;
	v10 =	vsel vm0, v10, v12;
	v11 =	vsel vm0, v11, v3  }
0x8e: {  	s19 =	sadd.s32 $0x100, s19;
	v3 =	vadd.s32 v4, v25;
	v4 =	vadd.s32 v7, v33;
	v7 =	vadd.s32 v9, v32;
	v12 =	vld [tilespmem:s0+$0x80];
	[tilespmem:s2+$0xFFFFFF80] =	vst v31  }
0x8f: {  	v13 =	vadd.s32 v13, v30;
	v16 =	vadd.s32 v16, v29;
	v18 =	vadd.s32 v18, v28;
	p2 =	slt.u32 s19, $0x2700;
	v9 =	vld [tilespmem:s0+$0xFFFFFF90];
	[tilespmem:s2+$0xFFFFFF90] =	vst v3  }
0x90: {  	v5 =	vadd.s32 v5, v24;
	v25 =	vld [tilespmem:s0+$0xFFFFFFA0];
	[tilespmem:s2+$0xFFFFFFA0] =	vst v4;
	v4 =	vadd.s32 v19, v27;
	v19 =	vadd.s32 v20, v26  }
0x91: {  	v6 =	vadd.s32 v6, v23;
	v8 =	vadd.s32 v8, v22;
	v17 =	vadd.s32 v17, v21;
	v20 =	vld [tilespmem:s0+$0xFFFFFFB0];
	[tilespmem:s2+$0xFFFFFFB0] =	vst v7  }
0x92: {  	v14 =	vadd.s32 v14, v11;
	v21 =	vld [tilespmem:s0+$0x10];
	v3 =	vperm.xlane v35, v0;
	[tilespmem:s2+$0xFFFFFFC0] =	vst v13;
	v13 =	vadd.s32 v15, v10  }
0x93: {  	v11 =	vperm.xlane v35, v1;
	v10 =	vld [tilespmem:s0+$0x20];
	v7 =	vperm.xlane v12, v0;
	[tilespmem:s2+$0xFFFFFFD0] =	vst v16  }
0x94: {  	v16 =	vmul.u32 $0x3E8, v35;
	v22 =	vperm.xlane v9, v0;
	v15 =	vperm.xlane v9, v1;
	v12 =	vld [tilespmem:s0+$0x30];
	[tilespmem:s2+$0xFFFFFFE0] =	vst v18  }
0x95: {  	v23 =	vperm.xlane v25, v0;
	v24 =	vperm.xlane v25, v1;
	v26 =	vld [tilespmem:s0+$0x40];
	v7 =	vsel vm0, v11, v7;
	[tilespmem:s2+$0xFFFFFFF0] =	vst v4  }
0x96: {  	s2 =	sadd.s32 $0x100, s2;
	v27 =	vperm.xlane v20, v0;
	v28 =	vperm.xlane v20, v1;
	v29 =	vld [tilespmem:s0+$0x50];
	v7 =	vadd.s32 v16, v7;
	[tilespmem:s1+$0x0] =	vst v19  }
0x97: {  	v4 =	vmul.u32 $0x3E8, v9;
	v30 =	vld [tilespmem:s0+$0x60];
	v35 =	vperm.xlane v21, v0;
	v36 =	vperm.xlane v21, v1;
	[tilespmem:s2+$0x70] =	vst v7  }
0x98: {  	v7 =	vmul.u32 $0x3E8, v25;
	v16 =	vld [tilespmem:s0+$0xFFFFFFC0];
	v37 =	vperm.xlane v10, v0;
	v38 =	vperm.xlane v10, v1;
	[tilespmem:s1+$0x10] =	vst v5  }
0x99: {  	v9 =	vmul.u32 $0x3E8, v20;
	v18 =	vld [tilespmem:s0+$0xFFFFFFD0];
	v39 =	vperm.xlane v12, v0;
	v40 =	vperm.xlane v12, v1;
	[tilespmem:s1+$0x20] =	vst v6  }
0x9a: {  	v5 =	vmul.u32 $0x3E8, v21;
	v19 =	vld [tilespmem:s0+$0xFFFFFFE0];
	v21 =	vperm.xlane v26, v0;
	v41 =	vperm.xlane v26, v1;
	[tilespmem:s1+$0x30] =	vst v8  }
0x9b: {  	v6 =	vmul.u32 $0x3E8, v10;
	v20 =	vld [tilespmem:s0+$0xFFFFFFF0];
	v42 =	vperm.xlane v29, v0;
	v10 =	vperm.xlane v29, v1;
	[tilespmem:s1+$0x40] =	vst v17  }
0x9c: {  	v8 =	vmul.u32 $0x3E8, v12;
	v17 =	vld [tilespmem:s0+$0x0];
	v12 =	vperm.xlane v30, v0;
	v11 =	vperm.xlane v30, v1;
	[tilespmem:s1+$0x50] =	vst v13  }
0x9d: {  	v25 =	vld [tilespmem:s0+$0xFFFFFF80];
	v32 =	vperm.xlane v16, v0;
	v43 =	vperm.xlane v16, v1;
	v13 =	vmul.u32 $0x3E8, v16;
	[tilespmem:s1+$0x60] =	vst v14;
	s1 =	smov.u32 s2  }
0x9e: {  	v44 =	vperm.xlane v18, v0;
	v45 =	vperm.xlane v18, v1;
	v16 =	vmul.u32 $0x3E8, v18  }
0x9f: {  	v46 =	vperm.xlane v19, v0;
	v47 =	vperm.xlane v19, v1;
	v18 =	vmul.u32 $0x3E8, v19  }
0xa0: {  	v48 =	vperm.xlane v20, v0;
	v49 =	vperm.xlane v20, v1;
	v19 =	vmul.u32 $0x3E8, v20  }
0xa1: {  	v50 =	vperm.xlane v17, v0;
	v51 =	vperm.xlane v17, v1;
	v20 =	vmul.u32 $0x3E8, v17  }
0xa2: {  	v17 =	vmul.u32 $0x3E8, v26;
	v33 =	vperm.xlane v25, v1;
	v31 =	vmul.u32 $0x3E8, v25  }
.Ltmp1:
0xa3: {  	v14 =	vmul.u32 $0x3E8, v30;
	v25 =	vsel vm0, v15, v23;
	v15 =	vmul.u32 $0x3E8, v29;
	(pc) =	sbr.rel @p2 .LBB2_4-.Ltmp1, $4  }
0xa4: {  	v32 =	vsel vm0, v28, v32;
	v34 =	vsel vm0, v33, v22;
	v33 =	vsel vm0, v24, v27  }
0xa5: {  	v30 =	vsel vm0, v43, v44;
	v29 =	vsel vm0, v45, v46;
	v28 =	vsel vm0, v47, v48  }
0xa6: {  	v26 =	vsel vm0, v51, v35;
	v27 =	vsel vm0, v49, v50;
	v24 =	vsel vm0, v36, v37  }
0xa7: {  	s0 =	sadd.s32 $0x100, s0;
	v23 =	vsel vm0, v38, v39;
	v22 =	vsel vm0, v40, v21;
	v21 =	vsel vm0, v41, v42  }
0xa8: {  	v31 =	vadd.s32 v31, v34  }
0xa9: {  	v4 =	vadd.s32 v4, v25;
	[tilespmem:s2+$0xFFFFFF80] =	vst v31  }
0xaa: {  	v7 =	vadd.s32 v7, v33;
	[tilespmem:s2+$0xFFFFFF90] =	vst v4  }
0xab: {  	v4 =	vadd.s32 v9, v32;
	[tilespmem:s2+$0xFFFFFFA0] =	vst v7  }
0xac: {  	v3 =	vsel vm0, v11, v3;
	v7 =	vadd.s32 v13, v30;
	[tilespmem:s2+$0xFFFFFFB0] =	vst v4  }
0xad: {  	v3 =	vadd.s32 v14, v3;
	[tilespmem:s2+$0xFFFFFFC0] =	vst v7  }
0xae: {  	v4 =	vadd.s32 v16, v29;
	[tilespmem:s1+$0x60] =	vst v3  }
0xaf: {  	v7 =	vadd.s32 v18, v28;
	[tilespmem:s2+$0xFFFFFFD0] =	vst v4  }
0xb0: {  	v4 =	vadd.s32 v19, v27;
	[tilespmem:s2+$0xFFFFFFE0] =	vst v7  }
0xb1: {  	v7 =	vadd.s32 v20, v26;
	[tilespmem:s2+$0xFFFFFFF0] =	vst v4  }
0xb2: {  	v4 =	vadd.s32 v5, v24;
	[tilespmem:s1+$0x0] =	vst v7  }
0xb3: {  	v5 =	vadd.s32 v6, v23;
	[tilespmem:s1+$0x10] =	vst v4  }
0xb4: {  	v6 =	vadd.s32 v17, v21;
	[tilespmem:s1+$0x20] =	vst v5  }
0xb5: {  	v4 =	vadd.s32 v8, v22;
	v5 =	vsel vm0, v10, v12;
	[tilespmem:s1+$0x40] =	vst v6  }
0xb6: {  	[tilespmem:s1+$0x30] =	vst v4;
	v4 =	vadd.s32 v15, v5  }
0xb7: {  	[tilespmem:s1+$0x50] =	vst v4  }
0xb8: {  	_ =	swait.ge [sflag:s28], $0x2800  }
0xb9: {  	[sflag:s28] =	ssyncset.done $0x0  }
0xba: {  	[sflag:s28] =	ssyncadd.s32 $0xFFFFD800  }
0xbb: {  	[tilespmem:s30], [sflag:$0x2] =	stream.indirect.gather [spmem:s3], $0x1, s29, s24, $0xb8;
	[tilespmem:$0x1E5A8] =	vst v63  }
0xbc: {  	_ =	swait.ge [sflag:s22], $0x2810  }
0xbd: {  	[sflag:s22] =	ssyncset.done $0x0  }
0xbe: {  	s1 =	simm.s32 $0xF468;
	[sflag:s22] =	ssyncadd.s32 $0xFFFFD7F0  }
0xbf: {  	[tilespmem:s23], [sflag:$0x1] =	stream.linear.gather [hbm4b:s8+s4], $0x2810, $0x38;
	[tilespmem:$0x1E5A8] =	vst v63  }
0xc0: {  	v3 =	vld [tilespmem:s1+$0xFFFFFFC0]  }
0xc1: {  	v4 =	vld [tilespmem:s1+$0xFFFFFFD0]  }
0xc2: {  	v5 =	vld [tilespmem:s1+$0xFFFFFFE0]  }
0xc3: {  	v6 =	vld [tilespmem:s1+$0xFFFFFFF0]  }
0xc4: {  	v11 =	vld [tilespmem:s1+$0x0]  }
0xc5: {  	v55 =	vld [tilespmem:s1+$0x10];
	_ =	sdelay $0x1  }
0xc6: {  	v8 =	vperm.xlane v3, v1;
	v10 =	vperm.xlane v4, v0  }
0xc7: {  	v9 =	vld [tilespmem:s1+$0x30];
	v3 =	vmul.u32 $0x3E8, v3;
	v54 =	vperm.xlane v4, v1;
	v56 =	vperm.xlane v5, v1  }
0xc8: {  	v57 =	vperm.xlane v6, v1;
	v8 =	vsel vm0, v8, v10;
	v10 =	vperm.xlane v5, v0  }
0xc9: {  	v53 =	vld [tilespmem:s1+$0x20];
	v4 =	vmul.u32 $0x3E8, v4;
	v59 =	vperm.xlane v11, v1;
	v60 =	vperm.xlane v55, v1  }
0xca: {  	s2 =	simm.s32 $0x14568;
	v3 =	vadd.s32 v3, v8;
	v8 =	vperm.xlane v6, v0;
	v10 =	vsel vm0, v54, v10  }
0xcb: {  	s19 =	simm.s32 $0x19568;
	v7 =	vld [tilespmem:s1+$0x40];
	[tilespmem:s2+$0xFFFFFFC0] =	vst v3;
	v3 =	vmul.u32 $0x3E8, v5;
	v5 =	vperm.xlane v11, v0;
	v4 =	vadd.s32 v4, v10  }
0xcc: {  	v61 =	vperm.xlane v9, v0;
	v10 =	vld [tilespmem:s19+$0xFFFFFFC0];
	v8 =	vsel vm0, v56, v8;
	[tilespmem:s2+$0xFFFFFFD0] =	vst v4;
	v4 =	vmul.u32 $0x3E8, v6  }
0xcd: {  	v3 =	vadd.s32 v3, v8;
	v6 =	vperm.xlane v55, v0;
	v5 =	vsel vm0, v57, v5  }
0xce: {  	v58 =	vld [tilespmem:s19+$0xFFFFFFD0];
	[tilespmem:s2+$0xFFFFFFE0] =	vst v3;
	v3 =	vmul.u32 $0x3E8, v11;
	v11 =	vperm.xlane v53, v0;
	v4 =	vadd.s32 v4, v5  }
0xcf: {  	v62 =	vperm.xlane v53, v1;
	v8 =	vld [tilespmem:s19+$0xFFFFFFE0];
	v5 =	vsel vm0, v59, v6;
	[tilespmem:s2+$0xFFFFFFF0] =	vst v4;
	v4 =	vmul.u32 $0x3E8, v55  }
0xd0: {  	v63 =	vperm.xlane v9, v1;
	v3 =	vadd.s32 v3, v5;
	v6 =	vsel vm0, v60, v11  }
0xd1: {  	v11 =	vperm.xlane v7, v0;
	v5 =	vld [tilespmem:s19+$0xFFFFFFF0];
	[tilespmem:s2+$0x0] =	vst v3;
	v3 =	vmul.u32 $0x3E8, v53;
	v4 =	vadd.s32 v4, v6  }
0xd2: {  	v7 =	vsel vm0, v62, v61;
	v6 =	vld [tilespmem:s19+$0x0];
	[tilespmem:s2+$0x10] =	vst v4;
	v4 =	vmul.u32 $0x3E8, v9  }
0xd3: {  	v11 =	vsel vm0, v63, v11;
	v3 =	vadd.s32 v3, v7;
	v9 =	vimm.f32 $0.0e+00  }
0xd4: {  	v7 =	vld [tilespmem:s19+$0x10];
	[tilespmem:s2+$0x20] =	vst v3;
	v3 =	vadd.f32 v10, v9;
	v9 =	vadd.s32 v4, v11  }
0xd5: {  	v4 =	vld [tilespmem:s19+$0x20];
	[tilespmem:s2+$0x30] =	vst v9  }
0xd6: {  	s0 =	simm.s32 $0x0;
	v9 =	vadd.f32 v58, v3;
	v3 =	vld [tilespmem:s19+$0x30]  }
.LBB2_6:
0xd7: {  	_ = 	snop  }
0xd8: {  	s0 =	sadd.s32 $0x80, s0;
	s1 =	sadd.s32 $0x80, s1;
	v8 =	vadd.f32 v8, v9  }
0xd9: {  	p2 =	slt.u32 s0, $0x2780;
	v9 =	vld [tilespmem:s1+$0x40]  }
0xda: {  	v10 =	vld [tilespmem:s1+$0xFFFFFFC0];
	v5 =	vadd.f32 v5, v8  }
0xdb: {  	v8 =	vld [tilespmem:s1+$0xFFFFFFD0]  }
0xdc: {  	v11 =	vld [tilespmem:s1+$0x30];
	v5 =	vadd.f32 v6, v5  }
0xdd: {  	v6 =	vld [tilespmem:s1+$0x20]  }
0xde: {  	v12 =	vld [tilespmem:s1+$0x10];
	v5 =	vadd.f32 v7, v5  }
0xdf: {  	v9 =	vperm.xlane v9, v0;
	v7 =	vld [tilespmem:s1+$0x0]  }
0xe0: {  	v14 =	vperm.xlane v10, v1;
	v13 =	vld [tilespmem:s1+$0xFFFFFFE0];
	v15 =	vperm.xlane v8, v1;
	v4 =	vadd.f32 v4, v5  }
0xe1: {  	v16 =	vperm.xlane v8, v0;
	v5 =	vld [tilespmem:s1+$0xFFFFFFF0];
	v17 =	vperm.xlane v11, v1  }
0xe2: {  	v18 =	vperm.xlane v11, v0;
	v19 =	vperm.xlane v6, v1;
	v3 =	vadd.f32 v3, v4  }
0xe3: {  	v4 =	vmul.u32 $0x3E8, v10;
	v10 =	vperm.xlane v6, v0;
	v20 =	vperm.xlane v12, v1  }
0xe4: {  	v8 =	vmul.u32 $0x3E8, v8;
	v21 =	vperm.xlane v12, v0;
	v22 =	vperm.xlane v7, v1  }
0xe5: {  	v14 =	vsel vm0, v14, v16;
	v23 =	vperm.xlane v7, v0;
	v16 =	vperm.xlane v13, v0  }
0xe6: {  	v4 =	vadd.s32 v4, v14;
	v24 =	vperm.xlane v13, v1;
	v14 =	vperm.xlane v5, v0  }
0xe7: {  	s2 =	sadd.s32 $0x80, s2;
	v13 =	vmul.u32 $0x3E8, v13;
	v15 =	vsel vm0, v15, v16;
	v16 =	vperm.xlane v5, v1  }
0xe8: {  	s19 =	sadd.s32 $0x80, s19;
	v5 =	vmul.u32 $0x3E8, v5;
	[tilespmem:s2+$0xFFFFFFC0] =	vst v4;
	v4 =	vadd.s32 v8, v15;
	v8 =	vsel vm0, v24, v14  }
0xe9: {  	v7 =	vmul.u32 $0x3E8, v7;
	v14 =	vld [tilespmem:s19+$0xFFFFFFC0];
	[tilespmem:s2+$0xFFFFFFD0] =	vst v4;
	v4 =	vadd.s32 v13, v8;
	v8 =	vsel vm0, v16, v23  }
0xea: {  	v12 =	vmul.u32 $0x3E8, v12;
	v13 =	vld [tilespmem:s19+$0xFFFFFFD0];
	[tilespmem:s2+$0xFFFFFFE0] =	vst v4;
	v4 =	vadd.s32 v5, v8;
	v5 =	vsel vm0, v22, v21  }
0xeb: {  	v8 =	vld [tilespmem:s19+$0xFFFFFFE0];
	[tilespmem:s2+$0xFFFFFFF0] =	vst v4;
	v4 =	vadd.s32 v7, v5;
	v7 =	vsel vm0, v20, v10;
	v10 =	vmul.u32 $0x3E8, v6  }
.Ltmp2:
0xec: {  	v11 =	vmul.u32 $0x3E8, v11;
	v5 =	vld [tilespmem:s19+$0xFFFFFFF0];
	[tilespmem:s2+$0x0] =	vst v4;
	v4 =	vadd.s32 v12, v7;
	v7 =	vsel vm0, v19, v18;
	(pc) =	sbr.rel @p2 .LBB2_6-.Ltmp2, $4  }
0xed: {  	v9 =	vsel vm0, v17, v9;
	v6 =	vld [tilespmem:s19+$0x0];
	[tilespmem:s2+$0x10] =	vst v4;
	v4 =	vadd.s32 v10, v7  }
0xee: {  	v9 =	vadd.s32 v11, v9;
	v3 =	vadd.f32 v14, v3;
	v7 =	vld [tilespmem:s19+$0x10];
	[tilespmem:s2+$0x20] =	vst v4  }
0xef: {  	v4 =	vld [tilespmem:s19+$0x20];
	[tilespmem:s2+$0x30] =	vst v9  }
0xf0: {  	v9 =	vadd.f32 v13, v3;
	v3 =	vld [tilespmem:s19+$0x30]  }
0xf1: {  	_ =	swait.ge [sflag:s28], $0x2800  }
0xf2: {  	[sflag:s28] =	ssyncset.done $0x0  }
0xf3: {  	[sflag:s28] =	ssyncadd.s32 $0xFFFFD800  }
0xf4: {  	[tilespmem:s26], [sflag:$0x2] =	stream.indirect.gather [spmem:s3], $0x1, s25, s24, $0xb8;
	[tilespmem:$0x1E5A8] =	vst v63  }
0xf5: {  	v8 =	vadd.f32 v8, v9;
	_ =	swait.ge [sflag:s22], $0x2810  }
0xf6: {  	[sflag:s22] =	ssyncset.done $0x0  }
0xf7: {  	s1 =	simm.s32 $0x11CE8;
	v5 =	vadd.f32 v5, v8;
	[sflag:s22] =	ssyncadd.s32 $0xFFFFD7F0  }
0xf8: {  	[tilespmem:s21], [sflag:$0x1] =	stream.linear.gather [hbm4b:s9+s4], $0x2810, $0x38;
	[tilespmem:$0x1E5A8] =	vst v63  }
0xf9: {  	v5 =	vadd.f32 v6, v5;
	v10 =	vld [tilespmem:s1+$0xFFFFFFC0]  }
0xfa: {  	v11 =	vld [tilespmem:s1+$0xFFFFFFD0]  }
0xfb: {  	v7 =	vadd.f32 v7, v5;
	v12 =	vld [tilespmem:s1+$0xFFFFFFE0]  }
0xfc: {  	v14 =	vld [tilespmem:s1+$0xFFFFFFF0]  }
0xfd: {  	v18 =	vld [tilespmem:s1+$0x0];
	v4 =	vadd.f32 v4, v7;
	_ =	sdelay $0x1  }
0xfe: {  	v21 =	vld [tilespmem:s1+$0x10];
	v3 =	vadd.f32 v3, v4;
	v16 =	vperm.xlane v10, v1  }
0xff: {  	v17 =	vperm.xlane v11, v0;
	v10 =	vmul.u32 $0x3E8, v10;
	v20 =	vperm.xlane v11, v1  }
0x100: {  	v19 =	vld [tilespmem:s1+$0x20];
	v52 =	vperm.xlane v12, v0;
	v11 =	vmul.u32 $0x3E8, v11;
	v53 =	vperm.xlane v14, v0  }
0x101: {  	v15 =	vld [tilespmem:s1+$0x30];
	v22 =	vperm.xlane v12, v1;
	v9 =	vmul.u32 $0x3E8, v12;
	v54 =	vperm.xlane v18, v0  }
0x102: {  	v55 =	vperm.xlane v14, v1;
	v8 =	vmul.u32 $0x3E8, v14;
	v16 =	vsel vm0, v16, v17  }
0x103: {  	s2 =	simm.s32 $0x16D68;
	v13 =	vld [tilespmem:s1+$0x40];
	v56 =	vperm.xlane v21, v0;
	v17 =	vsel vm0, v20, v52;
	v10 =	vadd.s32 v10, v16  }
0x104: {  	s19 =	simm.s32 $0x1BD68;
	v57 =	vperm.xlane v18, v1;
	v16 =	vsel vm0, v22, v53;
	[tilespmem:s2+$0xFFFFFFC0] =	vst v10;
	v10 =	vadd.s32 v11, v17  }
0x105: {  	v58 =	vperm.xlane v19, v0;
	v59 =	vperm.xlane v21, v1;
	v9 =	vadd.s32 v9, v16;
	v11 =	vld [tilespmem:s19+$0xFFFFFFC0];
	[tilespmem:s2+$0xFFFFFFD0] =	vst v10  }
0x106: {  	v60 =	vperm.xlane v15, v0;
	v12 =	vsel vm0, v55, v54;
	v10 =	vld [tilespmem:s19+$0xFFFFFFD0];
	[tilespmem:s2+$0xFFFFFFE0] =	vst v9;
	v9 =	vmul.u32 $0x3E8, v18  }
0x107: {  	v61 =	vperm.xlane v19, v1;
	v14 =	vsel vm0, v57, v56;
	v8 =	vadd.s32 v8, v12  }
0x108: {  	v62 =	vperm.xlane v13, v0;
	v6 =	vld [tilespmem:s19+$0xFFFFFFE0];
	[tilespmem:s2+$0xFFFFFFF0] =	vst v8;
	v8 =	vmul.u32 $0x3E8, v21;
	v9 =	vadd.s32 v9, v14  }
0x109: {  	v63 =	vperm.xlane v15, v1;
	v12 =	vsel vm0, v59, v58;
	v5 =	vld [tilespmem:s19+$0xFFFFFFF0];
	[tilespmem:s2+$0x0] =	vst v9;
	v9 =	vmul.u32 $0x3E8, v19  }
0x10a: {  	v4 =	vmul.u32 $0x3E8, v15;
	v14 =	vsel vm0, v61, v60;
	v8 =	vadd.s32 v8, v12  }
0x10b: {  	v12 =	vsel vm0, v63, v62;
	v7 =	vld [tilespmem:s19+$0x0];
	[tilespmem:s2+$0x10] =	vst v8;
	v9 =	vadd.s32 v9, v14  }
0x10c: {  	v3 =	vadd.f32 v11, v3;
	v8 =	vld [tilespmem:s19+$0x10];
	[tilespmem:s2+$0x20] =	vst v9;
	v9 =	vadd.s32 v4, v12  }
0x10d: {  	v4 =	vld [tilespmem:s19+$0x20];
	[tilespmem:s2+$0x30] =	vst v9  }
0x10e: {  	s0 =	simm.s32 $0x0;
	v9 =	vadd.f32 v10, v3;
	v3 =	vld [tilespmem:s19+$0x30]  }
.LBB2_8:
0x10f: {  	_ = 	snop  }
0x110: {  	s0 =	sadd.s32 $0x80, s0;
	s1 =	sadd.s32 $0x80, s1;
	v6 =	vadd.f32 v6, v9  }
0x111: {  	p2 =	slt.u32 s0, $0x2780;
	v9 =	vld [tilespmem:s1+$0x40]  }
0x112: {  	v10 =	vld [tilespmem:s1+$0xFFFFFFC0];
	v5 =	vadd.f32 v5, v6  }
0x113: {  	v6 =	vld [tilespmem:s1+$0xFFFFFFD0]  }
0x114: {  	v11 =	vld [tilespmem:s1+$0x30];
	v5 =	vadd.f32 v7, v5  }
0x115: {  	v7 =	vld [tilespmem:s1+$0x20]  }
0x116: {  	v12 =	vld [tilespmem:s1+$0x10];
	v5 =	vadd.f32 v8, v5  }
0x117: {  	v9 =	vperm.xlane v9, v0;
	v8 =	vld [tilespmem:s1+$0x0]  }
0x118: {  	v14 =	vperm.xlane v10, v1;
	v13 =	vld [tilespmem:s1+$0xFFFFFFE0];
	v15 =	vperm.xlane v6, v1;
	v4 =	vadd.f32 v4, v5  }
0x119: {  	v16 =	vperm.xlane v6, v0;
	v5 =	vld [tilespmem:s1+$0xFFFFFFF0];
	v17 =	vperm.xlane v11, v1  }
0x11a: {  	v18 =	vperm.xlane v11, v0;
	v19 =	vperm.xlane v7, v1;
	v3 =	vadd.f32 v3, v4  }
0x11b: {  	v4 =	vmul.u32 $0x3E8, v10;
	v10 =	vperm.xlane v7, v0;
	v20 =	vperm.xlane v12, v1  }
0x11c: {  	v6 =	vmul.u32 $0x3E8, v6;
	v21 =	vperm.xlane v12, v0;
	v22 =	vperm.xlane v8, v1  }
0x11d: {  	v14 =	vsel vm0, v14, v16;
	v23 =	vperm.xlane v8, v0;
	v16 =	vperm.xlane v13, v0  }
0x11e: {  	v4 =	vadd.s32 v4, v14;
	v24 =	vperm.xlane v13, v1;
	v14 =	vperm.xlane v5, v0  }
0x11f: {  	s2 =	sadd.s32 $0x80, s2;
	v13 =	vmul.u32 $0x3E8, v13;
	v15 =	vsel vm0, v15, v16;
	v16 =	vperm.xlane v5, v1  }
0x120: {  	s19 =	sadd.s32 $0x80, s19;
	v5 =	vmul.u32 $0x3E8, v5;
	[tilespmem:s2+$0xFFFFFFC0] =	vst v4;
	v4 =	vadd.s32 v6, v15;
	v6 =	vsel vm0, v24, v14  }
0x121: {  	v8 =	vmul.u32 $0x3E8, v8;
	v14 =	vld [tilespmem:s19+$0xFFFFFFC0];
	[tilespmem:s2+$0xFFFFFFD0] =	vst v4;
	v4 =	vadd.s32 v13, v6;
	v6 =	vsel vm0, v16, v23  }
0x122: {  	v12 =	vmul.u32 $0x3E8, v12;
	v13 =	vld [tilespmem:s19+$0xFFFFFFD0];
	[tilespmem:s2+$0xFFFFFFE0] =	vst v4;
	v4 =	vadd.s32 v5, v6;
	v5 =	vsel vm0, v22, v21  }
0x123: {  	v6 =	vld [tilespmem:s19+$0xFFFFFFE0];
	[tilespmem:s2+$0xFFFFFFF0] =	vst v4;
	v4 =	vadd.s32 v8, v5;
	v8 =	vsel vm0, v20, v10;
	v10 =	vmul.u32 $0x3E8, v7  }
.Ltmp3:
0x124: {  	v11 =	vmul.u32 $0x3E8, v11;
	v5 =	vld [tilespmem:s19+$0xFFFFFFF0];
	[tilespmem:s2+$0x0] =	vst v4;
	v4 =	vadd.s32 v12, v8;
	v8 =	vsel vm0, v19, v18;
	(pc) =	sbr.rel @p2 .LBB2_8-.Ltmp3, $4  }
0x125: {  	v9 =	vsel vm0, v17, v9;
	v7 =	vld [tilespmem:s19+$0x0];
	[tilespmem:s2+$0x10] =	vst v4;
	v4 =	vadd.s32 v10, v8  }
0x126: {  	v9 =	vadd.s32 v11, v9;
	v3 =	vadd.f32 v14, v3;
	v8 =	vld [tilespmem:s19+$0x10];
	[tilespmem:s2+$0x20] =	vst v4  }
0x127: {  	v4 =	vld [tilespmem:s19+$0x20];
	[tilespmem:s2+$0x30] =	vst v9  }
0x128: {  	v9 =	vadd.f32 v13, v3;
	v3 =	vld [tilespmem:s19+$0x30]  }
0x129: {  	_ =	swait.ge [sflag:s28], $0x2800  }
0x12a: {  	[sflag:s28] =	ssyncset.done $0x0  }
0x12b: {  	[sflag:s28] =	ssyncadd.s32 $0xFFFFD800  }
0x12c: {  	[tilespmem:s30], [sflag:$0x2] =	stream.indirect.gather [spmem:s3], $0x1, s29, s24, $0xb8;
	[tilespmem:$0x1E5A8] =	vst v63  }
0x12d: {  	v6 =	vadd.f32 v6, v9;
	_ =	swait.ge [sflag:s22], $0x2810  }
0x12e: {  	[sflag:s22] =	ssyncset.done $0x0  }
0x12f: {  	s1 =	simm.s32 $0xF468;
	v5 =	vadd.f32 v5, v6;
	[sflag:s22] =	ssyncadd.s32 $0xFFFFD7F0  }
0x130: {  	[tilespmem:s23], [sflag:$0x1] =	stream.linear.gather [hbm4b:s10+s4], $0x2810, $0x38;
	[tilespmem:$0x1E5A8] =	vst v63  }
0x131: {  	v5 =	vadd.f32 v7, v5;
	v10 =	vld [tilespmem:s1+$0xFFFFFFC0]  }
0x132: {  	v11 =	vld [tilespmem:s1+$0xFFFFFFD0]  }
0x133: {  	v8 =	vadd.f32 v8, v5;
	v12 =	vld [tilespmem:s1+$0xFFFFFFE0]  }
0x134: {  	v14 =	vld [tilespmem:s1+$0xFFFFFFF0]  }
0x135: {  	v18 =	vld [tilespmem:s1+$0x0];
	v4 =	vadd.f32 v4, v8  }
0x136: {  	v21 =	vld [tilespmem:s1+$0x10]  }
0x137: {  	v3 =	vadd.f32 v3, v4;
	v16 =	vperm.xlane v10, v1  }
0x138: {  	v19 =	vld [tilespmem:s1+$0x20];
	v17 =	vperm.xlane v11, v0;
	v10 =	vmul.u32 $0x3E8, v10;
	v20 =	vperm.xlane v11, v1  }
0x139: {  	v52 =	vperm.xlane v12, v0;
	v11 =	vmul.u32 $0x3E8, v11;
	v53 =	vperm.xlane v14, v0  }
0x13a: {  	v15 =	vld [tilespmem:s1+$0x30];
	v22 =	vperm.xlane v12, v1;
	v9 =	vmul.u32 $0x3E8, v12;
	v54 =	vperm.xlane v18, v0  }
0x13b: {  	v55 =	vperm.xlane v14, v1;
	v6 =	vmul.u32 $0x3E8, v14;
	v56 =	vperm.xlane v21, v0  }
0x13c: {  	v13 =	vld [tilespmem:s1+$0x40];
	v57 =	vperm.xlane v18, v1;
	v7 =	vmul.u32 $0x3E8, v18;
	v16 =	vsel vm0, v16, v17  }
0x13d: {  	s2 =	simm.s32 $0x14568;
	v58 =	vperm.xlane v19, v0;
	v17 =	vsel vm0, v20, v52;
	v10 =	vadd.s32 v10, v16  }
0x13e: {  	s19 =	simm.s32 $0x19568;
	v59 =	vperm.xlane v21, v1;
	v16 =	vsel vm0, v22, v53;
	[tilespmem:s2+$0xFFFFFFC0] =	vst v10;
	v10 =	vadd.s32 v11, v17  }
0x13f: {  	v60 =	vperm.xlane v15, v0;
	v12 =	vsel vm0, v55, v54;
	v9 =	vadd.s32 v9, v16;
	v11 =	vld [tilespmem:s19+$0xFFFFFFC0];
	[tilespmem:s2+$0xFFFFFFD0] =	vst v10  }
0x140: {  	v61 =	vperm.xlane v19, v1;
	v8 =	vmul.u32 $0x3E8, v19;
	v10 =	vld [tilespmem:s19+$0xFFFFFFD0];
	[tilespmem:s2+$0xFFFFFFE0] =	vst v9;
	v9 =	vadd.s32 v6, v12  }
0x141: {  	v62 =	vperm.xlane v13, v0;
	v14 =	vsel vm0, v57, v56;
	v6 =	vld [tilespmem:s19+$0xFFFFFFE0];
	[tilespmem:s2+$0xFFFFFFF0] =	vst v9;
	v9 =	vmul.u32 $0x3E8, v21  }
0x142: {  	v63 =	vperm.xlane v15, v1;
	v7 =	vadd.s32 v7, v14;
	v12 =	vsel vm0, v59, v58  }
0x143: {  	v4 =	vmul.u32 $0x3E8, v15;
	v14 =	vsel vm0, v61, v60;
	v5 =	vld [tilespmem:s19+$0xFFFFFFF0];
	[tilespmem:s2+$0x0] =	vst v7;
	v9 =	vadd.s32 v9, v12  }
0x144: {  	v7 =	vld [tilespmem:s19+$0x0];
	v12 =	vsel vm0, v63, v62;
	[tilespmem:s2+$0x10] =	vst v9;
	v9 =	vadd.s32 v8, v14  }
0x145: {  	v3 =	vadd.f32 v11, v3;
	v8 =	vld [tilespmem:s19+$0x10];
	[tilespmem:s2+$0x20] =	vst v9;
	v9 =	vadd.s32 v4, v12  }
0x146: {  	v4 =	vld [tilespmem:s19+$0x20];
	[tilespmem:s2+$0x30] =	vst v9  }
0x147: {  	s0 =	simm.s32 $0x0;
	v9 =	vadd.f32 v10, v3;
	v3 =	vld [tilespmem:s19+$0x30]  }
.LBB2_10:
0x148: {  	_ = 	snop  }
0x149: {  	s0 =	sadd.s32 $0x80, s0;
	s1 =	sadd.s32 $0x80, s1;
	v6 =	vadd.f32 v6, v9  }
0x14a: {  	p2 =	slt.u32 s0, $0x2780;
	v9 =	vld [tilespmem:s1+$0x40]  }
0x14b: {  	v10 =	vld [tilespmem:s1+$0xFFFFFFC0];
	v5 =	vadd.f32 v5, v6  }
0x14c: {  	v6 =	vld [tilespmem:s1+$0xFFFFFFD0]  }
0x14d: {  	v11 =	vld [tilespmem:s1+$0x30];
	v5 =	vadd.f32 v7, v5  }
0x14e: {  	v7 =	vld [tilespmem:s1+$0x20]  }
0x14f: {  	v12 =	vld [tilespmem:s1+$0x10];
	v5 =	vadd.f32 v8, v5  }
0x150: {  	v9 =	vperm.xlane v9, v0;
	v8 =	vld [tilespmem:s1+$0x0]  }
0x151: {  	v14 =	vperm.xlane v10, v1;
	v13 =	vld [tilespmem:s1+$0xFFFFFFE0];
	v15 =	vperm.xlane v6, v1;
	v4 =	vadd.f32 v4, v5  }
0x152: {  	v16 =	vperm.xlane v6, v0;
	v5 =	vld [tilespmem:s1+$0xFFFFFFF0];
	v17 =	vperm.xlane v11, v1  }
0x153: {  	v18 =	vperm.xlane v11, v0;
	v19 =	vperm.xlane v7, v1;
	v3 =	vadd.f32 v3, v4  }
0x154: {  	v4 =	vmul.u32 $0x3E8, v10;
	v10 =	vperm.xlane v7, v0;
	v20 =	vperm.xlane v12, v1  }
0x155: {  	v6 =	vmul.u32 $0x3E8, v6;
	v21 =	vperm.xlane v12, v0;
	v22 =	vperm.xlane v8, v1  }
0x156: {  	v14 =	vsel vm0, v14, v16;
	v23 =	vperm.xlane v8, v0;
	v16 =	vperm.xlane v13, v0  }
0x157: {  	v4 =	vadd.s32 v4, v14;
	v24 =	vperm.xlane v13, v1;
	v14 =	vperm.xlane v5, v0  }
0x158: {  	s2 =	sadd.s32 $0x80, s2;
	v13 =	vmul.u32 $0x3E8, v13;
	v15 =	vsel vm0, v15, v16;
	v16 =	vperm.xlane v5, v1  }
0x159: {  	s19 =	sadd.s32 $0x80, s19;
	v5 =	vmul.u32 $0x3E8, v5;
	[tilespmem:s2+$0xFFFFFFC0] =	vst v4;
	v4 =	vadd.s32 v6, v15;
	v6 =	vsel vm0, v24, v14  }
0x15a: {  	v8 =	vmul.u32 $0x3E8, v8;
	v14 =	vld [tilespmem:s19+$0xFFFFFFC0];
	[tilespmem:s2+$0xFFFFFFD0] =	vst v4;
	v4 =	vadd.s32 v13, v6;
	v6 =	vsel vm0, v16, v23  }
0x15b: {  	v12 =	vmul.u32 $0x3E8, v12;
	v13 =	vld [tilespmem:s19+$0xFFFFFFD0];
	[tilespmem:s2+$0xFFFFFFE0] =	vst v4;
	v4 =	vadd.s32 v5, v6;
	v5 =	vsel vm0, v22, v21  }
0x15c: {  	v6 =	vld [tilespmem:s19+$0xFFFFFFE0];
	[tilespmem:s2+$0xFFFFFFF0] =	vst v4;
	v4 =	vadd.s32 v8, v5;
	v8 =	vsel vm0, v20, v10;
	v10 =	vmul.u32 $0x3E8, v7  }
.Ltmp4:
0x15d: {  	v11 =	vmul.u32 $0x3E8, v11;
	v5 =	vld [tilespmem:s19+$0xFFFFFFF0];
	[tilespmem:s2+$0x0] =	vst v4;
	v4 =	vadd.s32 v12, v8;
	v8 =	vsel vm0, v19, v18;
	(pc) =	sbr.rel @p2 .LBB2_10-.Ltmp4, $4  }
0x15e: {  	v9 =	vsel vm0, v17, v9;
	v7 =	vld [tilespmem:s19+$0x0];
	[tilespmem:s2+$0x10] =	vst v4;
	v4 =	vadd.s32 v10, v8  }
0x15f: {  	v9 =	vadd.s32 v11, v9;
	v3 =	vadd.f32 v14, v3;
	v8 =	vld [tilespmem:s19+$0x10];
	[tilespmem:s2+$0x20] =	vst v4  }
0x160: {  	v4 =	vld [tilespmem:s19+$0x20];
	[tilespmem:s2+$0x30] =	vst v9  }
0x161: {  	v9 =	vadd.f32 v13, v3;
	v3 =	vld [tilespmem:s19+$0x30]  }
0x162: {  	_ =	swait.ge [sflag:s28], $0x2800  }
0x163: {  	[sflag:s28] =	ssyncset.done $0x0  }
0x164: {  	[sflag:s28] =	ssyncadd.s32 $0xFFFFD800  }
0x165: {  	[tilespmem:s26], [sflag:$0x2] =	stream.indirect.gather [spmem:s3], $0x1, s25, s24, $0xb8;
	[tilespmem:$0x1E5A8] =	vst v63  }
0x166: {  	v6 =	vadd.f32 v6, v9;
	_ =	swait.ge [sflag:s22], $0x2810  }
0x167: {  	[sflag:s22] =	ssyncset.done $0x0  }
0x168: {  	s1 =	simm.s32 $0x11CE8;
	v5 =	vadd.f32 v5, v6;
	[sflag:s22] =	ssyncadd.s32 $0xFFFFD7F0  }
0x169: {  	[tilespmem:s21], [sflag:$0x1] =	stream.linear.gather [hbm4b:s11+s4], $0x2810, $0x38;
	[tilespmem:$0x1E5A8] =	vst v63  }
0x16a: {  	v5 =	vadd.f32 v7, v5;
	v10 =	vld [tilespmem:s1+$0xFFFFFFC0]  }
0x16b: {  	v11 =	vld [tilespmem:s1+$0xFFFFFFD0]  }
0x16c: {  	v8 =	vadd.f32 v8, v5;
	v12 =	vld [tilespmem:s1+$0xFFFFFFE0]  }
0x16d: {  	v14 =	vld [tilespmem:s1+$0xFFFFFFF0]  }
0x16e: {  	v18 =	vld [tilespmem:s1+$0x0];
	v4 =	vadd.f32 v4, v8  }
0x16f: {  	v21 =	vld [tilespmem:s1+$0x10]  }
0x170: {  	v3 =	vadd.f32 v3, v4;
	v16 =	vperm.xlane v10, v1  }
0x171: {  	v19 =	vld [tilespmem:s1+$0x20];
	v17 =	vperm.xlane v11, v0;
	v10 =	vmul.u32 $0x3E8, v10;
	v20 =	vperm.xlane v11, v1  }
0x172: {  	v52 =	vperm.xlane v12, v0;
	v11 =	vmul.u32 $0x3E8, v11;
	v53 =	vperm.xlane v14, v0  }
0x173: {  	v15 =	vld [tilespmem:s1+$0x30];
	v22 =	vperm.xlane v12, v1;
	v9 =	vmul.u32 $0x3E8, v12;
	v54 =	vperm.xlane v18, v0  }
0x174: {  	v55 =	vperm.xlane v14, v1;
	v6 =	vmul.u32 $0x3E8, v14;
	v56 =	vperm.xlane v21, v0  }
0x175: {  	v13 =	vld [tilespmem:s1+$0x40];
	v57 =	vperm.xlane v18, v1;
	v7 =	vmul.u32 $0x3E8, v18;
	v16 =	vsel vm0, v16, v17  }
0x176: {  	s2 =	simm.s32 $0x16D68;
	v58 =	vperm.xlane v19, v0;
	v17 =	vsel vm0, v20, v52;
	v10 =	vadd.s32 v10, v16  }
0x177: {  	s19 =	simm.s32 $0x1BD68;
	v59 =	vperm.xlane v21, v1;
	v16 =	vsel vm0, v22, v53;
	[tilespmem:s2+$0xFFFFFFC0] =	vst v10;
	v10 =	vadd.s32 v11, v17  }
0x178: {  	v60 =	vperm.xlane v15, v0;
	v12 =	vsel vm0, v55, v54;
	v9 =	vadd.s32 v9, v16;
	v11 =	vld [tilespmem:s19+$0xFFFFFFC0];
	[tilespmem:s2+$0xFFFFFFD0] =	vst v10  }
0x179: {  	v61 =	vperm.xlane v19, v1;
	v8 =	vmul.u32 $0x3E8, v19;
	v10 =	vld [tilespmem:s19+$0xFFFFFFD0];
	[tilespmem:s2+$0xFFFFFFE0] =	vst v9;
	v9 =	vadd.s32 v6, v12  }
0x17a: {  	v62 =	vperm.xlane v13, v0;
	v14 =	vsel vm0, v57, v56;
	v6 =	vld [tilespmem:s19+$0xFFFFFFE0];
	[tilespmem:s2+$0xFFFFFFF0] =	vst v9;
	v9 =	vmul.u32 $0x3E8, v21  }
0x17b: {  	v63 =	vperm.xlane v15, v1;
	v7 =	vadd.s32 v7, v14;
	v12 =	vsel vm0, v59, v58  }
0x17c: {  	v4 =	vmul.u32 $0x3E8, v15;
	v14 =	vsel vm0, v61, v60;
	v5 =	vld [tilespmem:s19+$0xFFFFFFF0];
	[tilespmem:s2+$0x0] =	vst v7;
	v9 =	vadd.s32 v9, v12  }
0x17d: {  	v7 =	vld [tilespmem:s19+$0x0];
	v12 =	vsel vm0, v63, v62;
	[tilespmem:s2+$0x10] =	vst v9;
	v9 =	vadd.s32 v8, v14  }
0x17e: {  	v3 =	vadd.f32 v11, v3;
	v8 =	vld [tilespmem:s19+$0x10];
	[tilespmem:s2+$0x20] =	vst v9;
	v9 =	vadd.s32 v4, v12  }
0x17f: {  	v4 =	vld [tilespmem:s19+$0x20];
	[tilespmem:s2+$0x30] =	vst v9  }
0x180: {  	s0 =	simm.s32 $0x0;
	v9 =	vadd.f32 v10, v3;
	v3 =	vld [tilespmem:s19+$0x30]  }
.LBB2_12:
0x181: {  	_ = 	snop  }
0x182: {  	s0 =	sadd.s32 $0x80, s0;
	s1 =	sadd.s32 $0x80, s1;
	v6 =	vadd.f32 v6, v9  }
0x183: {  	p2 =	slt.u32 s0, $0x2780;
	v9 =	vld [tilespmem:s1+$0x40]  }
0x184: {  	v10 =	vld [tilespmem:s1+$0xFFFFFFC0];
	v5 =	vadd.f32 v5, v6  }
0x185: {  	v6 =	vld [tilespmem:s1+$0xFFFFFFD0]  }
0x186: {  	v11 =	vld [tilespmem:s1+$0x30];
	v5 =	vadd.f32 v7, v5  }
0x187: {  	v7 =	vld [tilespmem:s1+$0x20]  }
0x188: {  	v12 =	vld [tilespmem:s1+$0x10];
	v5 =	vadd.f32 v8, v5  }
0x189: {  	v9 =	vperm.xlane v9, v0;
	v8 =	vld [tilespmem:s1+$0x0]  }
0x18a: {  	v14 =	vperm.xlane v10, v1;
	v13 =	vld [tilespmem:s1+$0xFFFFFFE0];
	v15 =	vperm.xlane v6, v1;
	v4 =	vadd.f32 v4, v5  }
0x18b: {  	v16 =	vperm.xlane v6, v0;
	v5 =	vld [tilespmem:s1+$0xFFFFFFF0];
	v17 =	vperm.xlane v11, v1  }
0x18c: {  	v18 =	vperm.xlane v11, v0;
	v19 =	vperm.xlane v7, v1;
	v3 =	vadd.f32 v3, v4  }
0x18d: {  	v4 =	vmul.u32 $0x3E8, v10;
	v10 =	vperm.xlane v7, v0;
	v20 =	vperm.xlane v12, v1  }
0x18e: {  	v6 =	vmul.u32 $0x3E8, v6;
	v21 =	vperm.xlane v12, v0;
	v22 =	vperm.xlane v8, v1  }
0x18f: {  	v14 =	vsel vm0, v14, v16;
	v23 =	vperm.xlane v8, v0;
	v16 =	vperm.xlane v13, v0  }
0x190: {  	v4 =	vadd.s32 v4, v14;
	v24 =	vperm.xlane v13, v1;
	v14 =	vperm.xlane v5, v0  }
0x191: {  	s2 =	sadd.s32 $0x80, s2;
	v13 =	vmul.u32 $0x3E8, v13;
	v15 =	vsel vm0, v15, v16;
	v16 =	vperm.xlane v5, v1  }
0x192: {  	s19 =	sadd.s32 $0x80, s19;
	v5 =	vmul.u32 $0x3E8, v5;
	[tilespmem:s2+$0xFFFFFFC0] =	vst v4;
	v4 =	vadd.s32 v6, v15;
	v6 =	vsel vm0, v24, v14  }
0x193: {  	v8 =	vmul.u32 $0x3E8, v8;
	v14 =	vld [tilespmem:s19+$0xFFFFFFC0];
	[tilespmem:s2+$0xFFFFFFD0] =	vst v4;
	v4 =	vadd.s32 v13, v6;
	v6 =	vsel vm0, v16, v23  }
0x194: {  	v12 =	vmul.u32 $0x3E8, v12;
	v13 =	vld [tilespmem:s19+$0xFFFFFFD0];
	[tilespmem:s2+$0xFFFFFFE0] =	vst v4;
	v4 =	vadd.s32 v5, v6;
	v5 =	vsel vm0, v22, v21  }
0x195: {  	v6 =	vld [tilespmem:s19+$0xFFFFFFE0];
	[tilespmem:s2+$0xFFFFFFF0] =	vst v4;
	v4 =	vadd.s32 v8, v5;
	v8 =	vsel vm0, v20, v10;
	v10 =	vmul.u32 $0x3E8, v7  }
.Ltmp5:
0x196: {  	v11 =	vmul.u32 $0x3E8, v11;
	v5 =	vld [tilespmem:s19+$0xFFFFFFF0];
	[tilespmem:s2+$0x0] =	vst v4;
	v4 =	vadd.s32 v12, v8;
	v8 =	vsel vm0, v19, v18;
	(pc) =	sbr.rel @p2 .LBB2_12-.Ltmp5, $4  }
0x197: {  	v9 =	vsel vm0, v17, v9;
	v7 =	vld [tilespmem:s19+$0x0];
	[tilespmem:s2+$0x10] =	vst v4;
	v4 =	vadd.s32 v10, v8  }
0x198: {  	v9 =	vadd.s32 v11, v9;
	v3 =	vadd.f32 v14, v3;
	v8 =	vld [tilespmem:s19+$0x10];
	[tilespmem:s2+$0x20] =	vst v4  }
0x199: {  	v4 =	vld [tilespmem:s19+$0x20];
	[tilespmem:s2+$0x30] =	vst v9  }
0x19a: {  	v9 =	vadd.f32 v13, v3;
	v3 =	vld [tilespmem:s19+$0x30]  }
0x19b: {  	_ =	swait.ge [sflag:s28], $0x2800  }
0x19c: {  	[sflag:s28] =	ssyncset.done $0x0  }
0x19d: {  	[sflag:s28] =	ssyncadd.s32 $0xFFFFD800  }
0x19e: {  	[tilespmem:s30], [sflag:$0x2] =	stream.indirect.gather [spmem:s3], $0x1, s29, s24, $0xb8;
	[tilespmem:$0x1E5A8] =	vst v63  }
0x19f: {  	v6 =	vadd.f32 v6, v9;
	_ =	swait.ge [sflag:s22], $0x2810  }
0x1a0: {  	[sflag:s22] =	ssyncset.done $0x0  }
0x1a1: {  	s1 =	simm.s32 $0xF468;
	v5 =	vadd.f32 v5, v6;
	[sflag:s22] =	ssyncadd.s32 $0xFFFFD7F0  }
0x1a2: {  	[tilespmem:s23], [sflag:$0x1] =	stream.linear.gather [hbm4b:s12+s4], $0x2810, $0x38;
	[tilespmem:$0x1E5A8] =	vst v63  }
0x1a3: {  	v5 =	vadd.f32 v7, v5;
	v10 =	vld [tilespmem:s1+$0xFFFFFFC0]  }
0x1a4: {  	v11 =	vld [tilespmem:s1+$0xFFFFFFD0]  }
0x1a5: {  	v8 =	vadd.f32 v8, v5;
	v12 =	vld [tilespmem:s1+$0xFFFFFFE0]  }
0x1a6: {  	v14 =	vld [tilespmem:s1+$0xFFFFFFF0]  }
0x1a7: {  	v18 =	vld [tilespmem:s1+$0x0];
	v4 =	vadd.f32 v4, v8  }
0x1a8: {  	v21 =	vld [tilespmem:s1+$0x10]  }
0x1a9: {  	v3 =	vadd.f32 v3, v4;
	v16 =	vperm.xlane v10, v1  }
0x1aa: {  	v19 =	vld [tilespmem:s1+$0x20];
	v17 =	vperm.xlane v11, v0;
	v10 =	vmul.u32 $0x3E8, v10;
	v20 =	vperm.xlane v11, v1  }
0x1ab: {  	v52 =	vperm.xlane v12, v0;
	v11 =	vmul.u32 $0x3E8, v11;
	v53 =	vperm.xlane v14, v0  }
0x1ac: {  	v15 =	vld [tilespmem:s1+$0x30];
	v22 =	vperm.xlane v12, v1;
	v9 =	vmul.u32 $0x3E8, v12;
	v54 =	vperm.xlane v18, v0  }
0x1ad: {  	v55 =	vperm.xlane v14, v1;
	v6 =	vmul.u32 $0x3E8, v14;
	v56 =	vperm.xlane v21, v0  }
0x1ae: {  	v13 =	vld [tilespmem:s1+$0x40];
	v57 =	vperm.xlane v18, v1;
	v7 =	vmul.u32 $0x3E8, v18;
	v16 =	vsel vm0, v16, v17  }
0x1af: {  	s2 =	simm.s32 $0x14568;
	v58 =	vperm.xlane v19, v0;
	v17 =	vsel vm0, v20, v52;
	v10 =	vadd.s32 v10, v16  }
0x1b0: {  	s19 =	simm.s32 $0x19568;
	v59 =	vperm.xlane v21, v1;
	v16 =	vsel vm0, v22, v53;
	[tilespmem:s2+$0xFFFFFFC0] =	vst v10;
	v10 =	vadd.s32 v11, v17  }
0x1b1: {  	v60 =	vperm.xlane v15, v0;
	v12 =	vsel vm0, v55, v54;
	v9 =	vadd.s32 v9, v16;
	v11 =	vld [tilespmem:s19+$0xFFFFFFC0];
	[tilespmem:s2+$0xFFFFFFD0] =	vst v10  }
0x1b2: {  	v61 =	vperm.xlane v19, v1;
	v8 =	vmul.u32 $0x3E8, v19;
	v10 =	vld [tilespmem:s19+$0xFFFFFFD0];
	[tilespmem:s2+$0xFFFFFFE0] =	vst v9;
	v9 =	vadd.s32 v6, v12  }
0x1b3: {  	v62 =	vperm.xlane v13, v0;
	v14 =	vsel vm0, v57, v56;
	v6 =	vld [tilespmem:s19+$0xFFFFFFE0];
	[tilespmem:s2+$0xFFFFFFF0] =	vst v9;
	v9 =	vmul.u32 $0x3E8, v21  }
0x1b4: {  	v63 =	vperm.xlane v15, v1;
	v7 =	vadd.s32 v7, v14;
	v12 =	vsel vm0, v59, v58  }
0x1b5: {  	v4 =	vmul.u32 $0x3E8, v15;
	v14 =	vsel vm0, v61, v60;
	v5 =	vld [tilespmem:s19+$0xFFFFFFF0];
	[tilespmem:s2+$0x0] =	vst v7;
	v9 =	vadd.s32 v9, v12  }
0x1b6: {  	v7 =	vld [tilespmem:s19+$0x0];
	v12 =	vsel vm0, v63, v62;
	[tilespmem:s2+$0x10] =	vst v9;
	v9 =	vadd.s32 v8, v14  }
0x1b7: {  	v3 =	vadd.f32 v11, v3;
	v8 =	vld [tilespmem:s19+$0x10];
	[tilespmem:s2+$0x20] =	vst v9;
	v9 =	vadd.s32 v4, v12  }
0x1b8: {  	v4 =	vld [tilespmem:s19+$0x20];
	[tilespmem:s2+$0x30] =	vst v9  }
0x1b9: {  	s0 =	simm.s32 $0x0;
	v9 =	vadd.f32 v10, v3;
	v3 =	vld [tilespmem:s19+$0x30]  }
.LBB2_14:
0x1ba: {  	_ = 	snop  }
0x1bb: {  	s0 =	sadd.s32 $0x80, s0;
	s1 =	sadd.s32 $0x80, s1;
	v6 =	vadd.f32 v6, v9  }
0x1bc: {  	p2 =	slt.u32 s0, $0x2780;
	v9 =	vld [tilespmem:s1+$0x40]  }
0x1bd: {  	v10 =	vld [tilespmem:s1+$0xFFFFFFC0];
	v5 =	vadd.f32 v5, v6  }
0x1be: {  	v6 =	vld [tilespmem:s1+$0xFFFFFFD0]  }
0x1bf: {  	v11 =	vld [tilespmem:s1+$0x30];
	v5 =	vadd.f32 v7, v5  }
0x1c0: {  	v7 =	vld [tilespmem:s1+$0x20]  }
0x1c1: {  	v12 =	vld [tilespmem:s1+$0x10];
	v5 =	vadd.f32 v8, v5  }
0x1c2: {  	v9 =	vperm.xlane v9, v0;
	v8 =	vld [tilespmem:s1+$0x0]  }
0x1c3: {  	v14 =	vperm.xlane v10, v1;
	v13 =	vld [tilespmem:s1+$0xFFFFFFE0];
	v15 =	vperm.xlane v6, v1;
	v4 =	vadd.f32 v4, v5  }
0x1c4: {  	v16 =	vperm.xlane v6, v0;
	v5 =	vld [tilespmem:s1+$0xFFFFFFF0];
	v17 =	vperm.xlane v11, v1  }
0x1c5: {  	v18 =	vperm.xlane v11, v0;
	v19 =	vperm.xlane v7, v1;
	v3 =	vadd.f32 v3, v4  }
0x1c6: {  	v4 =	vmul.u32 $0x3E8, v10;
	v10 =	vperm.xlane v7, v0;
	v20 =	vperm.xlane v12, v1  }
0x1c7: {  	v6 =	vmul.u32 $0x3E8, v6;
	v21 =	vperm.xlane v12, v0;
	v22 =	vperm.xlane v8, v1  }
0x1c8: {  	v14 =	vsel vm0, v14, v16;
	v23 =	vperm.xlane v8, v0;
	v16 =	vperm.xlane v13, v0  }
0x1c9: {  	v4 =	vadd.s32 v4, v14;
	v24 =	vperm.xlane v13, v1;
	v14 =	vperm.xlane v5, v0  }
0x1ca: {  	s2 =	sadd.s32 $0x80, s2;
	v13 =	vmul.u32 $0x3E8, v13;
	v15 =	vsel vm0, v15, v16;
	v16 =	vperm.xlane v5, v1  }
0x1cb: {  	s19 =	sadd.s32 $0x80, s19;
	v5 =	vmul.u32 $0x3E8, v5;
	[tilespmem:s2+$0xFFFFFFC0] =	vst v4;
	v4 =	vadd.s32 v6, v15;
	v6 =	vsel vm0, v24, v14  }
0x1cc: {  	v8 =	vmul.u32 $0x3E8, v8;
	v14 =	vld [tilespmem:s19+$0xFFFFFFC0];
	[tilespmem:s2+$0xFFFFFFD0] =	vst v4;
	v4 =	vadd.s32 v13, v6;
	v6 =	vsel vm0, v16, v23  }
0x1cd: {  	v12 =	vmul.u32 $0x3E8, v12;
	v13 =	vld [tilespmem:s19+$0xFFFFFFD0];
	[tilespmem:s2+$0xFFFFFFE0] =	vst v4;
	v4 =	vadd.s32 v5, v6;
	v5 =	vsel vm0, v22, v21  }
0x1ce: {  	v6 =	vld [tilespmem:s19+$0xFFFFFFE0];
	[tilespmem:s2+$0xFFFFFFF0] =	vst v4;
	v4 =	vadd.s32 v8, v5;
	v8 =	vsel vm0, v20, v10;
	v10 =	vmul.u32 $0x3E8, v7  }
.Ltmp6:
0x1cf: {  	v11 =	vmul.u32 $0x3E8, v11;
	v5 =	vld [tilespmem:s19+$0xFFFFFFF0];
	[tilespmem:s2+$0x0] =	vst v4;
	v4 =	vadd.s32 v12, v8;
	v8 =	vsel vm0, v19, v18;
	(pc) =	sbr.rel @p2 .LBB2_14-.Ltmp6, $4  }
0x1d0: {  	v9 =	vsel vm0, v17, v9;
	v7 =	vld [tilespmem:s19+$0x0];
	[tilespmem:s2+$0x10] =	vst v4;
	v4 =	vadd.s32 v10, v8  }
0x1d1: {  	v9 =	vadd.s32 v11, v9;
	v3 =	vadd.f32 v14, v3;
	v8 =	vld [tilespmem:s19+$0x10];
	[tilespmem:s2+$0x20] =	vst v4  }
0x1d2: {  	v4 =	vld [tilespmem:s19+$0x20];
	[tilespmem:s2+$0x30] =	vst v9  }
0x1d3: {  	v9 =	vadd.f32 v13, v3;
	v3 =	vld [tilespmem:s19+$0x30]  }
0x1d4: {  	_ =	swait.ge [sflag:s28], $0x2800  }
0x1d5: {  	[sflag:s28] =	ssyncset.done $0x0  }
0x1d6: {  	[sflag:s28] =	ssyncadd.s32 $0xFFFFD800  }
0x1d7: {  	[tilespmem:s26], [sflag:$0x2] =	stream.indirect.gather [spmem:s3], $0x1, s25, s24, $0xb8;
	[tilespmem:$0x1E5A8] =	vst v63  }
0x1d8: {  	v6 =	vadd.f32 v6, v9;
	_ =	swait.ge [sflag:s22], $0x2810  }
0x1d9: {  	[sflag:s22] =	ssyncset.done $0x0  }
0x1da: {  	s1 =	simm.s32 $0x11CE8;
	v5 =	vadd.f32 v5, v6;
	[sflag:s22] =	ssyncadd.s32 $0xFFFFD7F0  }
0x1db: {  	[tilespmem:s21], [sflag:$0x1] =	stream.linear.gather [hbm4b:s13+s4], $0x2810, $0x38;
	[tilespmem:$0x1E5A8] =	vst v63  }
0x1dc: {  	v5 =	vadd.f32 v7, v5;
	v10 =	vld [tilespmem:s1+$0xFFFFFFC0]  }
0x1dd: {  	v11 =	vld [tilespmem:s1+$0xFFFFFFD0]  }
0x1de: {  	v8 =	vadd.f32 v8, v5;
	v12 =	vld [tilespmem:s1+$0xFFFFFFE0]  }
0x1df: {  	v14 =	vld [tilespmem:s1+$0xFFFFFFF0]  }
0x1e0: {  	v18 =	vld [tilespmem:s1+$0x0];
	v4 =	vadd.f32 v4, v8  }
0x1e1: {  	v21 =	vld [tilespmem:s1+$0x10]  }
0x1e2: {  	v3 =	vadd.f32 v3, v4;
	v16 =	vperm.xlane v10, v1  }
0x1e3: {  	v19 =	vld [tilespmem:s1+$0x20];
	v17 =	vperm.xlane v11, v0;
	v10 =	vmul.u32 $0x3E8, v10;
	v20 =	vperm.xlane v11, v1  }
0x1e4: {  	v52 =	vperm.xlane v12, v0;
	v11 =	vmul.u32 $0x3E8, v11;
	v53 =	vperm.xlane v14, v0  }
0x1e5: {  	v15 =	vld [tilespmem:s1+$0x30];
	v22 =	vperm.xlane v12, v1;
	v9 =	vmul.u32 $0x3E8, v12;
	v54 =	vperm.xlane v18, v0  }
0x1e6: {  	v55 =	vperm.xlane v14, v1;
	v6 =	vmul.u32 $0x3E8, v14;
	v56 =	vperm.xlane v21, v0  }
0x1e7: {  	v13 =	vld [tilespmem:s1+$0x40];
	v57 =	vperm.xlane v18, v1;
	v7 =	vmul.u32 $0x3E8, v18;
	v16 =	vsel vm0, v16, v17  }
0x1e8: {  	s2 =	simm.s32 $0x16D68;
	v58 =	vperm.xlane v19, v0;
	v17 =	vsel vm0, v20, v52;
	v10 =	vadd.s32 v10, v16  }
0x1e9: {  	s19 =	simm.s32 $0x1BD68;
	v59 =	vperm.xlane v21, v1;
	v16 =	vsel vm0, v22, v53;
	[tilespmem:s2+$0xFFFFFFC0] =	vst v10;
	v10 =	vadd.s32 v11, v17  }
0x1ea: {  	v60 =	vperm.xlane v15, v0;
	v12 =	vsel vm0, v55, v54;
	v9 =	vadd.s32 v9, v16;
	v11 =	vld [tilespmem:s19+$0xFFFFFFC0];
	[tilespmem:s2+$0xFFFFFFD0] =	vst v10  }
0x1eb: {  	v61 =	vperm.xlane v19, v1;
	v8 =	vmul.u32 $0x3E8, v19;
	v10 =	vld [tilespmem:s19+$0xFFFFFFD0];
	[tilespmem:s2+$0xFFFFFFE0] =	vst v9;
	v9 =	vadd.s32 v6, v12  }
0x1ec: {  	v62 =	vperm.xlane v13, v0;
	v14 =	vsel vm0, v57, v56;
	v6 =	vld [tilespmem:s19+$0xFFFFFFE0];
	[tilespmem:s2+$0xFFFFFFF0] =	vst v9;
	v9 =	vmul.u32 $0x3E8, v21  }
0x1ed: {  	v63 =	vperm.xlane v15, v1;
	v7 =	vadd.s32 v7, v14;
	v12 =	vsel vm0, v59, v58  }
0x1ee: {  	v4 =	vmul.u32 $0x3E8, v15;
	v14 =	vsel vm0, v61, v60;
	v5 =	vld [tilespmem:s19+$0xFFFFFFF0];
	[tilespmem:s2+$0x0] =	vst v7;
	v9 =	vadd.s32 v9, v12  }
0x1ef: {  	v7 =	vld [tilespmem:s19+$0x0];
	v12 =	vsel vm0, v63, v62;
	[tilespmem:s2+$0x10] =	vst v9;
	v9 =	vadd.s32 v8, v14  }
0x1f0: {  	v3 =	vadd.f32 v11, v3;
	v8 =	vld [tilespmem:s19+$0x10];
	[tilespmem:s2+$0x20] =	vst v9;
	v9 =	vadd.s32 v4, v12  }
0x1f1: {  	v4 =	vld [tilespmem:s19+$0x20];
	[tilespmem:s2+$0x30] =	vst v9  }
0x1f2: {  	s0 =	simm.s32 $0x0;
	v9 =	vadd.f32 v10, v3;
	v3 =	vld [tilespmem:s19+$0x30]  }
.LBB2_16:
0x1f3: {  	_ = 	snop  }
0x1f4: {  	s0 =	sadd.s32 $0x80, s0;
	s1 =	sadd.s32 $0x80, s1;
	v6 =	vadd.f32 v6, v9  }
0x1f5: {  	p2 =	slt.u32 s0, $0x2780;
	v9 =	vld [tilespmem:s1+$0x40]  }
0x1f6: {  	v10 =	vld [tilespmem:s1+$0xFFFFFFC0];
	v5 =	vadd.f32 v5, v6  }
0x1f7: {  	v6 =	vld [tilespmem:s1+$0xFFFFFFD0]  }
0x1f8: {  	v11 =	vld [tilespmem:s1+$0x30];
	v5 =	vadd.f32 v7, v5  }
0x1f9: {  	v7 =	vld [tilespmem:s1+$0x20]  }
0x1fa: {  	v12 =	vld [tilespmem:s1+$0x10];
	v5 =	vadd.f32 v8, v5  }
0x1fb: {  	v9 =	vperm.xlane v9, v0;
	v8 =	vld [tilespmem:s1+$0x0]  }
0x1fc: {  	v14 =	vperm.xlane v10, v1;
	v13 =	vld [tilespmem:s1+$0xFFFFFFE0];
	v15 =	vperm.xlane v6, v1;
	v4 =	vadd.f32 v4, v5  }
0x1fd: {  	v16 =	vperm.xlane v6, v0;
	v5 =	vld [tilespmem:s1+$0xFFFFFFF0];
	v17 =	vperm.xlane v11, v1  }
0x1fe: {  	v18 =	vperm.xlane v11, v0;
	v19 =	vperm.xlane v7, v1;
	v3 =	vadd.f32 v3, v4  }
0x1ff: {  	v4 =	vmul.u32 $0x3E8, v10;
	v10 =	vperm.xlane v7, v0;
	v20 =	vperm.xlane v12, v1  }
0x200: {  	v6 =	vmul.u32 $0x3E8, v6;
	v21 =	vperm.xlane v12, v0;
	v22 =	vperm.xlane v8, v1  }
0x201: {  	v14 =	vsel vm0, v14, v16;
	v23 =	vperm.xlane v8, v0;
	v16 =	vperm.xlane v13, v0  }
0x202: {  	v4 =	vadd.s32 v4, v14;
	v24 =	vperm.xlane v13, v1;
	v14 =	vperm.xlane v5, v0  }
0x203: {  	s2 =	sadd.s32 $0x80, s2;
	v13 =	vmul.u32 $0x3E8, v13;
	v15 =	vsel vm0, v15, v16;
	v16 =	vperm.xlane v5, v1  }
0x204: {  	s19 =	sadd.s32 $0x80, s19;
	v5 =	vmul.u32 $0x3E8, v5;
	[tilespmem:s2+$0xFFFFFFC0] =	vst v4;
	v4 =	vadd.s32 v6, v15;
	v6 =	vsel vm0, v24, v14  }
0x205: {  	v8 =	vmul.u32 $0x3E8, v8;
	v14 =	vld [tilespmem:s19+$0xFFFFFFC0];
	[tilespmem:s2+$0xFFFFFFD0] =	vst v4;
	v4 =	vadd.s32 v13, v6;
	v6 =	vsel vm0, v16, v23  }
0x206: {  	v12 =	vmul.u32 $0x3E8, v12;
	v13 =	vld [tilespmem:s19+$0xFFFFFFD0];
	[tilespmem:s2+$0xFFFFFFE0] =	vst v4;
	v4 =	vadd.s32 v5, v6;
	v5 =	vsel vm0, v22, v21  }
0x207: {  	v6 =	vld [tilespmem:s19+$0xFFFFFFE0];
	[tilespmem:s2+$0xFFFFFFF0] =	vst v4;
	v4 =	vadd.s32 v8, v5;
	v8 =	vsel vm0, v20, v10;
	v10 =	vmul.u32 $0x3E8, v7  }
.Ltmp7:
0x208: {  	v11 =	vmul.u32 $0x3E8, v11;
	v5 =	vld [tilespmem:s19+$0xFFFFFFF0];
	[tilespmem:s2+$0x0] =	vst v4;
	v4 =	vadd.s32 v12, v8;
	v8 =	vsel vm0, v19, v18;
	(pc) =	sbr.rel @p2 .LBB2_16-.Ltmp7, $4  }
0x209: {  	v9 =	vsel vm0, v17, v9;
	v7 =	vld [tilespmem:s19+$0x0];
	[tilespmem:s2+$0x10] =	vst v4;
	v4 =	vadd.s32 v10, v8  }
0x20a: {  	v9 =	vadd.s32 v11, v9;
	v3 =	vadd.f32 v14, v3;
	v8 =	vld [tilespmem:s19+$0x10];
	[tilespmem:s2+$0x20] =	vst v4  }
0x20b: {  	v4 =	vld [tilespmem:s19+$0x20];
	[tilespmem:s2+$0x30] =	vst v9  }
0x20c: {  	v9 =	vadd.f32 v13, v3;
	v3 =	vld [tilespmem:s19+$0x30]  }
0x20d: {  	_ =	swait.ge [sflag:s28], $0x2800  }
0x20e: {  	[sflag:s28] =	ssyncset.done $0x0  }
0x20f: {  	[sflag:s28] =	ssyncadd.s32 $0xFFFFD800  }
0x210: {  	[tilespmem:s30], [sflag:$0x2] =	stream.indirect.gather [spmem:s3], $0x1, s29, s24, $0xb8;
	[tilespmem:$0x1E5A8] =	vst v63  }
0x211: {  	_ =	swait.ge [sflag:s22], $0x2810  }
0x212: {  	[sflag:s22] =	ssyncset.done $0x0  }
0x213: {  	s0 =	simm.s32 @p1 $0x0;
	s1 =	simm.s32 @p1 $0x11CA8;
	[sflag:s22] =	ssyncadd.s32 $0xFFFFD7F0  }
0x214: {  	v6 =	vadd.f32 v6, v9;
	[tilespmem:s1], [sflag:$0x1] =	stream.linear.gather @p1 [hbm4b:s14+s0], $0x2810, $0x38;
	[tilespmem:$0x1E5A8] =	vst v63  }
0x215: {  	s0 =	simm.s32 @!p1 $0x0;
	s1 =	simm.s32 @!p1 $0x11CA8  }
0x216: {  	v5 =	vadd.f32 v5, v6;
	[tilespmem:s1], [sflag:$0x1] =	stream.linear.gather @!p1 [hbm4b:s15+s0], $0x2800, $0x38;
	[tilespmem:$0x1E5A8] =	vst v63  }
0x217: {  	s1 =	simm.s32 $0xF468  }
0x218: {  	v5 =	vadd.f32 v7, v5;
	v10 =	vld [tilespmem:s1+$0xFFFFFFC0]  }
0x219: {  	v11 =	vld [tilespmem:s1+$0xFFFFFFD0]  }
0x21a: {  	v8 =	vadd.f32 v8, v5;
	v12 =	vld [tilespmem:s1+$0xFFFFFFE0]  }
0x21b: {  	v14 =	vld [tilespmem:s1+$0xFFFFFFF0]  }
0x21c: {  	v4 =	vadd.f32 v4, v8;
	v18 =	vld [tilespmem:s1+$0x0]  }
0x21d: {  	v21 =	vld [tilespmem:s1+$0x10]  }
0x21e: {  	v3 =	vadd.f32 v3, v4;
	v16 =	vperm.xlane v10, v1  }
0x21f: {  	v19 =	vld [tilespmem:s1+$0x20];
	v17 =	vperm.xlane v11, v0;
	v10 =	vmul.u32 $0x3E8, v10;
	v20 =	vperm.xlane v11, v1  }
0x220: {  	v52 =	vperm.xlane v12, v0;
	v11 =	vmul.u32 $0x3E8, v11;
	v53 =	vperm.xlane v14, v0  }
0x221: {  	v15 =	vld [tilespmem:s1+$0x30];
	v22 =	vperm.xlane v12, v1;
	v9 =	vmul.u32 $0x3E8, v12;
	v54 =	vperm.xlane v18, v0  }
0x222: {  	v55 =	vperm.xlane v14, v1;
	v6 =	vmul.u32 $0x3E8, v14;
	v56 =	vperm.xlane v21, v0  }
0x223: {  	v13 =	vld [tilespmem:s1+$0x40];
	v57 =	vperm.xlane v18, v1;
	v7 =	vmul.u32 $0x3E8, v18;
	v16 =	vsel vm0, v16, v17  }
0x224: {  	s2 =	simm.s32 $0x14568;
	v58 =	vperm.xlane v19, v0;
	v17 =	vsel vm0, v20, v52;
	v10 =	vadd.s32 v10, v16  }
0x225: {  	s19 =	simm.s32 $0x19568;
	v59 =	vperm.xlane v21, v1;
	v16 =	vsel vm0, v22, v53;
	[tilespmem:s2+$0xFFFFFFC0] =	vst v10;
	v10 =	vadd.s32 v11, v17  }
0x226: {  	v60 =	vperm.xlane v15, v0;
	v12 =	vsel vm0, v55, v54;
	v9 =	vadd.s32 v9, v16;
	v11 =	vld [tilespmem:s19+$0xFFFFFFC0];
	[tilespmem:s2+$0xFFFFFFD0] =	vst v10  }
0x227: {  	v61 =	vperm.xlane v19, v1;
	v8 =	vmul.u32 $0x3E8, v19;
	v10 =	vld [tilespmem:s19+$0xFFFFFFD0];
	[tilespmem:s2+$0xFFFFFFE0] =	vst v9;
	v9 =	vadd.s32 v6, v12  }
0x228: {  	v62 =	vperm.xlane v13, v0;
	v14 =	vsel vm0, v57, v56;
	v6 =	vld [tilespmem:s19+$0xFFFFFFE0];
	[tilespmem:s2+$0xFFFFFFF0] =	vst v9;
	v9 =	vmul.u32 $0x3E8, v21  }
0x229: {  	v63 =	vperm.xlane v15, v1;
	v7 =	vadd.s32 v7, v14;
	v12 =	vsel vm0, v59, v58  }
0x22a: {  	v4 =	vmul.u32 $0x3E8, v15;
	v14 =	vsel vm0, v61, v60;
	v5 =	vld [tilespmem:s19+$0xFFFFFFF0];
	[tilespmem:s2+$0x0] =	vst v7;
	v9 =	vadd.s32 v9, v12  }
0x22b: {  	v7 =	vld [tilespmem:s19+$0x0];
	v12 =	vsel vm0, v63, v62;
	[tilespmem:s2+$0x10] =	vst v9;
	v9 =	vadd.s32 v8, v14  }
0x22c: {  	v3 =	vadd.f32 v11, v3;
	v8 =	vld [tilespmem:s19+$0x10];
	[tilespmem:s2+$0x20] =	vst v9;
	v9 =	vadd.s32 v4, v12  }
0x22d: {  	v4 =	vld [tilespmem:s19+$0x20];
	[tilespmem:s2+$0x30] =	vst v9  }
0x22e: {  	s0 =	simm.s32 $0x0;
	v9 =	vadd.f32 v10, v3;
	v3 =	vld [tilespmem:s19+$0x30]  }
.LBB2_18:
0x22f: {  	_ = 	snop  }
0x230: {  	s0 =	sadd.s32 $0x80, s0;
	s1 =	sadd.s32 $0x80, s1;
	v6 =	vadd.f32 v6, v9  }
0x231: {  	p2 =	slt.u32 s0, $0x2780;
	v9 =	vld [tilespmem:s1+$0x40]  }
0x232: {  	v10 =	vld [tilespmem:s1+$0xFFFFFFC0];
	v5 =	vadd.f32 v5, v6  }
0x233: {  	v6 =	vld [tilespmem:s1+$0xFFFFFFD0]  }
0x234: {  	v11 =	vld [tilespmem:s1+$0x30];
	v5 =	vadd.f32 v7, v5  }
0x235: {  	v7 =	vld [tilespmem:s1+$0x20]  }
0x236: {  	v12 =	vld [tilespmem:s1+$0x10];
	v5 =	vadd.f32 v8, v5  }
0x237: {  	v9 =	vperm.xlane v9, v0;
	v8 =	vld [tilespmem:s1+$0x0]  }
0x238: {  	v14 =	vperm.xlane v10, v1;
	v13 =	vld [tilespmem:s1+$0xFFFFFFE0];
	v15 =	vperm.xlane v6, v1;
	v4 =	vadd.f32 v4, v5  }
0x239: {  	v16 =	vperm.xlane v6, v0;
	v5 =	vld [tilespmem:s1+$0xFFFFFFF0];
	v17 =	vperm.xlane v11, v1  }
0x23a: {  	v18 =	vperm.xlane v11, v0;
	v19 =	vperm.xlane v7, v1;
	v3 =	vadd.f32 v3, v4  }
0x23b: {  	v4 =	vmul.u32 $0x3E8, v10;
	v10 =	vperm.xlane v7, v0;
	v20 =	vperm.xlane v12, v1  }
0x23c: {  	v6 =	vmul.u32 $0x3E8, v6;
	v21 =	vperm.xlane v12, v0;
	v22 =	vperm.xlane v8, v1  }
0x23d: {  	v14 =	vsel vm0, v14, v16;
	v23 =	vperm.xlane v8, v0;
	v16 =	vperm.xlane v13, v0  }
0x23e: {  	v4 =	vadd.s32 v4, v14;
	v24 =	vperm.xlane v13, v1;
	v14 =	vperm.xlane v5, v0  }
0x23f: {  	s2 =	sadd.s32 $0x80, s2;
	v13 =	vmul.u32 $0x3E8, v13;
	v15 =	vsel vm0, v15, v16;
	v16 =	vperm.xlane v5, v1  }
0x240: {  	s19 =	sadd.s32 $0x80, s19;
	v5 =	vmul.u32 $0x3E8, v5;
	[tilespmem:s2+$0xFFFFFFC0] =	vst v4;
	v4 =	vadd.s32 v6, v15;
	v6 =	vsel vm0, v24, v14  }
0x241: {  	v8 =	vmul.u32 $0x3E8, v8;
	v14 =	vld [tilespmem:s19+$0xFFFFFFC0];
	[tilespmem:s2+$0xFFFFFFD0] =	vst v4;
	v4 =	vadd.s32 v13, v6;
	v6 =	vsel vm0, v16, v23  }
0x242: {  	v12 =	vmul.u32 $0x3E8, v12;
	v13 =	vld [tilespmem:s19+$0xFFFFFFD0];
	[tilespmem:s2+$0xFFFFFFE0] =	vst v4;
	v4 =	vadd.s32 v5, v6;
	v5 =	vsel vm0, v22, v21  }
0x243: {  	v6 =	vld [tilespmem:s19+$0xFFFFFFE0];
	[tilespmem:s2+$0xFFFFFFF0] =	vst v4;
	v4 =	vadd.s32 v8, v5;
	v8 =	vsel vm0, v20, v10;
	v10 =	vmul.u32 $0x3E8, v7  }
.Ltmp8:
0x244: {  	v11 =	vmul.u32 $0x3E8, v11;
	v5 =	vld [tilespmem:s19+$0xFFFFFFF0];
	[tilespmem:s2+$0x0] =	vst v4;
	v4 =	vadd.s32 v12, v8;
	v8 =	vsel vm0, v19, v18;
	(pc) =	sbr.rel @p2 .LBB2_18-.Ltmp8, $4  }
0x245: {  	v9 =	vsel vm0, v17, v9;
	v7 =	vld [tilespmem:s19+$0x0];
	[tilespmem:s2+$0x10] =	vst v4;
	v4 =	vadd.s32 v10, v8  }
0x246: {  	v9 =	vadd.s32 v11, v9;
	v3 =	vadd.f32 v14, v3;
	v8 =	vld [tilespmem:s19+$0x10];
	[tilespmem:s2+$0x20] =	vst v4  }
0x247: {  	v4 =	vld [tilespmem:s19+$0x20];
	[tilespmem:s2+$0x30] =	vst v9  }
0x248: {  	v9 =	vadd.f32 v13, v3;
	v3 =	vld [tilespmem:s19+$0x30]  }
0x249: {  	_ =	swait.ge [sflag:s28], $0x2800  }
0x24a: {  	[sflag:s28] =	ssyncset.done $0x0  }
0x24b: {  	s0 =	simm.s32 @p1 $0x1;
	[sflag:s28] =	ssyncadd.s32 $0xFFFFD800  }
0x24c: {  	[tilespmem:s26], [sflag:$0x2] =	stream.indirect.gather [spmem:s3], $0x1, s25, s24, $0xb8;
	[tilespmem:$0x1E5A8] =	vst v63  }
0x24d: {  	_ =	swait.ge @p1 [sflag:s0], $0x2810  }
0x24e: {  	[sflag:s0] =	ssyncset.done @p1 $0x0  }
0x24f: {  	[sflag:s0] =	ssyncadd.s32 @p1 $0xFFFFD7F0;
	s0 =	simm.s32 @!p1 $0x1  }
0x250: {  	_ =	swait.ge @!p1 [sflag:s0], $0x2800  }
0x251: {  	[sflag:s0] =	ssyncset.done @!p1 $0x0  }
0x252: {  	[sflag:s0] =	ssyncadd.s32 @!p1 $0xFFFFD800  }
0x253: {  	s1 =	simm.s32 $0x11CE8;
	[tilespmem:$0x144A8] =	vst @!p1 v2  }
0x254: {  	v2 =	vld [tilespmem:s1+$0xFFFFFFC0]  }
0x255: {  	v10 =	vld [tilespmem:s1+$0xFFFFFFD0];
	_ =	sdelay $0x1  }
0x256: {  	v11 =	vld [tilespmem:s1+$0xFFFFFFE0]  }
0x257: {  	v13 =	vld [tilespmem:s1+$0xFFFFFFF0]  }
0x258: {  	v20 =	vld [tilespmem:s1+$0x10]  }
0x259: {  	v17 =	vld [tilespmem:s1+$0x0];
	v15 =	vperm.xlane v2, v1;
	v16 =	vperm.xlane v10, v0  }
0x25a: {  	v2 =	vmul.u32 $0x3E8, v2;
	v19 =	vperm.xlane v10, v1  }
0x25b: {  	v12 =	vld [tilespmem:s1+$0x40];
	v55 =	vperm.xlane v11, v0;
	v10 =	vmul.u32 $0x3E8, v10;
	v15 =	vsel vm0, v15, v16  }
0x25c: {  	s2 =	simm.s32 $0x16D68;
	v14 =	vld [tilespmem:s1+$0x30];
	v56 =	vperm.xlane v13, v0;
	v21 =	vperm.xlane v11, v1;
	v2 =	vadd.s32 v2, v15  }
0x25d: {  	v18 =	vld [tilespmem:s1+$0x20];
	v57 =	vperm.xlane v13, v1;
	v58 =	vperm.xlane v20, v0;
	[tilespmem:s2+$0xFFFFFFC0] =	vst v2;
	v2 =	vadd.f32 v6, v9  }
0x25e: {  	v59 =	vperm.xlane v17, v1;
	v16 =	vsel vm0, v19, v55;
	v6 =	vmul.u32 $0x3E8, v11  }
0x25f: {  	s19 =	simm.s32 $0x1BD68;
	v15 =	vsel vm0, v21, v56;
	v9 =	vadd.s32 v10, v16;
	v2 =	vadd.f32 v5, v2  }
0x260: {  	v60 =	vperm.xlane v20, v1;
	v11 =	vperm.xlane v17, v0;
	v10 =	vld [tilespmem:s19+$0xFFFFFFC0];
	[tilespmem:s2+$0xFFFFFFD0] =	vst v9;
	v6 =	vadd.s32 v6, v15  }
0x261: {  	v61 =	vperm.xlane v14, v0;
	v5 =	vmul.u32 $0x3E8, v13;
	v9 =	vld [tilespmem:s19+$0xFFFFFFD0];
	[tilespmem:s2+$0xFFFFFFE0] =	vst v6;
	v6 =	vadd.f32 v7, v2  }
0x262: {  	v62 =	vperm.xlane v18, v1;
	v11 =	vsel vm0, v57, v11;
	v7 =	vmul.u32 $0x3E8, v17  }
0x263: {  	v5 =	vadd.s32 v5, v11;
	v11 =	vperm.xlane v18, v0;
	v6 =	vadd.f32 v8, v6  }
0x264: {  	v63 =	vperm.xlane v14, v1;
	v13 =	vsel vm0, v59, v58;
	v8 =	vmul.u32 $0x3E8, v20  }
0x265: {  	v2 =	vld [tilespmem:s19+$0xFFFFFFE0];
	[tilespmem:s2+$0xFFFFFFF0] =	vst v5;
	v7 =	vadd.s32 v7, v13;
	v11 =	vsel vm0, v60, v11;
	v6 =	vadd.f32 v4, v6  }
0x266: {  	v5 =	vld [tilespmem:s19+$0xFFFFFFF0];
	[tilespmem:s2+$0x0] =	vst v7;
	v7 =	vmul.u32 $0x3E8, v18;
	v8 =	vadd.s32 v8, v11;
	v11 =	vperm.xlane v12, v0  }
0x267: {  	v13 =	vsel vm0, v62, v61;
	v3 =	vadd.f32 v3, v6;
	v6 =	vmul.u32 $0x3E8, v14  }
0x268: {  	v4 =	vld [tilespmem:s19+$0x0];
	[tilespmem:s2+$0x10] =	vst v8;
	v8 =	vadd.s32 v7, v13;
	v11 =	vsel vm0, v63, v11  }
0x269: {  	v7 =	vld [tilespmem:s19+$0x10];
	[tilespmem:s2+$0x20] =	vst v8;
	v3 =	vadd.f32 v10, v3;
	v8 =	vadd.s32 v6, v11  }
0x26a: {  	v6 =	vld [tilespmem:s19+$0x20];
	[tilespmem:s2+$0x30] =	vst v8  }
0x26b: {  	s0 =	simm.s32 $0x0;
	v8 =	vadd.f32 v9, v3;
	v3 =	vld [tilespmem:s19+$0x30]  }
.LBB2_20:
0x26c: {  	_ = 	snop  }
0x26d: {  	s0 =	sadd.s32 $0x80, s0;
	s1 =	sadd.s32 $0x80, s1;
	v2 =	vadd.f32 v2, v8  }
0x26e: {  	p2 =	slt.u32 s0, $0x2780;
	v8 =	vld [tilespmem:s1+$0x40]  }
0x26f: {  	v9 =	vld [tilespmem:s1+$0xFFFFFFC0];
	v2 =	vadd.f32 v5, v2  }
0x270: {  	v5 =	vld [tilespmem:s1+$0xFFFFFFD0]  }
0x271: {  	v10 =	vld [tilespmem:s1+$0x30];
	v2 =	vadd.f32 v4, v2  }
0x272: {  	v4 =	vld [tilespmem:s1+$0x20]  }
0x273: {  	v11 =	vld [tilespmem:s1+$0x10];
	v2 =	vadd.f32 v7, v2  }
0x274: {  	v8 =	vperm.xlane v8, v0;
	v7 =	vld [tilespmem:s1+$0x0]  }
0x275: {  	v13 =	vperm.xlane v9, v1;
	v12 =	vld [tilespmem:s1+$0xFFFFFFE0];
	v14 =	vperm.xlane v5, v1;
	v2 =	vadd.f32 v6, v2  }
0x276: {  	v15 =	vperm.xlane v5, v0;
	v6 =	vld [tilespmem:s1+$0xFFFFFFF0];
	v16 =	vperm.xlane v10, v1  }
0x277: {  	v17 =	vperm.xlane v10, v0;
	v18 =	vperm.xlane v4, v1;
	v3 =	vadd.f32 v3, v2  }
0x278: {  	v2 =	vmul.u32 $0x3E8, v9;
	v9 =	vperm.xlane v4, v0;
	v19 =	vperm.xlane v11, v1  }
0x279: {  	v5 =	vmul.u32 $0x3E8, v5;
	v20 =	vperm.xlane v11, v0;
	v21 =	vperm.xlane v7, v1  }
0x27a: {  	v13 =	vsel vm0, v13, v15;
	v22 =	vperm.xlane v7, v0;
	v15 =	vperm.xlane v12, v0  }
0x27b: {  	v2 =	vadd.s32 v2, v13;
	v23 =	vperm.xlane v12, v1;
	v13 =	vperm.xlane v6, v0  }
0x27c: {  	s2 =	sadd.s32 $0x80, s2;
	v12 =	vmul.u32 $0x3E8, v12;
	v14 =	vsel vm0, v14, v15;
	v15 =	vperm.xlane v6, v1  }
0x27d: {  	s19 =	sadd.s32 $0x80, s19;
	v6 =	vmul.u32 $0x3E8, v6;
	[tilespmem:s2+$0xFFFFFFC0] =	vst v2;
	v2 =	vadd.s32 v5, v14;
	v5 =	vsel vm0, v23, v13  }
0x27e: {  	v7 =	vmul.u32 $0x3E8, v7;
	v13 =	vld [tilespmem:s19+$0xFFFFFFC0];
	[tilespmem:s2+$0xFFFFFFD0] =	vst v2;
	v2 =	vadd.s32 v12, v5;
	v5 =	vsel vm0, v15, v22  }
0x27f: {  	v11 =	vmul.u32 $0x3E8, v11;
	v12 =	vld [tilespmem:s19+$0xFFFFFFD0];
	[tilespmem:s2+$0xFFFFFFE0] =	vst v2;
	v5 =	vadd.s32 v6, v5;
	v6 =	vsel vm0, v21, v20  }
0x280: {  	v2 =	vld [tilespmem:s19+$0xFFFFFFE0];
	[tilespmem:s2+$0xFFFFFFF0] =	vst v5;
	v6 =	vadd.s32 v7, v6;
	v7 =	vsel vm0, v19, v9;
	v9 =	vmul.u32 $0x3E8, v4  }
.Ltmp9:
0x281: {  	v10 =	vmul.u32 $0x3E8, v10;
	v5 =	vld [tilespmem:s19+$0xFFFFFFF0];
	[tilespmem:s2+$0x0] =	vst v6;
	v6 =	vadd.s32 v11, v7;
	v7 =	vsel vm0, v18, v17;
	(pc) =	sbr.rel @p2 .LBB2_20-.Ltmp9, $4  }
0x282: {  	v8 =	vsel vm0, v16, v8;
	v4 =	vld [tilespmem:s19+$0x0];
	[tilespmem:s2+$0x10] =	vst v6;
	v6 =	vadd.s32 v9, v7  }
0x283: {  	v8 =	vadd.s32 v10, v8;
	v3 =	vadd.f32 v13, v3;
	v7 =	vld [tilespmem:s19+$0x10];
	[tilespmem:s2+$0x20] =	vst v6  }
0x284: {  	v6 =	vld [tilespmem:s19+$0x20];
	[tilespmem:s2+$0x30] =	vst v8  }
0x285: {  	v8 =	vadd.f32 v12, v3;
	v3 =	vld [tilespmem:s19+$0x30]  }
0x286: {  	_ = 	snop  }
0x287: {  	v2 =	vadd.f32 v2, v8  }
0x288: {  	_ =	swait.ge [sflag:s28], $0x2800  }
0x289: {  	[sflag:s28] =	ssyncset.done $0x0;
	v2 =	vadd.f32 v5, v2  }
0x28a: {  	s0 =	simm.s32 $0x1BD28;
	[sflag:s28] =	ssyncadd.s32 $0xFFFFD800  }
0x28b: {  	[tilespmem:s0], [sflag:$0x2] =	stream.indirect.gather [spmem:s3], $0x1, s29, s24, $0xb8;
	v2 =	vadd.f32 v4, v2;
	[tilespmem:$0x1E5A8] =	vst v63  }
0x28c: {  	_ =	swait.ge [sflag:s28], $0x2800  }
0x28d: {  	[sflag:s28] =	ssyncset.done $0x0;
	v2 =	vadd.f32 v7, v2  }
0x28e: {  	s1 =	simm.s32 $0x19528;
	[sflag:s28] =	ssyncadd.s32 $0xFFFFD800  }
0x28f: {  	v4 =	vld [tilespmem:s1+$0x0];
	v2 =	vadd.f32 v6, v2;
	_ =	sdelay $0x1  }
0x290: {  	v3 =	vadd.f32 v3, v2;
	v2 =	vld [tilespmem:s0+$0x0];
	_ =	sdelay $0x1  }
0x291: {  	s1 =	simm.s32 $0x19538  }
0x292: {  	s2 =	simm.s32 $0x10;
	v4 =	vadd.f32 v4, v3;
	v3 =	vld [tilespmem:s1+$0x0]  }
.LBB2_22:
0x293: {  	s2 =	sadd.s32 $0x10, s2  }
0x294: {  	v4 =	vadd.f32 v2, v4;
	s0 =	sadd.s32 $0x10, s0;
	p2 =	slt.u32 s2, $0x27F0  }
.Ltmp10:
0x295: {  	v2 =	vld [tilespmem:s0+$0x0];
	(pc) =	sbr.rel @p2 .LBB2_22-.Ltmp10, $3  }
0x296: {  	_ =	sdelay $0x1  }
0x297: {  	s1 =	sadd.s32 $0x10, s1;
	v4 =	vadd.f32 v3, v4  }
0x298: {  	v3 =	vld [tilespmem:s1+$0x0]  }
0x299: {  	s0 =	sadd.s32 $0x10, s0  }
0x29a: {  	v5 =	vld [tilespmem:s0+$0x0]  }
0x29b: {  	v2 =	vadd.f32 v2, v4;
	_ =	sdelay $0x1  }
0x29c: {  	v2 =	vadd.f32 v3, v2;
	_ =	sdelay $0x1  }
0x29d: {  	s31 =	sadd.s32 $0x1, s31;
	v2 =	vadd.f32 v5, v2  }
0x29e: {  	p2 =	sne.s32 s31, s17  }
.Ltmp11:
0x29f: {  	[tilespmem:$0x19528] =	vst v2;
	(pc) =	sbr.rel @p2 .LBB2_1-.Ltmp11, $4  }
0x2a0: {  	[hbm4b:s16+s4] =	stream.linear.scatter [tilespmem:s26], [sflag:$0x4], $0x10, $0x38;
	[tilespmem:$0x1E5A8] =	vst v63  }
0x2a1: {  	_ =	swait.ge [sflag:s20], $0x10  }
0x2a2: {  	[sflag:s20] =	ssyncset.done $0x0  }
0x2a3: {  	[sflag:s20] =	ssyncadd.s32 $0xFFFFFFF0  }
0x2a4: {  	_ =	sfence.sel $0x180000  }
0x2a5: {  	[bflag:$0x0] =	sbarrier.arrive $0xFFFF  }
0x2a6: {  	_ =	strace $0x90000047  }
0x2a7: {  	[bflag:$0x2] =	sbarrier.arrive $0xFFFF  }
0x2a8: {  	s0 =	rddreg [dreg:$0x4]  }
0x2a9: {  	s0 =	sadd.s32 @!p0 $0x100000, s0  }
0x2aa: {  	[sflag:s0] =	ssyncadd.tile.s32 @!p0 $0x1;
	_ =	shalt  }
.Lfunc_end2:
_tile_overlayer_lowered:
.L_overlay_start_2:
0x2ab: {  	(tag) =	ssettag $0x2  }
0x2ac: {  	s0 =	rddreg [dreg:$0x0];
	s2 =	stileid.u32  }
0x2ad: {  	s1 =	rddreg [dreg:$0x1];
	p0 =	sne.s32 s2, $0x0  }
0x2ae: {  	s3 =	rddreg [dreg:$0x2];
	[bflag:$0x3] =	sbarrier.arrive $0xFFFF;
	s2 =	simm.s32 @!p0 $0x1C04  }
0x2af: {  	[timem:s3], [sflag:s2] =	dma.local @!p0 [hbm:s0], s1  }
0x2b0: {  	s0 =	simm.s32 @!p0 $0x4  }
0x2b1: {  	_ =	swait.ge @!p0 [sflag:s0], s1  }
0x2b2: {  	s1 =	ssub.s32 @!p0 $0x0, s1;
	[sflag:s0] =	ssyncset.done @!p0 $0x0  }
0x2b3: {  	[sflag:s0] =	ssyncadd.s32 @!p0 s1  }
0x2b4: {  	[bflag:$0x3] =	sbarrier.arrive $0xFFFF  }
0x2b5: {  	_ =	shalt  }

</sc_bundles>
